<compile_context>
chip_gen: v7x
topology: tpu7x:2x2x1
jax: 0.10.2.dev20260603
libtpu: 0.0.44.dev20260713+nightly
codegen_flags: <defaults>
</compile_context>

<pallas_src>
import dataclasses
import functools

import jax
import jax.numpy as jnp
from jax import lax
from jax.experimental import pallas as pl
from jax.experimental.pallas import tpu as pltpu
from jax.experimental.pallas import tpu_sc as plsc

NC = 2
NS = 16
L = 16
ROW = 128


def _ceil_to(x, m):
    return (x + m - 1) // m * m


def _sc_compiler_params(tc_tiling=True):
    cp = pltpu.CompilerParams()
    fields = pltpu.CompilerParams.__dataclass_fields__
    if "needs_layout_passes" in fields:
        cp = dataclasses.replace(cp, needs_layout_passes=False)
    if not tc_tiling and "use_tc_tiling_on_sc" in fields:
        cp = dataclasses.replace(cp, use_tc_tiling_on_sc=False)
    return cp


def _deg_kernel(dst2, ew2, n_pad):
    R = dst2.shape[0]
    G = 8
    rps = R // (NC * NS)
    npsub = n_pad // NS
    mesh = plsc.VectorSubcoreMesh(core_axis_name="c", subcore_axis_name="s")

    @functools.partial(
        pl.kernel,
        out_type=jax.ShapeDtypeStruct((NC * n_pad,), jnp.float32),
        mesh=mesh,
        scratch_types=[
            pltpu.VMEM((G, ROW), jnp.int32),
            pltpu.VMEM((G, ROW), jnp.float32),
            pltpu.VMEM((npsub,), jnp.float32),
            pltpu.VMEM_SHARED((n_pad,), jnp.float32),
        ],
    )
    def k(dst_hbm, ew_hbm, out_hbm, dstb, ewb, stage, deg_sh):
        c = lax.axis_index("c")
        s = lax.axis_index("s")

        @pl.loop(0, npsub // L)
        def _(i):
            stage[pl.ds(i * L, L)] = jnp.zeros((L,), jnp.float32)

        pltpu.sync_copy(stage, deg_sh.at[pl.ds(s * npsub, npsub)])
        plsc.subcore_barrier()

        base = (c * NS + s) * rps

        @pl.loop(0, rps // G)
        def _(gi):
            pltpu.sync_copy(dst_hbm.at[pl.ds(base + gi * G, G)], dstb)
            pltpu.sync_copy(ew_hbm.at[pl.ds(base + gi * G, G)], ewb)
            for j in range(G):
                pltpu.sync_copy(ewb.at[j], deg_sh.at[dstb.at[j]], add=True)

        plsc.subcore_barrier()
        pltpu.sync_copy(deg_sh.at[pl.ds(s * npsub, npsub)], stage)

        pltpu.sync_copy(stage, out_hbm.at[pl.ds(c * n_pad + s * npsub, npsub)])

    return k(dst2, ew2)


def _linear_kernel(x_time, W, dis2d):
    B, N, C = x_time.shape
    BN = 1000
    grid = (B, N // BN)

    def body(x_ref, w_ref, d_ref, y_ref):
        xw = jnp.dot(x_ref[0], w_ref[...], preferred_element_type=jnp.float32)
        y_ref[0] = xw * d_ref[...]

    return pl.pallas_call(
        body,
        grid=grid,
        in_specs=[
            pl.BlockSpec((1, BN, C), lambda b, j: (b, j, 0)),
            pl.BlockSpec((C, W.shape[1]), lambda b, j: (0, 0)),
            pl.BlockSpec((BN, 1), lambda b, j: (j, 0)),
        ],
        out_specs=pl.BlockSpec((1, BN, W.shape[1]), lambda b, j: (b, j, 0)),
        out_shape=jax.ShapeDtypeStruct((B, N, W.shape[1]), jnp.float32),
    )(x_time, W, dis2d)


def _spmm_kernel(yh, src2, dst2, ew2, n_pad):
    B = yh.shape[1]
    N = yh.shape[2]
    R = src2.shape[0]
    G = 8
    rps = R // NS
    ngroups = rps // G
    npsub = n_pad // NS
    nst = N // NS
    mesh = plsc.VectorSubcoreMesh(core_axis_name="c", subcore_axis_name="s")

    @functools.partial(
        pl.kernel,
        out_type=jax.ShapeDtypeStruct((NC, B, n_pad, 64), jnp.float32),
        mesh=mesh,
        scratch_types=[
            pltpu.VMEM((G, ROW), jnp.int32),
            pltpu.VMEM((G, ROW), jnp.int32),
            pltpu.VMEM((G, ROW), jnp.float32),
            pltpu.VMEM((2, ROW, 32), jnp.int32),
            pltpu.VMEM((ROW, 64), jnp.float32),
            pltpu.VMEM_SHARED((n_pad, 32), jnp.int32),
            pltpu.VMEM_SHARED((n_pad, 64), jnp.float32),
            pltpu.SemaphoreType.DMA,
            pltpu.SemaphoreType.DMA,
            pltpu.SemaphoreType.DMA,
        ],
        compiler_params=_sc_compiler_params(tc_tiling=False),
    )
    def k(y_hbm, src_hbm, dst_hbm, ew_hbm, out_hbm,
          srcb, dstb, ewb, rows16, rowsf, ysp, acc_sh, sg0, sg1, ss0):
        c = lax.axis_index("c")
        s = lax.axis_index("s")
        sg = (sg0, sg1)
        himask = jnp.int32(-65536)

        def scale(p, j):
            @plsc.parallel_loop(0, ROW, unroll=4)
            def _(e):
                ev = plsc.load_gather(
                    ewb.at[j], [jnp.full((L,), e, jnp.int32)])
                idx_e = jnp.full((L,), e, jnp.int32)
                for q in range(2):
                    vi = rows16[p, e, pl.ds(q * L, L)]
                    lo = plsc.bitcast(vi << 16, jnp.float32) * ev
                    hi = plsc.bitcast(vi & himask, jnp.float32) * ev
                    base = jnp.arange(L, dtype=jnp.int32) * 2 + q * 32
                    plsc.store_scatter(rowsf, [idx_e, base], lo)
                    plsc.store_scatter(rowsf, [idx_e, base + 1], hi)

        @pl.loop(0, B)
        def _(bi):
            pltpu.sync_copy(
                y_hbm.at[c].at[bi].at[pl.ds(s * nst, nst)],
                ysp.at[pl.ds(s * nst, nst)])
            @pl.loop(0, ROW)
            def _(i):
                for j8 in range(64 // L):
                    rowsf[i, pl.ds(j8 * L, L)] = jnp.zeros((L,),
                                                           jnp.float32)

            for k5 in range(npsub // ROW):
                pltpu.sync_copy(
                    rowsf,
                    acc_sh.at[pl.ds(s * npsub + k5 * ROW, ROW)])
            plsc.subcore_barrier()

            @pl.loop(0, ngroups)
            def _(gi):
                rowbase = s * rps + gi * G
                pltpu.sync_copy(src_hbm.at[pl.ds(rowbase, G)], srcb)
                pltpu.sync_copy(dst_hbm.at[pl.ds(rowbase, G)], dstb)
                pltpu.sync_copy(ew_hbm.at[pl.ds(rowbase, G)], ewb)

                def gath(j, p):
                    return pltpu.async_copy(
                        ysp.at[srcb.at[j]], rows16.at[p], sg[p])

                gd = [None] * G
                sd = None
                gd[0] = gath(0, 0)
                for j in range(G):
                    p = j & 1
                    if j < G - 1:
                        gd[j + 1] = gath(j + 1, 1 - p)
                    gd[j].wait()
                    if sd is not None:
                        sd.wait()
                    scale(p, j)
                    sd = pltpu.async_copy(
                        rowsf, acc_sh.at[dstb.at[j]], ss0, add=True)
                sd.wait()

            plsc.subcore_barrier()
            for k5 in range(npsub // ROW):
                off = s * npsub + k5 * ROW
                pltpu.sync_copy(acc_sh.at[pl.ds(off, ROW)], rowsf)
                pltpu.sync_copy(rowsf,
                                out_hbm.at[c].at[bi].at[pl.ds(off, ROW)])
            plsc.subcore_barrier()

    return k(yh, src2, dst2, ew2)


def _finalize_kernel(acch, y, dis2d, b):
    B, N, C = y.shape
    BN = 1000
    grid = (B, N // BN)
    H = C // 2

    def body(a0_ref, a1_ref, y_ref, d_ref, b_ref, o_ref):
        av = jnp.concatenate([a0_ref[0, 0], a1_ref[0, 0]], axis=-1)
        o_ref[0] = (av + y_ref[0]) * d_ref[...] + b_ref[...]

    return pl.pallas_call(
        body,
        grid=grid,
        in_specs=[
            pl.BlockSpec((1, 1, BN, H), lambda bb, j: (0, bb, j, 0)),
            pl.BlockSpec((1, 1, BN, H), lambda bb, j: (1, bb, j, 0)),
            pl.BlockSpec((1, BN, C), lambda bb, j: (bb, j, 0)),
            pl.BlockSpec((BN, 1), lambda bb, j: (j, 0)),
            pl.BlockSpec((1, C), lambda bb, j: (0, 0)),
        ],
        out_specs=pl.BlockSpec((1, BN, C), lambda bb, j: (bb, j, 0)),
        out_shape=jax.ShapeDtypeStruct((B, N, C), jnp.float32),
    )(acch, acch, y, dis2d, b.reshape(1, C))


def kernel(x_time, edge_index, edge_weight, W, b):
    B, N, C = x_time.shape
    E = edge_weight.shape[0]
    n_pad = _ceil_to(N, NS * ROW)
    e_pad = _ceil_to(E, NS * ROW * 2 * 8)

    src = edge_index[0].astype(jnp.int32)
    dst = edge_index[1].astype(jnp.int32)
    pad = e_pad - E
    src = jnp.pad(src, (0, pad))
    dst = jnp.pad(dst, (0, pad))
    ew = jnp.pad(edge_weight, (0, pad))

    src2 = src.reshape(e_pad // ROW, ROW)
    dst2 = dst.reshape(e_pad // ROW, ROW)
    ew2 = ew.reshape(e_pad // ROW, ROW)

    deg_p = _deg_kernel(dst2, ew2, n_pad)
    deg = deg_p[:N] + deg_p[n_pad:n_pad + N] + 1.0
    dis = jnp.where(deg > 0, lax.rsqrt(jnp.maximum(deg, 1e-12)), 0.0)
    dis2d = dis[:, None]

    y = _linear_kernel(x_time, W, dis2d)
    y16i = jax.lax.bitcast_convert_type(
        y.astype(jnp.bfloat16).reshape(B, N, C // 2, 2), jnp.int32)
    yh = jnp.stack([y16i[:, :, :C // 4], y16i[:, :, C // 4:]], axis=0)
    acch = _spmm_kernel(yh, src2, dst2, ew2, n_pad)
    return _finalize_kernel(acch, y, dis2d, b)

# --- scband reference (transcript-rebuilt; emitter-appended) ---
"""Pipeline reference for scband-spatial-block-43035572306760 (READ-ONLY COPY).

The authoritative reference and input builder live on the scoring server;
editing this copy changes nothing except your own understanding.
"""

import jax, jax.numpy as jnp
import numpy as np

N_NODES = 10000
IN_CH = 128
OUT_CH = 128
N_EDGES = 320000
BATCH = 8


def setup_inputs(seed: int = 0) -> dict:
    key = jax.random.key(seed)
    k1, k2, k3, k4, k5 = jax.random.split(key, 5)
    x_time = jax.random.normal(k1, (BATCH, N_NODES, IN_CH), dtype=jnp.float32)
    edge_index = jax.random.randint(k2, (2, N_EDGES), 0, N_NODES, dtype=jnp.int64)
    edge_weight = jax.random.uniform(k3, (N_EDGES,), dtype=jnp.float32)
    # GCNConv learned parameters
    W = jax.random.normal(k4, (IN_CH, OUT_CH), dtype=jnp.float32) * 0.05
    b = jnp.zeros((OUT_CH,), dtype=jnp.float32)
    return {"x_time": x_time, "edge_index": edge_index, "edge_weight": edge_weight, "W": W, "b": b}


def _gcn_norm(edge_index, edge_weight, num_nodes):
    # PyG gcn_norm: add self-loops with weight 1.0, then symmetric normalization
    src = edge_index[0]
    dst = edge_index[1]
    loop = jnp.arange(num_nodes, dtype=src.dtype)
    src = jnp.concatenate([src, loop])
    dst = jnp.concatenate([dst, loop])
    ew = jnp.concatenate([edge_weight, jnp.ones((num_nodes,), dtype=edge_weight.dtype)])
    deg = jnp.zeros((num_nodes,), dtype=ew.dtype).at[dst].add(ew)
    deg_inv_sqrt = jnp.where(deg > 0, jax.lax.rsqrt(jnp.maximum(deg, 1e-12)), 0.0)
    norm = deg_inv_sqrt[src] * ew * deg_inv_sqrt[dst]
    return src, dst, norm


def reference(x_time, edge_index, edge_weight, W, b):
    batch, N, C = x_time.shape
    src, dst, norm = _gcn_norm(edge_index, edge_weight, N)
    out = []
    for bi in range(batch):
        xb = x_time[bi]
        xb = xb @ W  # GCNConv linear transform (no bias inside lin)
        msg = norm[:, None] * jnp.take(xb, src, axis=0)  # gather messages
        agg = jnp.zeros((N, W.shape[1]), dtype=xb.dtype).at[dst].add(msg)  # scatter-add
        out.append(agg + b)
    return jnp.stack(out, axis=0)

if __name__ == "__main__":
    import jax
    _d = setup_inputs()
    print(jax.jit(kernel)(*tuple(_d.values())))

</pallas_src>

<mosaic_0001>
#map = affine_map<(d0, d1) -> (0, 0)>
#map1 = affine_map<(d0, d1) -> (0)>
module attributes {stable_mosaic.version = 14 : i64} {
  func.func @k(%arg0: i32, %arg1: i32, %arg2: memref<2560x128xi32, #tpu.memory_space<hbm>>, %arg3: memref<2560x128xf32, #tpu.memory_space<hbm>>, %arg4: memref<20480xf32, #tpu.memory_space<hbm>>, %arg5: memref<8x128xi32, #tpu.memory_space<vmem>>, %arg6: memref<8x128xf32, #tpu.memory_space<vmem>>, %arg7: memref<640xf32, #tpu.memory_space<vmem>>, %arg8: memref<10240xf32, #tpu.memory_space<vmem_shared>>) attributes {dimension_semantics = [#tpu.dimension_semantics<core_parallel>, #tpu.dimension_semantics<subcore_parallel>], iteration_bounds = array<i64: 2, 16>, scalar_prefetch = 0 : i64, scratch_operands = 4 : i64, tpu.core_type = #tpu.core_type<sc_vector_subcore>, window_params = [{transform_indices = #map}, {transform_indices = #map}, {transform_indices = #map1}]} {
    %scan3A = arith.constant 0 : i32
    %scan3A_0 = arith.constant 40 : i32
    %scan3A_1 = arith.addi %scan3A, %scan3A_0 : i32
    %scan3A_2 = arith.constant 1 : i32
    scf.for %scan3A_22 = %scan3A to %scan3A_1 step %scan3A_2  : i32 {
      %mul3A_23 = arith.constant 1 : i32
      %mul3A_24 = arith.muli %scan3A_22, %mul3A_23 : i32
      %add3A_25 = arith.constant 0 : i32
      %add3A_26 = arith.addi %add3A_25, %mul3A_24 : i32
      %broadcast_in_dim3A = arith.constant 0.000000e+00 : f32
      %broadcast_in_dim3A_27 = vector.broadcast %broadcast_in_dim3A : f32 to vector<16xf32>
      %mul3A_28 = arith.constant 16 : i32
      %mul3A_29 = arith.muli %add3A_26, %mul3A_28 : i32
      %swap3A = arith.index_cast %mul3A_29 : i32 to index
      %swap3A_30 = tpu.vector_load %arg7[%swap3A] {strides = array<i32>} : memref<640xf32, #tpu.memory_space<vmem>>, vector<16xf32>,
      %swap3A_31 = vector.shape_cast %swap3A_30 : vector<16xf32> to vector<16xf32>
      %swap3A_32 = vector.shape_cast %broadcast_in_dim3A_27 : vector<16xf32> to vector<16xf32>
      tpu.vector_store %arg7[%swap3A], %swap3A_32 {strides = array<i32>} : memref<640xf32, #tpu.memory_space<vmem>>, vector<16xf32>,
    }
    %scan3A_3 = arith.constant 40 : i32
    %mul3A = arith.constant 640 : i32
    %mul3A_4 = arith.muli %arg1, %mul3A : i32
    "tpu.region"() ({
      %run_scoped3A = tpu.sem_alloc : memref<!tpu.dma_semaphore, #tpu.memory_space<semaphore_mem>>
      %dma_start3A = tpu.memref_slice %arg8[%mul3A_4] : memref<10240xf32, #tpu.memory_space<vmem_shared>> -> memref<640xf32, #tpu.memory_space<vmem_shared>>
      %dma_start3A_22 = tpu.memref_slice %arg8[%mul3A_4] : memref<10240xf32, #tpu.memory_space<vmem_shared>> -> memref<640xf32, #tpu.memory_space<vmem_shared>>
      tpu.enqueue_dma source(%arg7 : memref<640xf32, #tpu.memory_space<vmem>>) target(%dma_start3A_22 : memref<640xf32, #tpu.memory_space<vmem_shared>>) target_semaphore(%run_scoped3A : memref<!tpu.dma_semaphore, #tpu.memory_space<semaphore_mem>>)
      %dma_wait3A = tpu.memref_slice %arg8[%mul3A_4] : memref<10240xf32, #tpu.memory_space<vmem_shared>> -> memref<640xf32, #tpu.memory_space<vmem_shared>>
      %dma_wait3A_23 = tpu.memref_slice %arg8[%mul3A_4] : memref<10240xf32, #tpu.memory_space<vmem_shared>> -> memref<640xf32, #tpu.memory_space<vmem_shared>>
      tpu.wait_dma2 semaphore(%run_scoped3A : memref<!tpu.dma_semaphore, #tpu.memory_space<semaphore_mem>>) src(%arg7 : memref<640xf32, #tpu.memory_space<vmem>>) dst(%dma_wait3A_23 : memref<640xf32, #tpu.memory_space<vmem_shared>>)
      tpu.yield
    }) : () -> ()
    %barrier3A = arith.constant 0 : index
    tpu.barrier barrier_id(%barrier3A)
    %mul3A_5 = arith.constant 16 : i32
    %mul3A_6 = arith.muli %arg0, %mul3A_5 : i32
    %add3A = arith.addi %mul3A_6, %arg1 : i32
    %mul3A_7 = arith.constant 80 : i32
    %mul3A_8 = arith.muli %add3A, %mul3A_7 : i32
    %scan3A_9 = arith.constant 0 : i32
    %scan3A_10 = arith.constant 10 : i32
    %scan3A_11 = arith.addi %scan3A_9, %scan3A_10 : i32
    %scan3A_12 = arith.constant 1 : i32
    scf.for %scan3A_22 = %scan3A_9 to %scan3A_11 step %scan3A_12  : i32 {
      %mul3A_23 = arith.constant 1 : i32
      %mul3A_24 = arith.muli %scan3A_22, %mul3A_23 : i32
      %add3A_25 = arith.constant 0 : i32
      %add3A_26 = arith.addi %add3A_25, %mul3A_24 : i32
      %mul3A_27 = arith.constant 8 : i32
      %mul3A_28 = arith.muli %add3A_26, %mul3A_27 : i32
      %add3A_29 = arith.addi %mul3A_8, %mul3A_28 : i32
      "tpu.region"() ({
        %run_scoped3A_48 = tpu.sem_alloc : memref<!tpu.dma_semaphore, #tpu.memory_space<semaphore_mem>>
        %dma_start3A = arith.constant 0 : i32
        %dma_start3A_49 = tpu.memref_slice %arg2[%add3A_29, %dma_start3A] : memref<2560x128xi32, #tpu.memory_space<hbm>> -> memref<8x128xi32, #tpu.memory_space<hbm>>
        %dma_start3A_50 = arith.constant 0 : i32
        %dma_start3A_51 = tpu.memref_slice %arg2[%add3A_29, %dma_start3A_50] : memref<2560x128xi32, #tpu.memory_space<hbm>> -> memref<8x128xi32, #tpu.memory_space<hbm>>
        tpu.enqueue_dma source(%dma_start3A_51 : memref<8x128xi32, #tpu.memory_space<hbm>>) target(%arg5 : memref<8x128xi32, #tpu.memory_space<vmem>>) target_semaphore(%run_scoped3A_48 : memref<!tpu.dma_semaphore, #tpu.memory_space<semaphore_mem>>)
        %dma_wait3A = arith.constant 0 : i32
        %dma_wait3A_52 = tpu.memref_slice %arg2[%add3A_29, %dma_wait3A] : memref<2560x128xi32, #tpu.memory_space<hbm>> -> memref<8x128xi32, #tpu.memory_space<hbm>>
        %dma_wait3A_53 = arith.constant 0 : i32
        %dma_wait3A_54 = tpu.memref_slice %arg2[%add3A_29, %dma_wait3A_53] : memref<2560x128xi32, #tpu.memory_space<hbm>> -> memref<8x128xi32, #tpu.memory_space<hbm>>
        tpu.wait_dma2 semaphore(%run_scoped3A_48 : memref<!tpu.dma_semaphore, #tpu.memory_space<semaphore_mem>>) src(%dma_wait3A_54 : memref<8x128xi32, #tpu.memory_space<hbm>>) dst(%arg5 : memref<8x128xi32, #tpu.memory_space<vmem>>)
        tpu.yield
      }) : () -> ()
      %mul3A_30 = arith.constant 8 : i32
      %mul3A_31 = arith.muli %add3A_26, %mul3A_30 : i32
      %add3A_32 = arith.addi %mul3A_8, %mul3A_31 : i32
      "tpu.region"() ({
        %run_scoped3A_48 = tpu.sem_alloc : memref<!tpu.dma_semaphore, #tpu.memory_space<semaphore_mem>>
        %dma_start3A = arith.constant 0 : i32
        %dma_start3A_49 = tpu.memref_slice %arg3[%add3A_32, %dma_start3A] : memref<2560x128xf32, #tpu.memory_space<hbm>> -> memref<8x128xf32, #tpu.memory_space<hbm>>
        %dma_start3A_50 = arith.constant 0 : i32
        %dma_start3A_51 = tpu.memref_slice %arg3[%add3A_32, %dma_start3A_50] : memref<2560x128xf32, #tpu.memory_space<hbm>> -> memref<8x128xf32, #tpu.memory_space<hbm>>
        tpu.enqueue_dma source(%dma_start3A_51 : memref<8x128xf32, #tpu.memory_space<hbm>>) target(%arg6 : memref<8x128xf32, #tpu.memory_space<vmem>>) target_semaphore(%run_scoped3A_48 : memref<!tpu.dma_semaphore, #tpu.memory_space<semaphore_mem>>)
        %dma_wait3A = arith.constant 0 : i32
        %dma_wait3A_52 = tpu.memref_slice %arg3[%add3A_32, %dma_wait3A] : memref<2560x128xf32, #tpu.memory_space<hbm>> -> memref<8x128xf32, #tpu.memory_space<hbm>>
        %dma_wait3A_53 = arith.constant 0 : i32
        %dma_wait3A_54 = tpu.memref_slice %arg3[%add3A_32, %dma_wait3A_53] : memref<2560x128xf32, #tpu.memory_space<hbm>> -> memref<8x128xf32, #tpu.memory_space<hbm>>
        tpu.wait_dma2 semaphore(%run_scoped3A_48 : memref<!tpu.dma_semaphore, #tpu.memory_space<semaphore_mem>>) src(%dma_wait3A_54 : memref<8x128xf32, #tpu.memory_space<hbm>>) dst(%arg6 : memref<8x128xf32, #tpu.memory_space<vmem>>)
        tpu.yield
      }) : () -> ()
      %run_scoped3A = arith.constant 0 : i32
      %run_scoped3A_33 = arith.constant 0 : i32
      "tpu.region"() ({
        %run_scoped3A_48 = tpu.sem_alloc : memref<!tpu.dma_semaphore, #tpu.memory_space<semaphore_mem>>
        %dma_start3A = arith.constant 0 : i32
        %dma_start3A_49 = tpu.memref_slice %arg6[%run_scoped3A, %dma_start3A] : memref<8x128xf32, #tpu.memory_space<vmem>> -> memref<1x128xf32, #tpu.memory_space<vmem>>
        %dma_start3A_50 = tpu.memref_squeeze %dma_start3A_49 : memref<1x128xf32, #tpu.memory_space<vmem>> -> memref<128xf32, #tpu.memory_space<vmem>>
        %dma_start3A_51 = arith.constant 0 : i32
        %dma_start3A_52 = tpu.memref_slice %arg5[%run_scoped3A_33, %dma_start3A_51] : memref<8x128xi32, #tpu.memory_space<vmem>> -> memref<1x128xi32, #tpu.memory_space<vmem>>
        %dma_start3A_53 = tpu.memref_squeeze %dma_start3A_52 : memref<1x128xi32, #tpu.memory_space<vmem>> -> memref<128xi32, #tpu.memory_space<vmem>>
        %dma_start3A_54 = arith.constant 0 : i32
        %dma_start3A_55 = tpu.memref_slice %arg8[%dma_start3A_54] : memref<10240xf32, #tpu.memory_space<vmem_shared>> -> memref<10240xf32, #tpu.memory_space<vmem_shared>>
        tpu.enqueue_indirect_dma source(%dma_start3A_50 : memref<128xf32, #tpu.memory_space<vmem>>) target(%dma_start3A_55 : memref<10240xf32, #tpu.memory_space<vmem_shared>>) offsets(%dma_start3A_53 : memref<128xi32, #tpu.memory_space<vmem>>) semaphore(%run_scoped3A_48 : memref<!tpu.dma_semaphore, #tpu.memory_space<semaphore_mem>>) {add = true}
        %dma_wait3A = arith.constant 0 : i32
        %dma_wait3A_56 = tpu.memref_slice %arg6[%run_scoped3A, %dma_wait3A] : memref<8x128xf32, #tpu.memory_space<vmem>> -> memref<1x128xf32, #tpu.memory_space<vmem>>
        %dma_wait3A_57 = tpu.memref_squeeze %dma_wait3A_56 : memref<1x128xf32, #tpu.memory_space<vmem>> -> memref<128xf32, #tpu.memory_space<vmem>>
        %dma_wait3A_58 = arith.constant 0 : i32
        %dma_wait3A_59 = tpu.memref_slice %arg5[%run_scoped3A_33, %dma_wait3A_58] : memref<8x128xi32, #tpu.memory_space<vmem>> -> memref<1x128xi32, #tpu.memory_space<vmem>>
        %dma_wait3A_60 = tpu.memref_squeeze %dma_wait3A_59 : memref<1x128xi32, #tpu.memory_space<vmem>> -> memref<128xi32, #tpu.memory_space<vmem>>
        %dma_wait3A_61 = arith.constant 0 : i32
        %dma_wait3A_62 = tpu.memref_slice %arg8[%dma_wait3A_61] : memref<10240xf32, #tpu.memory_space<vmem_shared>> -> memref<10240xf32, #tpu.memory_space<vmem_shared>>
        tpu.wait_indirect_dma semaphore(%run_scoped3A_48 : memref<!tpu.dma_semaphore, #tpu.memory_space<semaphore_mem>>) src(%dma_wait3A_57 : memref<128xf32, #tpu.memory_space<vmem>>) dst(%dma_wait3A_62 : memref<10240xf32, #tpu.memory_space<vmem_shared>>)
        tpu.yield
      }) : () -> ()
      %run_scoped3A_34 = arith.constant 1 : i32
      %run_scoped3A_35 = arith.constant 1 : i32
      "tpu.region"() ({
        %run_scoped3A_48 = tpu.sem_alloc : memref<!tpu.dma_semaphore, #tpu.memory_space<semaphore_mem>>
        %dma_start3A = arith.constant 0 : i32
        %dma_start3A_49 = tpu.memref_slice %arg6[%run_scoped3A_34, %dma_start3A] : memref<8x128xf32, #tpu.memory_space<vmem>> -> memref<1x128xf32, #tpu.memory_space<vmem>>
        %dma_start3A_50 = tpu.memref_squeeze %dma_start3A_49 : memref<1x128xf32, #tpu.memory_space<vmem>> -> memref<128xf32, #tpu.memory_space<vmem>>
        %dma_start3A_51 = arith.constant 0 : i32
        %dma_start3A_52 = tpu.memref_slice %arg5[%run_scoped3A_35, %dma_start3A_51] : memref<8x128xi32, #tpu.memory_space<vmem>> -> memref<1x128xi32, #tpu.memory_space<vmem>>
        %dma_start3A_53 = tpu.memref_squeeze %dma_start3A_52 : memref<1x128xi32, #tpu.memory_space<vmem>> -> memref<128xi32, #tpu.memory_space<vmem>>
        %dma_start3A_54 = arith.constant 0 : i32
        %dma_start3A_55 = tpu.memref_slice %arg8[%dma_start3A_54] : memref<10240xf32, #tpu.memory_space<vmem_shared>> -> memref<10240xf32, #tpu.memory_space<vmem_shared>>
        tpu.enqueue_indirect_dma source(%dma_start3A_50 : memref<128xf32, #tpu.memory_space<vmem>>) target(%dma_start3A_55 : memref<10240xf32, #tpu.memory_space<vmem_shared>>) offsets(%dma_start3A_53 : memref<128xi32, #tpu.memory_space<vmem>>) semaphore(%run_scoped3A_48 : memref<!tpu.dma_semaphore, #tpu.memory_space<semaphore_mem>>) {add = true}
        %dma_wait3A = arith.constant 0 : i32
        %dma_wait3A_56 = tpu.memref_slice %arg6[%run_scoped3A_34, %dma_wait3A] : memref<8x128xf32, #tpu.memory_space<vmem>> -> memref<1x128xf32, #tpu.memory_space<vmem>>
        %dma_wait3A_57 = tpu.memref_squeeze %dma_wait3A_56 : memref<1x128xf32, #tpu.memory_space<vmem>> -> memref<128xf32, #tpu.memory_space<vmem>>
        %dma_wait3A_58 = arith.constant 0 : i32
        %dma_wait3A_59 = tpu.memref_slice %arg5[%run_scoped3A_35, %dma_wait3A_58] : memref<8x128xi32, #tpu.memory_space<vmem>> -> memref<1x128xi32, #tpu.memory_space<vmem>>
        %dma_wait3A_60 = tpu.memref_squeeze %dma_wait3A_59 : memref<1x128xi32, #tpu.memory_space<vmem>> -> memref<128xi32, #tpu.memory_space<vmem>>
        %dma_wait3A_61 = arith.constant 0 : i32
        %dma_wait3A_62 = tpu.memref_slice %arg8[%dma_wait3A_61] : memref<10240xf32, #tpu.memory_space<vmem_shared>> -> memref<10240xf32, #tpu.memory_space<vmem_shared>>
        tpu.wait_indirect_dma semaphore(%run_scoped3A_48 : memref<!tpu.dma_semaphore, #tpu.memory_space<semaphore_mem>>) src(%dma_wait3A_57 : memref<128xf32, #tpu.memory_space<vmem>>) dst(%dma_wait3A_62 : memref<10240xf32, #tpu.memory_space<vmem_shared>>)
        tpu.yield
      }) : () -> ()
      %run_scoped3A_36 = arith.constant 2 : i32
      %run_scoped3A_37 = arith.constant 2 : i32
      "tpu.region"() ({
        %run_scoped3A_48 = tpu.sem_alloc : memref<!tpu.dma_semaphore, #tpu.memory_space<semaphore_mem>>
        %dma_start3A = arith.constant 0 : i32
        %dma_start3A_49 = tpu.memref_slice %arg6[%run_scoped3A_36, %dma_start3A] : memref<8x128xf32, #tpu.memory_space<vmem>> -> memref<1x128xf32, #tpu.memory_space<vmem>>
        %dma_start3A_50 = tpu.memref_squeeze %dma_start3A_49 : memref<1x128xf32, #tpu.memory_space<vmem>> -> memref<128xf32, #tpu.memory_space<vmem>>
        %dma_start3A_51 = arith.constant 0 : i32
        %dma_start3A_52 = tpu.memref_slice %arg5[%run_scoped3A_37, %dma_start3A_51] : memref<8x128xi32, #tpu.memory_space<vmem>> -> memref<1x128xi32, #tpu.memory_space<vmem>>
        %dma_start3A_53 = tpu.memref_squeeze %dma_start3A_52 : memref<1x128xi32, #tpu.memory_space<vmem>> -> memref<128xi32, #tpu.memory_space<vmem>>
        %dma_start3A_54 = arith.constant 0 : i32
        %dma_start3A_55 = tpu.memref_slice %arg8[%dma_start3A_54] : memref<10240xf32, #tpu.memory_space<vmem_shared>> -> memref<10240xf32, #tpu.memory_space<vmem_shared>>
        tpu.enqueue_indirect_dma source(%dma_start3A_50 : memref<128xf32, #tpu.memory_space<vmem>>) target(%dma_start3A_55 : memref<10240xf32, #tpu.memory_space<vmem_shared>>) offsets(%dma_start3A_53 : memref<128xi32, #tpu.memory_space<vmem>>) semaphore(%run_scoped3A_48 : memref<!tpu.dma_semaphore, #tpu.memory_space<semaphore_mem>>) {add = true}
        %dma_wait3A = arith.constant 0 : i32
        %dma_wait3A_56 = tpu.memref_slice %arg6[%run_scoped3A_36, %dma_wait3A] : memref<8x128xf32, #tpu.memory_space<vmem>> -> memref<1x128xf32, #tpu.memory_space<vmem>>
        %dma_wait3A_57 = tpu.memref_squeeze %dma_wait3A_56 : memref<1x128xf32, #tpu.memory_space<vmem>> -> memref<128xf32, #tpu.memory_space<vmem>>
        %dma_wait3A_58 = arith.constant 0 : i32
        %dma_wait3A_59 = tpu.memref_slice %arg5[%run_scoped3A_37, %dma_wait3A_58] : memref<8x128xi32, #tpu.memory_space<vmem>> -> memref<1x128xi32, #tpu.memory_space<vmem>>
        %dma_wait3A_60 = tpu.memref_squeeze %dma_wait3A_59 : memref<1x128xi32, #tpu.memory_space<vmem>> -> memref<128xi32, #tpu.memory_space<vmem>>
        %dma_wait3A_61 = arith.constant 0 : i32
        %dma_wait3A_62 = tpu.memref_slice %arg8[%dma_wait3A_61] : memref<10240xf32, #tpu.memory_space<vmem_shared>> -> memref<10240xf32, #tpu.memory_space<vmem_shared>>
        tpu.wait_indirect_dma semaphore(%run_scoped3A_48 : memref<!tpu.dma_semaphore, #tpu.memory_space<semaphore_mem>>) src(%dma_wait3A_57 : memref<128xf32, #tpu.memory_space<vmem>>) dst(%dma_wait3A_62 : memref<10240xf32, #tpu.memory_space<vmem_shared>>)
        tpu.yield
      }) : () -> ()
      %run_scoped3A_38 = arith.constant 3 : i32
      %run_scoped3A_39 = arith.constant 3 : i32
      "tpu.region"() ({
        %run_scoped3A_48 = tpu.sem_alloc : memref<!tpu.dma_semaphore, #tpu.memory_space<semaphore_mem>>
        %dma_start3A = arith.constant 0 : i32
        %dma_start3A_49 = tpu.memref_slice %arg6[%run_scoped3A_38, %dma_start3A] : memref<8x128xf32, #tpu.memory_space<vmem>> -> memref<1x128xf32, #tpu.memory_space<vmem>>
        %dma_start3A_50 = tpu.memref_squeeze %dma_start3A_49 : memref<1x128xf32, #tpu.memory_space<vmem>> -> memref<128xf32, #tpu.memory_space<vmem>>
        %dma_start3A_51 = arith.constant 0 : i32
        %dma_start3A_52 = tpu.memref_slice %arg5[%run_scoped3A_39, %dma_start3A_51] : memref<8x128xi32, #tpu.memory_space<vmem>> -> memref<1x128xi32, #tpu.memory_space<vmem>>
        %dma_start3A_53 = tpu.memref_squeeze %dma_start3A_52 : memref<1x128xi32, #tpu.memory_space<vmem>> -> memref<128xi32, #tpu.memory_space<vmem>>
        %dma_start3A_54 = arith.constant 0 : i32
        %dma_start3A_55 = tpu.memref_slice %arg8[%dma_start3A_54] : memref<10240xf32, #tpu.memory_space<vmem_shared>> -> memref<10240xf32, #tpu.memory_space<vmem_shared>>
        tpu.enqueue_indirect_dma source(%dma_start3A_50 : memref<128xf32, #tpu.memory_space<vmem>>) target(%dma_start3A_55 : memref<10240xf32, #tpu.memory_space<vmem_shared>>) offsets(%dma_start3A_53 : memref<128xi32, #tpu.memory_space<vmem>>) semaphore(%run_scoped3A_48 : memref<!tpu.dma_semaphore, #tpu.memory_space<semaphore_mem>>) {add = true}
        %dma_wait3A = arith.constant 0 : i32
        %dma_wait3A_56 = tpu.memref_slice %arg6[%run_scoped3A_38, %dma_wait3A] : memref<8x128xf32, #tpu.memory_space<vmem>> -> memref<1x128xf32, #tpu.memory_space<vmem>>
        %dma_wait3A_57 = tpu.memref_squeeze %dma_wait3A_56 : memref<1x128xf32, #tpu.memory_space<vmem>> -> memref<128xf32, #tpu.memory_space<vmem>>
        %dma_wait3A_58 = arith.constant 0 : i32
        %dma_wait3A_59 = tpu.memref_slice %arg5[%run_scoped3A_39, %dma_wait3A_58] : memref<8x128xi32, #tpu.memory_space<vmem>> -> memref<1x128xi32, #tpu.memory_space<vmem>>
        %dma_wait3A_60 = tpu.memref_squeeze %dma_wait3A_59 : memref<1x128xi32, #tpu.memory_space<vmem>> -> memref<128xi32, #tpu.memory_space<vmem>>
        %dma_wait3A_61 = arith.constant 0 : i32
        %dma_wait3A_62 = tpu.memref_slice %arg8[%dma_wait3A_61] : memref<10240xf32, #tpu.memory_space<vmem_shared>> -> memref<10240xf32, #tpu.memory_space<vmem_shared>>
        tpu.wait_indirect_dma semaphore(%run_scoped3A_48 : memref<!tpu.dma_semaphore, #tpu.memory_space<semaphore_mem>>) src(%dma_wait3A_57 : memref<128xf32, #tpu.memory_space<vmem>>) dst(%dma_wait3A_62 : memref<10240xf32, #tpu.memory_space<vmem_shared>>)
        tpu.yield
      }) : () -> ()
      %run_scoped3A_40 = arith.constant 4 : i32
      %run_scoped3A_41 = arith.constant 4 : i32
      "tpu.region"() ({
        %run_scoped3A_48 = tpu.sem_alloc : memref<!tpu.dma_semaphore, #tpu.memory_space<semaphore_mem>>
        %dma_start3A = arith.constant 0 : i32
        %dma_start3A_49 = tpu.memref_slice %arg6[%run_scoped3A_40, %dma_start3A] : memref<8x128xf32, #tpu.memory_space<vmem>> -> memref<1x128xf32, #tpu.memory_space<vmem>>
        %dma_start3A_50 = tpu.memref_squeeze %dma_start3A_49 : memref<1x128xf32, #tpu.memory_space<vmem>> -> memref<128xf32, #tpu.memory_space<vmem>>
        %dma_start3A_51 = arith.constant 0 : i32
        %dma_start3A_52 = tpu.memref_slice %arg5[%run_scoped3A_41, %dma_start3A_51] : memref<8x128xi32, #tpu.memory_space<vmem>> -> memref<1x128xi32, #tpu.memory_space<vmem>>
        %dma_start3A_53 = tpu.memref_squeeze %dma_start3A_52 : memref<1x128xi32, #tpu.memory_space<vmem>> -> memref<128xi32, #tpu.memory_space<vmem>>
        %dma_start3A_54 = arith.constant 0 : i32
        %dma_start3A_55 = tpu.memref_slice %arg8[%dma_start3A_54] : memref<10240xf32, #tpu.memory_space<vmem_shared>> -> memref<10240xf32, #tpu.memory_space<vmem_shared>>
        tpu.enqueue_indirect_dma source(%dma_start3A_50 : memref<128xf32, #tpu.memory_space<vmem>>) target(%dma_start3A_55 : memref<10240xf32, #tpu.memory_space<vmem_shared>>) offsets(%dma_start3A_53 : memref<128xi32, #tpu.memory_space<vmem>>) semaphore(%run_scoped3A_48 : memref<!tpu.dma_semaphore, #tpu.memory_space<semaphore_mem>>) {add = true}
        %dma_wait3A = arith.constant 0 : i32
        %dma_wait3A_56 = tpu.memref_slice %arg6[%run_scoped3A_40, %dma_wait3A] : memref<8x128xf32, #tpu.memory_space<vmem>> -> memref<1x128xf32, #tpu.memory_space<vmem>>
        %dma_wait3A_57 = tpu.memref_squeeze %dma_wait3A_56 : memref<1x128xf32, #tpu.memory_space<vmem>> -> memref<128xf32, #tpu.memory_space<vmem>>
        %dma_wait3A_58 = arith.constant 0 : i32
        %dma_wait3A_59 = tpu.memref_slice %arg5[%run_scoped3A_41, %dma_wait3A_58] : memref<8x128xi32, #tpu.memory_space<vmem>> -> memref<1x128xi32, #tpu.memory_space<vmem>>
        %dma_wait3A_60 = tpu.memref_squeeze %dma_wait3A_59 : memref<1x128xi32, #tpu.memory_space<vmem>> -> memref<128xi32, #tpu.memory_space<vmem>>
        %dma_wait3A_61 = arith.constant 0 : i32
        %dma_wait3A_62 = tpu.memref_slice %arg8[%dma_wait3A_61] : memref<10240xf32, #tpu.memory_space<vmem_shared>> -> memref<10240xf32, #tpu.memory_space<vmem_shared>>
        tpu.wait_indirect_dma semaphore(%run_scoped3A_48 : memref<!tpu.dma_semaphore, #tpu.memory_space<semaphore_mem>>) src(%dma_wait3A_57 : memref<128xf32, #tpu.memory_space<vmem>>) dst(%dma_wait3A_62 : memref<10240xf32, #tpu.memory_space<vmem_shared>>)
        tpu.yield
      }) : () -> ()
      %run_scoped3A_42 = arith.constant 5 : i32
      %run_scoped3A_43 = arith.constant 5 : i32
      "tpu.region"() ({
        %run_scoped3A_48 = tpu.sem_alloc : memref<!tpu.dma_semaphore, #tpu.memory_space<semaphore_mem>>
        %dma_start3A = arith.constant 0 : i32
        %dma_start3A_49 = tpu.memref_slice %arg6[%run_scoped3A_42, %dma_start3A] : memref<8x128xf32, #tpu.memory_space<vmem>> -> memref<1x128xf32, #tpu.memory_space<vmem>>
        %dma_start3A_50 = tpu.memref_squeeze %dma_start3A_49 : memref<1x128xf32, #tpu.memory_space<vmem>> -> memref<128xf32, #tpu.memory_space<vmem>>
        %dma_start3A_51 = arith.constant 0 : i32
        %dma_start3A_52 = tpu.memref_slice %arg5[%run_scoped3A_43, %dma_start3A_51] : memref<8x128xi32, #tpu.memory_space<vmem>> -> memref<1x128xi32, #tpu.memory_space<vmem>>
        %dma_start3A_53 = tpu.memref_squeeze %dma_start3A_52 : memref<1x128xi32, #tpu.memory_space<vmem>> -> memref<128xi32, #tpu.memory_space<vmem>>
        %dma_start3A_54 = arith.constant 0 : i32
        %dma_start3A_55 = tpu.memref_slice %arg8[%dma_start3A_54] : memref<10240xf32, #tpu.memory_space<vmem_shared>> -> memref<10240xf32, #tpu.memory_space<vmem_shared>>
        tpu.enqueue_indirect_dma source(%dma_start3A_50 : memref<128xf32, #tpu.memory_space<vmem>>) target(%dma_start3A_55 : memref<10240xf32, #tpu.memory_space<vmem_shared>>) offsets(%dma_start3A_53 : memref<128xi32, #tpu.memory_space<vmem>>) semaphore(%run_scoped3A_48 : memref<!tpu.dma_semaphore, #tpu.memory_space<semaphore_mem>>) {add = true}
        %dma_wait3A = arith.constant 0 : i32
        %dma_wait3A_56 = tpu.memref_slice %arg6[%run_scoped3A_42, %dma_wait3A] : memref<8x128xf32, #tpu.memory_space<vmem>> -> memref<1x128xf32, #tpu.memory_space<vmem>>
        %dma_wait3A_57 = tpu.memref_squeeze %dma_wait3A_56 : memref<1x128xf32, #tpu.memory_space<vmem>> -> memref<128xf32, #tpu.memory_space<vmem>>
        %dma_wait3A_58 = arith.constant 0 : i32
        %dma_wait3A_59 = tpu.memref_slice %arg5[%run_scoped3A_43, %dma_wait3A_58] : memref<8x128xi32, #tpu.memory_space<vmem>> -> memref<1x128xi32, #tpu.memory_space<vmem>>
        %dma_wait3A_60 = tpu.memref_squeeze %dma_wait3A_59 : memref<1x128xi32, #tpu.memory_space<vmem>> -> memref<128xi32, #tpu.memory_space<vmem>>
        %dma_wait3A_61 = arith.constant 0 : i32
        %dma_wait3A_62 = tpu.memref_slice %arg8[%dma_wait3A_61] : memref<10240xf32, #tpu.memory_space<vmem_shared>> -> memref<10240xf32, #tpu.memory_space<vmem_shared>>
        tpu.wait_indirect_dma semaphore(%run_scoped3A_48 : memref<!tpu.dma_semaphore, #tpu.memory_space<semaphore_mem>>) src(%dma_wait3A_57 : memref<128xf32, #tpu.memory_space<vmem>>) dst(%dma_wait3A_62 : memref<10240xf32, #tpu.memory_space<vmem_shared>>)
        tpu.yield
      }) : () -> ()
      %run_scoped3A_44 = arith.constant 6 : i32
      %run_scoped3A_45 = arith.constant 6 : i32
      "tpu.region"() ({
        %run_scoped3A_48 = tpu.sem_alloc : memref<!tpu.dma_semaphore, #tpu.memory_space<semaphore_mem>>
        %dma_start3A = arith.constant 0 : i32
        %dma_start3A_49 = tpu.memref_slice %arg6[%run_scoped3A_44, %dma_start3A] : memref<8x128xf32, #tpu.memory_space<vmem>> -> memref<1x128xf32, #tpu.memory_space<vmem>>
        %dma_start3A_50 = tpu.memref_squeeze %dma_start3A_49 : memref<1x128xf32, #tpu.memory_space<vmem>> -> memref<128xf32, #tpu.memory_space<vmem>>
        %dma_start3A_51 = arith.constant 0 : i32
        %dma_start3A_52 = tpu.memref_slice %arg5[%run_scoped3A_45, %dma_start3A_51] : memref<8x128xi32, #tpu.memory_space<vmem>> -> memref<1x128xi32, #tpu.memory_space<vmem>>
        %dma_start3A_53 = tpu.memref_squeeze %dma_start3A_52 : memref<1x128xi32, #tpu.memory_space<vmem>> -> memref<128xi32, #tpu.memory_space<vmem>>
        %dma_start3A_54 = arith.constant 0 : i32
        %dma_start3A_55 = tpu.memref_slice %arg8[%dma_start3A_54] : memref<10240xf32, #tpu.memory_space<vmem_shared>> -> memref<10240xf32, #tpu.memory_space<vmem_shared>>
        tpu.enqueue_indirect_dma source(%dma_start3A_50 : memref<128xf32, #tpu.memory_space<vmem>>) target(%dma_start3A_55 : memref<10240xf32, #tpu.memory_space<vmem_shared>>) offsets(%dma_start3A_53 : memref<128xi32, #tpu.memory_space<vmem>>) semaphore(%run_scoped3A_48 : memref<!tpu.dma_semaphore, #tpu.memory_space<semaphore_mem>>) {add = true}
        %dma_wait3A = arith.constant 0 : i32
        %dma_wait3A_56 = tpu.memref_slice %arg6[%run_scoped3A_44, %dma_wait3A] : memref<8x128xf32, #tpu.memory_space<vmem>> -> memref<1x128xf32, #tpu.memory_space<vmem>>
        %dma_wait3A_57 = tpu.memref_squeeze %dma_wait3A_56 : memref<1x128xf32, #tpu.memory_space<vmem>> -> memref<128xf32, #tpu.memory_space<vmem>>
        %dma_wait3A_58 = arith.constant 0 : i32
        %dma_wait3A_59 = tpu.memref_slice %arg5[%run_scoped3A_45, %dma_wait3A_58] : memref<8x128xi32, #tpu.memory_space<vmem>> -> memref<1x128xi32, #tpu.memory_space<vmem>>
        %dma_wait3A_60 = tpu.memref_squeeze %dma_wait3A_59 : memref<1x128xi32, #tpu.memory_space<vmem>> -> memref<128xi32, #tpu.memory_space<vmem>>
        %dma_wait3A_61 = arith.constant 0 : i32
        %dma_wait3A_62 = tpu.memref_slice %arg8[%dma_wait3A_61] : memref<10240xf32, #tpu.memory_space<vmem_shared>> -> memref<10240xf32, #tpu.memory_space<vmem_shared>>
        tpu.wait_indirect_dma semaphore(%run_scoped3A_48 : memref<!tpu.dma_semaphore, #tpu.memory_space<semaphore_mem>>) src(%dma_wait3A_57 : memref<128xf32, #tpu.memory_space<vmem>>) dst(%dma_wait3A_62 : memref<10240xf32, #tpu.memory_space<vmem_shared>>)
        tpu.yield
      }) : () -> ()
      %run_scoped3A_46 = arith.constant 7 : i32
      %run_scoped3A_47 = arith.constant 7 : i32
      "tpu.region"() ({
        %run_scoped3A_48 = tpu.sem_alloc : memref<!tpu.dma_semaphore, #tpu.memory_space<semaphore_mem>>
        %dma_start3A = arith.constant 0 : i32
        %dma_start3A_49 = tpu.memref_slice %arg6[%run_scoped3A_46, %dma_start3A] : memref<8x128xf32, #tpu.memory_space<vmem>> -> memref<1x128xf32, #tpu.memory_space<vmem>>
        %dma_start3A_50 = tpu.memref_squeeze %dma_start3A_49 : memref<1x128xf32, #tpu.memory_space<vmem>> -> memref<128xf32, #tpu.memory_space<vmem>>
        %dma_start3A_51 = arith.constant 0 : i32
        %dma_start3A_52 = tpu.memref_slice %arg5[%run_scoped3A_47, %dma_start3A_51] : memref<8x128xi32, #tpu.memory_space<vmem>> -> memref<1x128xi32, #tpu.memory_space<vmem>>
        %dma_start3A_53 = tpu.memref_squeeze %dma_start3A_52 : memref<1x128xi32, #tpu.memory_space<vmem>> -> memref<128xi32, #tpu.memory_space<vmem>>
        %dma_start3A_54 = arith.constant 0 : i32
        %dma_start3A_55 = tpu.memref_slice %arg8[%dma_start3A_54] : memref<10240xf32, #tpu.memory_space<vmem_shared>> -> memref<10240xf32, #tpu.memory_space<vmem_shared>>
        tpu.enqueue_indirect_dma source(%dma_start3A_50 : memref<128xf32, #tpu.memory_space<vmem>>) target(%dma_start3A_55 : memref<10240xf32, #tpu.memory_space<vmem_shared>>) offsets(%dma_start3A_53 : memref<128xi32, #tpu.memory_space<vmem>>) semaphore(%run_scoped3A_48 : memref<!tpu.dma_semaphore, #tpu.memory_space<semaphore_mem>>) {add = true}
        %dma_wait3A = arith.constant 0 : i32
        %dma_wait3A_56 = tpu.memref_slice %arg6[%run_scoped3A_46, %dma_wait3A] : memref<8x128xf32, #tpu.memory_space<vmem>> -> memref<1x128xf32, #tpu.memory_space<vmem>>
        %dma_wait3A_57 = tpu.memref_squeeze %dma_wait3A_56 : memref<1x128xf32, #tpu.memory_space<vmem>> -> memref<128xf32, #tpu.memory_space<vmem>>
        %dma_wait3A_58 = arith.constant 0 : i32
        %dma_wait3A_59 = tpu.memref_slice %arg5[%run_scoped3A_47, %dma_wait3A_58] : memref<8x128xi32, #tpu.memory_space<vmem>> -> memref<1x128xi32, #tpu.memory_space<vmem>>
        %dma_wait3A_60 = tpu.memref_squeeze %dma_wait3A_59 : memref<1x128xi32, #tpu.memory_space<vmem>> -> memref<128xi32, #tpu.memory_space<vmem>>
        %dma_wait3A_61 = arith.constant 0 : i32
        %dma_wait3A_62 = tpu.memref_slice %arg8[%dma_wait3A_61] : memref<10240xf32, #tpu.memory_space<vmem_shared>> -> memref<10240xf32, #tpu.memory_space<vmem_shared>>
        tpu.wait_indirect_dma semaphore(%run_scoped3A_48 : memref<!tpu.dma_semaphore, #tpu.memory_space<semaphore_mem>>) src(%dma_wait3A_57 : memref<128xf32, #tpu.memory_space<vmem>>) dst(%dma_wait3A_62 : memref<10240xf32, #tpu.memory_space<vmem_shared>>)
        tpu.yield
      }) : () -> ()
    }
    %scan3A_13 = arith.constant 10 : i32
    %barrier3A_14 = arith.constant 0 : index
    tpu.barrier barrier_id(%barrier3A_14)
    %mul3A_15 = arith.constant 640 : i32
    %mul3A_16 = arith.muli %arg1, %mul3A_15 : i32
    "tpu.region"() ({
      %run_scoped3A = tpu.sem_alloc : memref<!tpu.dma_semaphore, #tpu.memory_space<semaphore_mem>>
      %dma_start3A = tpu.memref_slice %arg8[%mul3A_16] : memref<10240xf32, #tpu.memory_space<vmem_shared>> -> memref<640xf32, #tpu.memory_space<vmem_shared>>
      %dma_start3A_22 = tpu.memref_slice %arg8[%mul3A_16] : memref<10240xf32, #tpu.memory_space<vmem_shared>> -> memref<640xf32, #tpu.memory_space<vmem_shared>>
      tpu.enqueue_dma source(%dma_start3A_22 : memref<640xf32, #tpu.memory_space<vmem_shared>>) target(%arg7 : memref<640xf32, #tpu.memory_space<vmem>>) target_semaphore(%run_scoped3A : memref<!tpu.dma_semaphore, #tpu.memory_space<semaphore_mem>>)
      %dma_wait3A = tpu.memref_slice %arg8[%mul3A_16] : memref<10240xf32, #tpu.memory_space<vmem_shared>> -> memref<640xf32, #tpu.memory_space<vmem_shared>>
      %dma_wait3A_23 = tpu.memref_slice %arg8[%mul3A_16] : memref<10240xf32, #tpu.memory_space<vmem_shared>> -> memref<640xf32, #tpu.memory_space<vmem_shared>>
      tpu.wait_dma2 semaphore(%run_scoped3A : memref<!tpu.dma_semaphore, #tpu.memory_space<semaphore_mem>>) src(%dma_wait3A_23 : memref<640xf32, #tpu.memory_space<vmem_shared>>) dst(%arg7 : memref<640xf32, #tpu.memory_space<vmem>>)
      tpu.yield
    }) : () -> ()
    %mul3A_17 = arith.constant 10240 : i32
    %mul3A_18 = arith.muli %arg0, %mul3A_17 : i32
    %mul3A_19 = arith.constant 640 : i32
    %mul3A_20 = arith.muli %arg1, %mul3A_19 : i32
    %add3A_21 = arith.addi %mul3A_18, %mul3A_20 : i32
    "tpu.region"() ({
      %run_scoped3A = tpu.sem_alloc : memref<!tpu.dma_semaphore, #tpu.memory_space<semaphore_mem>>
      %dma_start3A = tpu.memref_slice %arg4[%add3A_21] : memref<20480xf32, #tpu.memory_space<hbm>> -> memref<640xf32, #tpu.memory_space<hbm>>
      %dma_start3A_22 = tpu.memref_slice %arg4[%add3A_21] : memref<20480xf32, #tpu.memory_space<hbm>> -> memref<640xf32, #tpu.memory_space<hbm>>
      tpu.enqueue_dma source(%arg7 : memref<640xf32, #tpu.memory_space<vmem>>) target(%dma_start3A_22 : memref<640xf32, #tpu.memory_space<hbm>>) target_semaphore(%run_scoped3A : memref<!tpu.dma_semaphore, #tpu.memory_space<semaphore_mem>>)
      %dma_wait3A = tpu.memref_slice %arg4[%add3A_21] : memref<20480xf32, #tpu.memory_space<hbm>> -> memref<640xf32, #tpu.memory_space<hbm>>
      %dma_wait3A_23 = tpu.memref_slice %arg4[%add3A_21] : memref<20480xf32, #tpu.memory_space<hbm>> -> memref<640xf32, #tpu.memory_space<hbm>>
      tpu.wait_dma2 semaphore(%run_scoped3A : memref<!tpu.dma_semaphore, #tpu.memory_space<semaphore_mem>>) src(%arg7 : memref<640xf32, #tpu.memory_space<vmem>>) dst(%dma_wait3A_23 : memref<640xf32, #tpu.memory_space<hbm>>)
      tpu.yield
    }) : () -> ()
    return
  }
}

#map = affine_map<(d0, d1) -> (0, 0, 0, 0)>
#map1 = affine_map<(d0, d1) -> (0, 0)>
module attributes {stable_mosaic.version = 14 : i64} {
  func.func @k(%arg0: i32, %arg1: i32, %arg2: memref<2x8x10000x32xi32, #tpu.memory_space<hbm>>, %arg3: memref<2560x128xi32, #tpu.memory_space<hbm>>, %arg4: memref<2560x128xi32, #tpu.memory_space<hbm>>, %arg5: memref<2560x128xf32, #tpu.memory_space<hbm>>, %arg6: memref<2x8x10240x64xf32, #tpu.memory_space<hbm>>, %arg7: memref<8x128xi32, #tpu.memory_space<vmem>>, %arg8: memref<8x128xi32, #tpu.memory_space<vmem>>, %arg9: memref<8x128xf32, #tpu.memory_space<vmem>>, %arg10: memref<2x128x32xi32, #tpu.memory_space<vmem>>, %arg11: memref<128x64xf32, #tpu.memory_space<vmem>>, %arg12: memref<10240x32xi32, #tpu.memory_space<vmem_shared>>, %arg13: memref<10240x64xf32, #tpu.memory_space<vmem_shared>>, %arg14: memref<!tpu.dma_semaphore, #tpu.memory_space<semaphore_mem>>, %arg15: memref<!tpu.dma_semaphore, #tpu.memory_space<semaphore_mem>>, %arg16: memref<!tpu.dma_semaphore, #tpu.memory_space<semaphore_mem>>) attributes {dimension_semantics = [#tpu.dimension_semantics<core_parallel>, #tpu.dimension_semantics<subcore_parallel>], iteration_bounds = array<i64: 2, 16>, scalar_prefetch = 0 : i64, scratch_operands = 10 : i64, tpu.core_type = #tpu.core_type<sc_vector_subcore>, window_params = [{transform_indices = #map}, {transform_indices = #map1}, {transform_indices = #map1}, {transform_indices = #map1}, {transform_indices = #map}]} {
    %scan3A = arith.constant -65536 : i32
    %scan3A_0 = arith.constant 0 : i32
    %scan3A_1 = arith.constant 8 : i32
    %scan3A_2 = arith.addi %scan3A_0, %scan3A_1 : i32
    %scan3A_3 = arith.constant 1 : i32
    scf.for %scan3A_5 = %scan3A_0 to %scan3A_2 step %scan3A_3  : i32 {
      %mul3A = arith.constant 1 : i32
      %mul3A_6 = arith.muli %scan3A_5, %mul3A : i32
      %add3A = arith.constant 0 : i32
      %add3A_7 = arith.addi %add3A, %mul3A_6 : i32
      %mul3A_8 = arith.constant 625 : i32
      %mul3A_9 = arith.muli %arg1, %mul3A_8 : i32
      %mul3A_10 = arith.constant 625 : i32
      %mul3A_11 = arith.muli %arg1, %mul3A_10 : i32
      "tpu.region"() ({
        %run_scoped3A = tpu.sem_alloc : memref<!tpu.dma_semaphore, #tpu.memory_space<semaphore_mem>>
        %dma_start3A = arith.constant 0 : i32
        %dma_start3A_64 = tpu.memref_slice %arg12[%mul3A_11, %dma_start3A] : memref<10240x32xi32, #tpu.memory_space<vmem_shared>> -> memref<625x32xi32, #tpu.memory_space<vmem_shared>>
        %dma_start3A_65 = arith.constant 0 : i32
        %dma_start3A_66 = arith.constant 0 : i32
        %dma_start3A_67 = arith.constant 0 : i32
        %dma_start3A_68 = tpu.memref_slice %arg2[%arg0, %dma_start3A_65, %dma_start3A_66, %dma_start3A_67] : memref<2x8x10000x32xi32, #tpu.memory_space<hbm>> -> memref<1x8x10000x32xi32, #tpu.memory_space<hbm>>
        %dma_start3A_69 = tpu.memref_squeeze %dma_start3A_68 : memref<1x8x10000x32xi32, #tpu.memory_space<hbm>> -> memref<8x10000x32xi32, #tpu.memory_space<hbm>>
        %dma_start3A_70 = arith.constant 0 : i32
        %dma_start3A_71 = arith.constant 0 : i32
        %dma_start3A_72 = tpu.memref_slice %dma_start3A_69[%add3A_7, %dma_start3A_70, %dma_start3A_71] : memref<8x10000x32xi32, #tpu.memory_space<hbm>> -> memref<1x10000x32xi32, #tpu.memory_space<hbm>>
        %dma_start3A_73 = tpu.memref_squeeze %dma_start3A_72 : memref<1x10000x32xi32, #tpu.memory_space<hbm>> -> memref<10000x32xi32, #tpu.memory_space<hbm>>
        %dma_start3A_74 = arith.constant 0 : i32
        %dma_start3A_75 = tpu.memref_slice %dma_start3A_73[%mul3A_9, %dma_start3A_74] : memref<10000x32xi32, #tpu.memory_space<hbm>> -> memref<625x32xi32, #tpu.memory_space<hbm>>
        tpu.enqueue_dma source(%dma_start3A_75 : memref<625x32xi32, #tpu.memory_space<hbm>>) target(%dma_start3A_64 : memref<625x32xi32, #tpu.memory_space<vmem_shared>>) target_semaphore(%run_scoped3A : memref<!tpu.dma_semaphore, #tpu.memory_space<semaphore_mem>>)
        %dma_wait3A = arith.constant 0 : i32
        %dma_wait3A_76 = tpu.memref_slice %arg12[%mul3A_11, %dma_wait3A] : memref<10240x32xi32, #tpu.memory_space<vmem_shared>> -> memref<625x32xi32, #tpu.memory_space<vmem_shared>>
        %dma_wait3A_77 = arith.constant 0 : i32
        %dma_wait3A_78 = arith.constant 0 : i32
        %dma_wait3A_79 = arith.constant 0 : i32
        %dma_wait3A_80 = tpu.memref_slice %arg2[%arg0, %dma_wait3A_77, %dma_wait3A_78, %dma_wait3A_79] : memref<2x8x10000x32xi32, #tpu.memory_space<hbm>> -> memref<1x8x10000x32xi32, #tpu.memory_space<hbm>>
        %dma_wait3A_81 = tpu.memref_squeeze %dma_wait3A_80 : memref<1x8x10000x32xi32, #tpu.memory_space<hbm>> -> memref<8x10000x32xi32, #tpu.memory_space<hbm>>
        %dma_wait3A_82 = arith.constant 0 : i32
        %dma_wait3A_83 = arith.constant 0 : i32
        %dma_wait3A_84 = tpu.memref_slice %dma_wait3A_81[%add3A_7, %dma_wait3A_82, %dma_wait3A_83] : memref<8x10000x32xi32, #tpu.memory_space<hbm>> -> memref<1x10000x32xi32, #tpu.memory_space<hbm>>
        %dma_wait3A_85 = tpu.memref_squeeze %dma_wait3A_84 : memref<1x10000x32xi32, #tpu.memory_space<hbm>> -> memref<10000x32xi32, #tpu.memory_space<hbm>>
        %dma_wait3A_86 = arith.constant 0 : i32
        %dma_wait3A_87 = tpu.memref_slice %dma_wait3A_85[%mul3A_9, %dma_wait3A_86] : memref<10000x32xi32, #tpu.memory_space<hbm>> -> memref<625x32xi32, #tpu.memory_space<hbm>>
        tpu.wait_dma2 semaphore(%run_scoped3A : memref<!tpu.dma_semaphore, #tpu.memory_space<semaphore_mem>>) src(%dma_wait3A_87 : memref<625x32xi32, #tpu.memory_space<hbm>>) dst(%dma_wait3A_76 : memref<625x32xi32, #tpu.memory_space<vmem_shared>>)
        tpu.yield
      }) : () -> ()
      %scan3A_12 = arith.constant 0 : i32
      %scan3A_13 = arith.constant 128 : i32
      %scan3A_14 = arith.addi %scan3A_12, %scan3A_13 : i32
      %scan3A_15 = arith.constant 1 : i32
      scf.for %scan3A_64 = %scan3A_12 to %scan3A_14 step %scan3A_15  : i32 {
        %mul3A_65 = arith.constant 1 : i32
        %mul3A_66 = arith.muli %scan3A_64, %mul3A_65 : i32
        %add3A_67 = arith.constant 0 : i32
        %add3A_68 = arith.addi %add3A_67, %mul3A_66 : i32
        %broadcast_in_dim3A = arith.constant 0.000000e+00 : f32
        %broadcast_in_dim3A_69 = vector.broadcast %broadcast_in_dim3A : f32 to vector<16xf32>
        %swap3A = arith.index_cast %add3A_68 : i32 to index
        %swap3A_70 = arith.constant 0 : index
        %swap3A_71 = tpu.vector_load %arg11[%swap3A, %swap3A_70] {strides = array<i32>} : memref<128x64xf32, #tpu.memory_space<vmem>>, vector<16xf32>,
        tpu.vector_store %arg11[%swap3A, %swap3A_70], %broadcast_in_dim3A_69 {strides = array<i32>} : memref<128x64xf32, #tpu.memory_space<vmem>>, vector<16xf32>,
        %broadcast_in_dim3A_72 = arith.constant 0.000000e+00 : f32
        %broadcast_in_dim3A_73 = vector.broadcast %broadcast_in_dim3A_72 : f32 to vector<16xf32>
        %swap3A_74 = arith.index_cast %add3A_68 : i32 to index
        %swap3A_75 = arith.constant 16 : index
        %swap3A_76 = tpu.vector_load %arg11[%swap3A_74, %swap3A_75] {strides = array<i32>} : memref<128x64xf32, #tpu.memory_space<vmem>>, vector<16xf32>,
        tpu.vector_store %arg11[%swap3A_74, %swap3A_75], %broadcast_in_dim3A_73 {strides = array<i32>} : memref<128x64xf32, #tpu.memory_space<vmem>>, vector<16xf32>,
        %broadcast_in_dim3A_77 = arith.constant 0.000000e+00 : f32
        %broadcast_in_dim3A_78 = vector.broadcast %broadcast_in_dim3A_77 : f32 to vector<16xf32>
        %swap3A_79 = arith.index_cast %add3A_68 : i32 to index
        %swap3A_80 = arith.constant 32 : index
        %swap3A_81 = tpu.vector_load %arg11[%swap3A_79, %swap3A_80] {strides = array<i32>} : memref<128x64xf32, #tpu.memory_space<vmem>>, vector<16xf32>,
        tpu.vector_store %arg11[%swap3A_79, %swap3A_80], %broadcast_in_dim3A_78 {strides = array<i32>} : memref<128x64xf32, #tpu.memory_space<vmem>>, vector<16xf32>,
        %broadcast_in_dim3A_82 = arith.constant 0.000000e+00 : f32
        %broadcast_in_dim3A_83 = vector.broadcast %broadcast_in_dim3A_82 : f32 to vector<16xf32>
        %swap3A_84 = arith.index_cast %add3A_68 : i32 to index
        %swap3A_85 = arith.constant 48 : index
        %swap3A_86 = tpu.vector_load %arg11[%swap3A_84, %swap3A_85] {strides = array<i32>} : memref<128x64xf32, #tpu.memory_space<vmem>>, vector<16xf32>,
        tpu.vector_store %arg11[%swap3A_84, %swap3A_85], %broadcast_in_dim3A_83 {strides = array<i32>} : memref<128x64xf32, #tpu.memory_space<vmem>>, vector<16xf32>,
      }
      %scan3A_16 = arith.constant 128 : i32
      %mul3A_17 = arith.constant 640 : i32
      %mul3A_18 = arith.muli %arg1, %mul3A_17 : i32
      %add3A_19 = arith.constant 0 : i32
      %add3A_20 = arith.addi %mul3A_18, %add3A_19 : i32
      "tpu.region"() ({
        %run_scoped3A = tpu.sem_alloc : memref<!tpu.dma_semaphore, #tpu.memory_space<semaphore_mem>>
        %dma_start3A = arith.constant 0 : i32
        %dma_start3A_64 = tpu.memref_slice %arg13[%add3A_20, %dma_start3A] : memref<10240x64xf32, #tpu.memory_space<vmem_shared>> -> memref<128x64xf32, #tpu.memory_space<vmem_shared>>
        %dma_start3A_65 = arith.constant 0 : i32
        %dma_start3A_66 = tpu.memref_slice %arg13[%add3A_20, %dma_start3A_65] : memref<10240x64xf32, #tpu.memory_space<vmem_shared>> -> memref<128x64xf32, #tpu.memory_space<vmem_shared>>
        tpu.enqueue_dma source(%arg11 : memref<128x64xf32, #tpu.memory_space<vmem>>) target(%dma_start3A_66 : memref<128x64xf32, #tpu.memory_space<vmem_shared>>) target_semaphore(%run_scoped3A : memref<!tpu.dma_semaphore, #tpu.memory_space<semaphore_mem>>)
        %dma_wait3A = arith.constant 0 : i32
        %dma_wait3A_67 = tpu.memref_slice %arg13[%add3A_20, %dma_wait3A] : memref<10240x64xf32, #tpu.memory_space<vmem_shared>> -> memref<128x64xf32, #tpu.memory_space<vmem_shared>>
        %dma_wait3A_68 = arith.constant 0 : i32
        %dma_wait3A_69 = tpu.memref_slice %arg13[%add3A_20, %dma_wait3A_68] : memref<10240x64xf32, #tpu.memory_space<vmem_shared>> -> memref<128x64xf32, #tpu.memory_space<vmem_shared>>
        tpu.wait_dma2 semaphore(%run_scoped3A : memref<!tpu.dma_semaphore, #tpu.memory_space<semaphore_mem>>) src(%arg11 : memref<128x64xf32, #tpu.memory_space<vmem>>) dst(%dma_wait3A_69 : memref<128x64xf32, #tpu.memory_space<vmem_shared>>)
        tpu.yield
      }) : () -> ()
      %mul3A_21 = arith.constant 640 : i32
      %mul3A_22 = arith.muli %arg1, %mul3A_21 : i32
      %add3A_23 = arith.constant 128 : i32
      %add3A_24 = arith.addi %mul3A_22, %add3A_23 : i32
      "tpu.region"() ({
        %run_scoped3A = tpu.sem_alloc : memref<!tpu.dma_semaphore, #tpu.memory_space<semaphore_mem>>
        %dma_start3A = arith.constant 0 : i32
        %dma_start3A_64 = tpu.memref_slice %arg13[%add3A_24, %dma_start3A] : memref<10240x64xf32, #tpu.memory_space<vmem_shared>> -> memref<128x64xf32, #tpu.memory_space<vmem_shared>>
        %dma_start3A_65 = arith.constant 0 : i32
        %dma_start3A_66 = tpu.memref_slice %arg13[%add3A_24, %dma_start3A_65] : memref<10240x64xf32, #tpu.memory_space<vmem_shared>> -> memref<128x64xf32, #tpu.memory_space<vmem_shared>>
        tpu.enqueue_dma source(%arg11 : memref<128x64xf32, #tpu.memory_space<vmem>>) target(%dma_start3A_66 : memref<128x64xf32, #tpu.memory_space<vmem_shared>>) target_semaphore(%run_scoped3A : memref<!tpu.dma_semaphore, #tpu.memory_space<semaphore_mem>>)
        %dma_wait3A = arith.constant 0 : i32
        %dma_wait3A_67 = tpu.memref_slice %arg13[%add3A_24, %dma_wait3A] : memref<10240x64xf32, #tpu.memory_space<vmem_shared>> -> memref<128x64xf32, #tpu.memory_space<vmem_shared>>
        %dma_wait3A_68 = arith.constant 0 : i32
        %dma_wait3A_69 = tpu.memref_slice %arg13[%add3A_24, %dma_wait3A_68] : memref<10240x64xf32, #tpu.memory_space<vmem_shared>> -> memref<128x64xf32, #tpu.memory_space<vmem_shared>>
        tpu.wait_dma2 semaphore(%run_scoped3A : memref<!tpu.dma_semaphore, #tpu.memory_space<semaphore_mem>>) src(%arg11 : memref<128x64xf32, #tpu.memory_space<vmem>>) dst(%dma_wait3A_69 : memref<128x64xf32, #tpu.memory_space<vmem_shared>>)
        tpu.yield
      }) : () -> ()
      %mul3A_25 = arith.constant 640 : i32
      %mul3A_26 = arith.muli %arg1, %mul3A_25 : i32
      %add3A_27 = arith.constant 256 : i32
      %add3A_28 = arith.addi %mul3A_26, %add3A_27 : i32
      "tpu.region"() ({
        %run_scoped3A = tpu.sem_alloc : memref<!tpu.dma_semaphore, #tpu.memory_space<semaphore_mem>>
        %dma_start3A = arith.constant 0 : i32
        %dma_start3A_64 = tpu.memref_slice %arg13[%add3A_28, %dma_start3A] : memref<10240x64xf32, #tpu.memory_space<vmem_shared>> -> memref<128x64xf32, #tpu.memory_space<vmem_shared>>
        %dma_start3A_65 = arith.constant 0 : i32
        %dma_start3A_66 = tpu.memref_slice %arg13[%add3A_28, %dma_start3A_65] : memref<10240x64xf32, #tpu.memory_space<vmem_shared>> -> memref<128x64xf32, #tpu.memory_space<vmem_shared>>
        tpu.enqueue_dma source(%arg11 : memref<128x64xf32, #tpu.memory_space<vmem>>) target(%dma_start3A_66 : memref<128x64xf32, #tpu.memory_space<vmem_shared>>) target_semaphore(%run_scoped3A : memref<!tpu.dma_semaphore, #tpu.memory_space<semaphore_mem>>)
        %dma_wait3A = arith.constant 0 : i32
        %dma_wait3A_67 = tpu.memref_slice %arg13[%add3A_28, %dma_wait3A] : memref<10240x64xf32, #tpu.memory_space<vmem_shared>> -> memref<128x64xf32, #tpu.memory_space<vmem_shared>>
        %dma_wait3A_68 = arith.constant 0 : i32
        %dma_wait3A_69 = tpu.memref_slice %arg13[%add3A_28, %dma_wait3A_68] : memref<10240x64xf32, #tpu.memory_space<vmem_shared>> -> memref<128x64xf32, #tpu.memory_space<vmem_shared>>
        tpu.wait_dma2 semaphore(%run_scoped3A : memref<!tpu.dma_semaphore, #tpu.memory_space<semaphore_mem>>) src(%arg11 : memref<128x64xf32, #tpu.memory_space<vmem>>) dst(%dma_wait3A_69 : memref<128x64xf32, #tpu.memory_space<vmem_shared>>)
        tpu.yield
      }) : () -> ()
      %mul3A_29 = arith.constant 640 : i32
      %mul3A_30 = arith.muli %arg1, %mul3A_29 : i32
      %add3A_31 = arith.constant 384 : i32
      %add3A_32 = arith.addi %mul3A_30, %add3A_31 : i32
      "tpu.region"() ({
        %run_scoped3A = tpu.sem_alloc : memref<!tpu.dma_semaphore, #tpu.memory_space<semaphore_mem>>
        %dma_start3A = arith.constant 0 : i32
        %dma_start3A_64 = tpu.memref_slice %arg13[%add3A_32, %dma_start3A] : memref<10240x64xf32, #tpu.memory_space<vmem_shared>> -> memref<128x64xf32, #tpu.memory_space<vmem_shared>>
        %dma_start3A_65 = arith.constant 0 : i32
        %dma_start3A_66 = tpu.memref_slice %arg13[%add3A_32, %dma_start3A_65] : memref<10240x64xf32, #tpu.memory_space<vmem_shared>> -> memref<128x64xf32, #tpu.memory_space<vmem_shared>>
        tpu.enqueue_dma source(%arg11 : memref<128x64xf32, #tpu.memory_space<vmem>>) target(%dma_start3A_66 : memref<128x64xf32, #tpu.memory_space<vmem_shared>>) target_semaphore(%run_scoped3A : memref<!tpu.dma_semaphore, #tpu.memory_space<semaphore_mem>>)
        %dma_wait3A = arith.constant 0 : i32
        %dma_wait3A_67 = tpu.memref_slice %arg13[%add3A_32, %dma_wait3A] : memref<10240x64xf32, #tpu.memory_space<vmem_shared>> -> memref<128x64xf32, #tpu.memory_space<vmem_shared>>
        %dma_wait3A_68 = arith.constant 0 : i32
        %dma_wait3A_69 = tpu.memref_slice %arg13[%add3A_32, %dma_wait3A_68] : memref<10240x64xf32, #tpu.memory_space<vmem_shared>> -> memref<128x64xf32, #tpu.memory_space<vmem_shared>>
        tpu.wait_dma2 semaphore(%run_scoped3A : memref<!tpu.dma_semaphore, #tpu.memory_space<semaphore_mem>>) src(%arg11 : memref<128x64xf32, #tpu.memory_space<vmem>>) dst(%dma_wait3A_69 : memref<128x64xf32, #tpu.memory_space<vmem_shared>>)
        tpu.yield
      }) : () -> ()
      %mul3A_33 = arith.constant 640 : i32
      %mul3A_34 = arith.muli %arg1, %mul3A_33 : i32
      %add3A_35 = arith.constant 512 : i32
      %add3A_36 = arith.addi %mul3A_34, %add3A_35 : i32
      "tpu.region"() ({
        %run_scoped3A = tpu.sem_alloc : memref<!tpu.dma_semaphore, #tpu.memory_space<semaphore_mem>>
        %dma_start3A = arith.constant 0 : i32
        %dma_start3A_64 = tpu.memref_slice %arg13[%add3A_36, %dma_start3A] : memref<10240x64xf32, #tpu.memory_space<vmem_shared>> -> memref<128x64xf32, #tpu.memory_space<vmem_shared>>
        %dma_start3A_65 = arith.constant 0 : i32
        %dma_start3A_66 = tpu.memref_slice %arg13[%add3A_36, %dma_start3A_65] : memref<10240x64xf32, #tpu.memory_space<vmem_shared>> -> memref<128x64xf32, #tpu.memory_space<vmem_shared>>
        tpu.enqueue_dma source(%arg11 : memref<128x64xf32, #tpu.memory_space<vmem>>) target(%dma_start3A_66 : memref<128x64xf32, #tpu.memory_space<vmem_shared>>) target_semaphore(%run_scoped3A : memref<!tpu.dma_semaphore, #tpu.memory_space<semaphore_mem>>)
        %dma_wait3A = arith.constant 0 : i32
        %dma_wait3A_67 = tpu.memref_slice %arg13[%add3A_36, %dma_wait3A] : memref<10240x64xf32, #tpu.memory_space<vmem_shared>> -> memref<128x64xf32, #tpu.memory_space<vmem_shared>>
        %dma_wait3A_68 = arith.constant 0 : i32
        %dma_wait3A_69 = tpu.memref_slice %arg13[%add3A_36, %dma_wait3A_68] : memref<10240x64xf32, #tpu.memory_space<vmem_shared>> -> memref<128x64xf32, #tpu.memory_space<vmem_shared>>
        tpu.wait_dma2 semaphore(%run_scoped3A : memref<!tpu.dma_semaphore, #tpu.memory_space<semaphore_mem>>) src(%arg11 : memref<128x64xf32, #tpu.memory_space<vmem>>) dst(%dma_wait3A_69 : memref<128x64xf32, #tpu.memory_space<vmem_shared>>)
        tpu.yield
      }) : () -> ()
      %barrier3A = arith.constant 0 : index
      tpu.barrier barrier_id(%barrier3A)
      %scan3A_37 = arith.constant 0 : i32
      %scan3A_38 = arith.constant 20 : i32
      %scan3A_39 = arith.addi %scan3A_37, %scan3A_38 : i32
      %scan3A_40 = arith.constant 1 : i32
      scf.for %scan3A_64 = %scan3A_37 to %scan3A_39 step %scan3A_40  : i32 {
        %mul3A_65 = arith.constant 1 : i32
        %mul3A_66 = arith.muli %scan3A_64, %mul3A_65 : i32
        %add3A_67 = arith.constant 0 : i32
        %add3A_68 = arith.addi %add3A_67, %mul3A_66 : i32
        %mul3A_69 = arith.constant 160 : i32
        %mul3A_70 = arith.muli %arg1, %mul3A_69 : i32
        %mul3A_71 = arith.constant 8 : i32
        %mul3A_72 = arith.muli %add3A_68, %mul3A_71 : i32
        %add3A_73 = arith.addi %mul3A_70, %mul3A_72 : i32
        "tpu.region"() ({
          %run_scoped3A = tpu.sem_alloc : memref<!tpu.dma_semaphore, #tpu.memory_space<semaphore_mem>>
          %dma_start3A_399 = arith.constant 0 : i32
          %dma_start3A_400 = tpu.memref_slice %arg3[%add3A_73, %dma_start3A_399] : memref<2560x128xi32, #tpu.memory_space<hbm>> -> memref<8x128xi32, #tpu.memory_space<hbm>>
          %dma_start3A_401 = arith.constant 0 : i32
          %dma_start3A_402 = tpu.memref_slice %arg3[%add3A_73, %dma_start3A_401] : memref<2560x128xi32, #tpu.memory_space<hbm>> -> memref<8x128xi32, #tpu.memory_space<hbm>>
          tpu.enqueue_dma source(%dma_start3A_402 : memref<8x128xi32, #tpu.memory_space<hbm>>) target(%arg7 : memref<8x128xi32, #tpu.memory_space<vmem>>) target_semaphore(%run_scoped3A : memref<!tpu.dma_semaphore, #tpu.memory_space<semaphore_mem>>)
          %dma_wait3A_403 = arith.constant 0 : i32
          %dma_wait3A_404 = tpu.memref_slice %arg3[%add3A_73, %dma_wait3A_403] : memref<2560x128xi32, #tpu.memory_space<hbm>> -> memref<8x128xi32, #tpu.memory_space<hbm>>
          %dma_wait3A_405 = arith.constant 0 : i32
          %dma_wait3A_406 = tpu.memref_slice %arg3[%add3A_73, %dma_wait3A_405] : memref<2560x128xi32, #tpu.memory_space<hbm>> -> memref<8x128xi32, #tpu.memory_space<hbm>>
          tpu.wait_dma2 semaphore(%run_scoped3A : memref<!tpu.dma_semaphore, #tpu.memory_space<semaphore_mem>>) src(%dma_wait3A_406 : memref<8x128xi32, #tpu.memory_space<hbm>>) dst(%arg7 : memref<8x128xi32, #tpu.memory_space<vmem>>)
          tpu.yield
        }) : () -> ()
        "tpu.region"() ({
          %run_scoped3A = tpu.sem_alloc : memref<!tpu.dma_semaphore, #tpu.memory_space<semaphore_mem>>
          %dma_start3A_399 = arith.constant 0 : i32
          %dma_start3A_400 = tpu.memref_slice %arg4[%add3A_73, %dma_start3A_399] : memref<2560x128xi32, #tpu.memory_space<hbm>> -> memref<8x128xi32, #tpu.memory_space<hbm>>
          %dma_start3A_401 = arith.constant 0 : i32
          %dma_start3A_402 = tpu.memref_slice %arg4[%add3A_73, %dma_start3A_401] : memref<2560x128xi32, #tpu.memory_space<hbm>> -> memref<8x128xi32, #tpu.memory_space<hbm>>
          tpu.enqueue_dma source(%dma_start3A_402 : memref<8x128xi32, #tpu.memory_space<hbm>>) target(%arg8 : memref<8x128xi32, #tpu.memory_space<vmem>>) target_semaphore(%run_scoped3A : memref<!tpu.dma_semaphore, #tpu.memory_space<semaphore_mem>>)
          %dma_wait3A_403 = arith.constant 0 : i32
          %dma_wait3A_404 = tpu.memref_slice %arg4[%add3A_73, %dma_wait3A_403] : memref<2560x128xi32, #tpu.memory_space<hbm>> -> memref<8x128xi32, #tpu.memory_space<hbm>>
          %dma_wait3A_405 = arith.constant 0 : i32
          %dma_wait3A_406 = tpu.memref_slice %arg4[%add3A_73, %dma_wait3A_405] : memref<2560x128xi32, #tpu.memory_space<hbm>> -> memref<8x128xi32, #tpu.memory_space<hbm>>
          tpu.wait_dma2 semaphore(%run_scoped3A : memref<!tpu.dma_semaphore, #tpu.memory_space<semaphore_mem>>) src(%dma_wait3A_406 : memref<8x128xi32, #tpu.memory_space<hbm>>) dst(%arg8 : memref<8x128xi32, #tpu.memory_space<vmem>>)
          tpu.yield
        }) : () -> ()
        "tpu.region"() ({
          %run_scoped3A = tpu.sem_alloc : memref<!tpu.dma_semaphore, #tpu.memory_space<semaphore_mem>>
          %dma_start3A_399 = arith.constant 0 : i32
          %dma_start3A_400 = tpu.memref_slice %arg5[%add3A_73, %dma_start3A_399] : memref<2560x128xf32, #tpu.memory_space<hbm>> -> memref<8x128xf32, #tpu.memory_space<hbm>>
          %dma_start3A_401 = arith.constant 0 : i32
          %dma_start3A_402 = tpu.memref_slice %arg5[%add3A_73, %dma_start3A_401] : memref<2560x128xf32, #tpu.memory_space<hbm>> -> memref<8x128xf32, #tpu.memory_space<hbm>>
          tpu.enqueue_dma source(%dma_start3A_402 : memref<8x128xf32, #tpu.memory_space<hbm>>) target(%arg9 : memref<8x128xf32, #tpu.memory_space<vmem>>) target_semaphore(%run_scoped3A : memref<!tpu.dma_semaphore, #tpu.memory_space<semaphore_mem>>)
          %dma_wait3A_403 = arith.constant 0 : i32
          %dma_wait3A_404 = tpu.memref_slice %arg5[%add3A_73, %dma_wait3A_403] : memref<2560x128xf32, #tpu.memory_space<hbm>> -> memref<8x128xf32, #tpu.memory_space<hbm>>
          %dma_wait3A_405 = arith.constant 0 : i32
          %dma_wait3A_406 = tpu.memref_slice %arg5[%add3A_73, %dma_wait3A_405] : memref<2560x128xf32, #tpu.memory_space<hbm>> -> memref<8x128xf32, #tpu.memory_space<hbm>>
          tpu.wait_dma2 semaphore(%run_scoped3A : memref<!tpu.dma_semaphore, #tpu.memory_space<semaphore_mem>>) src(%dma_wait3A_406 : memref<8x128xf32, #tpu.memory_space<hbm>>) dst(%arg9 : memref<8x128xf32, #tpu.memory_space<vmem>>)
          tpu.yield
        }) : () -> ()
        %dma_start3A = arith.constant 0 : i32
        %dma_start3A_74 = arith.constant 0 : i32
        %dma_start3A_75 = arith.constant 0 : i32
        %dma_start3A_76 = arith.constant 0 : i32
        %dma_start3A_77 = tpu.memref_slice %arg10[%dma_start3A_74, %dma_start3A_75, %dma_start3A_76] : memref<2x128x32xi32, #tpu.memory_space<vmem>> -> memref<1x128x32xi32, #tpu.memory_space<vmem>>
        %dma_start3A_78 = tpu.memref_squeeze %dma_start3A_77 : memref<1x128x32xi32, #tpu.memory_space<vmem>> -> memref<128x32xi32, #tpu.memory_space<vmem>>
        %dma_start3A_79 = arith.constant 0 : i32
        %dma_start3A_80 = tpu.memref_slice %arg7[%dma_start3A, %dma_start3A_79] : memref<8x128xi32, #tpu.memory_space<vmem>> -> memref<1x128xi32, #tpu.memory_space<vmem>>
        %dma_start3A_81 = tpu.memref_squeeze %dma_start3A_80 : memref<1x128xi32, #tpu.memory_space<vmem>> -> memref<128xi32, #tpu.memory_space<vmem>>
        %dma_start3A_82 = arith.constant 0 : i32
        %dma_start3A_83 = arith.constant 0 : i32
        %dma_start3A_84 = tpu.memref_slice %arg12[%dma_start3A_82, %dma_start3A_83] : memref<10240x32xi32, #tpu.memory_space<vmem_shared>> -> memref<10240x32xi32, #tpu.memory_space<vmem_shared>>
        tpu.enqueue_indirect_dma source(%dma_start3A_84 : memref<10240x32xi32, #tpu.memory_space<vmem_shared>>) target(%dma_start3A_78 : memref<128x32xi32, #tpu.memory_space<vmem>>) offsets(%dma_start3A_81 : memref<128xi32, #tpu.memory_space<vmem>>) semaphore(%arg14 : memref<!tpu.dma_semaphore, #tpu.memory_space<semaphore_mem>>)
        %dma_start3A_85 = arith.constant 1 : i32
        %dma_start3A_86 = arith.constant 1 : i32
        %dma_start3A_87 = arith.constant 0 : i32
        %dma_start3A_88 = arith.constant 0 : i32
        %dma_start3A_89 = tpu.memref_slice %arg10[%dma_start3A_86, %dma_start3A_87, %dma_start3A_88] : memref<2x128x32xi32, #tpu.memory_space<vmem>> -> memref<1x128x32xi32, #tpu.memory_space<vmem>>
        %dma_start3A_90 = tpu.memref_squeeze %dma_start3A_89 : memref<1x128x32xi32, #tpu.memory_space<vmem>> -> memref<128x32xi32, #tpu.memory_space<vmem>>
        %dma_start3A_91 = arith.constant 0 : i32
        %dma_start3A_92 = tpu.memref_slice %arg7[%dma_start3A_85, %dma_start3A_91] : memref<8x128xi32, #tpu.memory_space<vmem>> -> memref<1x128xi32, #tpu.memory_space<vmem>>
        %dma_start3A_93 = tpu.memref_squeeze %dma_start3A_92 : memref<1x128xi32, #tpu.memory_space<vmem>> -> memref<128xi32, #tpu.memory_space<vmem>>
        %dma_start3A_94 = arith.constant 0 : i32
        %dma_start3A_95 = arith.constant 0 : i32
        %dma_start3A_96 = tpu.memref_slice %arg12[%dma_start3A_94, %dma_start3A_95] : memref<10240x32xi32, #tpu.memory_space<vmem_shared>> -> memref<10240x32xi32, #tpu.memory_space<vmem_shared>>
        tpu.enqueue_indirect_dma source(%dma_start3A_96 : memref<10240x32xi32, #tpu.memory_space<vmem_shared>>) target(%dma_start3A_90 : memref<128x32xi32, #tpu.memory_space<vmem>>) offsets(%dma_start3A_93 : memref<128xi32, #tpu.memory_space<vmem>>) semaphore(%arg15 : memref<!tpu.dma_semaphore, #tpu.memory_space<semaphore_mem>>)
        %dma_wait3A = arith.constant 0 : i32
        %dma_wait3A_97 = arith.constant 0 : i32
        %dma_wait3A_98 = arith.constant 0 : i32
        %dma_wait3A_99 = arith.constant 0 : i32
        %dma_wait3A_100 = tpu.memref_slice %arg10[%dma_wait3A_97, %dma_wait3A_98, %dma_wait3A_99] : memref<2x128x32xi32, #tpu.memory_space<vmem>> -> memref<1x128x32xi32, #tpu.memory_space<vmem>>
        %dma_wait3A_101 = tpu.memref_squeeze %dma_wait3A_100 : memref<1x128x32xi32, #tpu.memory_space<vmem>> -> memref<128x32xi32, #tpu.memory_space<vmem>>
        %dma_wait3A_102 = arith.constant 0 : i32
        %dma_wait3A_103 = tpu.memref_slice %arg7[%dma_wait3A, %dma_wait3A_102] : memref<8x128xi32, #tpu.memory_space<vmem>> -> memref<1x128xi32, #tpu.memory_space<vmem>>
        %dma_wait3A_104 = tpu.memref_squeeze %dma_wait3A_103 : memref<1x128xi32, #tpu.memory_space<vmem>> -> memref<128xi32, #tpu.memory_space<vmem>>
        %dma_wait3A_105 = arith.constant 0 : i32
        %dma_wait3A_106 = arith.constant 0 : i32
        %dma_wait3A_107 = tpu.memref_slice %arg12[%dma_wait3A_105, %dma_wait3A_106] : memref<10240x32xi32, #tpu.memory_space<vmem_shared>> -> memref<10240x32xi32, #tpu.memory_space<vmem_shared>>
        tpu.wait_indirect_dma semaphore(%arg14 : memref<!tpu.dma_semaphore, #tpu.memory_space<semaphore_mem>>) src(%dma_wait3A_107 : memref<10240x32xi32, #tpu.memory_space<vmem_shared>>) dst(%dma_wait3A_101 : memref<128x32xi32, #tpu.memory_space<vmem>>)
        %parallel_loop3A = arith.constant 0 : i32
        %parallel_loop3A_108 = arith.constant 128 : i32
        %parallel_loop3A_109 = arith.constant 1 : i32
        scf.for %parallel_loop3A_399 = %parallel_loop3A to %parallel_loop3A_108 step %parallel_loop3A_109  : i32 {
          %parallel_loop3A_400 = vector.broadcast %parallel_loop3A_399 : i32 to vector<16xi32>
          %parallel_loop3A_401 = arith.constant 0 : i32
          %parallel_loop3A_402 = arith.constant 0 : i32
          %parallel_loop3A_403 = tpu.memref_slice %arg9[%parallel_loop3A_401, %parallel_loop3A_402] : memref<8x128xf32, #tpu.memory_space<vmem>> -> memref<1x128xf32, #tpu.memory_space<vmem>>
          %parallel_loop3A_404 = tpu.memref_squeeze %parallel_loop3A_403 : memref<1x128xf32, #tpu.memory_space<vmem>> -> memref<128xf32, #tpu.memory_space<vmem>>
          %parallel_loop3A_405 = tpu.vector_load_idx %parallel_loop3A_404[%parallel_loop3A_400] : memref<128xf32, #tpu.memory_space<vmem>>[vector<16xi32>], vector<16xf32>,
          %parallel_loop3A_406 = vector.broadcast %parallel_loop3A_399 : i32 to vector<16xi32>
          %parallel_loop3A_407 = arith.constant 0 : i32
          %parallel_loop3A_408 = arith.index_cast %parallel_loop3A_407 : i32 to index
          %parallel_loop3A_409 = arith.index_cast %parallel_loop3A_399 : i32 to index
          %parallel_loop3A_410 = arith.constant 0 : index
          %parallel_loop3A_411 = tpu.vector_load %arg10[%parallel_loop3A_408, %parallel_loop3A_409, %parallel_loop3A_410] {strides = array<i32>} : memref<2x128x32xi32, #tpu.memory_space<vmem>>, vector<16xi32>,
          %parallel_loop3A_412 = arith.constant 16 : i32
          %parallel_loop3A_413 = vector.broadcast %parallel_loop3A_412 : i32 to vector<16xi32>
          %parallel_loop3A_414 = arith.shli %parallel_loop3A_411, %parallel_loop3A_413 : vector<16xi32>
          %parallel_loop3A_415 = vector.bitcast %parallel_loop3A_414 : vector<16xi32> to vector<16xf32>
          %parallel_loop3A_416 = arith.mulf %parallel_loop3A_415, %parallel_loop3A_405 : vector<16xf32>
          %parallel_loop3A_417 = vector.broadcast %scan3A : i32 to vector<16xi32>
          %parallel_loop3A_418 = arith.andi %parallel_loop3A_411, %parallel_loop3A_417 : vector<16xi32>
          %parallel_loop3A_419 = vector.bitcast %parallel_loop3A_418 : vector<16xi32> to vector<16xf32>
          %parallel_loop3A_420 = arith.mulf %parallel_loop3A_419, %parallel_loop3A_405 : vector<16xf32>
          %parallel_loop3A_421 = tpu.iota {dimensions = array<i32: 0>} : vector<16xi32>
          %parallel_loop3A_422 = arith.constant 2 : i32
          %parallel_loop3A_423 = vector.broadcast %parallel_loop3A_422 : i32 to vector<16xi32>
          %parallel_loop3A_424 = arith.muli %parallel_loop3A_421, %parallel_loop3A_423 : vector<16xi32>
          %parallel_loop3A_425 = arith.constant 0 : i32
          %parallel_loop3A_426 = vector.broadcast %parallel_loop3A_425 : i32 to vector<16xi32>
          %parallel_loop3A_427 = arith.addi %parallel_loop3A_424, %parallel_loop3A_426 : vector<16xi32>
          tpu.vector_store_idx %arg11[%parallel_loop3A_406, %parallel_loop3A_427], %parallel_loop3A_416 : memref<128x64xf32, #tpu.memory_space<vmem>>[vector<16xi32>, vector<16xi32>], vector<16xf32>,
          %parallel_loop3A_428 = arith.constant 1 : i32
          %parallel_loop3A_429 = vector.broadcast %parallel_loop3A_428 : i32 to vector<16xi32>
          %parallel_loop3A_430 = arith.addi %parallel_loop3A_427, %parallel_loop3A_429 : vector<16xi32>
          tpu.vector_store_idx %arg11[%parallel_loop3A_406, %parallel_loop3A_430], %parallel_loop3A_420 : memref<128x64xf32, #tpu.memory_space<vmem>>[vector<16xi32>, vector<16xi32>], vector<16xf32>,
          %parallel_loop3A_431 = arith.constant 0 : i32
          %parallel_loop3A_432 = arith.index_cast %parallel_loop3A_431 : i32 to index
          %parallel_loop3A_433 = arith.index_cast %parallel_loop3A_399 : i32 to index
          %parallel_loop3A_434 = arith.constant 16 : index
          %parallel_loop3A_435 = tpu.vector_load %arg10[%parallel_loop3A_432, %parallel_loop3A_433, %parallel_loop3A_434] {strides = array<i32>} : memref<2x128x32xi32, #tpu.memory_space<vmem>>, vector<16xi32>,
          %parallel_loop3A_436 = arith.constant 16 : i32
          %parallel_loop3A_437 = vector.broadcast %parallel_loop3A_436 : i32 to vector<16xi32>
          %parallel_loop3A_438 = arith.shli %parallel_loop3A_435, %parallel_loop3A_437 : vector<16xi32>
          %parallel_loop3A_439 = vector.bitcast %parallel_loop3A_438 : vector<16xi32> to vector<16xf32>
          %parallel_loop3A_440 = arith.mulf %parallel_loop3A_439, %parallel_loop3A_405 : vector<16xf32>
          %parallel_loop3A_441 = vector.broadcast %scan3A : i32 to vector<16xi32>
          %parallel_loop3A_442 = arith.andi %parallel_loop3A_435, %parallel_loop3A_441 : vector<16xi32>
          %parallel_loop3A_443 = vector.bitcast %parallel_loop3A_442 : vector<16xi32> to vector<16xf32>
          %parallel_loop3A_444 = arith.mulf %parallel_loop3A_443, %parallel_loop3A_405 : vector<16xf32>
          %parallel_loop3A_445 = tpu.iota {dimensions = array<i32: 0>} : vector<16xi32>
          %parallel_loop3A_446 = arith.constant 2 : i32
          %parallel_loop3A_447 = vector.broadcast %parallel_loop3A_446 : i32 to vector<16xi32>
          %parallel_loop3A_448 = arith.muli %parallel_loop3A_445, %parallel_loop3A_447 : vector<16xi32>
          %parallel_loop3A_449 = arith.constant 32 : i32
          %parallel_loop3A_450 = vector.broadcast %parallel_loop3A_449 : i32 to vector<16xi32>
          %parallel_loop3A_451 = arith.addi %parallel_loop3A_448, %parallel_loop3A_450 : vector<16xi32>
          tpu.vector_store_idx %arg11[%parallel_loop3A_406, %parallel_loop3A_451], %parallel_loop3A_440 : memref<128x64xf32, #tpu.memory_space<vmem>>[vector<16xi32>, vector<16xi32>], vector<16xf32>,
          %parallel_loop3A_452 = arith.constant 1 : i32
          %parallel_loop3A_453 = vector.broadcast %parallel_loop3A_452 : i32 to vector<16xi32>
          %parallel_loop3A_454 = arith.addi %parallel_loop3A_451, %parallel_loop3A_453 : vector<16xi32>
          tpu.vector_store_idx %arg11[%parallel_loop3A_406, %parallel_loop3A_454], %parallel_loop3A_444 : memref<128x64xf32, #tpu.memory_space<vmem>>[vector<16xi32>, vector<16xi32>], vector<16xf32>,
        } {sc.loop_unroll_factor = 4 : i64, sc.parallel_access}
        %dma_start3A_110 = arith.constant 0 : i32
        %dma_start3A_111 = arith.constant 0 : i32
        %dma_start3A_112 = tpu.memref_slice %arg8[%dma_start3A_110, %dma_start3A_111] : memref<8x128xi32, #tpu.memory_space<vmem>> -> memref<1x128xi32, #tpu.memory_space<vmem>>
        %dma_start3A_113 = tpu.memref_squeeze %dma_start3A_112 : memref<1x128xi32, #tpu.memory_space<vmem>> -> memref<128xi32, #tpu.memory_space<vmem>>
        %dma_start3A_114 = arith.constant 0 : i32
        %dma_start3A_115 = arith.constant 0 : i32
        %dma_start3A_116 = tpu.memref_slice %arg13[%dma_start3A_114, %dma_start3A_115] : memref<10240x64xf32, #tpu.memory_space<vmem_shared>> -> memref<10240x64xf32, #tpu.memory_space<vmem_shared>>
        tpu.enqueue_indirect_dma source(%arg11 : memref<128x64xf32, #tpu.memory_space<vmem>>) target(%dma_start3A_116 : memref<10240x64xf32, #tpu.memory_space<vmem_shared>>) offsets(%dma_start3A_113 : memref<128xi32, #tpu.memory_space<vmem>>) semaphore(%arg16 : memref<!tpu.dma_semaphore, #tpu.memory_space<semaphore_mem>>) {add = true}
        %dma_start3A_117 = arith.constant 2 : i32
        %dma_start3A_118 = arith.constant 0 : i32
        %dma_start3A_119 = arith.constant 0 : i32
        %dma_start3A_120 = arith.constant 0 : i32
        %dma_start3A_121 = tpu.memref_slice %arg10[%dma_start3A_118, %dma_start3A_119, %dma_start3A_120] : memref<2x128x32xi32, #tpu.memory_space<vmem>> -> memref<1x128x32xi32, #tpu.memory_space<vmem>>
        %dma_start3A_122 = tpu.memref_squeeze %dma_start3A_121 : memref<1x128x32xi32, #tpu.memory_space<vmem>> -> memref<128x32xi32, #tpu.memory_space<vmem>>
        %dma_start3A_123 = arith.constant 0 : i32
        %dma_start3A_124 = tpu.memref_slice %arg7[%dma_start3A_117, %dma_start3A_123] : memref<8x128xi32, #tpu.memory_space<vmem>> -> memref<1x128xi32, #tpu.memory_space<vmem>>
        %dma_start3A_125 = tpu.memref_squeeze %dma_start3A_124 : memref<1x128xi32, #tpu.memory_space<vmem>> -> memref<128xi32, #tpu.memory_space<vmem>>
        %dma_start3A_126 = arith.constant 0 : i32
        %dma_start3A_127 = arith.constant 0 : i32
        %dma_start3A_128 = tpu.memref_slice %arg12[%dma_start3A_126, %dma_start3A_127] : memref<10240x32xi32, #tpu.memory_space<vmem_shared>> -> memref<10240x32xi32, #tpu.memory_space<vmem_shared>>
        tpu.enqueue_indirect_dma source(%dma_start3A_128 : memref<10240x32xi32, #tpu.memory_space<vmem_shared>>) target(%dma_start3A_122 : memref<128x32xi32, #tpu.memory_space<vmem>>) offsets(%dma_start3A_125 : memref<128xi32, #tpu.memory_space<vmem>>) semaphore(%arg14 : memref<!tpu.dma_semaphore, #tpu.memory_space<semaphore_mem>>)
        %dma_wait3A_129 = arith.constant 1 : i32
        %dma_wait3A_130 = arith.constant 1 : i32
        %dma_wait3A_131 = arith.constant 0 : i32
        %dma_wait3A_132 = arith.constant 0 : i32
        %dma_wait3A_133 = tpu.memref_slice %arg10[%dma_wait3A_130, %dma_wait3A_131, %dma_wait3A_132] : memref<2x128x32xi32, #tpu.memory_space<vmem>> -> memref<1x128x32xi32, #tpu.memory_space<vmem>>
        %dma_wait3A_134 = tpu.memref_squeeze %dma_wait3A_133 : memref<1x128x32xi32, #tpu.memory_space<vmem>> -> memref<128x32xi32, #tpu.memory_space<vmem>>
        %dma_wait3A_135 = arith.constant 0 : i32
        %dma_wait3A_136 = tpu.memref_slice %arg7[%dma_wait3A_129, %dma_wait3A_135] : memref<8x128xi32, #tpu.memory_space<vmem>> -> memref<1x128xi32, #tpu.memory_space<vmem>>
        %dma_wait3A_137 = tpu.memref_squeeze %dma_wait3A_136 : memref<1x128xi32, #tpu.memory_space<vmem>> -> memref<128xi32, #tpu.memory_space<vmem>>
        %dma_wait3A_138 = arith.constant 0 : i32
        %dma_wait3A_139 = arith.constant 0 : i32
        %dma_wait3A_140 = tpu.memref_slice %arg12[%dma_wait3A_138, %dma_wait3A_139] : memref<10240x32xi32, #tpu.memory_space<vmem_shared>> -> memref<10240x32xi32, #tpu.memory_space<vmem_shared>>
        tpu.wait_indirect_dma semaphore(%arg15 : memref<!tpu.dma_semaphore, #tpu.memory_space<semaphore_mem>>) src(%dma_wait3A_140 : memref<10240x32xi32, #tpu.memory_space<vmem_shared>>) dst(%dma_wait3A_134 : memref<128x32xi32, #tpu.memory_space<vmem>>)
        %dma_wait3A_141 = arith.constant 0 : i32
        %dma_wait3A_142 = arith.constant 0 : i32
        %dma_wait3A_143 = tpu.memref_slice %arg8[%dma_wait3A_141, %dma_wait3A_142] : memref<8x128xi32, #tpu.memory_space<vmem>> -> memref<1x128xi32, #tpu.memory_space<vmem>>
        %dma_wait3A_144 = tpu.memref_squeeze %dma_wait3A_143 : memref<1x128xi32, #tpu.memory_space<vmem>> -> memref<128xi32, #tpu.memory_space<vmem>>
        %dma_wait3A_145 = arith.constant 0 : i32
        %dma_wait3A_146 = arith.constant 0 : i32
        %dma_wait3A_147 = tpu.memref_slice %arg13[%dma_wait3A_145, %dma_wait3A_146] : memref<10240x64xf32, #tpu.memory_space<vmem_shared>> -> memref<10240x64xf32, #tpu.memory_space<vmem_shared>>
        tpu.wait_indirect_dma semaphore(%arg16 : memref<!tpu.dma_semaphore, #tpu.memory_space<semaphore_mem>>) src(%arg11 : memref<128x64xf32, #tpu.memory_space<vmem>>) dst(%dma_wait3A_147 : memref<10240x64xf32, #tpu.memory_space<vmem_shared>>)
        %parallel_loop3A_148 = arith.constant 0 : i32
        %parallel_loop3A_149 = arith.constant 128 : i32
        %parallel_loop3A_150 = arith.constant 1 : i32
        scf.for %parallel_loop3A_399 = %parallel_loop3A_148 to %parallel_loop3A_149 step %parallel_loop3A_150  : i32 {
          %parallel_loop3A_400 = vector.broadcast %parallel_loop3A_399 : i32 to vector<16xi32>
          %parallel_loop3A_401 = arith.constant 1 : i32
          %parallel_loop3A_402 = arith.constant 0 : i32
          %parallel_loop3A_403 = tpu.memref_slice %arg9[%parallel_loop3A_401, %parallel_loop3A_402] : memref<8x128xf32, #tpu.memory_space<vmem>> -> memref<1x128xf32, #tpu.memory_space<vmem>>
          %parallel_loop3A_404 = tpu.memref_squeeze %parallel_loop3A_403 : memref<1x128xf32, #tpu.memory_space<vmem>> -> memref<128xf32, #tpu.memory_space<vmem>>
          %parallel_loop3A_405 = tpu.vector_load_idx %parallel_loop3A_404[%parallel_loop3A_400] : memref<128xf32, #tpu.memory_space<vmem>>[vector<16xi32>], vector<16xf32>,
          %parallel_loop3A_406 = vector.broadcast %parallel_loop3A_399 : i32 to vector<16xi32>
          %parallel_loop3A_407 = arith.constant 1 : i32
          %parallel_loop3A_408 = arith.index_cast %parallel_loop3A_407 : i32 to index
          %parallel_loop3A_409 = arith.index_cast %parallel_loop3A_399 : i32 to index
          %parallel_loop3A_410 = arith.constant 0 : index
          %parallel_loop3A_411 = tpu.vector_load %arg10[%parallel_loop3A_408, %parallel_loop3A_409, %parallel_loop3A_410] {strides = array<i32>} : memref<2x128x32xi32, #tpu.memory_space<vmem>>, vector<16xi32>,
          %parallel_loop3A_412 = arith.constant 16 : i32
          %parallel_loop3A_413 = vector.broadcast %parallel_loop3A_412 : i32 to vector<16xi32>
          %parallel_loop3A_414 = arith.shli %parallel_loop3A_411, %parallel_loop3A_413 : vector<16xi32>
          %parallel_loop3A_415 = vector.bitcast %parallel_loop3A_414 : vector<16xi32> to vector<16xf32>
          %parallel_loop3A_416 = arith.mulf %parallel_loop3A_415, %parallel_loop3A_405 : vector<16xf32>
          %parallel_loop3A_417 = vector.broadcast %scan3A : i32 to vector<16xi32>
          %parallel_loop3A_418 = arith.andi %parallel_loop3A_411, %parallel_loop3A_417 : vector<16xi32>
          %parallel_loop3A_419 = vector.bitcast %parallel_loop3A_418 : vector<16xi32> to vector<16xf32>
          %parallel_loop3A_420 = arith.mulf %parallel_loop3A_419, %parallel_loop3A_405 : vector<16xf32>
          %parallel_loop3A_421 = tpu.iota {dimensions = array<i32: 0>} : vector<16xi32>
          %parallel_loop3A_422 = arith.constant 2 : i32
          %parallel_loop3A_423 = vector.broadcast %parallel_loop3A_422 : i32 to vector<16xi32>
          %parallel_loop3A_424 = arith.muli %parallel_loop3A_421, %parallel_loop3A_423 : vector<16xi32>
          %parallel_loop3A_425 = arith.constant 0 : i32
          %parallel_loop3A_426 = vector.broadcast %parallel_loop3A_425 : i32 to vector<16xi32>
          %parallel_loop3A_427 = arith.addi %parallel_loop3A_424, %parallel_loop3A_426 : vector<16xi32>
          tpu.vector_store_idx %arg11[%parallel_loop3A_406, %parallel_loop3A_427], %parallel_loop3A_416 : memref<128x64xf32, #tpu.memory_space<vmem>>[vector<16xi32>, vector<16xi32>], vector<16xf32>,
          %parallel_loop3A_428 = arith.constant 1 : i32
          %parallel_loop3A_429 = vector.broadcast %parallel_loop3A_428 : i32 to vector<16xi32>
          %parallel_loop3A_430 = arith.addi %parallel_loop3A_427, %parallel_loop3A_429 : vector<16xi32>
          tpu.vector_store_idx %arg11[%parallel_loop3A_406, %parallel_loop3A_430], %parallel_loop3A_420 : memref<128x64xf32, #tpu.memory_space<vmem>>[vector<16xi32>, vector<16xi32>], vector<16xf32>,
          %parallel_loop3A_431 = arith.constant 1 : i32
          %parallel_loop3A_432 = arith.index_cast %parallel_loop3A_431 : i32 to index
          %parallel_loop3A_433 = arith.index_cast %parallel_loop3A_399 : i32 to index
          %parallel_loop3A_434 = arith.constant 16 : index
          %parallel_loop3A_435 = tpu.vector_load %arg10[%parallel_loop3A_432, %parallel_loop3A_433, %parallel_loop3A_434] {strides = array<i32>} : memref<2x128x32xi32, #tpu.memory_space<vmem>>, vector<16xi32>,
          %parallel_loop3A_436 = arith.constant 16 : i32
          %parallel_loop3A_437 = vector.broadcast %parallel_loop3A_436 : i32 to vector<16xi32>
          %parallel_loop3A_438 = arith.shli %parallel_loop3A_435, %parallel_loop3A_437 : vector<16xi32>
          %parallel_loop3A_439 = vector.bitcast %parallel_loop3A_438 : vector<16xi32> to vector<16xf32>
          %parallel_loop3A_440 = arith.mulf %parallel_loop3A_439, %parallel_loop3A_405 : vector<16xf32>
          %parallel_loop3A_441 = vector.broadcast %scan3A : i32 to vector<16xi32>
          %parallel_loop3A_442 = arith.andi %parallel_loop3A_435, %parallel_loop3A_441 : vector<16xi32>
          %parallel_loop3A_443 = vector.bitcast %parallel_loop3A_442 : vector<16xi32> to vector<16xf32>
          %parallel_loop3A_444 = arith.mulf %parallel_loop3A_443, %parallel_loop3A_405 : vector<16xf32>
          %parallel_loop3A_445 = tpu.iota {dimensions = array<i32: 0>} : vector<16xi32>
          %parallel_loop3A_446 = arith.constant 2 : i32
          %parallel_loop3A_447 = vector.broadcast %parallel_loop3A_446 : i32 to vector<16xi32>
          %parallel_loop3A_448 = arith.muli %parallel_loop3A_445, %parallel_loop3A_447 : vector<16xi32>
          %parallel_loop3A_449 = arith.constant 32 : i32
          %parallel_loop3A_450 = vector.broadcast %parallel_loop3A_449 : i32 to vector<16xi32>
          %parallel_loop3A_451 = arith.addi %parallel_loop3A_448, %parallel_loop3A_450 : vector<16xi32>
          tpu.vector_store_idx %arg11[%parallel_loop3A_406, %parallel_loop3A_451], %parallel_loop3A_440 : memref<128x64xf32, #tpu.memory_space<vmem>>[vector<16xi32>, vector<16xi32>], vector<16xf32>,
          %parallel_loop3A_452 = arith.constant 1 : i32
          %parallel_loop3A_453 = vector.broadcast %parallel_loop3A_452 : i32 to vector<16xi32>
          %parallel_loop3A_454 = arith.addi %parallel_loop3A_451, %parallel_loop3A_453 : vector<16xi32>
          tpu.vector_store_idx %arg11[%parallel_loop3A_406, %parallel_loop3A_454], %parallel_loop3A_444 : memref<128x64xf32, #tpu.memory_space<vmem>>[vector<16xi32>, vector<16xi32>], vector<16xf32>,
        } {sc.loop_unroll_factor = 4 : i64, sc.parallel_access}
        %dma_start3A_151 = arith.constant 1 : i32
        %dma_start3A_152 = arith.constant 0 : i32
        %dma_start3A_153 = tpu.memref_slice %arg8[%dma_start3A_151, %dma_start3A_152] : memref<8x128xi32, #tpu.memory_space<vmem>> -> memref<1x128xi32, #tpu.memory_space<vmem>>
        %dma_start3A_154 = tpu.memref_squeeze %dma_start3A_153 : memref<1x128xi32, #tpu.memory_space<vmem>> -> memref<128xi32, #tpu.memory_space<vmem>>
        %dma_start3A_155 = arith.constant 0 : i32
        %dma_start3A_156 = arith.constant 0 : i32
        %dma_start3A_157 = tpu.memref_slice %arg13[%dma_start3A_155, %dma_start3A_156] : memref<10240x64xf32, #tpu.memory_space<vmem_shared>> -> memref<10240x64xf32, #tpu.memory_space<vmem_shared>>
        tpu.enqueue_indirect_dma source(%arg11 : memref<128x64xf32, #tpu.memory_space<vmem>>) target(%dma_start3A_157 : memref<10240x64xf32, #tpu.memory_space<vmem_shared>>) offsets(%dma_start3A_154 : memref<128xi32, #tpu.memory_space<vmem>>) semaphore(%arg16 : memref<!tpu.dma_semaphore, #tpu.memory_space<semaphore_mem>>) {add = true}
        %dma_start3A_158 = arith.constant 3 : i32
        %dma_start3A_159 = arith.constant 1 : i32
        %dma_start3A_160 = arith.constant 0 : i32
        %dma_start3A_161 = arith.constant 0 : i32
        %dma_start3A_162 = tpu.memref_slice %arg10[%dma_start3A_159, %dma_start3A_160, %dma_start3A_161] : memref<2x128x32xi32, #tpu.memory_space<vmem>> -> memref<1x128x32xi32, #tpu.memory_space<vmem>>
        %dma_start3A_163 = tpu.memref_squeeze %dma_start3A_162 : memref<1x128x32xi32, #tpu.memory_space<vmem>> -> memref<128x32xi32, #tpu.memory_space<vmem>>
        %dma_start3A_164 = arith.constant 0 : i32
        %dma_start3A_165 = tpu.memref_slice %arg7[%dma_start3A_158, %dma_start3A_164] : memref<8x128xi32, #tpu.memory_space<vmem>> -> memref<1x128xi32, #tpu.memory_space<vmem>>
        %dma_start3A_166 = tpu.memref_squeeze %dma_start3A_165 : memref<1x128xi32, #tpu.memory_space<vmem>> -> memref<128xi32, #tpu.memory_space<vmem>>
        %dma_start3A_167 = arith.constant 0 : i32
        %dma_start3A_168 = arith.constant 0 : i32
        %dma_start3A_169 = tpu.memref_slice %arg12[%dma_start3A_167, %dma_start3A_168] : memref<10240x32xi32, #tpu.memory_space<vmem_shared>> -> memref<10240x32xi32, #tpu.memory_space<vmem_shared>>
        tpu.enqueue_indirect_dma source(%dma_start3A_169 : memref<10240x32xi32, #tpu.memory_space<vmem_shared>>) target(%dma_start3A_163 : memref<128x32xi32, #tpu.memory_space<vmem>>) offsets(%dma_start3A_166 : memref<128xi32, #tpu.memory_space<vmem>>) semaphore(%arg15 : memref<!tpu.dma_semaphore, #tpu.memory_space<semaphore_mem>>)
        %dma_wait3A_170 = arith.constant 2 : i32
        %dma_wait3A_171 = arith.constant 0 : i32
        %dma_wait3A_172 = arith.constant 0 : i32
        %dma_wait3A_173 = arith.constant 0 : i32
        %dma_wait3A_174 = tpu.memref_slice %arg10[%dma_wait3A_171, %dma_wait3A_172, %dma_wait3A_173] : memref<2x128x32xi32, #tpu.memory_space<vmem>> -> memref<1x128x32xi32, #tpu.memory_space<vmem>>
        %dma_wait3A_175 = tpu.memref_squeeze %dma_wait3A_174 : memref<1x128x32xi32, #tpu.memory_space<vmem>> -> memref<128x32xi32, #tpu.memory_space<vmem>>
        %dma_wait3A_176 = arith.constant 0 : i32
        %dma_wait3A_177 = tpu.memref_slice %arg7[%dma_wait3A_170, %dma_wait3A_176] : memref<8x128xi32, #tpu.memory_space<vmem>> -> memref<1x128xi32, #tpu.memory_space<vmem>>
        %dma_wait3A_178 = tpu.memref_squeeze %dma_wait3A_177 : memref<1x128xi32, #tpu.memory_space<vmem>> -> memref<128xi32, #tpu.memory_space<vmem>>
        %dma_wait3A_179 = arith.constant 0 : i32
        %dma_wait3A_180 = arith.constant 0 : i32
        %dma_wait3A_181 = tpu.memref_slice %arg12[%dma_wait3A_179, %dma_wait3A_180] : memref<10240x32xi32, #tpu.memory_space<vmem_shared>> -> memref<10240x32xi32, #tpu.memory_space<vmem_shared>>
        tpu.wait_indirect_dma semaphore(%arg14 : memref<!tpu.dma_semaphore, #tpu.memory_space<semaphore_mem>>) src(%dma_wait3A_181 : memref<10240x32xi32, #tpu.memory_space<vmem_shared>>) dst(%dma_wait3A_175 : memref<128x32xi32, #tpu.memory_space<vmem>>)
        %dma_wait3A_182 = arith.constant 1 : i32
        %dma_wait3A_183 = arith.constant 0 : i32
        %dma_wait3A_184 = tpu.memref_slice %arg8[%dma_wait3A_182, %dma_wait3A_183] : memref<8x128xi32, #tpu.memory_space<vmem>> -> memref<1x128xi32, #tpu.memory_space<vmem>>
        %dma_wait3A_185 = tpu.memref_squeeze %dma_wait3A_184 : memref<1x128xi32, #tpu.memory_space<vmem>> -> memref<128xi32, #tpu.memory_space<vmem>>
        %dma_wait3A_186 = arith.constant 0 : i32
        %dma_wait3A_187 = arith.constant 0 : i32
        %dma_wait3A_188 = tpu.memref_slice %arg13[%dma_wait3A_186, %dma_wait3A_187] : memref<10240x64xf32, #tpu.memory_space<vmem_shared>> -> memref<10240x64xf32, #tpu.memory_space<vmem_shared>>
        tpu.wait_indirect_dma semaphore(%arg16 : memref<!tpu.dma_semaphore, #tpu.memory_space<semaphore_mem>>) src(%arg11 : memref<128x64xf32, #tpu.memory_space<vmem>>) dst(%dma_wait3A_188 : memref<10240x64xf32, #tpu.memory_space<vmem_shared>>)
        %parallel_loop3A_189 = arith.constant 0 : i32
        %parallel_loop3A_190 = arith.constant 128 : i32
        %parallel_loop3A_191 = arith.constant 1 : i32
        scf.for %parallel_loop3A_399 = %parallel_loop3A_189 to %parallel_loop3A_190 step %parallel_loop3A_191  : i32 {
          %parallel_loop3A_400 = vector.broadcast %parallel_loop3A_399 : i32 to vector<16xi32>
          %parallel_loop3A_401 = arith.constant 2 : i32
          %parallel_loop3A_402 = arith.constant 0 : i32
          %parallel_loop3A_403 = tpu.memref_slice %arg9[%parallel_loop3A_401, %parallel_loop3A_402] : memref<8x128xf32, #tpu.memory_space<vmem>> -> memref<1x128xf32, #tpu.memory_space<vmem>>
          %parallel_loop3A_404 = tpu.memref_squeeze %parallel_loop3A_403 : memref<1x128xf32, #tpu.memory_space<vmem>> -> memref<128xf32, #tpu.memory_space<vmem>>
          %parallel_loop3A_405 = tpu.vector_load_idx %parallel_loop3A_404[%parallel_loop3A_400] : memref<128xf32, #tpu.memory_space<vmem>>[vector<16xi32>], vector<16xf32>,
          %parallel_loop3A_406 = vector.broadcast %parallel_loop3A_399 : i32 to vector<16xi32>
          %parallel_loop3A_407 = arith.constant 0 : i32
          %parallel_loop3A_408 = arith.index_cast %parallel_loop3A_407 : i32 to index
          %parallel_loop3A_409 = arith.index_cast %parallel_loop3A_399 : i32 to index
          %parallel_loop3A_410 = arith.constant 0 : index
          %parallel_loop3A_411 = tpu.vector_load %arg10[%parallel_loop3A_408, %parallel_loop3A_409, %parallel_loop3A_410] {strides = array<i32>} : memref<2x128x32xi32, #tpu.memory_space<vmem>>, vector<16xi32>,
          %parallel_loop3A_412 = arith.constant 16 : i32
          %parallel_loop3A_413 = vector.broadcast %parallel_loop3A_412 : i32 to vector<16xi32>
          %parallel_loop3A_414 = arith.shli %parallel_loop3A_411, %parallel_loop3A_413 : vector<16xi32>
          %parallel_loop3A_415 = vector.bitcast %parallel_loop3A_414 : vector<16xi32> to vector<16xf32>
          %parallel_loop3A_416 = arith.mulf %parallel_loop3A_415, %parallel_loop3A_405 : vector<16xf32>
          %parallel_loop3A_417 = vector.broadcast %scan3A : i32 to vector<16xi32>
          %parallel_loop3A_418 = arith.andi %parallel_loop3A_411, %parallel_loop3A_417 : vector<16xi32>
          %parallel_loop3A_419 = vector.bitcast %parallel_loop3A_418 : vector<16xi32> to vector<16xf32>
          %parallel_loop3A_420 = arith.mulf %parallel_loop3A_419, %parallel_loop3A_405 : vector<16xf32>
          %parallel_loop3A_421 = tpu.iota {dimensions = array<i32: 0>} : vector<16xi32>
          %parallel_loop3A_422 = arith.constant 2 : i32
          %parallel_loop3A_423 = vector.broadcast %parallel_loop3A_422 : i32 to vector<16xi32>
          %parallel_loop3A_424 = arith.muli %parallel_loop3A_421, %parallel_loop3A_423 : vector<16xi32>
          %parallel_loop3A_425 = arith.constant 0 : i32
          %parallel_loop3A_426 = vector.broadcast %parallel_loop3A_425 : i32 to vector<16xi32>
          %parallel_loop3A_427 = arith.addi %parallel_loop3A_424, %parallel_loop3A_426 : vector<16xi32>
          tpu.vector_store_idx %arg11[%parallel_loop3A_406, %parallel_loop3A_427], %parallel_loop3A_416 : memref<128x64xf32, #tpu.memory_space<vmem>>[vector<16xi32>, vector<16xi32>], vector<16xf32>,
          %parallel_loop3A_428 = arith.constant 1 : i32
          %parallel_loop3A_429 = vector.broadcast %parallel_loop3A_428 : i32 to vector<16xi32>
          %parallel_loop3A_430 = arith.addi %parallel_loop3A_427, %parallel_loop3A_429 : vector<16xi32>
          tpu.vector_store_idx %arg11[%parallel_loop3A_406, %parallel_loop3A_430], %parallel_loop3A_420 : memref<128x64xf32, #tpu.memory_space<vmem>>[vector<16xi32>, vector<16xi32>], vector<16xf32>,
          %parallel_loop3A_431 = arith.constant 0 : i32
          %parallel_loop3A_432 = arith.index_cast %parallel_loop3A_431 : i32 to index
          %parallel_loop3A_433 = arith.index_cast %parallel_loop3A_399 : i32 to index
          %parallel_loop3A_434 = arith.constant 16 : index
          %parallel_loop3A_435 = tpu.vector_load %arg10[%parallel_loop3A_432, %parallel_loop3A_433, %parallel_loop3A_434] {strides = array<i32>} : memref<2x128x32xi32, #tpu.memory_space<vmem>>, vector<16xi32>,
          %parallel_loop3A_436 = arith.constant 16 : i32
          %parallel_loop3A_437 = vector.broadcast %parallel_loop3A_436 : i32 to vector<16xi32>
          %parallel_loop3A_438 = arith.shli %parallel_loop3A_435, %parallel_loop3A_437 : vector<16xi32>
          %parallel_loop3A_439 = vector.bitcast %parallel_loop3A_438 : vector<16xi32> to vector<16xf32>
          %parallel_loop3A_440 = arith.mulf %parallel_loop3A_439, %parallel_loop3A_405 : vector<16xf32>
          %parallel_loop3A_441 = vector.broadcast %scan3A : i32 to vector<16xi32>
          %parallel_loop3A_442 = arith.andi %parallel_loop3A_435, %parallel_loop3A_441 : vector<16xi32>
          %parallel_loop3A_443 = vector.bitcast %parallel_loop3A_442 : vector<16xi32> to vector<16xf32>
          %parallel_loop3A_444 = arith.mulf %parallel_loop3A_443, %parallel_loop3A_405 : vector<16xf32>
          %parallel_loop3A_445 = tpu.iota {dimensions = array<i32: 0>} : vector<16xi32>
          %parallel_loop3A_446 = arith.constant 2 : i32
          %parallel_loop3A_447 = vector.broadcast %parallel_loop3A_446 : i32 to vector<16xi32>
          %parallel_loop3A_448 = arith.muli %parallel_loop3A_445, %parallel_loop3A_447 : vector<16xi32>
          %parallel_loop3A_449 = arith.constant 32 : i32
          %parallel_loop3A_450 = vector.broadcast %parallel_loop3A_449 : i32 to vector<16xi32>
          %parallel_loop3A_451 = arith.addi %parallel_loop3A_448, %parallel_loop3A_450 : vector<16xi32>
          tpu.vector_store_idx %arg11[%parallel_loop3A_406, %parallel_loop3A_451], %parallel_loop3A_440 : memref<128x64xf32, #tpu.memory_space<vmem>>[vector<16xi32>, vector<16xi32>], vector<16xf32>,
          %parallel_loop3A_452 = arith.constant 1 : i32
          %parallel_loop3A_453 = vector.broadcast %parallel_loop3A_452 : i32 to vector<16xi32>
          %parallel_loop3A_454 = arith.addi %parallel_loop3A_451, %parallel_loop3A_453 : vector<16xi32>
          tpu.vector_store_idx %arg11[%parallel_loop3A_406, %parallel_loop3A_454], %parallel_loop3A_444 : memref<128x64xf32, #tpu.memory_space<vmem>>[vector<16xi32>, vector<16xi32>], vector<16xf32>,
        } {sc.loop_unroll_factor = 4 : i64, sc.parallel_access}
        %dma_start3A_192 = arith.constant 2 : i32
        %dma_start3A_193 = arith.constant 0 : i32
        %dma_start3A_194 = tpu.memref_slice %arg8[%dma_start3A_192, %dma_start3A_193] : memref<8x128xi32, #tpu.memory_space<vmem>> -> memref<1x128xi32, #tpu.memory_space<vmem>>
        %dma_start3A_195 = tpu.memref_squeeze %dma_start3A_194 : memref<1x128xi32, #tpu.memory_space<vmem>> -> memref<128xi32, #tpu.memory_space<vmem>>
        %dma_start3A_196 = arith.constant 0 : i32
        %dma_start3A_197 = arith.constant 0 : i32
        %dma_start3A_198 = tpu.memref_slice %arg13[%dma_start3A_196, %dma_start3A_197] : memref<10240x64xf32, #tpu.memory_space<vmem_shared>> -> memref<10240x64xf32, #tpu.memory_space<vmem_shared>>
        tpu.enqueue_indirect_dma source(%arg11 : memref<128x64xf32, #tpu.memory_space<vmem>>) target(%dma_start3A_198 : memref<10240x64xf32, #tpu.memory_space<vmem_shared>>) offsets(%dma_start3A_195 : memref<128xi32, #tpu.memory_space<vmem>>) semaphore(%arg16 : memref<!tpu.dma_semaphore, #tpu.memory_space<semaphore_mem>>) {add = true}
        %dma_start3A_199 = arith.constant 4 : i32
        %dma_start3A_200 = arith.constant 0 : i32
        %dma_start3A_201 = arith.constant 0 : i32
        %dma_start3A_202 = arith.constant 0 : i32
        %dma_start3A_203 = tpu.memref_slice %arg10[%dma_start3A_200, %dma_start3A_201, %dma_start3A_202] : memref<2x128x32xi32, #tpu.memory_space<vmem>> -> memref<1x128x32xi32, #tpu.memory_space<vmem>>
        %dma_start3A_204 = tpu.memref_squeeze %dma_start3A_203 : memref<1x128x32xi32, #tpu.memory_space<vmem>> -> memref<128x32xi32, #tpu.memory_space<vmem>>
        %dma_start3A_205 = arith.constant 0 : i32
        %dma_start3A_206 = tpu.memref_slice %arg7[%dma_start3A_199, %dma_start3A_205] : memref<8x128xi32, #tpu.memory_space<vmem>> -> memref<1x128xi32, #tpu.memory_space<vmem>>
        %dma_start3A_207 = tpu.memref_squeeze %dma_start3A_206 : memref<1x128xi32, #tpu.memory_space<vmem>> -> memref<128xi32, #tpu.memory_space<vmem>>
        %dma_start3A_208 = arith.constant 0 : i32
        %dma_start3A_209 = arith.constant 0 : i32
        %dma_start3A_210 = tpu.memref_slice %arg12[%dma_start3A_208, %dma_start3A_209] : memref<10240x32xi32, #tpu.memory_space<vmem_shared>> -> memref<10240x32xi32, #tpu.memory_space<vmem_shared>>
        tpu.enqueue_indirect_dma source(%dma_start3A_210 : memref<10240x32xi32, #tpu.memory_space<vmem_shared>>) target(%dma_start3A_204 : memref<128x32xi32, #tpu.memory_space<vmem>>) offsets(%dma_start3A_207 : memref<128xi32, #tpu.memory_space<vmem>>) semaphore(%arg14 : memref<!tpu.dma_semaphore, #tpu.memory_space<semaphore_mem>>)
        %dma_wait3A_211 = arith.constant 3 : i32
        %dma_wait3A_212 = arith.constant 1 : i32
        %dma_wait3A_213 = arith.constant 0 : i32
        %dma_wait3A_214 = arith.constant 0 : i32
        %dma_wait3A_215 = tpu.memref_slice %arg10[%dma_wait3A_212, %dma_wait3A_213, %dma_wait3A_214] : memref<2x128x32xi32, #tpu.memory_space<vmem>> -> memref<1x128x32xi32, #tpu.memory_space<vmem>>
        %dma_wait3A_216 = tpu.memref_squeeze %dma_wait3A_215 : memref<1x128x32xi32, #tpu.memory_space<vmem>> -> memref<128x32xi32, #tpu.memory_space<vmem>>
        %dma_wait3A_217 = arith.constant 0 : i32
        %dma_wait3A_218 = tpu.memref_slice %arg7[%dma_wait3A_211, %dma_wait3A_217] : memref<8x128xi32, #tpu.memory_space<vmem>> -> memref<1x128xi32, #tpu.memory_space<vmem>>
        %dma_wait3A_219 = tpu.memref_squeeze %dma_wait3A_218 : memref<1x128xi32, #tpu.memory_space<vmem>> -> memref<128xi32, #tpu.memory_space<vmem>>
        %dma_wait3A_220 = arith.constant 0 : i32
        %dma_wait3A_221 = arith.constant 0 : i32
        %dma_wait3A_222 = tpu.memref_slice %arg12[%dma_wait3A_220, %dma_wait3A_221] : memref<10240x32xi32, #tpu.memory_space<vmem_shared>> -> memref<10240x32xi32, #tpu.memory_space<vmem_shared>>
        tpu.wait_indirect_dma semaphore(%arg15 : memref<!tpu.dma_semaphore, #tpu.memory_space<semaphore_mem>>) src(%dma_wait3A_222 : memref<10240x32xi32, #tpu.memory_space<vmem_shared>>) dst(%dma_wait3A_216 : memref<128x32xi32, #tpu.memory_space<vmem>>)
        %dma_wait3A_223 = arith.constant 2 : i32
        %dma_wait3A_224 = arith.constant 0 : i32
        %dma_wait3A_225 = tpu.memref_slice %arg8[%dma_wait3A_223, %dma_wait3A_224] : memref<8x128xi32, #tpu.memory_space<vmem>> -> memref<1x128xi32, #tpu.memory_space<vmem>>
        %dma_wait3A_226 = tpu.memref_squeeze %dma_wait3A_225 : memref<1x128xi32, #tpu.memory_space<vmem>> -> memref<128xi32, #tpu.memory_space<vmem>>
        %dma_wait3A_227 = arith.constant 0 : i32
        %dma_wait3A_228 = arith.constant 0 : i32
        %dma_wait3A_229 = tpu.memref_slice %arg13[%dma_wait3A_227, %dma_wait3A_228] : memref<10240x64xf32, #tpu.memory_space<vmem_shared>> -> memref<10240x64xf32, #tpu.memory_space<vmem_shared>>
        tpu.wait_indirect_dma semaphore(%arg16 : memref<!tpu.dma_semaphore, #tpu.memory_space<semaphore_mem>>) src(%arg11 : memref<128x64xf32, #tpu.memory_space<vmem>>) dst(%dma_wait3A_229 : memref<10240x64xf32, #tpu.memory_space<vmem_shared>>)
        %parallel_loop3A_230 = arith.constant 0 : i32
        %parallel_loop3A_231 = arith.constant 128 : i32
        %parallel_loop3A_232 = arith.constant 1 : i32
        scf.for %parallel_loop3A_399 = %parallel_loop3A_230 to %parallel_loop3A_231 step %parallel_loop3A_232  : i32 {
          %parallel_loop3A_400 = vector.broadcast %parallel_loop3A_399 : i32 to vector<16xi32>
          %parallel_loop3A_401 = arith.constant 3 : i32
          %parallel_loop3A_402 = arith.constant 0 : i32
          %parallel_loop3A_403 = tpu.memref_slice %arg9[%parallel_loop3A_401, %parallel_loop3A_402] : memref<8x128xf32, #tpu.memory_space<vmem>> -> memref<1x128xf32, #tpu.memory_space<vmem>>
          %parallel_loop3A_404 = tpu.memref_squeeze %parallel_loop3A_403 : memref<1x128xf32, #tpu.memory_space<vmem>> -> memref<128xf32, #tpu.memory_space<vmem>>
          %parallel_loop3A_405 = tpu.vector_load_idx %parallel_loop3A_404[%parallel_loop3A_400] : memref<128xf32, #tpu.memory_space<vmem>>[vector<16xi32>], vector<16xf32>,
          %parallel_loop3A_406 = vector.broadcast %parallel_loop3A_399 : i32 to vector<16xi32>
          %parallel_loop3A_407 = arith.constant 1 : i32
          %parallel_loop3A_408 = arith.index_cast %parallel_loop3A_407 : i32 to index
          %parallel_loop3A_409 = arith.index_cast %parallel_loop3A_399 : i32 to index
          %parallel_loop3A_410 = arith.constant 0 : index
          %parallel_loop3A_411 = tpu.vector_load %arg10[%parallel_loop3A_408, %parallel_loop3A_409, %parallel_loop3A_410] {strides = array<i32>} : memref<2x128x32xi32, #tpu.memory_space<vmem>>, vector<16xi32>,
          %parallel_loop3A_412 = arith.constant 16 : i32
          %parallel_loop3A_413 = vector.broadcast %parallel_loop3A_412 : i32 to vector<16xi32>
          %parallel_loop3A_414 = arith.shli %parallel_loop3A_411, %parallel_loop3A_413 : vector<16xi32>
          %parallel_loop3A_415 = vector.bitcast %parallel_loop3A_414 : vector<16xi32> to vector<16xf32>
          %parallel_loop3A_416 = arith.mulf %parallel_loop3A_415, %parallel_loop3A_405 : vector<16xf32>
          %parallel_loop3A_417 = vector.broadcast %scan3A : i32 to vector<16xi32>
          %parallel_loop3A_418 = arith.andi %parallel_loop3A_411, %parallel_loop3A_417 : vector<16xi32>
          %parallel_loop3A_419 = vector.bitcast %parallel_loop3A_418 : vector<16xi32> to vector<16xf32>
          %parallel_loop3A_420 = arith.mulf %parallel_loop3A_419, %parallel_loop3A_405 : vector<16xf32>
          %parallel_loop3A_421 = tpu.iota {dimensions = array<i32: 0>} : vector<16xi32>
          %parallel_loop3A_422 = arith.constant 2 : i32
          %parallel_loop3A_423 = vector.broadcast %parallel_loop3A_422 : i32 to vector<16xi32>
          %parallel_loop3A_424 = arith.muli %parallel_loop3A_421, %parallel_loop3A_423 : vector<16xi32>
          %parallel_loop3A_425 = arith.constant 0 : i32
          %parallel_loop3A_426 = vector.broadcast %parallel_loop3A_425 : i32 to vector<16xi32>
          %parallel_loop3A_427 = arith.addi %parallel_loop3A_424, %parallel_loop3A_426 : vector<16xi32>
          tpu.vector_store_idx %arg11[%parallel_loop3A_406, %parallel_loop3A_427], %parallel_loop3A_416 : memref<128x64xf32, #tpu.memory_space<vmem>>[vector<16xi32>, vector<16xi32>], vector<16xf32>,
          %parallel_loop3A_428 = arith.constant 1 : i32
          %parallel_loop3A_429 = vector.broadcast %parallel_loop3A_428 : i32 to vector<16xi32>
          %parallel_loop3A_430 = arith.addi %parallel_loop3A_427, %parallel_loop3A_429 : vector<16xi32>
          tpu.vector_store_idx %arg11[%parallel_loop3A_406, %parallel_loop3A_430], %parallel_loop3A_420 : memref<128x64xf32, #tpu.memory_space<vmem>>[vector<16xi32>, vector<16xi32>], vector<16xf32>,
          %parallel_loop3A_431 = arith.constant 1 : i32
          %parallel_loop3A_432 = arith.index_cast %parallel_loop3A_431 : i32 to index
          %parallel_loop3A_433 = arith.index_cast %parallel_loop3A_399 : i32 to index
          %parallel_loop3A_434 = arith.constant 16 : index
          %parallel_loop3A_435 = tpu.vector_load %arg10[%parallel_loop3A_432, %parallel_loop3A_433, %parallel_loop3A_434] {strides = array<i32>} : memref<2x128x32xi32, #tpu.memory_space<vmem>>, vector<16xi32>,
          %parallel_loop3A_436 = arith.constant 16 : i32
          %parallel_loop3A_437 = vector.broadcast %parallel_loop3A_436 : i32 to vector<16xi32>
          %parallel_loop3A_438 = arith.shli %parallel_loop3A_435, %parallel_loop3A_437 : vector<16xi32>
          %parallel_loop3A_439 = vector.bitcast %parallel_loop3A_438 : vector<16xi32> to vector<16xf32>
          %parallel_loop3A_440 = arith.mulf %parallel_loop3A_439, %parallel_loop3A_405 : vector<16xf32>
          %parallel_loop3A_441 = vector.broadcast %scan3A : i32 to vector<16xi32>
          %parallel_loop3A_442 = arith.andi %parallel_loop3A_435, %parallel_loop3A_441 : vector<16xi32>
          %parallel_loop3A_443 = vector.bitcast %parallel_loop3A_442 : vector<16xi32> to vector<16xf32>
          %parallel_loop3A_444 = arith.mulf %parallel_loop3A_443, %parallel_loop3A_405 : vector<16xf32>
          %parallel_loop3A_445 = tpu.iota {dimensions = array<i32: 0>} : vector<16xi32>
          %parallel_loop3A_446 = arith.constant 2 : i32
          %parallel_loop3A_447 = vector.broadcast %parallel_loop3A_446 : i32 to vector<16xi32>
          %parallel_loop3A_448 = arith.muli %parallel_loop3A_445, %parallel_loop3A_447 : vector<16xi32>
          %parallel_loop3A_449 = arith.constant 32 : i32
          %parallel_loop3A_450 = vector.broadcast %parallel_loop3A_449 : i32 to vector<16xi32>
          %parallel_loop3A_451 = arith.addi %parallel_loop3A_448, %parallel_loop3A_450 : vector<16xi32>
          tpu.vector_store_idx %arg11[%parallel_loop3A_406, %parallel_loop3A_451], %parallel_loop3A_440 : memref<128x64xf32, #tpu.memory_space<vmem>>[vector<16xi32>, vector<16xi32>], vector<16xf32>,
          %parallel_loop3A_452 = arith.constant 1 : i32
          %parallel_loop3A_453 = vector.broadcast %parallel_loop3A_452 : i32 to vector<16xi32>
          %parallel_loop3A_454 = arith.addi %parallel_loop3A_451, %parallel_loop3A_453 : vector<16xi32>
          tpu.vector_store_idx %arg11[%parallel_loop3A_406, %parallel_loop3A_454], %parallel_loop3A_444 : memref<128x64xf32, #tpu.memory_space<vmem>>[vector<16xi32>, vector<16xi32>], vector<16xf32>,
        } {sc.loop_unroll_factor = 4 : i64, sc.parallel_access}
        %dma_start3A_233 = arith.constant 3 : i32
        %dma_start3A_234 = arith.constant 0 : i32
        %dma_start3A_235 = tpu.memref_slice %arg8[%dma_start3A_233, %dma_start3A_234] : memref<8x128xi32, #tpu.memory_space<vmem>> -> memref<1x128xi32, #tpu.memory_space<vmem>>
        %dma_start3A_236 = tpu.memref_squeeze %dma_start3A_235 : memref<1x128xi32, #tpu.memory_space<vmem>> -> memref<128xi32, #tpu.memory_space<vmem>>
        %dma_start3A_237 = arith.constant 0 : i32
        %dma_start3A_238 = arith.constant 0 : i32
        %dma_start3A_239 = tpu.memref_slice %arg13[%dma_start3A_237, %dma_start3A_238] : memref<10240x64xf32, #tpu.memory_space<vmem_shared>> -> memref<10240x64xf32, #tpu.memory_space<vmem_shared>>
        tpu.enqueue_indirect_dma source(%arg11 : memref<128x64xf32, #tpu.memory_space<vmem>>) target(%dma_start3A_239 : memref<10240x64xf32, #tpu.memory_space<vmem_shared>>) offsets(%dma_start3A_236 : memref<128xi32, #tpu.memory_space<vmem>>) semaphore(%arg16 : memref<!tpu.dma_semaphore, #tpu.memory_space<semaphore_mem>>) {add = true}
        %dma_start3A_240 = arith.constant 5 : i32
        %dma_start3A_241 = arith.constant 1 : i32
        %dma_start3A_242 = arith.constant 0 : i32
        %dma_start3A_243 = arith.constant 0 : i32
        %dma_start3A_244 = tpu.memref_slice %arg10[%dma_start3A_241, %dma_start3A_242, %dma_start3A_243] : memref<2x128x32xi32, #tpu.memory_space<vmem>> -> memref<1x128x32xi32, #tpu.memory_space<vmem>>
        %dma_start3A_245 = tpu.memref_squeeze %dma_start3A_244 : memref<1x128x32xi32, #tpu.memory_space<vmem>> -> memref<128x32xi32, #tpu.memory_space<vmem>>
        %dma_start3A_246 = arith.constant 0 : i32
        %dma_start3A_247 = tpu.memref_slice %arg7[%dma_start3A_240, %dma_start3A_246] : memref<8x128xi32, #tpu.memory_space<vmem>> -> memref<1x128xi32, #tpu.memory_space<vmem>>
        %dma_start3A_248 = tpu.memref_squeeze %dma_start3A_247 : memref<1x128xi32, #tpu.memory_space<vmem>> -> memref<128xi32, #tpu.memory_space<vmem>>
        %dma_start3A_249 = arith.constant 0 : i32
        %dma_start3A_250 = arith.constant 0 : i32
        %dma_start3A_251 = tpu.memref_slice %arg12[%dma_start3A_249, %dma_start3A_250] : memref<10240x32xi32, #tpu.memory_space<vmem_shared>> -> memref<10240x32xi32, #tpu.memory_space<vmem_shared>>
        tpu.enqueue_indirect_dma source(%dma_start3A_251 : memref<10240x32xi32, #tpu.memory_space<vmem_shared>>) target(%dma_start3A_245 : memref<128x32xi32, #tpu.memory_space<vmem>>) offsets(%dma_start3A_248 : memref<128xi32, #tpu.memory_space<vmem>>) semaphore(%arg15 : memref<!tpu.dma_semaphore, #tpu.memory_space<semaphore_mem>>)
        %dma_wait3A_252 = arith.constant 4 : i32
        %dma_wait3A_253 = arith.constant 0 : i32
        %dma_wait3A_254 = arith.constant 0 : i32
        %dma_wait3A_255 = arith.constant 0 : i32
        %dma_wait3A_256 = tpu.memref_slice %arg10[%dma_wait3A_253, %dma_wait3A_254, %dma_wait3A_255] : memref<2x128x32xi32, #tpu.memory_space<vmem>> -> memref<1x128x32xi32, #tpu.memory_space<vmem>>
        %dma_wait3A_257 = tpu.memref_squeeze %dma_wait3A_256 : memref<1x128x32xi32, #tpu.memory_space<vmem>> -> memref<128x32xi32, #tpu.memory_space<vmem>>
        %dma_wait3A_258 = arith.constant 0 : i32
        %dma_wait3A_259 = tpu.memref_slice %arg7[%dma_wait3A_252, %dma_wait3A_258] : memref<8x128xi32, #tpu.memory_space<vmem>> -> memref<1x128xi32, #tpu.memory_space<vmem>>
        %dma_wait3A_260 = tpu.memref_squeeze %dma_wait3A_259 : memref<1x128xi32, #tpu.memory_space<vmem>> -> memref<128xi32, #tpu.memory_space<vmem>>
        %dma_wait3A_261 = arith.constant 0 : i32
        %dma_wait3A_262 = arith.constant 0 : i32
        %dma_wait3A_263 = tpu.memref_slice %arg12[%dma_wait3A_261, %dma_wait3A_262] : memref<10240x32xi32, #tpu.memory_space<vmem_shared>> -> memref<10240x32xi32, #tpu.memory_space<vmem_shared>>
        tpu.wait_indirect_dma semaphore(%arg14 : memref<!tpu.dma_semaphore, #tpu.memory_space<semaphore_mem>>) src(%dma_wait3A_263 : memref<10240x32xi32, #tpu.memory_space<vmem_shared>>) dst(%dma_wait3A_257 : memref<128x32xi32, #tpu.memory_space<vmem>>)
        %dma_wait3A_264 = arith.constant 3 : i32
        %dma_wait3A_265 = arith.constant 0 : i32
        %dma_wait3A_266 = tpu.memref_slice %arg8[%dma_wait3A_264, %dma_wait3A_265] : memref<8x128xi32, #tpu.memory_space<vmem>> -> memref<1x128xi32, #tpu.memory_space<vmem>>
        %dma_wait3A_267 = tpu.memref_squeeze %dma_wait3A_266 : memref<1x128xi32, #tpu.memory_space<vmem>> -> memref<128xi32, #tpu.memory_space<vmem>>
        %dma_wait3A_268 = arith.constant 0 : i32
        %dma_wait3A_269 = arith.constant 0 : i32
        %dma_wait3A_270 = tpu.memref_slice %arg13[%dma_wait3A_268, %dma_wait3A_269] : memref<10240x64xf32, #tpu.memory_space<vmem_shared>> -> memref<10240x64xf32, #tpu.memory_space<vmem_shared>>
        tpu.wait_indirect_dma semaphore(%arg16 : memref<!tpu.dma_semaphore, #tpu.memory_space<semaphore_mem>>) src(%arg11 : memref<128x64xf32, #tpu.memory_space<vmem>>) dst(%dma_wait3A_270 : memref<10240x64xf32, #tpu.memory_space<vmem_shared>>)
        %parallel_loop3A_271 = arith.constant 0 : i32
        %parallel_loop3A_272 = arith.constant 128 : i32
        %parallel_loop3A_273 = arith.constant 1 : i32
        scf.for %parallel_loop3A_399 = %parallel_loop3A_271 to %parallel_loop3A_272 step %parallel_loop3A_273  : i32 {
          %parallel_loop3A_400 = vector.broadcast %parallel_loop3A_399 : i32 to vector<16xi32>
          %parallel_loop3A_401 = arith.constant 4 : i32
          %parallel_loop3A_402 = arith.constant 0 : i32
          %parallel_loop3A_403 = tpu.memref_slice %arg9[%parallel_loop3A_401, %parallel_loop3A_402] : memref<8x128xf32, #tpu.memory_space<vmem>> -> memref<1x128xf32, #tpu.memory_space<vmem>>
          %parallel_loop3A_404 = tpu.memref_squeeze %parallel_loop3A_403 : memref<1x128xf32, #tpu.memory_space<vmem>> -> memref<128xf32, #tpu.memory_space<vmem>>
          %parallel_loop3A_405 = tpu.vector_load_idx %parallel_loop3A_404[%parallel_loop3A_400] : memref<128xf32, #tpu.memory_space<vmem>>[vector<16xi32>], vector<16xf32>,
          %parallel_loop3A_406 = vector.broadcast %parallel_loop3A_399 : i32 to vector<16xi32>
          %parallel_loop3A_407 = arith.constant 0 : i32
          %parallel_loop3A_408 = arith.index_cast %parallel_loop3A_407 : i32 to index
          %parallel_loop3A_409 = arith.index_cast %parallel_loop3A_399 : i32 to index
          %parallel_loop3A_410 = arith.constant 0 : index
          %parallel_loop3A_411 = tpu.vector_load %arg10[%parallel_loop3A_408, %parallel_loop3A_409, %parallel_loop3A_410] {strides = array<i32>} : memref<2x128x32xi32, #tpu.memory_space<vmem>>, vector<16xi32>,
          %parallel_loop3A_412 = arith.constant 16 : i32
          %parallel_loop3A_413 = vector.broadcast %parallel_loop3A_412 : i32 to vector<16xi32>
          %parallel_loop3A_414 = arith.shli %parallel_loop3A_411, %parallel_loop3A_413 : vector<16xi32>
          %parallel_loop3A_415 = vector.bitcast %parallel_loop3A_414 : vector<16xi32> to vector<16xf32>
          %parallel_loop3A_416 = arith.mulf %parallel_loop3A_415, %parallel_loop3A_405 : vector<16xf32>
          %parallel_loop3A_417 = vector.broadcast %scan3A : i32 to vector<16xi32>
          %parallel_loop3A_418 = arith.andi %parallel_loop3A_411, %parallel_loop3A_417 : vector<16xi32>
          %parallel_loop3A_419 = vector.bitcast %parallel_loop3A_418 : vector<16xi32> to vector<16xf32>
          %parallel_loop3A_420 = arith.mulf %parallel_loop3A_419, %parallel_loop3A_405 : vector<16xf32>
          %parallel_loop3A_421 = tpu.iota {dimensions = array<i32: 0>} : vector<16xi32>
          %parallel_loop3A_422 = arith.constant 2 : i32
          %parallel_loop3A_423 = vector.broadcast %parallel_loop3A_422 : i32 to vector<16xi32>
          %parallel_loop3A_424 = arith.muli %parallel_loop3A_421, %parallel_loop3A_423 : vector<16xi32>
          %parallel_loop3A_425 = arith.constant 0 : i32
          %parallel_loop3A_426 = vector.broadcast %parallel_loop3A_425 : i32 to vector<16xi32>
          %parallel_loop3A_427 = arith.addi %parallel_loop3A_424, %parallel_loop3A_426 : vector<16xi32>
          tpu.vector_store_idx %arg11[%parallel_loop3A_406, %parallel_loop3A_427], %parallel_loop3A_416 : memref<128x64xf32, #tpu.memory_space<vmem>>[vector<16xi32>, vector<16xi32>], vector<16xf32>,
          %parallel_loop3A_428 = arith.constant 1 : i32
          %parallel_loop3A_429 = vector.broadcast %parallel_loop3A_428 : i32 to vector<16xi32>
          %parallel_loop3A_430 = arith.addi %parallel_loop3A_427, %parallel_loop3A_429 : vector<16xi32>
          tpu.vector_store_idx %arg11[%parallel_loop3A_406, %parallel_loop3A_430], %parallel_loop3A_420 : memref<128x64xf32, #tpu.memory_space<vmem>>[vector<16xi32>, vector<16xi32>], vector<16xf32>,
          %parallel_loop3A_431 = arith.constant 0 : i32
          %parallel_loop3A_432 = arith.index_cast %parallel_loop3A_431 : i32 to index
          %parallel_loop3A_433 = arith.index_cast %parallel_loop3A_399 : i32 to index
          %parallel_loop3A_434 = arith.constant 16 : index
          %parallel_loop3A_435 = tpu.vector_load %arg10[%parallel_loop3A_432, %parallel_loop3A_433, %parallel_loop3A_434] {strides = array<i32>} : memref<2x128x32xi32, #tpu.memory_space<vmem>>, vector<16xi32>,
          %parallel_loop3A_436 = arith.constant 16 : i32
          %parallel_loop3A_437 = vector.broadcast %parallel_loop3A_436 : i32 to vector<16xi32>
          %parallel_loop3A_438 = arith.shli %parallel_loop3A_435, %parallel_loop3A_437 : vector<16xi32>
          %parallel_loop3A_439 = vector.bitcast %parallel_loop3A_438 : vector<16xi32> to vector<16xf32>
          %parallel_loop3A_440 = arith.mulf %parallel_loop3A_439, %parallel_loop3A_405 : vector<16xf32>
          %parallel_loop3A_441 = vector.broadcast %scan3A : i32 to vector<16xi32>
          %parallel_loop3A_442 = arith.andi %parallel_loop3A_435, %parallel_loop3A_441 : vector<16xi32>
          %parallel_loop3A_443 = vector.bitcast %parallel_loop3A_442 : vector<16xi32> to vector<16xf32>
          %parallel_loop3A_444 = arith.mulf %parallel_loop3A_443, %parallel_loop3A_405 : vector<16xf32>
          %parallel_loop3A_445 = tpu.iota {dimensions = array<i32: 0>} : vector<16xi32>
          %parallel_loop3A_446 = arith.constant 2 : i32
          %parallel_loop3A_447 = vector.broadcast %parallel_loop3A_446 : i32 to vector<16xi32>
          %parallel_loop3A_448 = arith.muli %parallel_loop3A_445, %parallel_loop3A_447 : vector<16xi32>
          %parallel_loop3A_449 = arith.constant 32 : i32
          %parallel_loop3A_450 = vector.broadcast %parallel_loop3A_449 : i32 to vector<16xi32>
          %parallel_loop3A_451 = arith.addi %parallel_loop3A_448, %parallel_loop3A_450 : vector<16xi32>
          tpu.vector_store_idx %arg11[%parallel_loop3A_406, %parallel_loop3A_451], %parallel_loop3A_440 : memref<128x64xf32, #tpu.memory_space<vmem>>[vector<16xi32>, vector<16xi32>], vector<16xf32>,
          %parallel_loop3A_452 = arith.constant 1 : i32
          %parallel_loop3A_453 = vector.broadcast %parallel_loop3A_452 : i32 to vector<16xi32>
          %parallel_loop3A_454 = arith.addi %parallel_loop3A_451, %parallel_loop3A_453 : vector<16xi32>
          tpu.vector_store_idx %arg11[%parallel_loop3A_406, %parallel_loop3A_454], %parallel_loop3A_444 : memref<128x64xf32, #tpu.memory_space<vmem>>[vector<16xi32>, vector<16xi32>], vector<16xf32>,
        } {sc.loop_unroll_factor = 4 : i64, sc.parallel_access}
        %dma_start3A_274 = arith.constant 4 : i32
        %dma_start3A_275 = arith.constant 0 : i32
        %dma_start3A_276 = tpu.memref_slice %arg8[%dma_start3A_274, %dma_start3A_275] : memref<8x128xi32, #tpu.memory_space<vmem>> -> memref<1x128xi32, #tpu.memory_space<vmem>>
        %dma_start3A_277 = tpu.memref_squeeze %dma_start3A_276 : memref<1x128xi32, #tpu.memory_space<vmem>> -> memref<128xi32, #tpu.memory_space<vmem>>
        %dma_start3A_278 = arith.constant 0 : i32
        %dma_start3A_279 = arith.constant 0 : i32
        %dma_start3A_280 = tpu.memref_slice %arg13[%dma_start3A_278, %dma_start3A_279] : memref<10240x64xf32, #tpu.memory_space<vmem_shared>> -> memref<10240x64xf32, #tpu.memory_space<vmem_shared>>
        tpu.enqueue_indirect_dma source(%arg11 : memref<128x64xf32, #tpu.memory_space<vmem>>) target(%dma_start3A_280 : memref<10240x64xf32, #tpu.memory_space<vmem_shared>>) offsets(%dma_start3A_277 : memref<128xi32, #tpu.memory_space<vmem>>) semaphore(%arg16 : memref<!tpu.dma_semaphore, #tpu.memory_space<semaphore_mem>>) {add = true}
        %dma_start3A_281 = arith.constant 6 : i32
        %dma_start3A_282 = arith.constant 0 : i32
        %dma_start3A_283 = arith.constant 0 : i32
        %dma_start3A_284 = arith.constant 0 : i32
        %dma_start3A_285 = tpu.memref_slice %arg10[%dma_start3A_282, %dma_start3A_283, %dma_start3A_284] : memref<2x128x32xi32, #tpu.memory_space<vmem>> -> memref<1x128x32xi32, #tpu.memory_space<vmem>>
        %dma_start3A_286 = tpu.memref_squeeze %dma_start3A_285 : memref<1x128x32xi32, #tpu.memory_space<vmem>> -> memref<128x32xi32, #tpu.memory_space<vmem>>
        %dma_start3A_287 = arith.constant 0 : i32
        %dma_start3A_288 = tpu.memref_slice %arg7[%dma_start3A_281, %dma_start3A_287] : memref<8x128xi32, #tpu.memory_space<vmem>> -> memref<1x128xi32, #tpu.memory_space<vmem>>
        %dma_start3A_289 = tpu.memref_squeeze %dma_start3A_288 : memref<1x128xi32, #tpu.memory_space<vmem>> -> memref<128xi32, #tpu.memory_space<vmem>>
        %dma_start3A_290 = arith.constant 0 : i32
        %dma_start3A_291 = arith.constant 0 : i32
        %dma_start3A_292 = tpu.memref_slice %arg12[%dma_start3A_290, %dma_start3A_291] : memref<10240x32xi32, #tpu.memory_space<vmem_shared>> -> memref<10240x32xi32, #tpu.memory_space<vmem_shared>>
        tpu.enqueue_indirect_dma source(%dma_start3A_292 : memref<10240x32xi32, #tpu.memory_space<vmem_shared>>) target(%dma_start3A_286 : memref<128x32xi32, #tpu.memory_space<vmem>>) offsets(%dma_start3A_289 : memref<128xi32, #tpu.memory_space<vmem>>) semaphore(%arg14 : memref<!tpu.dma_semaphore, #tpu.memory_space<semaphore_mem>>)
        %dma_wait3A_293 = arith.constant 5 : i32
        %dma_wait3A_294 = arith.constant 1 : i32
        %dma_wait3A_295 = arith.constant 0 : i32
        %dma_wait3A_296 = arith.constant 0 : i32
        %dma_wait3A_297 = tpu.memref_slice %arg10[%dma_wait3A_294, %dma_wait3A_295, %dma_wait3A_296] : memref<2x128x32xi32, #tpu.memory_space<vmem>> -> memref<1x128x32xi32, #tpu.memory_space<vmem>>
        %dma_wait3A_298 = tpu.memref_squeeze %dma_wait3A_297 : memref<1x128x32xi32, #tpu.memory_space<vmem>> -> memref<128x32xi32, #tpu.memory_space<vmem>>
        %dma_wait3A_299 = arith.constant 0 : i32
        %dma_wait3A_300 = tpu.memref_slice %arg7[%dma_wait3A_293, %dma_wait3A_299] : memref<8x128xi32, #tpu.memory_space<vmem>> -> memref<1x128xi32, #tpu.memory_space<vmem>>
        %dma_wait3A_301 = tpu.memref_squeeze %dma_wait3A_300 : memref<1x128xi32, #tpu.memory_space<vmem>> -> memref<128xi32, #tpu.memory_space<vmem>>
        %dma_wait3A_302 = arith.constant 0 : i32
        %dma_wait3A_303 = arith.constant 0 : i32
        %dma_wait3A_304 = tpu.memref_slice %arg12[%dma_wait3A_302, %dma_wait3A_303] : memref<10240x32xi32, #tpu.memory_space<vmem_shared>> -> memref<10240x32xi32, #tpu.memory_space<vmem_shared>>
        tpu.wait_indirect_dma semaphore(%arg15 : memref<!tpu.dma_semaphore, #tpu.memory_space<semaphore_mem>>) src(%dma_wait3A_304 : memref<10240x32xi32, #tpu.memory_space<vmem_shared>>) dst(%dma_wait3A_298 : memref<128x32xi32, #tpu.memory_space<vmem>>)
        %dma_wait3A_305 = arith.constant 4 : i32
        %dma_wait3A_306 = arith.constant 0 : i32
        %dma_wait3A_307 = tpu.memref_slice %arg8[%dma_wait3A_305, %dma_wait3A_306] : memref<8x128xi32, #tpu.memory_space<vmem>> -> memref<1x128xi32, #tpu.memory_space<vmem>>
        %dma_wait3A_308 = tpu.memref_squeeze %dma_wait3A_307 : memref<1x128xi32, #tpu.memory_space<vmem>> -> memref<128xi32, #tpu.memory_space<vmem>>
        %dma_wait3A_309 = arith.constant 0 : i32
        %dma_wait3A_310 = arith.constant 0 : i32
        %dma_wait3A_311 = tpu.memref_slice %arg13[%dma_wait3A_309, %dma_wait3A_310] : memref<10240x64xf32, #tpu.memory_space<vmem_shared>> -> memref<10240x64xf32, #tpu.memory_space<vmem_shared>>
        tpu.wait_indirect_dma semaphore(%arg16 : memref<!tpu.dma_semaphore, #tpu.memory_space<semaphore_mem>>) src(%arg11 : memref<128x64xf32, #tpu.memory_space<vmem>>) dst(%dma_wait3A_311 : memref<10240x64xf32, #tpu.memory_space<vmem_shared>>)
        %parallel_loop3A_312 = arith.constant 0 : i32
        %parallel_loop3A_313 = arith.constant 128 : i32
        %parallel_loop3A_314 = arith.constant 1 : i32
        scf.for %parallel_loop3A_399 = %parallel_loop3A_312 to %parallel_loop3A_313 step %parallel_loop3A_314  : i32 {
          %parallel_loop3A_400 = vector.broadcast %parallel_loop3A_399 : i32 to vector<16xi32>
          %parallel_loop3A_401 = arith.constant 5 : i32
          %parallel_loop3A_402 = arith.constant 0 : i32
          %parallel_loop3A_403 = tpu.memref_slice %arg9[%parallel_loop3A_401, %parallel_loop3A_402] : memref<8x128xf32, #tpu.memory_space<vmem>> -> memref<1x128xf32, #tpu.memory_space<vmem>>
          %parallel_loop3A_404 = tpu.memref_squeeze %parallel_loop3A_403 : memref<1x128xf32, #tpu.memory_space<vmem>> -> memref<128xf32, #tpu.memory_space<vmem>>
          %parallel_loop3A_405 = tpu.vector_load_idx %parallel_loop3A_404[%parallel_loop3A_400] : memref<128xf32, #tpu.memory_space<vmem>>[vector<16xi32>], vector<16xf32>,
          %parallel_loop3A_406 = vector.broadcast %parallel_loop3A_399 : i32 to vector<16xi32>
          %parallel_loop3A_407 = arith.constant 1 : i32
          %parallel_loop3A_408 = arith.index_cast %parallel_loop3A_407 : i32 to index
          %parallel_loop3A_409 = arith.index_cast %parallel_loop3A_399 : i32 to index
          %parallel_loop3A_410 = arith.constant 0 : index
          %parallel_loop3A_411 = tpu.vector_load %arg10[%parallel_loop3A_408, %parallel_loop3A_409, %parallel_loop3A_410] {strides = array<i32>} : memref<2x128x32xi32, #tpu.memory_space<vmem>>, vector<16xi32>,
          %parallel_loop3A_412 = arith.constant 16 : i32
          %parallel_loop3A_413 = vector.broadcast %parallel_loop3A_412 : i32 to vector<16xi32>
          %parallel_loop3A_414 = arith.shli %parallel_loop3A_411, %parallel_loop3A_413 : vector<16xi32>
          %parallel_loop3A_415 = vector.bitcast %parallel_loop3A_414 : vector<16xi32> to vector<16xf32>
          %parallel_loop3A_416 = arith.mulf %parallel_loop3A_415, %parallel_loop3A_405 : vector<16xf32>
          %parallel_loop3A_417 = vector.broadcast %scan3A : i32 to vector<16xi32>
          %parallel_loop3A_418 = arith.andi %parallel_loop3A_411, %parallel_loop3A_417 : vector<16xi32>
          %parallel_loop3A_419 = vector.bitcast %parallel_loop3A_418 : vector<16xi32> to vector<16xf32>
          %parallel_loop3A_420 = arith.mulf %parallel_loop3A_419, %parallel_loop3A_405 : vector<16xf32>
          %parallel_loop3A_421 = tpu.iota {dimensions = array<i32: 0>} : vector<16xi32>
          %parallel_loop3A_422 = arith.constant 2 : i32
          %parallel_loop3A_423 = vector.broadcast %parallel_loop3A_422 : i32 to vector<16xi32>
          %parallel_loop3A_424 = arith.muli %parallel_loop3A_421, %parallel_loop3A_423 : vector<16xi32>
          %parallel_loop3A_425 = arith.constant 0 : i32
          %parallel_loop3A_426 = vector.broadcast %parallel_loop3A_425 : i32 to vector<16xi32>
          %parallel_loop3A_427 = arith.addi %parallel_loop3A_424, %parallel_loop3A_426 : vector<16xi32>
          tpu.vector_store_idx %arg11[%parallel_loop3A_406, %parallel_loop3A_427], %parallel_loop3A_416 : memref<128x64xf32, #tpu.memory_space<vmem>>[vector<16xi32>, vector<16xi32>], vector<16xf32>,
          %parallel_loop3A_428 = arith.constant 1 : i32
          %parallel_loop3A_429 = vector.broadcast %parallel_loop3A_428 : i32 to vector<16xi32>
          %parallel_loop3A_430 = arith.addi %parallel_loop3A_427, %parallel_loop3A_429 : vector<16xi32>
          tpu.vector_store_idx %arg11[%parallel_loop3A_406, %parallel_loop3A_430], %parallel_loop3A_420 : memref<128x64xf32, #tpu.memory_space<vmem>>[vector<16xi32>, vector<16xi32>], vector<16xf32>,
          %parallel_loop3A_431 = arith.constant 1 : i32
          %parallel_loop3A_432 = arith.index_cast %parallel_loop3A_431 : i32 to index
          %parallel_loop3A_433 = arith.index_cast %parallel_loop3A_399 : i32 to index
          %parallel_loop3A_434 = arith.constant 16 : index
          %parallel_loop3A_435 = tpu.vector_load %arg10[%parallel_loop3A_432, %parallel_loop3A_433, %parallel_loop3A_434] {strides = array<i32>} : memref<2x128x32xi32, #tpu.memory_space<vmem>>, vector<16xi32>,
          %parallel_loop3A_436 = arith.constant 16 : i32
          %parallel_loop3A_437 = vector.broadcast %parallel_loop3A_436 : i32 to vector<16xi32>
          %parallel_loop3A_438 = arith.shli %parallel_loop3A_435, %parallel_loop3A_437 : vector<16xi32>
          %parallel_loop3A_439 = vector.bitcast %parallel_loop3A_438 : vector<16xi32> to vector<16xf32>
          %parallel_loop3A_440 = arith.mulf %parallel_loop3A_439, %parallel_loop3A_405 : vector<16xf32>
          %parallel_loop3A_441 = vector.broadcast %scan3A : i32 to vector<16xi32>
          %parallel_loop3A_442 = arith.andi %parallel_loop3A_435, %parallel_loop3A_441 : vector<16xi32>
          %parallel_loop3A_443 = vector.bitcast %parallel_loop3A_442 : vector<16xi32> to vector<16xf32>
          %parallel_loop3A_444 = arith.mulf %parallel_loop3A_443, %parallel_loop3A_405 : vector<16xf32>
          %parallel_loop3A_445 = tpu.iota {dimensions = array<i32: 0>} : vector<16xi32>
          %parallel_loop3A_446 = arith.constant 2 : i32
          %parallel_loop3A_447 = vector.broadcast %parallel_loop3A_446 : i32 to vector<16xi32>
          %parallel_loop3A_448 = arith.muli %parallel_loop3A_445, %parallel_loop3A_447 : vector<16xi32>
          %parallel_loop3A_449 = arith.constant 32 : i32
          %parallel_loop3A_450 = vector.broadcast %parallel_loop3A_449 : i32 to vector<16xi32>
          %parallel_loop3A_451 = arith.addi %parallel_loop3A_448, %parallel_loop3A_450 : vector<16xi32>
          tpu.vector_store_idx %arg11[%parallel_loop3A_406, %parallel_loop3A_451], %parallel_loop3A_440 : memref<128x64xf32, #tpu.memory_space<vmem>>[vector<16xi32>, vector<16xi32>], vector<16xf32>,
          %parallel_loop3A_452 = arith.constant 1 : i32
          %parallel_loop3A_453 = vector.broadcast %parallel_loop3A_452 : i32 to vector<16xi32>
          %parallel_loop3A_454 = arith.addi %parallel_loop3A_451, %parallel_loop3A_453 : vector<16xi32>
          tpu.vector_store_idx %arg11[%parallel_loop3A_406, %parallel_loop3A_454], %parallel_loop3A_444 : memref<128x64xf32, #tpu.memory_space<vmem>>[vector<16xi32>, vector<16xi32>], vector<16xf32>,
        } {sc.loop_unroll_factor = 4 : i64, sc.parallel_access}
        %dma_start3A_315 = arith.constant 5 : i32
        %dma_start3A_316 = arith.constant 0 : i32
        %dma_start3A_317 = tpu.memref_slice %arg8[%dma_start3A_315, %dma_start3A_316] : memref<8x128xi32, #tpu.memory_space<vmem>> -> memref<1x128xi32, #tpu.memory_space<vmem>>
        %dma_start3A_318 = tpu.memref_squeeze %dma_start3A_317 : memref<1x128xi32, #tpu.memory_space<vmem>> -> memref<128xi32, #tpu.memory_space<vmem>>
        %dma_start3A_319 = arith.constant 0 : i32
        %dma_start3A_320 = arith.constant 0 : i32
        %dma_start3A_321 = tpu.memref_slice %arg13[%dma_start3A_319, %dma_start3A_320] : memref<10240x64xf32, #tpu.memory_space<vmem_shared>> -> memref<10240x64xf32, #tpu.memory_space<vmem_shared>>
        tpu.enqueue_indirect_dma source(%arg11 : memref<128x64xf32, #tpu.memory_space<vmem>>) target(%dma_start3A_321 : memref<10240x64xf32, #tpu.memory_space<vmem_shared>>) offsets(%dma_start3A_318 : memref<128xi32, #tpu.memory_space<vmem>>) semaphore(%arg16 : memref<!tpu.dma_semaphore, #tpu.memory_space<semaphore_mem>>) {add = true}
        %dma_start3A_322 = arith.constant 7 : i32
        %dma_start3A_323 = arith.constant 1 : i32
        %dma_start3A_324 = arith.constant 0 : i32
        %dma_start3A_325 = arith.constant 0 : i32
        %dma_start3A_326 = tpu.memref_slice %arg10[%dma_start3A_323, %dma_start3A_324, %dma_start3A_325] : memref<2x128x32xi32, #tpu.memory_space<vmem>> -> memref<1x128x32xi32, #tpu.memory_space<vmem>>
        %dma_start3A_327 = tpu.memref_squeeze %dma_start3A_326 : memref<1x128x32xi32, #tpu.memory_space<vmem>> -> memref<128x32xi32, #tpu.memory_space<vmem>>
        %dma_start3A_328 = arith.constant 0 : i32
        %dma_start3A_329 = tpu.memref_slice %arg7[%dma_start3A_322, %dma_start3A_328] : memref<8x128xi32, #tpu.memory_space<vmem>> -> memref<1x128xi32, #tpu.memory_space<vmem>>
        %dma_start3A_330 = tpu.memref_squeeze %dma_start3A_329 : memref<1x128xi32, #tpu.memory_space<vmem>> -> memref<128xi32, #tpu.memory_space<vmem>>
        %dma_start3A_331 = arith.constant 0 : i32
        %dma_start3A_332 = arith.constant 0 : i32
        %dma_start3A_333 = tpu.memref_slice %arg12[%dma_start3A_331, %dma_start3A_332] : memref<10240x32xi32, #tpu.memory_space<vmem_shared>> -> memref<10240x32xi32, #tpu.memory_space<vmem_shared>>
        tpu.enqueue_indirect_dma source(%dma_start3A_333 : memref<10240x32xi32, #tpu.memory_space<vmem_shared>>) target(%dma_start3A_327 : memref<128x32xi32, #tpu.memory_space<vmem>>) offsets(%dma_start3A_330 : memref<128xi32, #tpu.memory_space<vmem>>) semaphore(%arg15 : memref<!tpu.dma_semaphore, #tpu.memory_space<semaphore_mem>>)
        %dma_wait3A_334 = arith.constant 6 : i32
        %dma_wait3A_335 = arith.constant 0 : i32
        %dma_wait3A_336 = arith.constant 0 : i32
        %dma_wait3A_337 = arith.constant 0 : i32
        %dma_wait3A_338 = tpu.memref_slice %arg10[%dma_wait3A_335, %dma_wait3A_336, %dma_wait3A_337] : memref<2x128x32xi32, #tpu.memory_space<vmem>> -> memref<1x128x32xi32, #tpu.memory_space<vmem>>
        %dma_wait3A_339 = tpu.memref_squeeze %dma_wait3A_338 : memref<1x128x32xi32, #tpu.memory_space<vmem>> -> memref<128x32xi32, #tpu.memory_space<vmem>>
        %dma_wait3A_340 = arith.constant 0 : i32
        %dma_wait3A_341 = tpu.memref_slice %arg7[%dma_wait3A_334, %dma_wait3A_340] : memref<8x128xi32, #tpu.memory_space<vmem>> -> memref<1x128xi32, #tpu.memory_space<vmem>>
        %dma_wait3A_342 = tpu.memref_squeeze %dma_wait3A_341 : memref<1x128xi32, #tpu.memory_space<vmem>> -> memref<128xi32, #tpu.memory_space<vmem>>
        %dma_wait3A_343 = arith.constant 0 : i32
        %dma_wait3A_344 = arith.constant 0 : i32
        %dma_wait3A_345 = tpu.memref_slice %arg12[%dma_wait3A_343, %dma_wait3A_344] : memref<10240x32xi32, #tpu.memory_space<vmem_shared>> -> memref<10240x32xi32, #tpu.memory_space<vmem_shared>>
        tpu.wait_indirect_dma semaphore(%arg14 : memref<!tpu.dma_semaphore, #tpu.memory_space<semaphore_mem>>) src(%dma_wait3A_345 : memref<10240x32xi32, #tpu.memory_space<vmem_shared>>) dst(%dma_wait3A_339 : memref<128x32xi32, #tpu.memory_space<vmem>>)
        %dma_wait3A_346 = arith.constant 5 : i32
        %dma_wait3A_347 = arith.constant 0 : i32
        %dma_wait3A_348 = tpu.memref_slice %arg8[%dma_wait3A_346, %dma_wait3A_347] : memref<8x128xi32, #tpu.memory_space<vmem>> -> memref<1x128xi32, #tpu.memory_space<vmem>>
        %dma_wait3A_349 = tpu.memref_squeeze %dma_wait3A_348 : memref<1x128xi32, #tpu.memory_space<vmem>> -> memref<128xi32, #tpu.memory_space<vmem>>
        %dma_wait3A_350 = arith.constant 0 : i32
        %dma_wait3A_351 = arith.constant 0 : i32
        %dma_wait3A_352 = tpu.memref_slice %arg13[%dma_wait3A_350, %dma_wait3A_351] : memref<10240x64xf32, #tpu.memory_space<vmem_shared>> -> memref<10240x64xf32, #tpu.memory_space<vmem_shared>>
        tpu.wait_indirect_dma semaphore(%arg16 : memref<!tpu.dma_semaphore, #tpu.memory_space<semaphore_mem>>) src(%arg11 : memref<128x64xf32, #tpu.memory_space<vmem>>) dst(%dma_wait3A_352 : memref<10240x64xf32, #tpu.memory_space<vmem_shared>>)
        %parallel_loop3A_353 = arith.constant 0 : i32
        %parallel_loop3A_354 = arith.constant 128 : i32
        %parallel_loop3A_355 = arith.constant 1 : i32
        scf.for %parallel_loop3A_399 = %parallel_loop3A_353 to %parallel_loop3A_354 step %parallel_loop3A_355  : i32 {
          %parallel_loop3A_400 = vector.broadcast %parallel_loop3A_399 : i32 to vector<16xi32>
          %parallel_loop3A_401 = arith.constant 6 : i32
          %parallel_loop3A_402 = arith.constant 0 : i32
          %parallel_loop3A_403 = tpu.memref_slice %arg9[%parallel_loop3A_401, %parallel_loop3A_402] : memref<8x128xf32, #tpu.memory_space<vmem>> -> memref<1x128xf32, #tpu.memory_space<vmem>>
          %parallel_loop3A_404 = tpu.memref_squeeze %parallel_loop3A_403 : memref<1x128xf32, #tpu.memory_space<vmem>> -> memref<128xf32, #tpu.memory_space<vmem>>
          %parallel_loop3A_405 = tpu.vector_load_idx %parallel_loop3A_404[%parallel_loop3A_400] : memref<128xf32, #tpu.memory_space<vmem>>[vector<16xi32>], vector<16xf32>,
          %parallel_loop3A_406 = vector.broadcast %parallel_loop3A_399 : i32 to vector<16xi32>
          %parallel_loop3A_407 = arith.constant 0 : i32
          %parallel_loop3A_408 = arith.index_cast %parallel_loop3A_407 : i32 to index
          %parallel_loop3A_409 = arith.index_cast %parallel_loop3A_399 : i32 to index
          %parallel_loop3A_410 = arith.constant 0 : index
          %parallel_loop3A_411 = tpu.vector_load %arg10[%parallel_loop3A_408, %parallel_loop3A_409, %parallel_loop3A_410] {strides = array<i32>} : memref<2x128x32xi32, #tpu.memory_space<vmem>>, vector<16xi32>,
          %parallel_loop3A_412 = arith.constant 16 : i32
          %parallel_loop3A_413 = vector.broadcast %parallel_loop3A_412 : i32 to vector<16xi32>
          %parallel_loop3A_414 = arith.shli %parallel_loop3A_411, %parallel_loop3A_413 : vector<16xi32>
          %parallel_loop3A_415 = vector.bitcast %parallel_loop3A_414 : vector<16xi32> to vector<16xf32>
          %parallel_loop3A_416 = arith.mulf %parallel_loop3A_415, %parallel_loop3A_405 : vector<16xf32>
          %parallel_loop3A_417 = vector.broadcast %scan3A : i32 to vector<16xi32>
          %parallel_loop3A_418 = arith.andi %parallel_loop3A_411, %parallel_loop3A_417 : vector<16xi32>
          %parallel_loop3A_419 = vector.bitcast %parallel_loop3A_418 : vector<16xi32> to vector<16xf32>
          %parallel_loop3A_420 = arith.mulf %parallel_loop3A_419, %parallel_loop3A_405 : vector<16xf32>
          %parallel_loop3A_421 = tpu.iota {dimensions = array<i32: 0>} : vector<16xi32>
          %parallel_loop3A_422 = arith.constant 2 : i32
          %parallel_loop3A_423 = vector.broadcast %parallel_loop3A_422 : i32 to vector<16xi32>
          %parallel_loop3A_424 = arith.muli %parallel_loop3A_421, %parallel_loop3A_423 : vector<16xi32>
          %parallel_loop3A_425 = arith.constant 0 : i32
          %parallel_loop3A_426 = vector.broadcast %parallel_loop3A_425 : i32 to vector<16xi32>
          %parallel_loop3A_427 = arith.addi %parallel_loop3A_424, %parallel_loop3A_426 : vector<16xi32>
          tpu.vector_store_idx %arg11[%parallel_loop3A_406, %parallel_loop3A_427], %parallel_loop3A_416 : memref<128x64xf32, #tpu.memory_space<vmem>>[vector<16xi32>, vector<16xi32>], vector<16xf32>,
          %parallel_loop3A_428 = arith.constant 1 : i32
          %parallel_loop3A_429 = vector.broadcast %parallel_loop3A_428 : i32 to vector<16xi32>
          %parallel_loop3A_430 = arith.addi %parallel_loop3A_427, %parallel_loop3A_429 : vector<16xi32>
          tpu.vector_store_idx %arg11[%parallel_loop3A_406, %parallel_loop3A_430], %parallel_loop3A_420 : memref<128x64xf32, #tpu.memory_space<vmem>>[vector<16xi32>, vector<16xi32>], vector<16xf32>,
          %parallel_loop3A_431 = arith.constant 0 : i32
          %parallel_loop3A_432 = arith.index_cast %parallel_loop3A_431 : i32 to index
          %parallel_loop3A_433 = arith.index_cast %parallel_loop3A_399 : i32 to index
          %parallel_loop3A_434 = arith.constant 16 : index
          %parallel_loop3A_435 = tpu.vector_load %arg10[%parallel_loop3A_432, %parallel_loop3A_433, %parallel_loop3A_434] {strides = array<i32>} : memref<2x128x32xi32, #tpu.memory_space<vmem>>, vector<16xi32>,
          %parallel_loop3A_436 = arith.constant 16 : i32
          %parallel_loop3A_437 = vector.broadcast %parallel_loop3A_436 : i32 to vector<16xi32>
          %parallel_loop3A_438 = arith.shli %parallel_loop3A_435, %parallel_loop3A_437 : vector<16xi32>
          %parallel_loop3A_439 = vector.bitcast %parallel_loop3A_438 : vector<16xi32> to vector<16xf32>
          %parallel_loop3A_440 = arith.mulf %parallel_loop3A_439, %parallel_loop3A_405 : vector<16xf32>
          %parallel_loop3A_441 = vector.broadcast %scan3A : i32 to vector<16xi32>
          %parallel_loop3A_442 = arith.andi %parallel_loop3A_435, %parallel_loop3A_441 : vector<16xi32>
          %parallel_loop3A_443 = vector.bitcast %parallel_loop3A_442 : vector<16xi32> to vector<16xf32>
          %parallel_loop3A_444 = arith.mulf %parallel_loop3A_443, %parallel_loop3A_405 : vector<16xf32>
          %parallel_loop3A_445 = tpu.iota {dimensions = array<i32: 0>} : vector<16xi32>
          %parallel_loop3A_446 = arith.constant 2 : i32
          %parallel_loop3A_447 = vector.broadcast %parallel_loop3A_446 : i32 to vector<16xi32>
          %parallel_loop3A_448 = arith.muli %parallel_loop3A_445, %parallel_loop3A_447 : vector<16xi32>
          %parallel_loop3A_449 = arith.constant 32 : i32
          %parallel_loop3A_450 = vector.broadcast %parallel_loop3A_449 : i32 to vector<16xi32>
          %parallel_loop3A_451 = arith.addi %parallel_loop3A_448, %parallel_loop3A_450 : vector<16xi32>
          tpu.vector_store_idx %arg11[%parallel_loop3A_406, %parallel_loop3A_451], %parallel_loop3A_440 : memref<128x64xf32, #tpu.memory_space<vmem>>[vector<16xi32>, vector<16xi32>], vector<16xf32>,
          %parallel_loop3A_452 = arith.constant 1 : i32
          %parallel_loop3A_453 = vector.broadcast %parallel_loop3A_452 : i32 to vector<16xi32>
          %parallel_loop3A_454 = arith.addi %parallel_loop3A_451, %parallel_loop3A_453 : vector<16xi32>
          tpu.vector_store_idx %arg11[%parallel_loop3A_406, %parallel_loop3A_454], %parallel_loop3A_444 : memref<128x64xf32, #tpu.memory_space<vmem>>[vector<16xi32>, vector<16xi32>], vector<16xf32>,
        } {sc.loop_unroll_factor = 4 : i64, sc.parallel_access}
        %dma_start3A_356 = arith.constant 6 : i32
        %dma_start3A_357 = arith.constant 0 : i32
        %dma_start3A_358 = tpu.memref_slice %arg8[%dma_start3A_356, %dma_start3A_357] : memref<8x128xi32, #tpu.memory_space<vmem>> -> memref<1x128xi32, #tpu.memory_space<vmem>>
        %dma_start3A_359 = tpu.memref_squeeze %dma_start3A_358 : memref<1x128xi32, #tpu.memory_space<vmem>> -> memref<128xi32, #tpu.memory_space<vmem>>
        %dma_start3A_360 = arith.constant 0 : i32
        %dma_start3A_361 = arith.constant 0 : i32
        %dma_start3A_362 = tpu.memref_slice %arg13[%dma_start3A_360, %dma_start3A_361] : memref<10240x64xf32, #tpu.memory_space<vmem_shared>> -> memref<10240x64xf32, #tpu.memory_space<vmem_shared>>
        tpu.enqueue_indirect_dma source(%arg11 : memref<128x64xf32, #tpu.memory_space<vmem>>) target(%dma_start3A_362 : memref<10240x64xf32, #tpu.memory_space<vmem_shared>>) offsets(%dma_start3A_359 : memref<128xi32, #tpu.memory_space<vmem>>) semaphore(%arg16 : memref<!tpu.dma_semaphore, #tpu.memory_space<semaphore_mem>>) {add = true}
        %dma_wait3A_363 = arith.constant 7 : i32
        %dma_wait3A_364 = arith.constant 1 : i32
        %dma_wait3A_365 = arith.constant 0 : i32
        %dma_wait3A_366 = arith.constant 0 : i32
        %dma_wait3A_367 = tpu.memref_slice %arg10[%dma_wait3A_364, %dma_wait3A_365, %dma_wait3A_366] : memref<2x128x32xi32, #tpu.memory_space<vmem>> -> memref<1x128x32xi32, #tpu.memory_space<vmem>>
        %dma_wait3A_368 = tpu.memref_squeeze %dma_wait3A_367 : memref<1x128x32xi32, #tpu.memory_space<vmem>> -> memref<128x32xi32, #tpu.memory_space<vmem>>
        %dma_wait3A_369 = arith.constant 0 : i32
        %dma_wait3A_370 = tpu.memref_slice %arg7[%dma_wait3A_363, %dma_wait3A_369] : memref<8x128xi32, #tpu.memory_space<vmem>> -> memref<1x128xi32, #tpu.memory_space<vmem>>
        %dma_wait3A_371 = tpu.memref_squeeze %dma_wait3A_370 : memref<1x128xi32, #tpu.memory_space<vmem>> -> memref<128xi32, #tpu.memory_space<vmem>>
        %dma_wait3A_372 = arith.constant 0 : i32
        %dma_wait3A_373 = arith.constant 0 : i32
        %dma_wait3A_374 = tpu.memref_slice %arg12[%dma_wait3A_372, %dma_wait3A_373] : memref<10240x32xi32, #tpu.memory_space<vmem_shared>> -> memref<10240x32xi32, #tpu.memory_space<vmem_shared>>
        tpu.wait_indirect_dma semaphore(%arg15 : memref<!tpu.dma_semaphore, #tpu.memory_space<semaphore_mem>>) src(%dma_wait3A_374 : memref<10240x32xi32, #tpu.memory_space<vmem_shared>>) dst(%dma_wait3A_368 : memref<128x32xi32, #tpu.memory_space<vmem>>)
        %dma_wait3A_375 = arith.constant 6 : i32
        %dma_wait3A_376 = arith.constant 0 : i32
        %dma_wait3A_377 = tpu.memref_slice %arg8[%dma_wait3A_375, %dma_wait3A_376] : memref<8x128xi32, #tpu.memory_space<vmem>> -> memref<1x128xi32, #tpu.memory_space<vmem>>
        %dma_wait3A_378 = tpu.memref_squeeze %dma_wait3A_377 : memref<1x128xi32, #tpu.memory_space<vmem>> -> memref<128xi32, #tpu.memory_space<vmem>>
        %dma_wait3A_379 = arith.constant 0 : i32
        %dma_wait3A_380 = arith.constant 0 : i32
        %dma_wait3A_381 = tpu.memref_slice %arg13[%dma_wait3A_379, %dma_wait3A_380] : memref<10240x64xf32, #tpu.memory_space<vmem_shared>> -> memref<10240x64xf32, #tpu.memory_space<vmem_shared>>
        tpu.wait_indirect_dma semaphore(%arg16 : memref<!tpu.dma_semaphore, #tpu.memory_space<semaphore_mem>>) src(%arg11 : memref<128x64xf32, #tpu.memory_space<vmem>>) dst(%dma_wait3A_381 : memref<10240x64xf32, #tpu.memory_space<vmem_shared>>)
        %parallel_loop3A_382 = arith.constant 0 : i32
        %parallel_loop3A_383 = arith.constant 128 : i32
        %parallel_loop3A_384 = arith.constant 1 : i32
        scf.for %parallel_loop3A_399 = %parallel_loop3A_382 to %parallel_loop3A_383 step %parallel_loop3A_384  : i32 {
          %parallel_loop3A_400 = vector.broadcast %parallel_loop3A_399 : i32 to vector<16xi32>
          %parallel_loop3A_401 = arith.constant 7 : i32
          %parallel_loop3A_402 = arith.constant 0 : i32
          %parallel_loop3A_403 = tpu.memref_slice %arg9[%parallel_loop3A_401, %parallel_loop3A_402] : memref<8x128xf32, #tpu.memory_space<vmem>> -> memref<1x128xf32, #tpu.memory_space<vmem>>
          %parallel_loop3A_404 = tpu.memref_squeeze %parallel_loop3A_403 : memref<1x128xf32, #tpu.memory_space<vmem>> -> memref<128xf32, #tpu.memory_space<vmem>>
          %parallel_loop3A_405 = tpu.vector_load_idx %parallel_loop3A_404[%parallel_loop3A_400] : memref<128xf32, #tpu.memory_space<vmem>>[vector<16xi32>], vector<16xf32>,
          %parallel_loop3A_406 = vector.broadcast %parallel_loop3A_399 : i32 to vector<16xi32>
          %parallel_loop3A_407 = arith.constant 1 : i32
          %parallel_loop3A_408 = arith.index_cast %parallel_loop3A_407 : i32 to index
          %parallel_loop3A_409 = arith.index_cast %parallel_loop3A_399 : i32 to index
          %parallel_loop3A_410 = arith.constant 0 : index
          %parallel_loop3A_411 = tpu.vector_load %arg10[%parallel_loop3A_408, %parallel_loop3A_409, %parallel_loop3A_410] {strides = array<i32>} : memref<2x128x32xi32, #tpu.memory_space<vmem>>, vector<16xi32>,
          %parallel_loop3A_412 = arith.constant 16 : i32
          %parallel_loop3A_413 = vector.broadcast %parallel_loop3A_412 : i32 to vector<16xi32>
          %parallel_loop3A_414 = arith.shli %parallel_loop3A_411, %parallel_loop3A_413 : vector<16xi32>
          %parallel_loop3A_415 = vector.bitcast %parallel_loop3A_414 : vector<16xi32> to vector<16xf32>
          %parallel_loop3A_416 = arith.mulf %parallel_loop3A_415, %parallel_loop3A_405 : vector<16xf32>
          %parallel_loop3A_417 = vector.broadcast %scan3A : i32 to vector<16xi32>
          %parallel_loop3A_418 = arith.andi %parallel_loop3A_411, %parallel_loop3A_417 : vector<16xi32>
          %parallel_loop3A_419 = vector.bitcast %parallel_loop3A_418 : vector<16xi32> to vector<16xf32>
          %parallel_loop3A_420 = arith.mulf %parallel_loop3A_419, %parallel_loop3A_405 : vector<16xf32>
          %parallel_loop3A_421 = tpu.iota {dimensions = array<i32: 0>} : vector<16xi32>
          %parallel_loop3A_422 = arith.constant 2 : i32
          %parallel_loop3A_423 = vector.broadcast %parallel_loop3A_422 : i32 to vector<16xi32>
          %parallel_loop3A_424 = arith.muli %parallel_loop3A_421, %parallel_loop3A_423 : vector<16xi32>
          %parallel_loop3A_425 = arith.constant 0 : i32
          %parallel_loop3A_426 = vector.broadcast %parallel_loop3A_425 : i32 to vector<16xi32>
          %parallel_loop3A_427 = arith.addi %parallel_loop3A_424, %parallel_loop3A_426 : vector<16xi32>
          tpu.vector_store_idx %arg11[%parallel_loop3A_406, %parallel_loop3A_427], %parallel_loop3A_416 : memref<128x64xf32, #tpu.memory_space<vmem>>[vector<16xi32>, vector<16xi32>], vector<16xf32>,
          %parallel_loop3A_428 = arith.constant 1 : i32
          %parallel_loop3A_429 = vector.broadcast %parallel_loop3A_428 : i32 to vector<16xi32>
          %parallel_loop3A_430 = arith.addi %parallel_loop3A_427, %parallel_loop3A_429 : vector<16xi32>
          tpu.vector_store_idx %arg11[%parallel_loop3A_406, %parallel_loop3A_430], %parallel_loop3A_420 : memref<128x64xf32, #tpu.memory_space<vmem>>[vector<16xi32>, vector<16xi32>], vector<16xf32>,
          %parallel_loop3A_431 = arith.constant 1 : i32
          %parallel_loop3A_432 = arith.index_cast %parallel_loop3A_431 : i32 to index
          %parallel_loop3A_433 = arith.index_cast %parallel_loop3A_399 : i32 to index
          %parallel_loop3A_434 = arith.constant 16 : index
          %parallel_loop3A_435 = tpu.vector_load %arg10[%parallel_loop3A_432, %parallel_loop3A_433, %parallel_loop3A_434] {strides = array<i32>} : memref<2x128x32xi32, #tpu.memory_space<vmem>>, vector<16xi32>,
          %parallel_loop3A_436 = arith.constant 16 : i32
          %parallel_loop3A_437 = vector.broadcast %parallel_loop3A_436 : i32 to vector<16xi32>
          %parallel_loop3A_438 = arith.shli %parallel_loop3A_435, %parallel_loop3A_437 : vector<16xi32>
          %parallel_loop3A_439 = vector.bitcast %parallel_loop3A_438 : vector<16xi32> to vector<16xf32>
          %parallel_loop3A_440 = arith.mulf %parallel_loop3A_439, %parallel_loop3A_405 : vector<16xf32>
          %parallel_loop3A_441 = vector.broadcast %scan3A : i32 to vector<16xi32>
          %parallel_loop3A_442 = arith.andi %parallel_loop3A_435, %parallel_loop3A_441 : vector<16xi32>
          %parallel_loop3A_443 = vector.bitcast %parallel_loop3A_442 : vector<16xi32> to vector<16xf32>
          %parallel_loop3A_444 = arith.mulf %parallel_loop3A_443, %parallel_loop3A_405 : vector<16xf32>
          %parallel_loop3A_445 = tpu.iota {dimensions = array<i32: 0>} : vector<16xi32>
          %parallel_loop3A_446 = arith.constant 2 : i32
          %parallel_loop3A_447 = vector.broadcast %parallel_loop3A_446 : i32 to vector<16xi32>
          %parallel_loop3A_448 = arith.muli %parallel_loop3A_445, %parallel_loop3A_447 : vector<16xi32>
          %parallel_loop3A_449 = arith.constant 32 : i32
          %parallel_loop3A_450 = vector.broadcast %parallel_loop3A_449 : i32 to vector<16xi32>
          %parallel_loop3A_451 = arith.addi %parallel_loop3A_448, %parallel_loop3A_450 : vector<16xi32>
          tpu.vector_store_idx %arg11[%parallel_loop3A_406, %parallel_loop3A_451], %parallel_loop3A_440 : memref<128x64xf32, #tpu.memory_space<vmem>>[vector<16xi32>, vector<16xi32>], vector<16xf32>,
          %parallel_loop3A_452 = arith.constant 1 : i32
          %parallel_loop3A_453 = vector.broadcast %parallel_loop3A_452 : i32 to vector<16xi32>
          %parallel_loop3A_454 = arith.addi %parallel_loop3A_451, %parallel_loop3A_453 : vector<16xi32>
          tpu.vector_store_idx %arg11[%parallel_loop3A_406, %parallel_loop3A_454], %parallel_loop3A_444 : memref<128x64xf32, #tpu.memory_space<vmem>>[vector<16xi32>, vector<16xi32>], vector<16xf32>,
        } {sc.loop_unroll_factor = 4 : i64, sc.parallel_access}
        %dma_start3A_385 = arith.constant 7 : i32
        %dma_start3A_386 = arith.constant 0 : i32
        %dma_start3A_387 = tpu.memref_slice %arg8[%dma_start3A_385, %dma_start3A_386] : memref<8x128xi32, #tpu.memory_space<vmem>> -> memref<1x128xi32, #tpu.memory_space<vmem>>
        %dma_start3A_388 = tpu.memref_squeeze %dma_start3A_387 : memref<1x128xi32, #tpu.memory_space<vmem>> -> memref<128xi32, #tpu.memory_space<vmem>>
        %dma_start3A_389 = arith.constant 0 : i32
        %dma_start3A_390 = arith.constant 0 : i32
        %dma_start3A_391 = tpu.memref_slice %arg13[%dma_start3A_389, %dma_start3A_390] : memref<10240x64xf32, #tpu.memory_space<vmem_shared>> -> memref<10240x64xf32, #tpu.memory_space<vmem_shared>>
        tpu.enqueue_indirect_dma source(%arg11 : memref<128x64xf32, #tpu.memory_space<vmem>>) target(%dma_start3A_391 : memref<10240x64xf32, #tpu.memory_space<vmem_shared>>) offsets(%dma_start3A_388 : memref<128xi32, #tpu.memory_space<vmem>>) semaphore(%arg16 : memref<!tpu.dma_semaphore, #tpu.memory_space<semaphore_mem>>) {add = true}
        %dma_wait3A_392 = arith.constant 7 : i32
        %dma_wait3A_393 = arith.constant 0 : i32
        %dma_wait3A_394 = tpu.memref_slice %arg8[%dma_wait3A_392, %dma_wait3A_393] : memref<8x128xi32, #tpu.memory_space<vmem>> -> memref<1x128xi32, #tpu.memory_space<vmem>>
        %dma_wait3A_395 = tpu.memref_squeeze %dma_wait3A_394 : memref<1x128xi32, #tpu.memory_space<vmem>> -> memref<128xi32, #tpu.memory_space<vmem>>
        %dma_wait3A_396 = arith.constant 0 : i32
        %dma_wait3A_397 = arith.constant 0 : i32
        %dma_wait3A_398 = tpu.memref_slice %arg13[%dma_wait3A_396, %dma_wait3A_397] : memref<10240x64xf32, #tpu.memory_space<vmem_shared>> -> memref<10240x64xf32, #tpu.memory_space<vmem_shared>>
        tpu.wait_indirect_dma semaphore(%arg16 : memref<!tpu.dma_semaphore, #tpu.memory_space<semaphore_mem>>) src(%arg11 : memref<128x64xf32, #tpu.memory_space<vmem>>) dst(%dma_wait3A_398 : memref<10240x64xf32, #tpu.memory_space<vmem_shared>>)
      }
      %scan3A_41 = arith.constant 20 : i32
      %barrier3A_42 = arith.constant 0 : index
      tpu.barrier barrier_id(%barrier3A_42)
      %mul3A_43 = arith.constant 640 : i32
      %mul3A_44 = arith.muli %arg1, %mul3A_43 : i32
      %add3A_45 = arith.constant 0 : i32
      %add3A_46 = arith.addi %mul3A_44, %add3A_45 : i32
      "tpu.region"() ({
        %run_scoped3A = tpu.sem_alloc : memref<!tpu.dma_semaphore, #tpu.memory_space<semaphore_mem>>
        %dma_start3A = arith.constant 0 : i32
        %dma_start3A_64 = tpu.memref_slice %arg13[%add3A_46, %dma_start3A] : memref<10240x64xf32, #tpu.memory_space<vmem_shared>> -> memref<128x64xf32, #tpu.memory_space<vmem_shared>>
        %dma_start3A_65 = arith.constant 0 : i32
        %dma_start3A_66 = tpu.memref_slice %arg13[%add3A_46, %dma_start3A_65] : memref<10240x64xf32, #tpu.memory_space<vmem_shared>> -> memref<128x64xf32, #tpu.memory_space<vmem_shared>>
        tpu.enqueue_dma source(%dma_start3A_66 : memref<128x64xf32, #tpu.memory_space<vmem_shared>>) target(%arg11 : memref<128x64xf32, #tpu.memory_space<vmem>>) target_semaphore(%run_scoped3A : memref<!tpu.dma_semaphore, #tpu.memory_space<semaphore_mem>>)
        %dma_wait3A = arith.constant 0 : i32
        %dma_wait3A_67 = tpu.memref_slice %arg13[%add3A_46, %dma_wait3A] : memref<10240x64xf32, #tpu.memory_space<vmem_shared>> -> memref<128x64xf32, #tpu.memory_space<vmem_shared>>
        %dma_wait3A_68 = arith.constant 0 : i32
        %dma_wait3A_69 = tpu.memref_slice %arg13[%add3A_46, %dma_wait3A_68] : memref<10240x64xf32, #tpu.memory_space<vmem_shared>> -> memref<128x64xf32, #tpu.memory_space<vmem_shared>>
        tpu.wait_dma2 semaphore(%run_scoped3A : memref<!tpu.dma_semaphore, #tpu.memory_space<semaphore_mem>>) src(%dma_wait3A_69 : memref<128x64xf32, #tpu.memory_space<vmem_shared>>) dst(%arg11 : memref<128x64xf32, #tpu.memory_space<vmem>>)
        tpu.yield
      }) : () -> ()
      "tpu.region"() ({
        %run_scoped3A = tpu.sem_alloc : memref<!tpu.dma_semaphore, #tpu.memory_space<semaphore_mem>>
        %dma_start3A = arith.constant 0 : i32
        %dma_start3A_64 = arith.constant 0 : i32
        %dma_start3A_65 = arith.constant 0 : i32
        %dma_start3A_66 = tpu.memref_slice %arg6[%arg0, %dma_start3A, %dma_start3A_64, %dma_start3A_65] : memref<2x8x10240x64xf32, #tpu.memory_space<hbm>> -> memref<1x8x10240x64xf32, #tpu.memory_space<hbm>>
        %dma_start3A_67 = tpu.memref_squeeze %dma_start3A_66 : memref<1x8x10240x64xf32, #tpu.memory_space<hbm>> -> memref<8x10240x64xf32, #tpu.memory_space<hbm>>
        %dma_start3A_68 = arith.constant 0 : i32
        %dma_start3A_69 = arith.constant 0 : i32
        %dma_start3A_70 = tpu.memref_slice %dma_start3A_67[%add3A_7, %dma_start3A_68, %dma_start3A_69] : memref<8x10240x64xf32, #tpu.memory_space<hbm>> -> memref<1x10240x64xf32, #tpu.memory_space<hbm>>
        %dma_start3A_71 = tpu.memref_squeeze %dma_start3A_70 : memref<1x10240x64xf32, #tpu.memory_space<hbm>> -> memref<10240x64xf32, #tpu.memory_space<hbm>>
        %dma_start3A_72 = arith.constant 0 : i32
        %dma_start3A_73 = tpu.memref_slice %dma_start3A_71[%add3A_46, %dma_start3A_72] : memref<10240x64xf32, #tpu.memory_space<hbm>> -> memref<128x64xf32, #tpu.memory_space<hbm>>
        %dma_start3A_74 = arith.constant 0 : i32
        %dma_start3A_75 = arith.constant 0 : i32
        %dma_start3A_76 = arith.constant 0 : i32
        %dma_start3A_77 = tpu.memref_slice %arg6[%arg0, %dma_start3A_74, %dma_start3A_75, %dma_start3A_76] : memref<2x8x10240x64xf32, #tpu.memory_space<hbm>> -> memref<1x8x10240x64xf32, #tpu.memory_space<hbm>>
        %dma_start3A_78 = tpu.memref_squeeze %dma_start3A_77 : memref<1x8x10240x64xf32, #tpu.memory_space<hbm>> -> memref<8x10240x64xf32, #tpu.memory_space<hbm>>
        %dma_start3A_79 = arith.constant 0 : i32
        %dma_start3A_80 = arith.constant 0 : i32
        %dma_start3A_81 = tpu.memref_slice %dma_start3A_78[%add3A_7, %dma_start3A_79, %dma_start3A_80] : memref<8x10240x64xf32, #tpu.memory_space<hbm>> -> memref<1x10240x64xf32, #tpu.memory_space<hbm>>
        %dma_start3A_82 = tpu.memref_squeeze %dma_start3A_81 : memref<1x10240x64xf32, #tpu.memory_space<hbm>> -> memref<10240x64xf32, #tpu.memory_space<hbm>>
        %dma_start3A_83 = arith.constant 0 : i32
        %dma_start3A_84 = tpu.memref_slice %dma_start3A_82[%add3A_46, %dma_start3A_83] : memref<10240x64xf32, #tpu.memory_space<hbm>> -> memref<128x64xf32, #tpu.memory_space<hbm>>
        tpu.enqueue_dma source(%arg11 : memref<128x64xf32, #tpu.memory_space<vmem>>) target(%dma_start3A_84 : memref<128x64xf32, #tpu.memory_space<hbm>>) target_semaphore(%run_scoped3A : memref<!tpu.dma_semaphore, #tpu.memory_space<semaphore_mem>>)
        %dma_wait3A = arith.constant 0 : i32
        %dma_wait3A_85 = arith.constant 0 : i32
        %dma_wait3A_86 = arith.constant 0 : i32
        %dma_wait3A_87 = tpu.memref_slice %arg6[%arg0, %dma_wait3A, %dma_wait3A_85, %dma_wait3A_86] : memref<2x8x10240x64xf32, #tpu.memory_space<hbm>> -> memref<1x8x10240x64xf32, #tpu.memory_space<hbm>>
        %dma_wait3A_88 = tpu.memref_squeeze %dma_wait3A_87 : memref<1x8x10240x64xf32, #tpu.memory_space<hbm>> -> memref<8x10240x64xf32, #tpu.memory_space<hbm>>
        %dma_wait3A_89 = arith.constant 0 : i32
        %dma_wait3A_90 = arith.constant 0 : i32
        %dma_wait3A_91 = tpu.memref_slice %dma_wait3A_88[%add3A_7, %dma_wait3A_89, %dma_wait3A_90] : memref<8x10240x64xf32, #tpu.memory_space<hbm>> -> memref<1x10240x64xf32, #tpu.memory_space<hbm>>
        %dma_wait3A_92 = tpu.memref_squeeze %dma_wait3A_91 : memref<1x10240x64xf32, #tpu.memory_space<hbm>> -> memref<10240x64xf32, #tpu.memory_space<hbm>>
        %dma_wait3A_93 = arith.constant 0 : i32
        %dma_wait3A_94 = tpu.memref_slice %dma_wait3A_92[%add3A_46, %dma_wait3A_93] : memref<10240x64xf32, #tpu.memory_space<hbm>> -> memref<128x64xf32, #tpu.memory_space<hbm>>
        %dma_wait3A_95 = arith.constant 0 : i32
        %dma_wait3A_96 = arith.constant 0 : i32
        %dma_wait3A_97 = arith.constant 0 : i32
        %dma_wait3A_98 = tpu.memref_slice %arg6[%arg0, %dma_wait3A_95, %dma_wait3A_96, %dma_wait3A_97] : memref<2x8x10240x64xf32, #tpu.memory_space<hbm>> -> memref<1x8x10240x64xf32, #tpu.memory_space<hbm>>
        %dma_wait3A_99 = tpu.memref_squeeze %dma_wait3A_98 : memref<1x8x10240x64xf32, #tpu.memory_space<hbm>> -> memref<8x10240x64xf32, #tpu.memory_space<hbm>>
        %dma_wait3A_100 = arith.constant 0 : i32
        %dma_wait3A_101 = arith.constant 0 : i32
        %dma_wait3A_102 = tpu.memref_slice %dma_wait3A_99[%add3A_7, %dma_wait3A_100, %dma_wait3A_101] : memref<8x10240x64xf32, #tpu.memory_space<hbm>> -> memref<1x10240x64xf32, #tpu.memory_space<hbm>>
        %dma_wait3A_103 = tpu.memref_squeeze %dma_wait3A_102 : memref<1x10240x64xf32, #tpu.memory_space<hbm>> -> memref<10240x64xf32, #tpu.memory_space<hbm>>
        %dma_wait3A_104 = arith.constant 0 : i32
        %dma_wait3A_105 = tpu.memref_slice %dma_wait3A_103[%add3A_46, %dma_wait3A_104] : memref<10240x64xf32, #tpu.memory_space<hbm>> -> memref<128x64xf32, #tpu.memory_space<hbm>>
        tpu.wait_dma2 semaphore(%run_scoped3A : memref<!tpu.dma_semaphore, #tpu.memory_space<semaphore_mem>>) src(%arg11 : memref<128x64xf32, #tpu.memory_space<vmem>>) dst(%dma_wait3A_105 : memref<128x64xf32, #tpu.memory_space<hbm>>)
        tpu.yield
      }) : () -> ()
      %mul3A_47 = arith.constant 640 : i32
      %mul3A_48 = arith.muli %arg1, %mul3A_47 : i32
      %add3A_49 = arith.constant 128 : i32
      %add3A_50 = arith.addi %mul3A_48, %add3A_49 : i32
      "tpu.region"() ({
        %run_scoped3A = tpu.sem_alloc : memref<!tpu.dma_semaphore, #tpu.memory_space<semaphore_mem>>
        %dma_start3A = arith.constant 0 : i32
        %dma_start3A_64 = tpu.memref_slice %arg13[%add3A_50, %dma_start3A] : memref<10240x64xf32, #tpu.memory_space<vmem_shared>> -> memref<128x64xf32, #tpu.memory_space<vmem_shared>>
        %dma_start3A_65 = arith.constant 0 : i32
        %dma_start3A_66 = tpu.memref_slice %arg13[%add3A_50, %dma_start3A_65] : memref<10240x64xf32, #tpu.memory_space<vmem_shared>> -> memref<128x64xf32, #tpu.memory_space<vmem_shared>>
        tpu.enqueue_dma source(%dma_start3A_66 : memref<128x64xf32, #tpu.memory_space<vmem_shared>>) target(%arg11 : memref<128x64xf32, #tpu.memory_space<vmem>>) target_semaphore(%run_scoped3A : memref<!tpu.dma_semaphore, #tpu.memory_space<semaphore_mem>>)
        %dma_wait3A = arith.constant 0 : i32
        %dma_wait3A_67 = tpu.memref_slice %arg13[%add3A_50, %dma_wait3A] : memref<10240x64xf32, #tpu.memory_space<vmem_shared>> -> memref<128x64xf32, #tpu.memory_space<vmem_shared>>
        %dma_wait3A_68 = arith.constant 0 : i32
        %dma_wait3A_69 = tpu.memref_slice %arg13[%add3A_50, %dma_wait3A_68] : memref<10240x64xf32, #tpu.memory_space<vmem_shared>> -> memref<128x64xf32, #tpu.memory_space<vmem_shared>>
        tpu.wait_dma2 semaphore(%run_scoped3A : memref<!tpu.dma_semaphore, #tpu.memory_space<semaphore_mem>>) src(%dma_wait3A_69 : memref<128x64xf32, #tpu.memory_space<vmem_shared>>) dst(%arg11 : memref<128x64xf32, #tpu.memory_space<vmem>>)
        tpu.yield
      }) : () -> ()
      "tpu.region"() ({
        %run_scoped3A = tpu.sem_alloc : memref<!tpu.dma_semaphore, #tpu.memory_space<semaphore_mem>>
        %dma_start3A = arith.constant 0 : i32
        %dma_start3A_64 = arith.constant 0 : i32
        %dma_start3A_65 = arith.constant 0 : i32
        %dma_start3A_66 = tpu.memref_slice %arg6[%arg0, %dma_start3A, %dma_start3A_64, %dma_start3A_65] : memref<2x8x10240x64xf32, #tpu.memory_space<hbm>> -> memref<1x8x10240x64xf32, #tpu.memory_space<hbm>>
        %dma_start3A_67 = tpu.memref_squeeze %dma_start3A_66 : memref<1x8x10240x64xf32, #tpu.memory_space<hbm>> -> memref<8x10240x64xf32, #tpu.memory_space<hbm>>
        %dma_start3A_68 = arith.constant 0 : i32
        %dma_start3A_69 = arith.constant 0 : i32
        %dma_start3A_70 = tpu.memref_slice %dma_start3A_67[%add3A_7, %dma_start3A_68, %dma_start3A_69] : memref<8x10240x64xf32, #tpu.memory_space<hbm>> -> memref<1x10240x64xf32, #tpu.memory_space<hbm>>
        %dma_start3A_71 = tpu.memref_squeeze %dma_start3A_70 : memref<1x10240x64xf32, #tpu.memory_space<hbm>> -> memref<10240x64xf32, #tpu.memory_space<hbm>>
        %dma_start3A_72 = arith.constant 0 : i32
        %dma_start3A_73 = tpu.memref_slice %dma_start3A_71[%add3A_50, %dma_start3A_72] : memref<10240x64xf32, #tpu.memory_space<hbm>> -> memref<128x64xf32, #tpu.memory_space<hbm>>
        %dma_start3A_74 = arith.constant 0 : i32
        %dma_start3A_75 = arith.constant 0 : i32
        %dma_start3A_76 = arith.constant 0 : i32
        %dma_start3A_77 = tpu.memref_slice %arg6[%arg0, %dma_start3A_74, %dma_start3A_75, %dma_start3A_76] : memref<2x8x10240x64xf32, #tpu.memory_space<hbm>> -> memref<1x8x10240x64xf32, #tpu.memory_space<hbm>>
        %dma_start3A_78 = tpu.memref_squeeze %dma_start3A_77 : memref<1x8x10240x64xf32, #tpu.memory_space<hbm>> -> memref<8x10240x64xf32, #tpu.memory_space<hbm>>
        %dma_start3A_79 = arith.constant 0 : i32
        %dma_start3A_80 = arith.constant 0 : i32
        %dma_start3A_81 = tpu.memref_slice %dma_start3A_78[%add3A_7, %dma_start3A_79, %dma_start3A_80] : memref<8x10240x64xf32, #tpu.memory_space<hbm>> -> memref<1x10240x64xf32, #tpu.memory_space<hbm>>
        %dma_start3A_82 = tpu.memref_squeeze %dma_start3A_81 : memref<1x10240x64xf32, #tpu.memory_space<hbm>> -> memref<10240x64xf32, #tpu.memory_space<hbm>>
        %dma_start3A_83 = arith.constant 0 : i32
        %dma_start3A_84 = tpu.memref_slice %dma_start3A_82[%add3A_50, %dma_start3A_83] : memref<10240x64xf32, #tpu.memory_space<hbm>> -> memref<128x64xf32, #tpu.memory_space<hbm>>
        tpu.enqueue_dma source(%arg11 : memref<128x64xf32, #tpu.memory_space<vmem>>) target(%dma_start3A_84 : memref<128x64xf32, #tpu.memory_space<hbm>>) target_semaphore(%run_scoped3A : memref<!tpu.dma_semaphore, #tpu.memory_space<semaphore_mem>>)
        %dma_wait3A = arith.constant 0 : i32
        %dma_wait3A_85 = arith.constant 0 : i32
        %dma_wait3A_86 = arith.constant 0 : i32
        %dma_wait3A_87 = tpu.memref_slice %arg6[%arg0, %dma_wait3A, %dma_wait3A_85, %dma_wait3A_86] : memref<2x8x10240x64xf32, #tpu.memory_space<hbm>> -> memref<1x8x10240x64xf32, #tpu.memory_space<hbm>>
        %dma_wait3A_88 = tpu.memref_squeeze %dma_wait3A_87 : memref<1x8x10240x64xf32, #tpu.memory_space<hbm>> -> memref<8x10240x64xf32, #tpu.memory_space<hbm>>
        %dma_wait3A_89 = arith.constant 0 : i32
        %dma_wait3A_90 = arith.constant 0 : i32
        %dma_wait3A_91 = tpu.memref_slice %dma_wait3A_88[%add3A_7, %dma_wait3A_89, %dma_wait3A_90] : memref<8x10240x64xf32, #tpu.memory_space<hbm>> -> memref<1x10240x64xf32, #tpu.memory_space<hbm>>
        %dma_wait3A_92 = tpu.memref_squeeze %dma_wait3A_91 : memref<1x10240x64xf32, #tpu.memory_space<hbm>> -> memref<10240x64xf32, #tpu.memory_space<hbm>>
        %dma_wait3A_93 = arith.constant 0 : i32
        %dma_wait3A_94 = tpu.memref_slice %dma_wait3A_92[%add3A_50, %dma_wait3A_93] : memref<10240x64xf32, #tpu.memory_space<hbm>> -> memref<128x64xf32, #tpu.memory_space<hbm>>
        %dma_wait3A_95 = arith.constant 0 : i32
        %dma_wait3A_96 = arith.constant 0 : i32
        %dma_wait3A_97 = arith.constant 0 : i32
        %dma_wait3A_98 = tpu.memref_slice %arg6[%arg0, %dma_wait3A_95, %dma_wait3A_96, %dma_wait3A_97] : memref<2x8x10240x64xf32, #tpu.memory_space<hbm>> -> memref<1x8x10240x64xf32, #tpu.memory_space<hbm>>
        %dma_wait3A_99 = tpu.memref_squeeze %dma_wait3A_98 : memref<1x8x10240x64xf32, #tpu.memory_space<hbm>> -> memref<8x10240x64xf32, #tpu.memory_space<hbm>>
        %dma_wait3A_100 = arith.constant 0 : i32
        %dma_wait3A_101 = arith.constant 0 : i32
        %dma_wait3A_102 = tpu.memref_slice %dma_wait3A_99[%add3A_7, %dma_wait3A_100, %dma_wait3A_101] : memref<8x10240x64xf32, #tpu.memory_space<hbm>> -> memref<1x10240x64xf32, #tpu.memory_space<hbm>>
        %dma_wait3A_103 = tpu.memref_squeeze %dma_wait3A_102 : memref<1x10240x64xf32, #tpu.memory_space<hbm>> -> memref<10240x64xf32, #tpu.memory_space<hbm>>
        %dma_wait3A_104 = arith.constant 0 : i32
        %dma_wait3A_105 = tpu.memref_slice %dma_wait3A_103[%add3A_50, %dma_wait3A_104] : memref<10240x64xf32, #tpu.memory_space<hbm>> -> memref<128x64xf32, #tpu.memory_space<hbm>>
        tpu.wait_dma2 semaphore(%run_scoped3A : memref<!tpu.dma_semaphore, #tpu.memory_space<semaphore_mem>>) src(%arg11 : memref<128x64xf32, #tpu.memory_space<vmem>>) dst(%dma_wait3A_105 : memref<128x64xf32, #tpu.memory_space<hbm>>)
        tpu.yield
      }) : () -> ()
      %mul3A_51 = arith.constant 640 : i32
      %mul3A_52 = arith.muli %arg1, %mul3A_51 : i32
      %add3A_53 = arith.constant 256 : i32
      %add3A_54 = arith.addi %mul3A_52, %add3A_53 : i32
      "tpu.region"() ({
        %run_scoped3A = tpu.sem_alloc : memref<!tpu.dma_semaphore, #tpu.memory_space<semaphore_mem>>
        %dma_start3A = arith.constant 0 : i32
        %dma_start3A_64 = tpu.memref_slice %arg13[%add3A_54, %dma_start3A] : memref<10240x64xf32, #tpu.memory_space<vmem_shared>> -> memref<128x64xf32, #tpu.memory_space<vmem_shared>>
        %dma_start3A_65 = arith.constant 0 : i32
        %dma_start3A_66 = tpu.memref_slice %arg13[%add3A_54, %dma_start3A_65] : memref<10240x64xf32, #tpu.memory_space<vmem_shared>> -> memref<128x64xf32, #tpu.memory_space<vmem_shared>>
        tpu.enqueue_dma source(%dma_start3A_66 : memref<128x64xf32, #tpu.memory_space<vmem_shared>>) target(%arg11 : memref<128x64xf32, #tpu.memory_space<vmem>>) target_semaphore(%run_scoped3A : memref<!tpu.dma_semaphore, #tpu.memory_space<semaphore_mem>>)
        %dma_wait3A = arith.constant 0 : i32
        %dma_wait3A_67 = tpu.memref_slice %arg13[%add3A_54, %dma_wait3A] : memref<10240x64xf32, #tpu.memory_space<vmem_shared>> -> memref<128x64xf32, #tpu.memory_space<vmem_shared>>
        %dma_wait3A_68 = arith.constant 0 : i32
        %dma_wait3A_69 = tpu.memref_slice %arg13[%add3A_54, %dma_wait3A_68] : memref<10240x64xf32, #tpu.memory_space<vmem_shared>> -> memref<128x64xf32, #tpu.memory_space<vmem_shared>>
        tpu.wait_dma2 semaphore(%run_scoped3A : memref<!tpu.dma_semaphore, #tpu.memory_space<semaphore_mem>>) src(%dma_wait3A_69 : memref<128x64xf32, #tpu.memory_space<vmem_shared>>) dst(%arg11 : memref<128x64xf32, #tpu.memory_space<vmem>>)
        tpu.yield
      }) : () -> ()
      "tpu.region"() ({
        %run_scoped3A = tpu.sem_alloc : memref<!tpu.dma_semaphore, #tpu.memory_space<semaphore_mem>>
        %dma_start3A = arith.constant 0 : i32
        %dma_start3A_64 = arith.constant 0 : i32
        %dma_start3A_65 = arith.constant 0 : i32
        %dma_start3A_66 = tpu.memref_slice %arg6[%arg0, %dma_start3A, %dma_start3A_64, %dma_start3A_65] : memref<2x8x10240x64xf32, #tpu.memory_space<hbm>> -> memref<1x8x10240x64xf32, #tpu.memory_space<hbm>>
        %dma_start3A_67 = tpu.memref_squeeze %dma_start3A_66 : memref<1x8x10240x64xf32, #tpu.memory_space<hbm>> -> memref<8x10240x64xf32, #tpu.memory_space<hbm>>
        %dma_start3A_68 = arith.constant 0 : i32
        %dma_start3A_69 = arith.constant 0 : i32
        %dma_start3A_70 = tpu.memref_slice %dma_start3A_67[%add3A_7, %dma_start3A_68, %dma_start3A_69] : memref<8x10240x64xf32, #tpu.memory_space<hbm>> -> memref<1x10240x64xf32, #tpu.memory_space<hbm>>
        %dma_start3A_71 = tpu.memref_squeeze %dma_start3A_70 : memref<1x10240x64xf32, #tpu.memory_space<hbm>> -> memref<10240x64xf32, #tpu.memory_space<hbm>>
        %dma_start3A_72 = arith.constant 0 : i32
        %dma_start3A_73 = tpu.memref_slice %dma_start3A_71[%add3A_54, %dma_start3A_72] : memref<10240x64xf32, #tpu.memory_space<hbm>> -> memref<128x64xf32, #tpu.memory_space<hbm>>
        %dma_start3A_74 = arith.constant 0 : i32
        %dma_start3A_75 = arith.constant 0 : i32
        %dma_start3A_76 = arith.constant 0 : i32
        %dma_start3A_77 = tpu.memref_slice %arg6[%arg0, %dma_start3A_74, %dma_start3A_75, %dma_start3A_76] : memref<2x8x10240x64xf32, #tpu.memory_space<hbm>> -> memref<1x8x10240x64xf32, #tpu.memory_space<hbm>>
        %dma_start3A_78 = tpu.memref_squeeze %dma_start3A_77 : memref<1x8x10240x64xf32, #tpu.memory_space<hbm>> -> memref<8x10240x64xf32, #tpu.memory_space<hbm>>
        %dma_start3A_79 = arith.constant 0 : i32
        %dma_start3A_80 = arith.constant 0 : i32
        %dma_start3A_81 = tpu.memref_slice %dma_start3A_78[%add3A_7, %dma_start3A_79, %dma_start3A_80] : memref<8x10240x64xf32, #tpu.memory_space<hbm>> -> memref<1x10240x64xf32, #tpu.memory_space<hbm>>
        %dma_start3A_82 = tpu.memref_squeeze %dma_start3A_81 : memref<1x10240x64xf32, #tpu.memory_space<hbm>> -> memref<10240x64xf32, #tpu.memory_space<hbm>>
        %dma_start3A_83 = arith.constant 0 : i32
        %dma_start3A_84 = tpu.memref_slice %dma_start3A_82[%add3A_54, %dma_start3A_83] : memref<10240x64xf32, #tpu.memory_space<hbm>> -> memref<128x64xf32, #tpu.memory_space<hbm>>
        tpu.enqueue_dma source(%arg11 : memref<128x64xf32, #tpu.memory_space<vmem>>) target(%dma_start3A_84 : memref<128x64xf32, #tpu.memory_space<hbm>>) target_semaphore(%run_scoped3A : memref<!tpu.dma_semaphore, #tpu.memory_space<semaphore_mem>>)
        %dma_wait3A = arith.constant 0 : i32
        %dma_wait3A_85 = arith.constant 0 : i32
        %dma_wait3A_86 = arith.constant 0 : i32
        %dma_wait3A_87 = tpu.memref_slice %arg6[%arg0, %dma_wait3A, %dma_wait3A_85, %dma_wait3A_86] : memref<2x8x10240x64xf32, #tpu.memory_space<hbm>> -> memref<1x8x10240x64xf32, #tpu.memory_space<hbm>>
        %dma_wait3A_88 = tpu.memref_squeeze %dma_wait3A_87 : memref<1x8x10240x64xf32, #tpu.memory_space<hbm>> -> memref<8x10240x64xf32, #tpu.memory_space<hbm>>
        %dma_wait3A_89 = arith.constant 0 : i32
        %dma_wait3A_90 = arith.constant 0 : i32
        %dma_wait3A_91 = tpu.memref_slice %dma_wait3A_88[%add3A_7, %dma_wait3A_89, %dma_wait3A_90] : memref<8x10240x64xf32, #tpu.memory_space<hbm>> -> memref<1x10240x64xf32, #tpu.memory_space<hbm>>
        %dma_wait3A_92 = tpu.memref_squeeze %dma_wait3A_91 : memref<1x10240x64xf32, #tpu.memory_space<hbm>> -> memref<10240x64xf32, #tpu.memory_space<hbm>>
        %dma_wait3A_93 = arith.constant 0 : i32
        %dma_wait3A_94 = tpu.memref_slice %dma_wait3A_92[%add3A_54, %dma_wait3A_93] : memref<10240x64xf32, #tpu.memory_space<hbm>> -> memref<128x64xf32, #tpu.memory_space<hbm>>
        %dma_wait3A_95 = arith.constant 0 : i32
        %dma_wait3A_96 = arith.constant 0 : i32
        %dma_wait3A_97 = arith.constant 0 : i32
        %dma_wait3A_98 = tpu.memref_slice %arg6[%arg0, %dma_wait3A_95, %dma_wait3A_96, %dma_wait3A_97] : memref<2x8x10240x64xf32, #tpu.memory_space<hbm>> -> memref<1x8x10240x64xf32, #tpu.memory_space<hbm>>
        %dma_wait3A_99 = tpu.memref_squeeze %dma_wait3A_98 : memref<1x8x10240x64xf32, #tpu.memory_space<hbm>> -> memref<8x10240x64xf32, #tpu.memory_space<hbm>>
        %dma_wait3A_100 = arith.constant 0 : i32
        %dma_wait3A_101 = arith.constant 0 : i32
        %dma_wait3A_102 = tpu.memref_slice %dma_wait3A_99[%add3A_7, %dma_wait3A_100, %dma_wait3A_101] : memref<8x10240x64xf32, #tpu.memory_space<hbm>> -> memref<1x10240x64xf32, #tpu.memory_space<hbm>>
        %dma_wait3A_103 = tpu.memref_squeeze %dma_wait3A_102 : memref<1x10240x64xf32, #tpu.memory_space<hbm>> -> memref<10240x64xf32, #tpu.memory_space<hbm>>
        %dma_wait3A_104 = arith.constant 0 : i32
        %dma_wait3A_105 = tpu.memref_slice %dma_wait3A_103[%add3A_54, %dma_wait3A_104] : memref<10240x64xf32, #tpu.memory_space<hbm>> -> memref<128x64xf32, #tpu.memory_space<hbm>>
        tpu.wait_dma2 semaphore(%run_scoped3A : memref<!tpu.dma_semaphore, #tpu.memory_space<semaphore_mem>>) src(%arg11 : memref<128x64xf32, #tpu.memory_space<vmem>>) dst(%dma_wait3A_105 : memref<128x64xf32, #tpu.memory_space<hbm>>)
        tpu.yield
      }) : () -> ()
      %mul3A_55 = arith.constant 640 : i32
      %mul3A_56 = arith.muli %arg1, %mul3A_55 : i32
      %add3A_57 = arith.constant 384 : i32
      %add3A_58 = arith.addi %mul3A_56, %add3A_57 : i32
      "tpu.region"() ({
        %run_scoped3A = tpu.sem_alloc : memref<!tpu.dma_semaphore, #tpu.memory_space<semaphore_mem>>
        %dma_start3A = arith.constant 0 : i32
        %dma_start3A_64 = tpu.memref_slice %arg13[%add3A_58, %dma_start3A] : memref<10240x64xf32, #tpu.memory_space<vmem_shared>> -> memref<128x64xf32, #tpu.memory_space<vmem_shared>>
        %dma_start3A_65 = arith.constant 0 : i32
        %dma_start3A_66 = tpu.memref_slice %arg13[%add3A_58, %dma_start3A_65] : memref<10240x64xf32, #tpu.memory_space<vmem_shared>> -> memref<128x64xf32, #tpu.memory_space<vmem_shared>>
        tpu.enqueue_dma source(%dma_start3A_66 : memref<128x64xf32, #tpu.memory_space<vmem_shared>>) target(%arg11 : memref<128x64xf32, #tpu.memory_space<vmem>>) target_semaphore(%run_scoped3A : memref<!tpu.dma_semaphore, #tpu.memory_space<semaphore_mem>>)
        %dma_wait3A = arith.constant 0 : i32
        %dma_wait3A_67 = tpu.memref_slice %arg13[%add3A_58, %dma_wait3A] : memref<10240x64xf32, #tpu.memory_space<vmem_shared>> -> memref<128x64xf32, #tpu.memory_space<vmem_shared>>
        %dma_wait3A_68 = arith.constant 0 : i32
        %dma_wait3A_69 = tpu.memref_slice %arg13[%add3A_58, %dma_wait3A_68] : memref<10240x64xf32, #tpu.memory_space<vmem_shared>> -> memref<128x64xf32, #tpu.memory_space<vmem_shared>>
        tpu.wait_dma2 semaphore(%run_scoped3A : memref<!tpu.dma_semaphore, #tpu.memory_space<semaphore_mem>>) src(%dma_wait3A_69 : memref<128x64xf32, #tpu.memory_space<vmem_shared>>) dst(%arg11 : memref<128x64xf32, #tpu.memory_space<vmem>>)
        tpu.yield
      }) : () -> ()
      "tpu.region"() ({
        %run_scoped3A = tpu.sem_alloc : memref<!tpu.dma_semaphore, #tpu.memory_space<semaphore_mem>>
        %dma_start3A = arith.constant 0 : i32
        %dma_start3A_64 = arith.constant 0 : i32
        %dma_start3A_65 = arith.constant 0 : i32
        %dma_start3A_66 = tpu.memref_slice %arg6[%arg0, %dma_start3A, %dma_start3A_64, %dma_start3A_65] : memref<2x8x10240x64xf32, #tpu.memory_space<hbm>> -> memref<1x8x10240x64xf32, #tpu.memory_space<hbm>>
        %dma_start3A_67 = tpu.memref_squeeze %dma_start3A_66 : memref<1x8x10240x64xf32, #tpu.memory_space<hbm>> -> memref<8x10240x64xf32, #tpu.memory_space<hbm>>
        %dma_start3A_68 = arith.constant 0 : i32
        %dma_start3A_69 = arith.constant 0 : i32
        %dma_start3A_70 = tpu.memref_slice %dma_start3A_67[%add3A_7, %dma_start3A_68, %dma_start3A_69] : memref<8x10240x64xf32, #tpu.memory_space<hbm>> -> memref<1x10240x64xf32, #tpu.memory_space<hbm>>
        %dma_start3A_71 = tpu.memref_squeeze %dma_start3A_70 : memref<1x10240x64xf32, #tpu.memory_space<hbm>> -> memref<10240x64xf32, #tpu.memory_space<hbm>>
        %dma_start3A_72 = arith.constant 0 : i32
        %dma_start3A_73 = tpu.memref_slice %dma_start3A_71[%add3A_58, %dma_start3A_72] : memref<10240x64xf32, #tpu.memory_space<hbm>> -> memref<128x64xf32, #tpu.memory_space<hbm>>
        %dma_start3A_74 = arith.constant 0 : i32
        %dma_start3A_75 = arith.constant 0 : i32
        %dma_start3A_76 = arith.constant 0 : i32
        %dma_start3A_77 = tpu.memref_slice %arg6[%arg0, %dma_start3A_74, %dma_start3A_75, %dma_start3A_76] : memref<2x8x10240x64xf32, #tpu.memory_space<hbm>> -> memref<1x8x10240x64xf32, #tpu.memory_space<hbm>>
        %dma_start3A_78 = tpu.memref_squeeze %dma_start3A_77 : memref<1x8x10240x64xf32, #tpu.memory_space<hbm>> -> memref<8x10240x64xf32, #tpu.memory_space<hbm>>
        %dma_start3A_79 = arith.constant 0 : i32
        %dma_start3A_80 = arith.constant 0 : i32
        %dma_start3A_81 = tpu.memref_slice %dma_start3A_78[%add3A_7, %dma_start3A_79, %dma_start3A_80] : memref<8x10240x64xf32, #tpu.memory_space<hbm>> -> memref<1x10240x64xf32, #tpu.memory_space<hbm>>
        %dma_start3A_82 = tpu.memref_squeeze %dma_start3A_81 : memref<1x10240x64xf32, #tpu.memory_space<hbm>> -> memref<10240x64xf32, #tpu.memory_space<hbm>>
        %dma_start3A_83 = arith.constant 0 : i32
        %dma_start3A_84 = tpu.memref_slice %dma_start3A_82[%add3A_58, %dma_start3A_83] : memref<10240x64xf32, #tpu.memory_space<hbm>> -> memref<128x64xf32, #tpu.memory_space<hbm>>
        tpu.enqueue_dma source(%arg11 : memref<128x64xf32, #tpu.memory_space<vmem>>) target(%dma_start3A_84 : memref<128x64xf32, #tpu.memory_space<hbm>>) target_semaphore(%run_scoped3A : memref<!tpu.dma_semaphore, #tpu.memory_space<semaphore_mem>>)
        %dma_wait3A = arith.constant 0 : i32
        %dma_wait3A_85 = arith.constant 0 : i32
        %dma_wait3A_86 = arith.constant 0 : i32
        %dma_wait3A_87 = tpu.memref_slice %arg6[%arg0, %dma_wait3A, %dma_wait3A_85, %dma_wait3A_86] : memref<2x8x10240x64xf32, #tpu.memory_space<hbm>> -> memref<1x8x10240x64xf32, #tpu.memory_space<hbm>>
        %dma_wait3A_88 = tpu.memref_squeeze %dma_wait3A_87 : memref<1x8x10240x64xf32, #tpu.memory_space<hbm>> -> memref<8x10240x64xf32, #tpu.memory_space<hbm>>
        %dma_wait3A_89 = arith.constant 0 : i32
        %dma_wait3A_90 = arith.constant 0 : i32
        %dma_wait3A_91 = tpu.memref_slice %dma_wait3A_88[%add3A_7, %dma_wait3A_89, %dma_wait3A_90] : memref<8x10240x64xf32, #tpu.memory_space<hbm>> -> memref<1x10240x64xf32, #tpu.memory_space<hbm>>
        %dma_wait3A_92 = tpu.memref_squeeze %dma_wait3A_91 : memref<1x10240x64xf32, #tpu.memory_space<hbm>> -> memref<10240x64xf32, #tpu.memory_space<hbm>>
        %dma_wait3A_93 = arith.constant 0 : i32
        %dma_wait3A_94 = tpu.memref_slice %dma_wait3A_92[%add3A_58, %dma_wait3A_93] : memref<10240x64xf32, #tpu.memory_space<hbm>> -> memref<128x64xf32, #tpu.memory_space<hbm>>
        %dma_wait3A_95 = arith.constant 0 : i32
        %dma_wait3A_96 = arith.constant 0 : i32
        %dma_wait3A_97 = arith.constant 0 : i32
        %dma_wait3A_98 = tpu.memref_slice %arg6[%arg0, %dma_wait3A_95, %dma_wait3A_96, %dma_wait3A_97] : memref<2x8x10240x64xf32, #tpu.memory_space<hbm>> -> memref<1x8x10240x64xf32, #tpu.memory_space<hbm>>
        %dma_wait3A_99 = tpu.memref_squeeze %dma_wait3A_98 : memref<1x8x10240x64xf32, #tpu.memory_space<hbm>> -> memref<8x10240x64xf32, #tpu.memory_space<hbm>>
        %dma_wait3A_100 = arith.constant 0 : i32
        %dma_wait3A_101 = arith.constant 0 : i32
        %dma_wait3A_102 = tpu.memref_slice %dma_wait3A_99[%add3A_7, %dma_wait3A_100, %dma_wait3A_101] : memref<8x10240x64xf32, #tpu.memory_space<hbm>> -> memref<1x10240x64xf32, #tpu.memory_space<hbm>>
        %dma_wait3A_103 = tpu.memref_squeeze %dma_wait3A_102 : memref<1x10240x64xf32, #tpu.memory_space<hbm>> -> memref<10240x64xf32, #tpu.memory_space<hbm>>
        %dma_wait3A_104 = arith.constant 0 : i32
        %dma_wait3A_105 = tpu.memref_slice %dma_wait3A_103[%add3A_58, %dma_wait3A_104] : memref<10240x64xf32, #tpu.memory_space<hbm>> -> memref<128x64xf32, #tpu.memory_space<hbm>>
        tpu.wait_dma2 semaphore(%run_scoped3A : memref<!tpu.dma_semaphore, #tpu.memory_space<semaphore_mem>>) src(%arg11 : memref<128x64xf32, #tpu.memory_space<vmem>>) dst(%dma_wait3A_105 : memref<128x64xf32, #tpu.memory_space<hbm>>)
        tpu.yield
      }) : () -> ()
      %mul3A_59 = arith.constant 640 : i32
      %mul3A_60 = arith.muli %arg1, %mul3A_59 : i32
      %add3A_61 = arith.constant 512 : i32
      %add3A_62 = arith.addi %mul3A_60, %add3A_61 : i32
      "tpu.region"() ({
        %run_scoped3A = tpu.sem_alloc : memref<!tpu.dma_semaphore, #tpu.memory_space<semaphore_mem>>
        %dma_start3A = arith.constant 0 : i32
        %dma_start3A_64 = tpu.memref_slice %arg13[%add3A_62, %dma_start3A] : memref<10240x64xf32, #tpu.memory_space<vmem_shared>> -> memref<128x64xf32, #tpu.memory_space<vmem_shared>>
        %dma_start3A_65 = arith.constant 0 : i32
        %dma_start3A_66 = tpu.memref_slice %arg13[%add3A_62, %dma_start3A_65] : memref<10240x64xf32, #tpu.memory_space<vmem_shared>> -> memref<128x64xf32, #tpu.memory_space<vmem_shared>>
        tpu.enqueue_dma source(%dma_start3A_66 : memref<128x64xf32, #tpu.memory_space<vmem_shared>>) target(%arg11 : memref<128x64xf32, #tpu.memory_space<vmem>>) target_semaphore(%run_scoped3A : memref<!tpu.dma_semaphore, #tpu.memory_space<semaphore_mem>>)
        %dma_wait3A = arith.constant 0 : i32
        %dma_wait3A_67 = tpu.memref_slice %arg13[%add3A_62, %dma_wait3A] : memref<10240x64xf32, #tpu.memory_space<vmem_shared>> -> memref<128x64xf32, #tpu.memory_space<vmem_shared>>
        %dma_wait3A_68 = arith.constant 0 : i32
        %dma_wait3A_69 = tpu.memref_slice %arg13[%add3A_62, %dma_wait3A_68] : memref<10240x64xf32, #tpu.memory_space<vmem_shared>> -> memref<128x64xf32, #tpu.memory_space<vmem_shared>>
        tpu.wait_dma2 semaphore(%run_scoped3A : memref<!tpu.dma_semaphore, #tpu.memory_space<semaphore_mem>>) src(%dma_wait3A_69 : memref<128x64xf32, #tpu.memory_space<vmem_shared>>) dst(%arg11 : memref<128x64xf32, #tpu.memory_space<vmem>>)
        tpu.yield
      }) : () -> ()
      "tpu.region"() ({
        %run_scoped3A = tpu.sem_alloc : memref<!tpu.dma_semaphore, #tpu.memory_space<semaphore_mem>>
        %dma_start3A = arith.constant 0 : i32
        %dma_start3A_64 = arith.constant 0 : i32
        %dma_start3A_65 = arith.constant 0 : i32
        %dma_start3A_66 = tpu.memref_slice %arg6[%arg0, %dma_start3A, %dma_start3A_64, %dma_start3A_65] : memref<2x8x10240x64xf32, #tpu.memory_space<hbm>> -> memref<1x8x10240x64xf32, #tpu.memory_space<hbm>>
        %dma_start3A_67 = tpu.memref_squeeze %dma_start3A_66 : memref<1x8x10240x64xf32, #tpu.memory_space<hbm>> -> memref<8x10240x64xf32, #tpu.memory_space<hbm>>
        %dma_start3A_68 = arith.constant 0 : i32
        %dma_start3A_69 = arith.constant 0 : i32
        %dma_start3A_70 = tpu.memref_slice %dma_start3A_67[%add3A_7, %dma_start3A_68, %dma_start3A_69] : memref<8x10240x64xf32, #tpu.memory_space<hbm>> -> memref<1x10240x64xf32, #tpu.memory_space<hbm>>
        %dma_start3A_71 = tpu.memref_squeeze %dma_start3A_70 : memref<1x10240x64xf32, #tpu.memory_space<hbm>> -> memref<10240x64xf32, #tpu.memory_space<hbm>>
        %dma_start3A_72 = arith.constant 0 : i32
        %dma_start3A_73 = tpu.memref_slice %dma_start3A_71[%add3A_62, %dma_start3A_72] : memref<10240x64xf32, #tpu.memory_space<hbm>> -> memref<128x64xf32, #tpu.memory_space<hbm>>
        %dma_start3A_74 = arith.constant 0 : i32
        %dma_start3A_75 = arith.constant 0 : i32
        %dma_start3A_76 = arith.constant 0 : i32
        %dma_start3A_77 = tpu.memref_slice %arg6[%arg0, %dma_start3A_74, %dma_start3A_75, %dma_start3A_76] : memref<2x8x10240x64xf32, #tpu.memory_space<hbm>> -> memref<1x8x10240x64xf32, #tpu.memory_space<hbm>>
        %dma_start3A_78 = tpu.memref_squeeze %dma_start3A_77 : memref<1x8x10240x64xf32, #tpu.memory_space<hbm>> -> memref<8x10240x64xf32, #tpu.memory_space<hbm>>
        %dma_start3A_79 = arith.constant 0 : i32
        %dma_start3A_80 = arith.constant 0 : i32
        %dma_start3A_81 = tpu.memref_slice %dma_start3A_78[%add3A_7, %dma_start3A_79, %dma_start3A_80] : memref<8x10240x64xf32, #tpu.memory_space<hbm>> -> memref<1x10240x64xf32, #tpu.memory_space<hbm>>
        %dma_start3A_82 = tpu.memref_squeeze %dma_start3A_81 : memref<1x10240x64xf32, #tpu.memory_space<hbm>> -> memref<10240x64xf32, #tpu.memory_space<hbm>>
        %dma_start3A_83 = arith.constant 0 : i32
        %dma_start3A_84 = tpu.memref_slice %dma_start3A_82[%add3A_62, %dma_start3A_83] : memref<10240x64xf32, #tpu.memory_space<hbm>> -> memref<128x64xf32, #tpu.memory_space<hbm>>
        tpu.enqueue_dma source(%arg11 : memref<128x64xf32, #tpu.memory_space<vmem>>) target(%dma_start3A_84 : memref<128x64xf32, #tpu.memory_space<hbm>>) target_semaphore(%run_scoped3A : memref<!tpu.dma_semaphore, #tpu.memory_space<semaphore_mem>>)
        %dma_wait3A = arith.constant 0 : i32
        %dma_wait3A_85 = arith.constant 0 : i32
        %dma_wait3A_86 = arith.constant 0 : i32
        %dma_wait3A_87 = tpu.memref_slice %arg6[%arg0, %dma_wait3A, %dma_wait3A_85, %dma_wait3A_86] : memref<2x8x10240x64xf32, #tpu.memory_space<hbm>> -> memref<1x8x10240x64xf32, #tpu.memory_space<hbm>>
        %dma_wait3A_88 = tpu.memref_squeeze %dma_wait3A_87 : memref<1x8x10240x64xf32, #tpu.memory_space<hbm>> -> memref<8x10240x64xf32, #tpu.memory_space<hbm>>
        %dma_wait3A_89 = arith.constant 0 : i32
        %dma_wait3A_90 = arith.constant 0 : i32
        %dma_wait3A_91 = tpu.memref_slice %dma_wait3A_88[%add3A_7, %dma_wait3A_89, %dma_wait3A_90] : memref<8x10240x64xf32, #tpu.memory_space<hbm>> -> memref<1x10240x64xf32, #tpu.memory_space<hbm>>
        %dma_wait3A_92 = tpu.memref_squeeze %dma_wait3A_91 : memref<1x10240x64xf32, #tpu.memory_space<hbm>> -> memref<10240x64xf32, #tpu.memory_space<hbm>>
        %dma_wait3A_93 = arith.constant 0 : i32
        %dma_wait3A_94 = tpu.memref_slice %dma_wait3A_92[%add3A_62, %dma_wait3A_93] : memref<10240x64xf32, #tpu.memory_space<hbm>> -> memref<128x64xf32, #tpu.memory_space<hbm>>
        %dma_wait3A_95 = arith.constant 0 : i32
        %dma_wait3A_96 = arith.constant 0 : i32
        %dma_wait3A_97 = arith.constant 0 : i32
        %dma_wait3A_98 = tpu.memref_slice %arg6[%arg0, %dma_wait3A_95, %dma_wait3A_96, %dma_wait3A_97] : memref<2x8x10240x64xf32, #tpu.memory_space<hbm>> -> memref<1x8x10240x64xf32, #tpu.memory_space<hbm>>
        %dma_wait3A_99 = tpu.memref_squeeze %dma_wait3A_98 : memref<1x8x10240x64xf32, #tpu.memory_space<hbm>> -> memref<8x10240x64xf32, #tpu.memory_space<hbm>>
        %dma_wait3A_100 = arith.constant 0 : i32
        %dma_wait3A_101 = arith.constant 0 : i32
        %dma_wait3A_102 = tpu.memref_slice %dma_wait3A_99[%add3A_7, %dma_wait3A_100, %dma_wait3A_101] : memref<8x10240x64xf32, #tpu.memory_space<hbm>> -> memref<1x10240x64xf32, #tpu.memory_space<hbm>>
        %dma_wait3A_103 = tpu.memref_squeeze %dma_wait3A_102 : memref<1x10240x64xf32, #tpu.memory_space<hbm>> -> memref<10240x64xf32, #tpu.memory_space<hbm>>
        %dma_wait3A_104 = arith.constant 0 : i32
        %dma_wait3A_105 = tpu.memref_slice %dma_wait3A_103[%add3A_62, %dma_wait3A_104] : memref<10240x64xf32, #tpu.memory_space<hbm>> -> memref<128x64xf32, #tpu.memory_space<hbm>>
        tpu.wait_dma2 semaphore(%run_scoped3A : memref<!tpu.dma_semaphore, #tpu.memory_space<semaphore_mem>>) src(%arg11 : memref<128x64xf32, #tpu.memory_space<vmem>>) dst(%dma_wait3A_105 : memref<128x64xf32, #tpu.memory_space<hbm>>)
        tpu.yield
      }) : () -> ()
      %barrier3A_63 = arith.constant 0 : index
      tpu.barrier barrier_id(%barrier3A_63)
    }
    %scan3A_4 = arith.constant 8 : i32
    return
  }
}

module attributes {stable_mosaic.version = 14 : i64} {
  func.func @body(%arg0: i32, %arg1: i32, %arg2: memref<1x1000x128xf32, #tpu.memory_space<vmem>>, %arg3: memref<128x128xf32, #tpu.memory_space<vmem>>, %arg4: memref<1000x1xf32, #tpu.memory_space<vmem>>, %arg5: memref<1x1000x128xf32, #tpu.memory_space<vmem>>) attributes {dimension_semantics = [#tpu.dimension_semantics<arbitrary>, #tpu.dimension_semantics<arbitrary>], iteration_bounds = array<i64: 8, 10>, scalar_prefetch = 0 : i64, scratch_operands = 0 : i64, tpu.core_type = #tpu.core_type<tc>, window_params = [{transform_indices = @transform_0, window_bounds = array<i64: 1, 1000, 128>}, {pipeline_mode = #tpu.pipeline_mode<synchronous>, transform_indices = @transform_1, window_bounds = array<i64: 128, 128>}, {transform_indices = @transform_2, window_bounds = array<i64: 1000, 1>}, {transform_indices = @transform_3, window_bounds = array<i64: 1, 1000, 128>}]} {
    %get3A = arith.constant 0 : index
    %get3A_0 = arith.constant 0 : index
    %get3A_1 = arith.constant 0 : index
    %get3A_2 = vector.load %arg2[%get3A, %get3A_0, %get3A_1] : memref<1x1000x128xf32, #tpu.memory_space<vmem>>, vector<1x1000x128xf32>
    %get3A_3 = vector.shape_cast %get3A_2 : vector<1x1000x128xf32> to vector<1000x128xf32>
    %get3A_4 = arith.constant 0 : index
    %get3A_5 = arith.constant 0 : index
    %get3A_6 = vector.load %arg3[%get3A_4, %get3A_5] : memref<128x128xf32, #tpu.memory_space<vmem>>, vector<128x128xf32>
    %dot_general3A = arith.constant dense<0.000000e+00> : vector<1000x128xf32>
    %dot_general3A_7 = tpu.matmul %get3A_3, %get3A_6, %dot_general3A {dimension_numbers = #tpu.dot_dimension_numbers<[1], [0], [0], [1], [0, 0, 1, 1], [], []>, transpose_lhs_hint = false} : vector<1000x128xf32>, vector<128x128xf32>, vector<1000x128xf32> -> vector<1000x128xf32>
    %get3A_8 = arith.constant 0 : index
    %get3A_9 = arith.constant 0 : index
    %get3A_10 = vector.load %arg4[%get3A_8, %get3A_9] : memref<1000x1xf32, #tpu.memory_space<vmem>>, vector<1000x1xf32>
    %mul3A = vector.broadcast %get3A_10 : vector<1000x1xf32> to vector<1000x128xf32>
    %mul3A_11 = arith.mulf %dot_general3A_7, %mul3A : vector<1000x128xf32>
    %swap3A = arith.constant 0 : index
    %swap3A_12 = arith.constant 0 : index
    %swap3A_13 = arith.constant 0 : index
    %swap3A_14 = vector.load %arg5[%swap3A, %swap3A_12, %swap3A_13] : memref<1x1000x128xf32, #tpu.memory_space<vmem>>, vector<1x1000x128xf32>
    %swap3A_15 = vector.shape_cast %swap3A_14 : vector<1x1000x128xf32> to vector<1000x128xf32>
    %swap3A_16 = vector.shape_cast %mul3A_11 : vector<1000x128xf32> to vector<1x1000x128xf32>
    tpu.vector_store %arg5[%swap3A, %swap3A_12, %swap3A_13], %swap3A_16 {strides = array<i32>} : memref<1x1000x128xf32, #tpu.memory_space<vmem>>, vector<1x1000x128xf32>,
    return
  }
  func.func @transform_0(%arg0: i32, %arg1: i32) -> (i32, i32, i32) {
    %c0_i32 = arith.constant 0 : i32
    %c0_i32_0 = arith.constant 0 : i32
    return %arg0, %arg1, %c0_i32 : i32, i32, i32
  }
  func.func @transform_1(%arg0: i32, %arg1: i32) -> (i32, i32) {
    %c0_i32 = arith.constant 0 : i32
    %c0_i32_0 = arith.constant 0 : i32
    %c0_i32_1 = arith.constant 0 : i32
    return %c0_i32, %c0_i32_0 : i32, i32
  }
  func.func @transform_2(%arg0: i32, %arg1: i32) -> (i32, i32) {
    %c0_i32 = arith.constant 0 : i32
    %c0_i32_0 = arith.constant 0 : i32
    return %arg1, %c0_i32 : i32, i32
  }
  func.func @transform_3(%arg0: i32, %arg1: i32) -> (i32, i32, i32) {
    %c0_i32 = arith.constant 0 : i32
    %c0_i32_0 = arith.constant 0 : i32
    return %arg0, %arg1, %c0_i32 : i32, i32, i32
  }
}

module attributes {stable_mosaic.version = 14 : i64} {
  func.func @body(%arg0: i32, %arg1: i32, %arg2: memref<1x1x1000x64xf32, #tpu.memory_space<vmem>>, %arg3: memref<1x1x1000x64xf32, #tpu.memory_space<vmem>>, %arg4: memref<1x1000x128xf32, #tpu.memory_space<vmem>>, %arg5: memref<1000x1xf32, #tpu.memory_space<vmem>>, %arg6: memref<1x128xf32, #tpu.memory_space<vmem>>, %arg7: memref<1x1000x128xf32, #tpu.memory_space<vmem>>) attributes {dimension_semantics = [#tpu.dimension_semantics<arbitrary>, #tpu.dimension_semantics<arbitrary>], iteration_bounds = array<i64: 8, 10>, scalar_prefetch = 0 : i64, scratch_operands = 0 : i64, tpu.core_type = #tpu.core_type<tc>, window_params = [{transform_indices = @transform_0, window_bounds = array<i64: 1, 1, 1000, 64>}, {transform_indices = @transform_1, window_bounds = array<i64: 1, 1, 1000, 64>}, {transform_indices = @transform_2, window_bounds = array<i64: 1, 1000, 128>}, {transform_indices = @transform_3, window_bounds = array<i64: 1000, 1>}, {pipeline_mode = #tpu.pipeline_mode<synchronous>, transform_indices = @transform_4, window_bounds = array<i64: 1, 128>}, {transform_indices = @transform_5, window_bounds = array<i64: 1, 1000, 128>}]} {
    %get3A = arith.constant 0 : index
    %get3A_0 = arith.constant 0 : index
    %get3A_1 = arith.constant 0 : index
    %get3A_2 = arith.constant 0 : index
    %get3A_3 = vector.load %arg2[%get3A, %get3A_0, %get3A_1, %get3A_2] : memref<1x1x1000x64xf32, #tpu.memory_space<vmem>>, vector<1x1x1000x64xf32>
    %get3A_4 = vector.shape_cast %get3A_3 : vector<1x1x1000x64xf32> to vector<1000x64xf32>
    %get3A_5 = arith.constant 0 : index
    %get3A_6 = arith.constant 0 : index
    %get3A_7 = arith.constant 0 : index
    %get3A_8 = arith.constant 0 : index
    %get3A_9 = vector.load %arg3[%get3A_5, %get3A_6, %get3A_7, %get3A_8] : memref<1x1x1000x64xf32, #tpu.memory_space<vmem>>, vector<1x1x1000x64xf32>
    %get3A_10 = vector.shape_cast %get3A_9 : vector<1x1x1000x64xf32> to vector<1000x64xf32>
    %concatenate3A = tpu.concatenate %get3A_4, %get3A_10 in 1 : vector<1000x64xf32>, vector<1000x64xf32> -> vector<1000x128xf32>
    %get3A_11 = arith.constant 0 : index
    %get3A_12 = arith.constant 0 : index
    %get3A_13 = arith.constant 0 : index
    %get3A_14 = vector.load %arg4[%get3A_11, %get3A_12, %get3A_13] : memref<1x1000x128xf32, #tpu.memory_space<vmem>>, vector<1x1000x128xf32>
    %get3A_15 = vector.shape_cast %get3A_14 : vector<1x1000x128xf32> to vector<1000x128xf32>
    %add3A = arith.addf %concatenate3A, %get3A_15 : vector<1000x128xf32>
    %get3A_16 = arith.constant 0 : index
    %get3A_17 = arith.constant 0 : index
    %get3A_18 = vector.load %arg5[%get3A_16, %get3A_17] : memref<1000x1xf32, #tpu.memory_space<vmem>>, vector<1000x1xf32>
    %mul3A = vector.broadcast %get3A_18 : vector<1000x1xf32> to vector<1000x128xf32>
    %mul3A_19 = arith.mulf %add3A, %mul3A : vector<1000x128xf32>
    %get3A_20 = arith.constant 0 : index
    %get3A_21 = arith.constant 0 : index
    %get3A_22 = vector.load %arg6[%get3A_20, %get3A_21] : memref<1x128xf32, #tpu.memory_space<vmem>>, vector<1x128xf32>
    %add3A_23 = vector.broadcast %get3A_22 : vector<1x128xf32> to vector<1000x128xf32>
    %add3A_24 = arith.addf %mul3A_19, %add3A_23 : vector<1000x128xf32>
    %swap3A = arith.constant 0 : index
    %swap3A_25 = arith.constant 0 : index
    %swap3A_26 = arith.constant 0 : index
    %swap3A_27 = vector.load %arg7[%swap3A, %swap3A_25, %swap3A_26] : memref<1x1000x128xf32, #tpu.memory_space<vmem>>, vector<1x1000x128xf32>
    %swap3A_28 = vector.shape_cast %swap3A_27 : vector<1x1000x128xf32> to vector<1000x128xf32>
    %swap3A_29 = vector.shape_cast %add3A_24 : vector<1000x128xf32> to vector<1x1000x128xf32>
    tpu.vector_store %arg7[%swap3A, %swap3A_25, %swap3A_26], %swap3A_29 {strides = array<i32>} : memref<1x1000x128xf32, #tpu.memory_space<vmem>>, vector<1x1000x128xf32>,
    return
  }
  func.func @transform_0(%arg0: i32, %arg1: i32) -> (i32, i32, i32, i32) {
    %c0_i32 = arith.constant 0 : i32
    %c0_i32_0 = arith.constant 0 : i32
    %c0_i32_1 = arith.constant 0 : i32
    return %c0_i32, %arg0, %arg1, %c0_i32_0 : i32, i32, i32, i32
  }
  func.func @transform_1(%arg0: i32, %arg1: i32) -> (i32, i32, i32, i32) {
    %c1_i32 = arith.constant 1 : i32
    %c0_i32 = arith.constant 0 : i32
    %c0_i32_0 = arith.constant 0 : i32
    return %c1_i32, %arg0, %arg1, %c0_i32 : i32, i32, i32, i32
  }
  func.func @transform_2(%arg0: i32, %arg1: i32) -> (i32, i32, i32) {
    %c0_i32 = arith.constant 0 : i32
    %c0_i32_0 = arith.constant 0 : i32
    return %arg0, %arg1, %c0_i32 : i32, i32, i32
  }
  func.func @transform_3(%arg0: i32, %arg1: i32) -> (i32, i32) {
    %c0_i32 = arith.constant 0 : i32
    %c0_i32_0 = arith.constant 0 : i32
    return %arg1, %c0_i32 : i32, i32
  }
  func.func @transform_4(%arg0: i32, %arg1: i32) -> (i32, i32) {
    %c0_i32 = arith.constant 0 : i32
    %c0_i32_0 = arith.constant 0 : i32
    %c0_i32_1 = arith.constant 0 : i32
    return %c0_i32, %c0_i32_0 : i32, i32
  }
  func.func @transform_5(%arg0: i32, %arg1: i32) -> (i32, i32, i32) {
    %c0_i32 = arith.constant 0 : i32
    %c0_i32_0 = arith.constant 0 : i32
    return %arg0, %arg1, %c0_i32 : i32, i32, i32
  }
}

</mosaic_0001>

<sc_bundles>
// kernel: kernel.6.cloned.1.call-start
scs
__scs_entry_jumppad:
0x0: {  	(pc) =	sbr.rel $0x88, $3  }
0x1: {  	(tag) =	ssettag $0x0;
	lr =	simm.s32 $0x1  }
0x2: {  	[smem:$0x3F9C] =	sst lr;
	_ =	strace $0xD0000000  }
0x3: {  	_ = 	snop  }
0x4: {  	_ = 	snop  }
0x5: {  	_ = 	snop  }
0x6: {  	_ = 	snop  }
0x7: {  	_ = 	snop  }
__scs_overlays_trampoline_lowered:
0x8: {  	[smem:$0x3FAB] =	sst s0  }
0x9: {  	[smem:$0x3FAC] =	sst s1  }
0xa: {  	[smem:$0x3FAD] =	sst s2  }
0xb: {  	[smem:$0x3FAE] =	sst s3  }
0xc: {  	[smem:$0x3FAF] =	sst s4  }
0xd: {  	[smem:$0x3FB0] =	sst s5  }
0xe: {  	[smem:$0x3FB1] =	sst s6  }
0xf: {  	[smem:$0x3FB2] =	sst s7  }
0x10: {  	[smem:$0x3FB3] =	sst s8  }
0x11: {  	[smem:$0x3FB4] =	sst s9;
	s0 =	simm.s32 @!p0 $0x0  }
0x12: {  	s1 =	sld [smem:$0x3F9A];
	s0 =	simm.s32 @p0 $0x1  }
0x13: {  	[smem:$0x3FB5] =	sst s0;
	s0 =	simm.s32 @!p1 $0x0  }
0x14: {  	s2 =	sld [smem:$0x3F99];
	s0 =	simm.s32 @p1 $0x1  }
0x15: {  	[smem:$0x3FB6] =	sst s0;
	s0 =	simm.s32 @!p2 $0x0  }
0x16: {  	s3 =	sld [smem:$0x3FDB];
	s0 =	simm.s32 @p2 $0x1  }
0x17: {  	s4 =	simm.s32 $0x1BF5;
	[smem:$0x3FB8] =	sst s0  }
0x18: {  	s0 =	sld [smem:$0x3F9B];
	_ =	swait.ge [sflag:s4], $0x0  }
0x19: {  	s7 =	sld [smem:$0x3F9C]  }
0x1a: {  	s8 =	sadd.s32 $0xFFFFE003, lr  }
0x1b: {  	s9 =	sadd.s32 $0xFFFFFEF7, lr;
	s5 =	simm.s32 $0xFFFFFFFF;
	p2 =	slt.u32 s8, $0xFFFFF086  }
0x1c: {  	p1 =	slt.u32 s9, $0xF7A;
	s5 =	simm.s32 @!p2 $0x0  }
0x1d: {  	s5 =	simm.s32 @p1 $0x1;
	p0 =	seq.s32 s7, s2  }
0x1e: {  	s7 =	smul.u32 @!p0 $0xF7A, s2;
	p2 =	seq.s32 @!p0 s5, $0x0  }
0x1f: {  	s9 =	smul.u32 $0xF7A, s1;
	s8 =	simm.s32 @!p0 $0x1BF5;
	p2 =	por !p2, p0  }
0x20: {  	[sflag:s8] =	ssyncset.s32 @!p0 $0xFFFFF086;
	s6 =	sadd.s32 @!p0 s3, s7;
	s7 =	simm.s32 @!p0 $0x108  }
0x21: {  	s3 =	sadd.s32 s3, s9;
	s6 =	sadd.s32 @!p0 $0x88, s6;
	s7 =	simm.s32 @p2 $0x1082  }
0x22: {  	[simem:s7], [sflag:s8] =	dma.local @!p0 [hbm:s6], $0xF7A  }
0x23: {  	s9 =	sor.u32 $0xD0000000, s2;
	s6 =	simm.s32 $0x108;
	_ =	swait.ge @!p0 [sflag:s8], $0x0  }
0x24: {  	s3 =	sadd.s32 $0x88, s3;
	s6 =	simm.s32 @!p1 $0x1082;
	[sflag:s4] =	ssyncset.s32 $0xFFFFF086  }
0x25: {  	[simem:s6], [sflag:s4] =	dma.local [hbm:s3], $0xF7A  }
0x26: {  	[smem:$0x3F9C] =	sst s1;
	(tag) =	ssettag s2;
	_ =	strace s9  }
0x27: {  	s1 =	sld [smem:$0x3FAC]  }
0x28: {  	s2 =	sld [smem:$0x3FAD]  }
0x29: {  	s4 =	sld [smem:$0x3FAF]  }
0x2a: {  	p0 =	seq.s32 s5, $0x0;
	s5 =	sld [smem:$0x3FB0]  }
0x2b: {  	s6 =	sld [smem:$0x3FB1]  }
0x2c: {  	s7 =	sld [smem:$0x3FB2]  }
0x2d: {  	s3 =	simm.s32 $0x108;
	s8 =	sld [smem:$0x3FB3]  }
0x2e: {  	s3 =	simm.s32 @!p0 $0x1082;
	s9 =	sld [smem:$0x3FB4]  }
0x2f: {  	lr =	sadd.s32 s0, s3;
	s0 =	sld [smem:$0x3FAB]  }
0x30: {  	s3 =	sld [smem:$0x3FAE]  }
0x31: {  	[smem:$0x3FB7] =	sst s10  }
0x32: {  	s10 =	sld [smem:$0x3FB5];
	_ =	sdelay $0x3  }
0x33: {  	p0 =	seq.s32 s10, $0x1;
	s10 =	sld [smem:$0x3FB7];
	_ =	sdelay $0x3  }
0x34: {  	[smem:$0x3FB7] =	sst s10  }
0x35: {  	s10 =	sld [smem:$0x3FB6];
	_ =	sdelay $0x3  }
0x36: {  	p1 =	seq.s32 s10, $0x1;
	s10 =	sld [smem:$0x3FB7];
	_ =	sdelay $0x3  }
0x37: {  	[smem:$0x3FB7] =	sst s10  }
0x38: {  	s10 =	sld [smem:$0x3FB8]  }
0x39: {  	_ = 	snop;
	(pc) =	sbr.ind lr, $3  }
0x3a: {  	_ = 	snop  }
0x3b: {  	_ = 	snop  }
0x3c: {  	p2 =	seq.s32 s10, $0x1;
	s10 =	sld [smem:$0x3FB7]  }
0x3d: {  	_ =	shalt  }
0x3e: {  	_ =	shalt  }
0x3f: {  	_ =	shalt  }
0x40: {  	_ =	shalt  }
0x41: {  	_ =	shalt  }
0x42: {  	_ =	shalt  }
0x43: {  	_ =	shalt  }
0x44: {  	_ =	shalt  }
0x45: {  	_ =	shalt  }
0x46: {  	_ =	shalt  }
0x47: {  	_ =	shalt  }
0x48: {  	_ =	shalt  }
0x49: {  	_ =	shalt  }
0x4a: {  	_ =	shalt  }
0x4b: {  	_ =	shalt  }
0x4c: {  	_ =	shalt  }
0x4d: {  	_ =	shalt  }
0x4e: {  	_ =	shalt  }
0x4f: {  	_ =	shalt  }
0x50: {  	_ =	shalt  }
0x51: {  	_ =	shalt  }
0x52: {  	_ =	shalt  }
0x53: {  	_ =	shalt  }
0x54: {  	_ =	shalt  }
0x55: {  	_ =	shalt  }
0x56: {  	_ =	shalt  }
0x57: {  	_ =	shalt  }
0x58: {  	_ =	shalt  }
0x59: {  	_ =	shalt  }
0x5a: {  	_ =	shalt  }
0x5b: {  	_ =	shalt  }
0x5c: {  	_ =	shalt  }
0x5d: {  	_ =	shalt  }
0x5e: {  	_ =	shalt  }
0x5f: {  	_ =	shalt  }
0x60: {  	_ =	shalt  }
0x61: {  	_ =	shalt  }
0x62: {  	_ =	shalt  }
0x63: {  	_ =	shalt  }
0x64: {  	_ =	shalt  }
0x65: {  	_ =	shalt  }
0x66: {  	_ =	shalt  }
0x67: {  	_ =	shalt  }
0x68: {  	_ =	shalt  }
0x69: {  	_ =	shalt  }
0x6a: {  	_ =	shalt  }
0x6b: {  	_ =	shalt  }
0x6c: {  	_ =	shalt  }
0x6d: {  	_ =	shalt  }
0x6e: {  	_ =	shalt  }
0x6f: {  	_ =	shalt  }
0x70: {  	_ =	shalt  }
0x71: {  	_ =	shalt  }
0x72: {  	_ =	shalt  }
0x73: {  	_ =	shalt  }
0x74: {  	_ =	shalt  }
0x75: {  	_ =	shalt  }
0x76: {  	_ =	shalt  }
0x77: {  	_ =	shalt  }
0x78: {  	_ =	shalt  }
0x79: {  	_ =	shalt  }
0x7a: {  	_ =	shalt  }
0x7b: {  	_ =	shalt  }
0x7c: {  	_ =	shalt  }
0x7d: {  	_ =	shalt  }
0x7e: {  	_ =	shalt  }
0x7f: {  	_ =	shalt  }
0x80: {  	_ =	shalt  }
0x81: {  	_ =	shalt  }
0x82: {  	_ =	shalt  }
0x83: {  	_ =	shalt  }
0x84: {  	_ =	shalt  }
0x85: {  	_ =	shalt  }
0x86: {  	_ =	shalt  }
0x87: {  	_ =	shalt  }
.Lfunc_end0:
.L_simem_size_0:
called_computation.1_lowered:
.L_overlay_start_0:
0x88: {  	s2 =	sld [smem:$0x3FD9]  }
0x89: {  	s3 =	sld [smem:$0x3FFE];
	_ =	sdelay $0x1  }
0x8a: {  	s1 =	srdreg.scid  }
0x8b: {  	s0 =	sand.u32 $0x1, s1  }
0x8c: {  	s17 =	sshll.u32 s0, $0xA;
	s2 =	sadd.s32 s3, s2  }
0x8d: {  	s2 =	sadd.s32 s2, s17  }
0x8e: {  	[smem:$0x3FC3] =	sst s2  }
0x8f: {  	_ = 	snop  }
0x90: {  	s2 =	sld [smem:$0x3FD0];
	(tm) =	ssettm $0x1  }
0x91: {  	s18 =	sld [smem:$0x3FFB];
	_ =	sdelay $0x3  }
0x92: {  	_ =	strace s18  }
0x93: {  	s3 =	sld [smem:$0x3FFC];
	_ =	sdelay $0x3  }
0x94: {  	_ =	strace s3  }
0x95: {  	s3 =	sld [smem:$0x3FFD];
	_ =	sdelay $0x3  }
0x96: {  	_ =	strace s3  }
0x97: {  	_ =	strace $0x8FFFFFFF  }
0x98: {  	s19 =	sld [smem:$0x3FDB];
	_ =	sdelay $0x1  }
0x99: {  	s4 =	simm.s32 $_scs_section_size  }
0x9a: {  	s5 =	simm.s32 $_size__tile_overlayer_lowered;
	s6 =	simm.s32 $_tile_overlayer_lowered  }
0x9b: {  	s22 =	simm.s32 $0x1BFF;
	s21 =	sshll.u32 s6, $0x1;
	s3 =	sadd.s32 s4, s19  }
0x9c: {  	s7 =	simm.s32 $0x0;
	s20 =	sshll.u32 s5, $0x1;
	s5 =	sadd.s32 s21, s3  }
0x9d: {  	[timem:s7], [sflag:s22] =	dma.local [hbm:s5], s20  }
0x9e: {  	_ =	swait.ge [sflag:s22], s20  }
0x9f: {  	s4 =	ssub.s32 $0x0, s20;
	[sflag:s22] =	ssyncset.done $0x0  }
0xa0: {  	[sflag:s22] =	ssyncadd.s32 s4;
	_ =	sdelay $0x1  }
0xa1: {  	s23 =	simm.s32 $0x1B8B  }
0xa2: {  	_ =	swait.ge [sflag:s23], $0x1  }
0xa3: {  	[sflag:s23] =	ssyncset.done $0x0  }
0xa4: {  	s25 =	simm.s32 $0x1B8E;
	s24 =	sld [smem:$0x3FFE];
	[sflag:s23] =	ssyncadd.s32 $0xFFFFFFFF  }
0xa5: {  	s26 =	simm.s32 $execute0_lowered;
	[smem:$0x3FD2] =	sst s25  }
0xa6: {  	s5 =	sshll.u32 s26, $0x1;
	_ =	strace $0x80000046;
	[dreg:$0x1] =	wrdreg $0xFFFFFFFF  }
0xa7: {  	s28 =	simm.s32 $_size_execute0_lowered;
	s3 =	sadd.s32 s3, s5;
	[dreg:$0x0] =	wrdreg $0x0  }
0xa8: {  	s5 =	sshll.u32 s28, $0x1;
	[dreg:$0x2] =	wrdreg s3  }
0xa9: {  	[dreg:$0x3] =	wrdreg s5  }
0xaa: {  	[dreg:$0x4] =	wrdreg $0xC0  }
0xab: {  	_ =	task [dreg:s7], $0x5FFFF  }
0xac: {  	[dreg:$0x1] =	wrdreg $0xFFFFFFFF  }
0xad: {  	[dreg:$0x0] =	wrdreg $0x60  }
0xae: {  	[dreg:$0x2] =	wrdreg s2  }
0xaf: {  	[dreg:$0x3] =	wrdreg s24  }
0xb0: {  	[dreg:$0x4] =	wrdreg $0xA800  }
0xb1: {  	[dreg:$0x5] =	wrdreg $0x9  }
0xb2: {  	_ =	task.clear_ibuf [dreg:s7], $0x6FFFF;
	_ =	strace $0x90000046  }
0xb3: {  	s29 =	simm.s32 $0x9;
	_ =	strace $0x80000048  }
0xb4: {  	_ =	swait.ge [sflag:s29], $0x1  }
0xb5: {  	[sflag:s29] =	ssyncadd.s32 $0xFFFFFFFF  }
0xb6: {  	_ =	strace $0x90000048  }
0xb7: {  	_ =	sfence  }
0xb8: {  	s30 =	sld [smem:$0x0];
	_ =	sdelay $0x2  }
0xb9: {  	s31 =	sshll.u32 s1, $0xD;
	s1 =	sshrl.u32 s1, $0x2  }
0xba: {  	s3 =	sand.u32 $0x4000, s31;
	s1 =	sadd.s32 s1, s30  }
0xbb: {  	s0 =	sor.u32 s3, s0;
	s1 =	sshll.u32 s1, $0x11  }
0xbc: {  	s0 =	sor.u32 s1, s0  }
0xbd: {  	s0 =	sadd.s32 $0x8F2B, s0  }
0xbe: {  	[sflag:s0] =	ssyncadd.remote.s32 $0x1  }
0xbf: {  	_ =	sfence.sel $0xFFFF  }
0xc0: {  	[dreg:$0x0] =	wrdreg $0xFFFFFFFF;
	(pc) =	sbr.abs _section_cstart, $3  }
0xc1: {  	[dreg:$0x1] =	wrdreg $0xFFFFFFFF  }
0xc2: {  	_ =	task.clear_ibuf [dreg:s7], $0x2FFFF;
	_ =	strace $0x9FFFFFFF  }
0xc3: {  	(tm) =	ssettm $0x7FFFFFFF  }
tec
execute0_lowered:
.L_overlay_start_1:
0x0: {  	(tag) =	ssettag $0x1  }
0x1: {  	s6 =	rddreg [dreg:$0x0]  }
0x2: {  	s4 =	rddreg [dreg:$0x1];
	s0 =	srdreg.scid  }
0x3: {  	s2 =	rddreg [dreg:$0x2];
	s1 =	stileid.u32;
	s3 =	simm.s32 $0x0  }
0x4: {  	s13 =	simm.s32 $0x480;
	s14 =	simm.s32 $0x100;
	s15 =	simm.s32 $0x500  }
0x5: {  	s16 =	simm.s32 $0x180;
	s17 =	simm.s32 $0x580;
	s18 =	simm.s32 $0x200  }
0x6: {  	s19 =	simm.s32 $0x600;
	s20 =	simm.s32 $0x280;
	s21 =	simm.s32 $0x680  }
0x7: {  	s22 =	simm.s32 $0x300;
	s23 =	simm.s32 $0x700;
	s8 =	smul.u32 $0x280, s1  }
0x8: {  	s24 =	simm.s32 $0x380;
	s5 =	sand.u32 $0x1, s0;
	s12 =	smul.u32 $0x500, s1  }
0x9: {  	s25 =	simm.s32 $0x780;
	s26 =	simm.s32 $0x0;
	s7 =	smul.u32 $0x5000, s5  }
0xa: {  	[smem:$0x7FF] =	sst s3;
	s9 =	smul.u32 $0x2800, s5;
	s5 =	ssub.s32 $0x2, s5  }
0xb: {  	_ =	strace $0x80000047;
	s11 =	sshrl.u32 s5, $0x1;
	s10 =	sadd.s32 s7, s4  }
0xc: {  	s9 =	sadd.s32 s8, s9;
	s11 =	ssub.s32 s5, s11;
	s31 =	sadd.s32 s7, s6  }
0xd: {  	s9 =	sshrl.u32 s9, $0x3;
	s30 =	sadd.s32 s12, s10;
	s6 =	smax.u32 s11, $0x1  }
0xe: {  	s10 =	simm.s32 $0x1;
	s11 =	simm.s32 $0x400;
	s9 =	sadd.s32 s9, s4  }
0xf: {  	s4 =	sadd.s32 s8, s2;
	s7 =	sadd.s32 $0xB200, s30;
	s8 =	sadd.s32 s12, s31  }
0x10: {  	v0 =	vimm.f32 $0.0e+00;
	s12 =	simm.s32 $0x80;
	s5 =	sadd.s32 $0x1F200, s9;
	s9 =	simm.s32 $0x800  }
.LBB2_1:
0x11: {  	[tilespmem:$0x800] =	vst v0  }
0x12: {  	[tilespmem:$0x810] =	vst v0  }
0x13: {  	[tilespmem:$0x820] =	vst v0  }
0x14: {  	[tilespmem:$0x830] =	vst v0  }
0x15: {  	[tilespmem:$0x840] =	vst v0  }
0x16: {  	[tilespmem:$0x850] =	vst v0  }
0x17: {  	[tilespmem:$0x860] =	vst v0  }
0x18: {  	[tilespmem:$0x870] =	vst v0  }
0x19: {  	[tilespmem:$0x880] =	vst v0  }
0x1a: {  	[tilespmem:$0x890] =	vst v0  }
0x1b: {  	[tilespmem:$0x8A0] =	vst v0  }
0x1c: {  	[tilespmem:$0x8B0] =	vst v0  }
0x1d: {  	[tilespmem:$0x8C0] =	vst v0  }
0x1e: {  	[tilespmem:$0x8D0] =	vst v0  }
0x1f: {  	[tilespmem:$0x8E0] =	vst v0  }
0x20: {  	[tilespmem:$0x8F0] =	vst v0  }
0x21: {  	[tilespmem:$0x900] =	vst v0  }
0x22: {  	[tilespmem:$0x910] =	vst v0  }
0x23: {  	[tilespmem:$0x920] =	vst v0  }
0x24: {  	[tilespmem:$0x930] =	vst v0  }
0x25: {  	[tilespmem:$0x940] =	vst v0  }
0x26: {  	[tilespmem:$0x950] =	vst v0  }
0x27: {  	[tilespmem:$0x960] =	vst v0  }
0x28: {  	[tilespmem:$0x970] =	vst v0  }
0x29: {  	[tilespmem:$0x980] =	vst v0  }
0x2a: {  	[tilespmem:$0x990] =	vst v0  }
0x2b: {  	[tilespmem:$0x9A0] =	vst v0  }
0x2c: {  	[tilespmem:$0x9B0] =	vst v0  }
0x2d: {  	[tilespmem:$0x9C0] =	vst v0  }
0x2e: {  	[tilespmem:$0x9D0] =	vst v0  }
0x2f: {  	[tilespmem:$0x9E0] =	vst v0  }
0x30: {  	[tilespmem:$0x9F0] =	vst v0  }
0x31: {  	[tilespmem:$0xA00] =	vst v0  }
0x32: {  	[tilespmem:$0xA10] =	vst v0  }
0x33: {  	[tilespmem:$0xA20] =	vst v0  }
0x34: {  	[tilespmem:$0xA30] =	vst v0  }
0x35: {  	[tilespmem:$0xA40] =	vst v0  }
0x36: {  	[tilespmem:$0xA50] =	vst v0  }
0x37: {  	[tilespmem:$0xA60] =	vst v0  }
0x38: {  	[tilespmem:$0xA70] =	vst v0  }
0x39: {  	[spmem:s4] =	stream.linear.scatter [tilespmem:s9], [sflag:$0x1], $0x280, $0x38;
	[tilespmem:$0xD00] =	vst v63  }
0x3a: {  	_ =	swait.ge [sflag:s10], $0x280  }
0x3b: {  	[sflag:s10] =	ssyncset.done $0x0  }
0x3c: {  	[sflag:s10] =	ssyncadd.s32 $0xFFFFFD80  }
0x3d: {  	s28 =	sadd.s32 $0x0, s8;
	[bflag:$0x0] =	sbarrier.arrive $0xFFFF  }
0x3e: {  	[tilespmem:s3], [sflag:$0x1] =	stream.linear.gather [hbm4b:s28+s3], $0x400, $0x38;
	[tilespmem:$0xD00] =	vst v63  }
0x3f: {  	_ =	swait.ge [sflag:s10], $0x400  }
0x40: {  	[sflag:s10] =	ssyncset.done $0x0  }
0x41: {  	s28 =	sadd.s32 $0x0, s7;
	[sflag:s10] =	ssyncadd.s32 $0xFFFFFC00  }
0x42: {  	[tilespmem:s11], [sflag:$0x1] =	stream.linear.gather [hbm4b:s28+s3], $0x400, $0x38;
	[tilespmem:$0xD00] =	vst v63  }
0x43: {  	_ =	swait.ge [sflag:s10], $0x400  }
0x44: {  	[sflag:s10] =	ssyncset.done $0x0  }
0x45: {  	[sflag:s10] =	ssyncadd.s32 $0xFFFFFC00  }
0x46: {  	[spmem:s2] =	stream.indirect.scatter.add.f32 [tilespmem:s11], [sflag:$0x1], $0x1, s3, s12, $0xb8;
	[tilespmem:$0xD00] =	vst v63  }
0x47: {  	_ =	swait.ge [sflag:s10], $0x80  }
0x48: {  	[sflag:s10] =	ssyncset.done $0x0  }
0x49: {  	[sflag:s10] =	ssyncadd.s32 $0xFFFFFF80  }
0x4a: {  	[spmem:s2] =	stream.indirect.scatter.add.f32 [tilespmem:s13], [sflag:$0x1], $0x1, s12, s12, $0xb8;
	[tilespmem:$0xD00] =	vst v63  }
0x4b: {  	_ =	swait.ge [sflag:s10], $0x80  }
0x4c: {  	[sflag:s10] =	ssyncset.done $0x0  }
0x4d: {  	[sflag:s10] =	ssyncadd.s32 $0xFFFFFF80  }
0x4e: {  	[spmem:s2] =	stream.indirect.scatter.add.f32 [tilespmem:s15], [sflag:$0x1], $0x1, s14, s12, $0xb8;
	[tilespmem:$0xD00] =	vst v63  }
0x4f: {  	_ =	swait.ge [sflag:s10], $0x80  }
0x50: {  	[sflag:s10] =	ssyncset.done $0x0  }
0x51: {  	[sflag:s10] =	ssyncadd.s32 $0xFFFFFF80  }
0x52: {  	[spmem:s2] =	stream.indirect.scatter.add.f32 [tilespmem:s17], [sflag:$0x1], $0x1, s16, s12, $0xb8;
	[tilespmem:$0xD00] =	vst v63  }
0x53: {  	_ =	swait.ge [sflag:s10], $0x80  }
0x54: {  	[sflag:s10] =	ssyncset.done $0x0  }
0x55: {  	[sflag:s10] =	ssyncadd.s32 $0xFFFFFF80  }
0x56: {  	[spmem:s2] =	stream.indirect.scatter.add.f32 [tilespmem:s19], [sflag:$0x1], $0x1, s18, s12, $0xb8;
	[tilespmem:$0xD00] =	vst v63  }
0x57: {  	_ =	swait.ge [sflag:s10], $0x80  }
0x58: {  	[sflag:s10] =	ssyncset.done $0x0  }
0x59: {  	[sflag:s10] =	ssyncadd.s32 $0xFFFFFF80  }
0x5a: {  	[spmem:s2] =	stream.indirect.scatter.add.f32 [tilespmem:s21], [sflag:$0x1], $0x1, s20, s12, $0xb8;
	[tilespmem:$0xD00] =	vst v63  }
0x5b: {  	_ =	swait.ge [sflag:s10], $0x80  }
0x5c: {  	[sflag:s10] =	ssyncset.done $0x0  }
0x5d: {  	[sflag:s10] =	ssyncadd.s32 $0xFFFFFF80  }
0x5e: {  	[spmem:s2] =	stream.indirect.scatter.add.f32 [tilespmem:s23], [sflag:$0x1], $0x1, s22, s12, $0xb8;
	[tilespmem:$0xD00] =	vst v63  }
0x5f: {  	_ =	swait.ge [sflag:s10], $0x80  }
0x60: {  	[sflag:s10] =	ssyncset.done $0x0  }
0x61: {  	[sflag:s10] =	ssyncadd.s32 $0xFFFFFF80  }
0x62: {  	[spmem:s2] =	stream.indirect.scatter.add.f32 [tilespmem:s25], [sflag:$0x1], $0x1, s24, s12, $0xb8;
	[tilespmem:$0xD00] =	vst v63  }
0x63: {  	_ =	swait.ge [sflag:s10], $0x80  }
0x64: {  	s30 =	simm.s32 $0x100;
	s28 =	simm.s32 $0x80;
	[sflag:s10] =	ssyncset.done $0x0  }
.LBB2_2:
0x65: {  	s31 =	sadd.s32 s28, s8  }
0x66: {  	[sflag:s10] =	ssyncadd.s32 $0xFFFFFF80;
	s0 =	smov.u32 s30;
	s29 =	sadd.s32 $0x80, s30  }
0x67: {  	[tilespmem:s3], [sflag:$0x1] =	stream.linear.gather [hbm4b:s31+s3], $0x400, $0x38;
	[tilespmem:$0xD00] =	vst v63  }
0x68: {  	p0 =	sne.s32 s30, $0x480;
	_ =	swait.ge [sflag:s10], $0x400  }
0x69: {  	[sflag:s10] =	ssyncset.done $0x0  }
0x6a: {  	s30 =	sadd.s32 s28, s7;
	s28 =	smov.u32 s0;
	[sflag:s10] =	ssyncadd.s32 $0xFFFFFC00  }
0x6b: {  	[tilespmem:s11], [sflag:$0x1] =	stream.linear.gather [hbm4b:s30+s3], $0x400, $0x38;
	[tilespmem:$0xD00] =	vst v63  }
0x6c: {  	_ =	swait.ge [sflag:s10], $0x400  }
0x6d: {  	[sflag:s10] =	ssyncset.done $0x0  }
0x6e: {  	[sflag:s10] =	ssyncadd.s32 $0xFFFFFC00  }
0x6f: {  	[spmem:s2] =	stream.indirect.scatter.add.f32 [tilespmem:s11], [sflag:$0x1], $0x1, s3, s12, $0xb8;
	[tilespmem:$0xD00] =	vst v63  }
0x70: {  	_ =	swait.ge [sflag:s10], $0x80  }
0x71: {  	[sflag:s10] =	ssyncset.done $0x0  }
0x72: {  	[sflag:s10] =	ssyncadd.s32 $0xFFFFFF80  }
0x73: {  	[spmem:s2] =	stream.indirect.scatter.add.f32 [tilespmem:s13], [sflag:$0x1], $0x1, s12, s12, $0xb8;
	[tilespmem:$0xD00] =	vst v63  }
0x74: {  	_ =	swait.ge [sflag:s10], $0x80  }
0x75: {  	[sflag:s10] =	ssyncset.done $0x0  }
0x76: {  	[sflag:s10] =	ssyncadd.s32 $0xFFFFFF80  }
0x77: {  	[spmem:s2] =	stream.indirect.scatter.add.f32 [tilespmem:s15], [sflag:$0x1], $0x1, s14, s12, $0xb8;
	[tilespmem:$0xD00] =	vst v63  }
0x78: {  	_ =	swait.ge [sflag:s10], $0x80  }
0x79: {  	[sflag:s10] =	ssyncset.done $0x0  }
0x7a: {  	[sflag:s10] =	ssyncadd.s32 $0xFFFFFF80  }
0x7b: {  	[spmem:s2] =	stream.indirect.scatter.add.f32 [tilespmem:s17], [sflag:$0x1], $0x1, s16, s12, $0xb8;
	[tilespmem:$0xD00] =	vst v63  }
0x7c: {  	_ =	swait.ge [sflag:s10], $0x80  }
0x7d: {  	[sflag:s10] =	ssyncset.done $0x0  }
0x7e: {  	[sflag:s10] =	ssyncadd.s32 $0xFFFFFF80  }
0x7f: {  	[spmem:s2] =	stream.indirect.scatter.add.f32 [tilespmem:s19], [sflag:$0x1], $0x1, s18, s12, $0xb8;
	[tilespmem:$0xD00] =	vst v63  }
0x80: {  	_ =	swait.ge [sflag:s10], $0x80  }
0x81: {  	[sflag:s10] =	ssyncset.done $0x0  }
0x82: {  	[sflag:s10] =	ssyncadd.s32 $0xFFFFFF80  }
0x83: {  	[spmem:s2] =	stream.indirect.scatter.add.f32 [tilespmem:s21], [sflag:$0x1], $0x1, s20, s12, $0xb8;
	[tilespmem:$0xD00] =	vst v63  }
0x84: {  	_ =	swait.ge [sflag:s10], $0x80  }
0x85: {  	[sflag:s10] =	ssyncset.done $0x0  }
0x86: {  	[sflag:s10] =	ssyncadd.s32 $0xFFFFFF80  }
0x87: {  	[spmem:s2] =	stream.indirect.scatter.add.f32 [tilespmem:s23], [sflag:$0x1], $0x1, s22, s12, $0xb8;
	[tilespmem:$0xD00] =	vst v63  }
0x88: {  	_ =	swait.ge [sflag:s10], $0x80  }
.Ltmp0:
0x89: {  	[sflag:s10] =	ssyncset.done $0x0;
	(pc) =	sbr.rel @p0 .LBB2_2-.Ltmp0, $4  }
0x8a: {  	[sflag:s10] =	ssyncadd.s32 $0xFFFFFF80  }
0x8b: {  	[spmem:s2] =	stream.indirect.scatter.add.f32 [tilespmem:s25], [sflag:$0x1], $0x1, s24, s12, $0xb8;
	[tilespmem:$0xD00] =	vst v63  }
0x8c: {  	_ =	swait.ge [sflag:s10], $0x80  }
0x8d: {  	s30 =	smov.u32 s29;
	[sflag:s10] =	ssyncset.done $0x0  }
0x8e: {  	s0 =	sadd.s32 s28, s8;
	[sflag:s10] =	ssyncadd.s32 $0xFFFFFF80  }
0x8f: {  	[tilespmem:s3], [sflag:$0x1] =	stream.linear.gather [hbm4b:s0+s3], $0x400, $0x38;
	[tilespmem:$0xD00] =	vst v63  }
0x90: {  	_ =	swait.ge [sflag:s10], $0x400  }
0x91: {  	[sflag:s10] =	ssyncset.done $0x0  }
0x92: {  	s31 =	sadd.s32 s28, s7;
	[sflag:s10] =	ssyncadd.s32 $0xFFFFFC00  }
0x93: {  	[tilespmem:s11], [sflag:$0x1] =	stream.linear.gather [hbm4b:s31+s3], $0x400, $0x38;
	[tilespmem:$0xD00] =	vst v63  }
0x94: {  	_ =	swait.ge [sflag:s10], $0x400  }
0x95: {  	[sflag:s10] =	ssyncset.done $0x0  }
0x96: {  	[sflag:s10] =	ssyncadd.s32 $0xFFFFFC00  }
0x97: {  	[spmem:s2] =	stream.indirect.scatter.add.f32 [tilespmem:s11], [sflag:$0x1], $0x1, s3, s12, $0xb8;
	[tilespmem:$0xD00] =	vst v63  }
0x98: {  	_ =	swait.ge [sflag:s10], $0x80  }
0x99: {  	[sflag:s10] =	ssyncset.done $0x0  }
0x9a: {  	[sflag:s10] =	ssyncadd.s32 $0xFFFFFF80  }
0x9b: {  	[spmem:s2] =	stream.indirect.scatter.add.f32 [tilespmem:s13], [sflag:$0x1], $0x1, s12, s12, $0xb8;
	[tilespmem:$0xD00] =	vst v63  }
0x9c: {  	_ =	swait.ge [sflag:s10], $0x80  }
0x9d: {  	[sflag:s10] =	ssyncset.done $0x0  }
0x9e: {  	[sflag:s10] =	ssyncadd.s32 $0xFFFFFF80  }
0x9f: {  	[spmem:s2] =	stream.indirect.scatter.add.f32 [tilespmem:s15], [sflag:$0x1], $0x1, s14, s12, $0xb8;
	[tilespmem:$0xD00] =	vst v63  }
0xa0: {  	_ =	swait.ge [sflag:s10], $0x80  }
0xa1: {  	[sflag:s10] =	ssyncset.done $0x0  }
0xa2: {  	[sflag:s10] =	ssyncadd.s32 $0xFFFFFF80  }
0xa3: {  	[spmem:s2] =	stream.indirect.scatter.add.f32 [tilespmem:s17], [sflag:$0x1], $0x1, s16, s12, $0xb8;
	[tilespmem:$0xD00] =	vst v63  }
0xa4: {  	_ =	swait.ge [sflag:s10], $0x80  }
0xa5: {  	[sflag:s10] =	ssyncset.done $0x0  }
0xa6: {  	[sflag:s10] =	ssyncadd.s32 $0xFFFFFF80  }
0xa7: {  	[spmem:s2] =	stream.indirect.scatter.add.f32 [tilespmem:s19], [sflag:$0x1], $0x1, s18, s12, $0xb8;
	[tilespmem:$0xD00] =	vst v63  }
0xa8: {  	_ =	swait.ge [sflag:s10], $0x80  }
0xa9: {  	[sflag:s10] =	ssyncset.done $0x0  }
0xaa: {  	[sflag:s10] =	ssyncadd.s32 $0xFFFFFF80  }
0xab: {  	[spmem:s2] =	stream.indirect.scatter.add.f32 [tilespmem:s21], [sflag:$0x1], $0x1, s20, s12, $0xb8;
	[tilespmem:$0xD00] =	vst v63  }
0xac: {  	_ =	swait.ge [sflag:s10], $0x80  }
0xad: {  	[sflag:s10] =	ssyncset.done $0x0  }
0xae: {  	[sflag:s10] =	ssyncadd.s32 $0xFFFFFF80  }
0xaf: {  	[spmem:s2] =	stream.indirect.scatter.add.f32 [tilespmem:s23], [sflag:$0x1], $0x1, s22, s12, $0xb8;
	[tilespmem:$0xD00] =	vst v63  }
0xb0: {  	_ =	swait.ge [sflag:s10], $0x80  }
0xb1: {  	[sflag:s10] =	ssyncset.done $0x0  }
0xb2: {  	[sflag:s10] =	ssyncadd.s32 $0xFFFFFF80  }
0xb3: {  	[spmem:s2] =	stream.indirect.scatter.add.f32 [tilespmem:s25], [sflag:$0x1], $0x1, s24, s12, $0xb8;
	[tilespmem:$0xD00] =	vst v63  }
0xb4: {  	_ =	swait.ge [sflag:s10], $0x80  }
0xb5: {  	[sflag:s10] =	ssyncset.done $0x0  }
0xb6: {  	[sflag:s10] =	ssyncadd.s32 $0xFFFFFF80  }
0xb7: {  	[bflag:$0x0] =	sbarrier.arrive $0xFFFF  }
0xb8: {  	[tilespmem:s9], [sflag:$0x1] =	stream.linear.gather [spmem:s4], $0x280, $0x38;
	[tilespmem:$0xD00] =	vst v63  }
0xb9: {  	s26 =	sadd.s32 $0x1, s26;
	_ =	swait.ge [sflag:s10], $0x280  }
0xba: {  	p0 =	sne.s32 s26, s6;
	[sflag:s10] =	ssyncset.done $0x0  }
.Ltmp1:
0xbb: {  	[sflag:s10] =	ssyncadd.s32 $0xFFFFFD80;
	(pc) =	sbr.rel @p0 .LBB2_1-.Ltmp1, $4  }
0xbc: {  	[hbm4b:s5+s3] =	stream.linear.scatter [tilespmem:s9], [sflag:$0x1], $0x280, $0x38;
	[tilespmem:$0xD00] =	vst v63  }
0xbd: {  	_ =	swait.ge [sflag:s10], $0x280  }
0xbe: {  	[sflag:s10] =	ssyncset.done $0x0  }
0xbf: {  	[sflag:s10] =	ssyncadd.s32 $0xFFFFFD80  }
0xc0: {  	_ =	sfence.sel $0x180000  }
0xc1: {  	[bflag:$0x0] =	sbarrier.arrive $0xFFFF  }
0xc2: {  	_ =	strace $0x90000047  }
0xc3: {  	[bflag:$0x2] =	sbarrier.arrive $0xFFFF  }
0xc4: {  	p0 =	sne.s32 s1, $0x0;
	s0 =	rddreg [dreg:$0x3]  }
0xc5: {  	s0 =	sadd.s32 @!p0 $0x100000, s0  }
0xc6: {  	[sflag:s0] =	ssyncadd.tile.s32 @!p0 $0x1;
	_ =	shalt  }
.Lfunc_end2:
_tile_overlayer_lowered:
.L_overlay_start_2:
0xc7: {  	(tag) =	ssettag $0x2  }
0xc8: {  	s0 =	rddreg [dreg:$0x0];
	s2 =	stileid.u32  }
0xc9: {  	s1 =	rddreg [dreg:$0x1];
	p0 =	sne.s32 s2, $0x0  }
0xca: {  	s3 =	rddreg [dreg:$0x2];
	[bflag:$0x3] =	sbarrier.arrive $0xFFFF;
	s2 =	simm.s32 @!p0 $0x1C01  }
0xcb: {  	[timem:s3], [sflag:s2] =	dma.local @!p0 [hbm:s0], s1  }
0xcc: {  	s0 =	simm.s32 @!p0 $0x1  }
0xcd: {  	_ =	swait.ge @!p0 [sflag:s0], s1  }
0xce: {  	s1 =	ssub.s32 @!p0 $0x0, s1;
	[sflag:s0] =	ssyncset.done @!p0 $0x0  }
0xcf: {  	[sflag:s0] =	ssyncadd.s32 @!p0 s1  }
0xd0: {  	[bflag:$0x3] =	sbarrier.arrive $0xFFFF  }
0xd1: {  	_ =	shalt  }

// kernel: kernel.9.cloned.1.call-start
scs
__scs_entry_jumppad:
0x0: {  	(pc) =	sbr.rel $0x88, $3  }
0x1: {  	(tag) =	ssettag $0x0;
	lr =	simm.s32 $0x1  }
0x2: {  	[smem:$0x3F9C] =	sst lr;
	_ =	strace $0xD0000000  }
0x3: {  	_ = 	snop  }
0x4: {  	_ = 	snop  }
0x5: {  	_ = 	snop  }
0x6: {  	_ = 	snop  }
0x7: {  	_ = 	snop  }
__scs_overlays_trampoline_lowered:
0x8: {  	[smem:$0x3FAB] =	sst s0  }
0x9: {  	[smem:$0x3FAC] =	sst s1  }
0xa: {  	[smem:$0x3FAD] =	sst s2  }
0xb: {  	[smem:$0x3FAE] =	sst s3  }
0xc: {  	[smem:$0x3FAF] =	sst s4  }
0xd: {  	[smem:$0x3FB0] =	sst s5  }
0xe: {  	[smem:$0x3FB1] =	sst s6  }
0xf: {  	[smem:$0x3FB2] =	sst s7  }
0x10: {  	[smem:$0x3FB3] =	sst s8  }
0x11: {  	[smem:$0x3FB4] =	sst s9;
	s0 =	simm.s32 @!p0 $0x0  }
0x12: {  	s1 =	sld [smem:$0x3F9A];
	s0 =	simm.s32 @p0 $0x1  }
0x13: {  	[smem:$0x3FB5] =	sst s0;
	s0 =	simm.s32 @!p1 $0x0  }
0x14: {  	s2 =	sld [smem:$0x3F99];
	s0 =	simm.s32 @p1 $0x1  }
0x15: {  	[smem:$0x3FB6] =	sst s0;
	s0 =	simm.s32 @!p2 $0x0  }
0x16: {  	s3 =	sld [smem:$0x3FDB];
	s0 =	simm.s32 @p2 $0x1  }
0x17: {  	s4 =	simm.s32 $0x1BF5;
	[smem:$0x3FB8] =	sst s0  }
0x18: {  	s0 =	sld [smem:$0x3F9B];
	_ =	swait.ge [sflag:s4], $0x0  }
0x19: {  	s7 =	sld [smem:$0x3F9C]  }
0x1a: {  	s8 =	sadd.s32 $0xFFFFE003, lr  }
0x1b: {  	s9 =	sadd.s32 $0xFFFFFEF7, lr;
	s5 =	simm.s32 $0xFFFFFFFF;
	p2 =	slt.u32 s8, $0xFFFFF086  }
0x1c: {  	p1 =	slt.u32 s9, $0xF7A;
	s5 =	simm.s32 @!p2 $0x0  }
0x1d: {  	s5 =	simm.s32 @p1 $0x1;
	p0 =	seq.s32 s7, s2  }
0x1e: {  	s7 =	smul.u32 @!p0 $0xF7A, s2;
	p2 =	seq.s32 @!p0 s5, $0x0  }
0x1f: {  	s9 =	smul.u32 $0xF7A, s1;
	s8 =	simm.s32 @!p0 $0x1BF5;
	p2 =	por !p2, p0  }
0x20: {  	[sflag:s8] =	ssyncset.s32 @!p0 $0xFFFFF086;
	s6 =	sadd.s32 @!p0 s3, s7;
	s7 =	simm.s32 @!p0 $0x108  }
0x21: {  	s3 =	sadd.s32 s3, s9;
	s6 =	sadd.s32 @!p0 $0x88, s6;
	s7 =	simm.s32 @p2 $0x1082  }
0x22: {  	[simem:s7], [sflag:s8] =	dma.local @!p0 [hbm:s6], $0xF7A  }
0x23: {  	s9 =	sor.u32 $0xD0000000, s2;
	s6 =	simm.s32 $0x108;
	_ =	swait.ge @!p0 [sflag:s8], $0x0  }
0x24: {  	s3 =	sadd.s32 $0x88, s3;
	s6 =	simm.s32 @!p1 $0x1082;
	[sflag:s4] =	ssyncset.s32 $0xFFFFF086  }
0x25: {  	[simem:s6], [sflag:s4] =	dma.local [hbm:s3], $0xF7A  }
0x26: {  	[smem:$0x3F9C] =	sst s1;
	(tag) =	ssettag s2;
	_ =	strace s9  }
0x27: {  	s1 =	sld [smem:$0x3FAC]  }
0x28: {  	s2 =	sld [smem:$0x3FAD]  }
0x29: {  	s4 =	sld [smem:$0x3FAF]  }
0x2a: {  	p0 =	seq.s32 s5, $0x0;
	s5 =	sld [smem:$0x3FB0]  }
0x2b: {  	s6 =	sld [smem:$0x3FB1]  }
0x2c: {  	s7 =	sld [smem:$0x3FB2]  }
0x2d: {  	s3 =	simm.s32 $0x108;
	s8 =	sld [smem:$0x3FB3]  }
0x2e: {  	s3 =	simm.s32 @!p0 $0x1082;
	s9 =	sld [smem:$0x3FB4]  }
0x2f: {  	lr =	sadd.s32 s0, s3;
	s0 =	sld [smem:$0x3FAB]  }
0x30: {  	s3 =	sld [smem:$0x3FAE]  }
0x31: {  	[smem:$0x3FB7] =	sst s10  }
0x32: {  	s10 =	sld [smem:$0x3FB5];
	_ =	sdelay $0x3  }
0x33: {  	p0 =	seq.s32 s10, $0x1;
	s10 =	sld [smem:$0x3FB7];
	_ =	sdelay $0x3  }
0x34: {  	[smem:$0x3FB7] =	sst s10  }
0x35: {  	s10 =	sld [smem:$0x3FB6];
	_ =	sdelay $0x3  }
0x36: {  	p1 =	seq.s32 s10, $0x1;
	s10 =	sld [smem:$0x3FB7];
	_ =	sdelay $0x3  }
0x37: {  	[smem:$0x3FB7] =	sst s10  }
0x38: {  	s10 =	sld [smem:$0x3FB8]  }
0x39: {  	_ = 	snop;
	(pc) =	sbr.ind lr, $3  }
0x3a: {  	_ = 	snop  }
0x3b: {  	_ = 	snop  }
0x3c: {  	p2 =	seq.s32 s10, $0x1;
	s10 =	sld [smem:$0x3FB7]  }
0x3d: {  	_ =	shalt  }
0x3e: {  	_ =	shalt  }
0x3f: {  	_ =	shalt  }
0x40: {  	_ =	shalt  }
0x41: {  	_ =	shalt  }
0x42: {  	_ =	shalt  }
0x43: {  	_ =	shalt  }
0x44: {  	_ =	shalt  }
0x45: {  	_ =	shalt  }
0x46: {  	_ =	shalt  }
0x47: {  	_ =	shalt  }
0x48: {  	_ =	shalt  }
0x49: {  	_ =	shalt  }
0x4a: {  	_ =	shalt  }
0x4b: {  	_ =	shalt  }
0x4c: {  	_ =	shalt  }
0x4d: {  	_ =	shalt  }
0x4e: {  	_ =	shalt  }
0x4f: {  	_ =	shalt  }
0x50: {  	_ =	shalt  }
0x51: {  	_ =	shalt  }
0x52: {  	_ =	shalt  }
0x53: {  	_ =	shalt  }
0x54: {  	_ =	shalt  }
0x55: {  	_ =	shalt  }
0x56: {  	_ =	shalt  }
0x57: {  	_ =	shalt  }
0x58: {  	_ =	shalt  }
0x59: {  	_ =	shalt  }
0x5a: {  	_ =	shalt  }
0x5b: {  	_ =	shalt  }
0x5c: {  	_ =	shalt  }
0x5d: {  	_ =	shalt  }
0x5e: {  	_ =	shalt  }
0x5f: {  	_ =	shalt  }
0x60: {  	_ =	shalt  }
0x61: {  	_ =	shalt  }
0x62: {  	_ =	shalt  }
0x63: {  	_ =	shalt  }
0x64: {  	_ =	shalt  }
0x65: {  	_ =	shalt  }
0x66: {  	_ =	shalt  }
0x67: {  	_ =	shalt  }
0x68: {  	_ =	shalt  }
0x69: {  	_ =	shalt  }
0x6a: {  	_ =	shalt  }
0x6b: {  	_ =	shalt  }
0x6c: {  	_ =	shalt  }
0x6d: {  	_ =	shalt  }
0x6e: {  	_ =	shalt  }
0x6f: {  	_ =	shalt  }
0x70: {  	_ =	shalt  }
0x71: {  	_ =	shalt  }
0x72: {  	_ =	shalt  }
0x73: {  	_ =	shalt  }
0x74: {  	_ =	shalt  }
0x75: {  	_ =	shalt  }
0x76: {  	_ =	shalt  }
0x77: {  	_ =	shalt  }
0x78: {  	_ =	shalt  }
0x79: {  	_ =	shalt  }
0x7a: {  	_ =	shalt  }
0x7b: {  	_ =	shalt  }
0x7c: {  	_ =	shalt  }
0x7d: {  	_ =	shalt  }
0x7e: {  	_ =	shalt  }
0x7f: {  	_ =	shalt  }
0x80: {  	_ =	shalt  }
0x81: {  	_ =	shalt  }
0x82: {  	_ =	shalt  }
0x83: {  	_ =	shalt  }
0x84: {  	_ =	shalt  }
0x85: {  	_ =	shalt  }
0x86: {  	_ =	shalt  }
0x87: {  	_ =	shalt  }
.Lfunc_end0:
.L_simem_size_0:
called_computation.2_lowered:
.L_overlay_start_0:
0x88: {  	s2 =	sld [smem:$0x3FD9]  }
0x89: {  	s3 =	sld [smem:$0x3FFE];
	_ =	sdelay $0x1  }
0x8a: {  	s1 =	srdreg.scid  }
0x8b: {  	s0 =	sand.u32 $0x1, s1  }
0x8c: {  	s17 =	sshll.u32 s0, $0xA;
	s2 =	sadd.s32 s3, s2  }
0x8d: {  	s2 =	sadd.s32 s2, s17  }
0x8e: {  	[smem:$0x3FC3] =	sst s2  }
0x8f: {  	_ = 	snop  }
0x90: {  	s2 =	sld [smem:$0x3FD0];
	(tm) =	ssettm $0x1  }
0x91: {  	s18 =	sld [smem:$0x3FFB];
	_ =	sdelay $0x3  }
0x92: {  	_ =	strace s18  }
0x93: {  	s3 =	sld [smem:$0x3FFC];
	_ =	sdelay $0x3  }
0x94: {  	_ =	strace s3  }
0x95: {  	s3 =	sld [smem:$0x3FFD];
	_ =	sdelay $0x3  }
0x96: {  	_ =	strace s3  }
0x97: {  	_ =	strace $0x8FFFFFFF  }
0x98: {  	s19 =	sld [smem:$0x3FDB];
	_ =	sdelay $0x1  }
0x99: {  	s4 =	simm.s32 $_scs_section_size  }
0x9a: {  	s5 =	simm.s32 $_size__tile_overlayer_lowered;
	s6 =	simm.s32 $_tile_overlayer_lowered  }
0x9b: {  	s22 =	simm.s32 $0x1BFF;
	s21 =	sshll.u32 s6, $0x1;
	s3 =	sadd.s32 s4, s19  }
0x9c: {  	s7 =	simm.s32 $0x0;
	s20 =	sshll.u32 s5, $0x1;
	s5 =	sadd.s32 s21, s3  }
0x9d: {  	[timem:s7], [sflag:s22] =	dma.local [hbm:s5], s20  }
0x9e: {  	_ =	swait.ge [sflag:s22], s20  }
0x9f: {  	s4 =	ssub.s32 $0x0, s20;
	[sflag:s22] =	ssyncset.done $0x0  }
0xa0: {  	[sflag:s22] =	ssyncadd.s32 s4;
	_ =	sdelay $0x1  }
0xa1: {  	s23 =	simm.s32 $0x1B8B  }
0xa2: {  	_ =	swait.ge [sflag:s23], $0x1  }
0xa3: {  	[sflag:s23] =	ssyncset.done $0x0  }
0xa4: {  	s25 =	simm.s32 $0x1B8E;
	s24 =	sld [smem:$0x3FFE];
	[sflag:s23] =	ssyncadd.s32 $0xFFFFFFFF  }
0xa5: {  	s26 =	simm.s32 $execute0_lowered;
	[smem:$0x3FD2] =	sst s25  }
0xa6: {  	s5 =	sshll.u32 s26, $0x1;
	_ =	strace $0x8000004C;
	[dreg:$0x1] =	wrdreg $0xFFFFFFFF  }
0xa7: {  	s28 =	simm.s32 $_size_execute0_lowered;
	s3 =	sadd.s32 s3, s5;
	[dreg:$0x0] =	wrdreg $0x0  }
0xa8: {  	s5 =	sshll.u32 s28, $0x1;
	[dreg:$0x2] =	wrdreg s3  }
0xa9: {  	[dreg:$0x3] =	wrdreg s5  }
0xaa: {  	[dreg:$0x4] =	wrdreg $0xC0  }
0xab: {  	_ =	task [dreg:s7], $0x5FFFF  }
0xac: {  	[dreg:$0x1] =	wrdreg $0xFFFFFFFF  }
0xad: {  	[dreg:$0x0] =	wrdreg $0x60  }
0xae: {  	[dreg:$0x2] =	wrdreg s2  }
0xaf: {  	[dreg:$0x3] =	wrdreg s24  }
0xb0: {  	[dreg:$0x4] =	wrdreg $0x4C000  }
0xb1: {  	[dreg:$0x5] =	wrdreg $0x9C000  }
0xb2: {  	[dreg:$0x6] =	wrdreg $0x9  }
0xb3: {  	_ =	task.clear_ibuf [dreg:s7], $0x7FFFF;
	_ =	strace $0x9000004C  }
0xb4: {  	s29 =	simm.s32 $0x9;
	_ =	strace $0x8000004E  }
0xb5: {  	_ =	swait.ge [sflag:s29], $0x1  }
0xb6: {  	[sflag:s29] =	ssyncadd.s32 $0xFFFFFFFF  }
0xb7: {  	_ =	strace $0x9000004E  }
0xb8: {  	_ =	sfence  }
0xb9: {  	s30 =	sld [smem:$0x0];
	_ =	sdelay $0x2  }
0xba: {  	s31 =	sshll.u32 s1, $0xD;
	s1 =	sshrl.u32 s1, $0x2  }
0xbb: {  	s3 =	sand.u32 $0x4000, s31;
	s1 =	sadd.s32 s1, s30  }
0xbc: {  	s0 =	sor.u32 s3, s0;
	s1 =	sshll.u32 s1, $0x11  }
0xbd: {  	s0 =	sor.u32 s1, s0  }
0xbe: {  	s0 =	sadd.s32 $0x8F2B, s0  }
0xbf: {  	[sflag:s0] =	ssyncadd.remote.s32 $0x1  }
0xc0: {  	_ =	sfence.sel $0xFFFF  }
0xc1: {  	[dreg:$0x0] =	wrdreg $0xFFFFFFFF;
	(pc) =	sbr.abs _section_cstart, $3  }
0xc2: {  	[dreg:$0x1] =	wrdreg $0xFFFFFFFF  }
0xc3: {  	_ =	task.clear_ibuf [dreg:s7], $0x2FFFF;
	_ =	strace $0x9FFFFFFF  }
0xc4: {  	(tm) =	ssettm $0x7FFFFFFF  }
0xc5: {  	_ =	shalt  }
tec
execute0_lowered:
.L_overlay_start_1:
0x0: {  	(tag) =	ssettag $0x1  }
0x1: {  	s0 =	rddreg [dreg:$0x0]  }
0x2: {  	s3 =	rddreg [dreg:$0x1]  }
0x3: {  	s1 =	rddreg [dreg:$0x2]  }
0x4: {  	s2 =	rddreg [dreg:$0x3];
	s5 =	simm.s32 $0x0;
	s4 =	srdreg.scid  }
0x5: {  	s13 =	stileid.u32;
	s28 =	simm.s32 $0x800;
	s29 =	simm.s32 $0x80  }
0x6: {  	s30 =	simm.s32 $0xC00;
	s31 =	simm.s32 $0x1C00;
	s9 =	smul.u32 $0x4E20, s13  }
0x7: {  	[smem:$0x7FF] =	sst s5;
	s4 =	sand.u32 $0x1, s4;
	s12 =	smul.u32 $0xA000, s13  }
0x8: {  	s5 =	sadd.s32 $0xB200, s3;
	s6 =	sadd.s32 $0x1200, s3;
	s15 =	smul.u32 $0x5000, s13  }
0x9: {  	s7 =	sadd.s32 $0x15200, s3;
	s8 =	smul.u32 $0xA0000, s4;
	s10 =	ssub.s32 $0x2, s4  }
0xa: {  	_ =	strace $0x8000004D;
	s4 =	smul.u32 $0x4E200, s4;
	s11 =	sshrl.u32 s10, $0x1  }
0xb: {  	s25 =	sshrl.u32 s9, $0x3;
	s26 =	sadd.s32 $0x2000, s12;
	s23 =	sadd.s32 s12, s2  }
0xc: {  	s17 =	sadd.s32 $0x6000, s12;
	s18 =	sadd.s32 $0x8000, s12;
	s20 =	sshrl.u32 s12, $0x3  }
0xd: {  	s3 =	sadd.s32 s8, s3;
	s8 =	ssub.s32 s10, s11;
	[dreg:$0x6] =	wrdreg s25  }
0xe: {  	s10 =	sadd.s32 s9, s1;
	s0 =	sadd.s32 s0, s4;
	[dreg:$0xd] =	wrdreg s20  }
0xf: {  	s9 =	sadd.s32 s26, s2;
	s11 =	sadd.s32 $0x4000, s12;
	[dreg:$0x7] =	wrdreg s23  }
0x10: {  	s14 =	sadd.s32 s17, s2;
	s19 =	sadd.s32 s18, s2;
	[dreg:$0x5] =	wrdreg s0  }
0x11: {  	s22 =	sshrl.u32 s17, $0x3;
	s24 =	sshrl.u32 s18, $0x3;
	[dreg:$0x8] =	wrdreg s9  }
0x12: {  	s4 =	simm.s32 $0x2;
	s18 =	simm.s32 $0x900;
	[dreg:$0xa] =	wrdreg s14  }
0x13: {  	s17 =	simm.s32 $0x700;
	s20 =	simm.s32 $0x780;
	[dreg:$0xb] =	wrdreg s19  }
0x14: {  	s16 =	sadd.s32 s11, s2;
	s3 =	sadd.s32 $0x17EC00, s3;
	[dreg:$0x10] =	wrdreg s22  }
0x15: {  	s0 =	sshrl.u32 s26, $0x3;
	s21 =	sshrl.u32 s11, $0x3;
	[dreg:$0x11] =	wrdreg s24  }
0x16: {  	s25 =	smax.u32 s8, $0x1;
	s26 =	sshrl.u32 s10, $0x3;
	[dreg:$0x9] =	wrdreg s16  }
0x17: {  	s24 =	simm.s32 $0x4;
	s8 =	simm.s32 $0x3;
	[dreg:$0xc] =	wrdreg s3  }
0x18: {  	s9 =	simm.s32 $0x880;
	s11 =	simm.s32 $0xA00;
	[dreg:$0xe] =	wrdreg s0  }
0x19: {  	v0 =	vlaneseq.u32;
	s14 =	simm.s32 $0xA80;
	s22 =	simm.s32 $0x380;
	[dreg:$0xf] =	wrdreg s21  }
0x1a: {  	v0 =	vmul.u32 $0x2, v0;
	s19 =	simm.s32 $0xB80;
	s10 =	simm.s32 $0x0;
	[dreg:$0x12] =	wrdreg s25  }
0x1b: {  	v1 =	vimm.f32 $0.0e+00;
	[dreg:$0x13] =	wrdreg s26;
	s25 =	simm.s32 $0x2C00;
	s26 =	simm.s32 $0x400  }
0x1c: {  	v2 =	vor.u32 $0x1, v0;
	v3 =	vor.u32 $0x20, v0;
	v4 =	vor.u32 $0x21, v0;
	s0 =	simm.s32 $0x1;
	s21 =	simm.s32 $0x980;
	s16 =	simm.s32 $0xB00  }
.LBB2_1:
0x1d: {  	[dreg:$0x14] =	wrdreg s10;
	s13 =	simm.s32 $0x0  }
.LBB2_2:
0x1e: {  	[dreg:$0x15] =	wrdreg s13;
	s10 =	smul.u32 $0x9C40, s13  }
0x1f: {  	s3 =	rddreg [dreg:$0x5];
	s12 =	stileid.u32  }
0x20: {  	s13 =	rddreg [dreg:$0x6];
	s12 =	sshll.u32 s12, $0x6;
	s10 =	sadd.s32 s10, s3  }
0x21: {  	s12 =	sor.u32 $0x1C04, s12;
	s10 =	sadd.s32 s13, s10;
	s13 =	rddreg [dreg:$0x13]  }
0x22: {  	[spmem:s13], [sflag:s12] =	dma.local [hbm:s10], $0x9C4  }
0x23: {  	_ =	swait.ge [sflag:s24], $0x9C4  }
0x24: {  	[sflag:s24] =	ssyncset.done $0x0  }
0x25: {  	s12 =	simm.s32 $0x100;
	s10 =	simm.s32 $0x0;
	[sflag:s24] =	ssyncadd.s32 $0xFFFFF63C  }
.LBB2_3:
0x26: {  	p0 =	sne.s32 s12, $0x7F00;
	[tilespmem:s10+$0x2C30] =	vst v1;
	s13 =	smov.u32 s12;
	s12 =	sadd.s32 $0x100, s12  }
.Ltmp0:
0x27: {  	[tilespmem:s10+$0x2C20] =	vst v1;
	(pc) =	sbr.rel @p0 .LBB2_3-.Ltmp0, $3  }
0x28: {  	[tilespmem:s10+$0x2C00] =	vst v1  }
0x29: {  	[tilespmem:s10+$0x2C10] =	vst v1;
	_ =	sdelay $0x1  }
0x2a: {  	s10 =	sshra.s32 s13, $0x2  }
0x2b: {  	[tilespmem:s10+$0x2C30] =	vst v1  }
0x2c: {  	[tilespmem:s10+$0x2C20] =	vst v1  }
0x2d: {  	[tilespmem:s10+$0x2C00] =	vst v1  }
0x2e: {  	[tilespmem:s10+$0x2C10] =	vst v1  }
0x2f: {  	[spmem:s23] =	stream.linear.scatter [tilespmem:s25], [sflag:$0x4], $0x2000, $0x38;
	[tilespmem:$0x13C00] =	vst v63  }
0x30: {  	_ =	swait.ge [sflag:s24], $0x2000  }
0x31: {  	[sflag:s24] =	ssyncset.done $0x0  }
0x32: {  	s3 =	rddreg [dreg:$0x8];
	[sflag:s24] =	ssyncadd.s32 $0xFFFFE000  }
0x33: {  	[spmem:s3] =	stream.linear.scatter [tilespmem:s25], [sflag:$0x4], $0x2000, $0x38;
	[tilespmem:$0x13C00] =	vst v63  }
0x34: {  	_ =	swait.ge [sflag:s24], $0x2000  }
0x35: {  	[sflag:s24] =	ssyncset.done $0x0  }
0x36: {  	s12 =	rddreg [dreg:$0x9];
	[sflag:s24] =	ssyncadd.s32 $0xFFFFE000  }
0x37: {  	[spmem:s12] =	stream.linear.scatter [tilespmem:s25], [sflag:$0x4], $0x2000, $0x38;
	[tilespmem:$0x13C00] =	vst v63  }
0x38: {  	_ =	swait.ge [sflag:s24], $0x2000  }
0x39: {  	[sflag:s24] =	ssyncset.done $0x0  }
0x3a: {  	s13 =	rddreg [dreg:$0xa];
	[sflag:s24] =	ssyncadd.s32 $0xFFFFE000  }
0x3b: {  	[spmem:s13] =	stream.linear.scatter [tilespmem:s25], [sflag:$0x4], $0x2000, $0x38;
	[tilespmem:$0x13C00] =	vst v63  }
0x3c: {  	_ =	swait.ge [sflag:s24], $0x2000  }
0x3d: {  	[sflag:s24] =	ssyncset.done $0x0  }
0x3e: {  	s23 =	rddreg [dreg:$0xb];
	[sflag:s24] =	ssyncadd.s32 $0xFFFFE000  }
0x3f: {  	[spmem:s23] =	stream.linear.scatter [tilespmem:s25], [sflag:$0x4], $0x2000, $0x38;
	[tilespmem:$0x13C00] =	vst v63  }
0x40: {  	_ =	swait.ge [sflag:s24], $0x2000  }
0x41: {  	[sflag:s24] =	ssyncset.done $0x0  }
0x42: {  	[sflag:s24] =	ssyncadd.s32 $0xFFFFE000  }
0x43: {  	s10 =	simm.s32 $0x0;
	s23 =	simm.s32 $0x0;
	[bflag:$0x0] =	sbarrier.arrive $0xFFFF  }
.LBB2_5:
0x44: {  	s12 =	sshll.u32 s10, $0xA  }
0x45: {  	s12 =	sadd.s32 s15, s12  }
0x46: {  	s12 =	sshrl.u32 s12, $0x3  }
0x47: {  	s13 =	sadd.s32 s5, s12  }
0x48: {  	[tilespmem:s23], [sflag:$0x4] =	stream.linear.gather [hbm4b:s13+s23], $0x400, $0x38;
	[tilespmem:$0x13C00] =	vst v63  }
0x49: {  	_ =	swait.ge [sflag:s24], $0x400  }
0x4a: {  	[sflag:s24] =	ssyncset.done $0x0  }
0x4b: {  	s3 =	sadd.s32 s6, s12;
	[sflag:s24] =	ssyncadd.s32 $0xFFFFFC00  }
0x4c: {  	[tilespmem:s26], [sflag:$0x4] =	stream.linear.gather [hbm4b:s3+s23], $0x400, $0x38;
	[tilespmem:$0x13C00] =	vst v63  }
0x4d: {  	_ =	swait.ge [sflag:s24], $0x400  }
0x4e: {  	[sflag:s24] =	ssyncset.done $0x0  }
0x4f: {  	s12 =	sadd.s32 s7, s12;
	[sflag:s24] =	ssyncadd.s32 $0xFFFFFC00  }
0x50: {  	[tilespmem:s28], [sflag:$0x4] =	stream.linear.gather [hbm4b:s12+s23], $0x400, $0x38;
	[tilespmem:$0x13C00] =	vst v63  }
0x51: {  	_ =	swait.ge [sflag:s24], $0x400  }
0x52: {  	[sflag:s24] =	ssyncset.done $0x0  }
0x53: {  	s3 =	simm.s32 $0x1;
	[sflag:s24] =	ssyncadd.s32 $0xFFFFFC00  }
0x54: {  	[tilespmem:s30], [sflag:$0x1] =	stream.indirect.gather [spmem:s1], $0x20, s23, s29, $0xb8;
	[tilespmem:$0x13C00] =	vst v63  }
0x55: {  	s13 =	simm.s32 $0x3;
	v5 =	vmov s3  }
0x56: {  	[tilespmem:s31], [sflag:$0x2] =	stream.indirect.gather [spmem:s1], $0x20, s29, s29, $0xb8;
	[tilespmem:$0x13C00] =	vst v63  }
0x57: {  	v6 =	vmov s13;
	_ =	swait.ge [sflag:s0], $0x1000  }
0x58: {  	[sflag:s0] =	ssyncset.done $0x0  }
0x59: {  	[sflag:s0] =	ssyncadd.s32 $0xFFFFF000  }
0x5a: {  	s3 =	simm.s32 $0x2;
	s12 =	simm.s32 $0xC40;
	v15 =	vld.idx.msk [tilespmem:v5+s28+$0x0], $0xffff  }
0x5b: {  	v8 =	vmov s3;
	v7 =	vld [tilespmem:s12+$0x20]  }
0x5c: {  	v12 =	vld.idx.msk [tilespmem:v6+s28+$0x0], $0xffff  }
0x5d: {  	v9 =	vmov s23;
	v18 =	vshll.u32 v6, $0x6;
	v6 =	vld [tilespmem:s12+$0xFFFFFFE0]  }
0x5e: {  	v11 =	vshll.u32 v9, $0x6;
	v16 =	vor.u32 v0, v18;
	v13 =	vshll.u32 v5, $0x6;
	v10 =	vld [tilespmem:s12+$0xFFFFFFC0]  }
0x5f: {  	v21 =	vor.u32 v0, v11;
	v19 =	vor.u32 v2, v18;
	v20 =	vor.u32 v0, v13;
	v17 =	vld [tilespmem:s12+$0x0]  }
0x60: {  	v14 =	vshll.u32 v8, $0x6;
	v22 =	vor.u32 v2, v13;
	v8 =	vld.idx.msk [tilespmem:v8+s28+$0x0], $0xffff;
	v5 =	vshll.u32 v7, $0x10  }
0x61: {  	v24 =	vor.u32 v0, v14;
	v7 =	vand.u32 $0xFFFF0000, v7;
	v23 =	vmul.f32 v5, v12  }
0x62: {  	v25 =	vor.u32 v2, v14;
	v26 =	vshll.u32 v6, $0x10;
	v5 =	vld.idx.msk [tilespmem:v9+s28+$0x0], $0xffff;
	v7 =	vmul.f32 v7, v12  }
0x63: {  	v6 =	vand.u32 $0xFFFF0000, v6;
	v9 =	vshll.u32 v10, $0x10;
	[tilespmem:v16+s25+$0x0] =	vst.idx.msk $0xffff, v23;
	v23 =	vmul.f32 v26, v15  }
0x64: {  	s3 =	simm.s32 $0x4;
	v16 =	vshll.u32 v17, $0x10;
	v17 =	vand.u32 $0xFFFF0000, v17;
	[tilespmem:v19+s25+$0x0] =	vst.idx.msk $0xffff, v7;
	v19 =	vmul.f32 v6, v15  }
0x65: {  	v7 =	vmov s3;
	v6 =	vand.u32 $0xFFFF0000, v10;
	v10 =	vmul.f32 v16, v8;
	v27 =	vld [tilespmem:s12+$0x30];
	[tilespmem:v20+s25+$0x0] =	vst.idx.msk $0xffff, v23  }
0x66: {  	v26 =	vor.u32 v2, v11;
	v28 =	vmul.f32 v17, v8;
	s3 =	simm.s32 $0x5;
	[tilespmem:v22+s25+$0x0] =	vst.idx.msk $0xffff, v19  }
0x67: {  	v17 =	vmov s3;
	v20 =	vor.u32 v4, v18;
	v23 =	vmul.f32 v9, v5;
	[tilespmem:v24+s25+$0x0] =	vst.idx.msk $0xffff, v10  }
0x68: {  	s3 =	simm.s32 $0x6;
	v29 =	vmul.f32 v6, v5;
	v6 =	vshll.u32 v7, $0x6;
	v19 =	vor.u32 v3, v18;
	v22 =	vld [tilespmem:s12+$0xFFFFFFF0];
	[tilespmem:v25+s25+$0x0] =	vst.idx.msk $0xffff, v28  }
0x69: {  	v9 =	vor.u32 v3, v11;
	v16 =	vmov s3;
	s3 =	simm.s32 $0x7;
	v11 =	vor.u32 v4, v11;
	[tilespmem:v21+s25+$0x0] =	vst.idx.msk $0xffff, v23;
	v21 =	vld [tilespmem:s12+$0x10]  }
0x6a: {  	v18 =	vmov s3;
	v23 =	vor.u32 v3, v13;
	v10 =	vld.idx.msk [tilespmem:v7+s28+$0x0], $0xffff;
	v24 =	vshll.u32 v27, $0x10  }
0x6b: {  	s13 =	simm.s32 $0x8;
	v7 =	vor.u32 v0, v6;
	[tilespmem:v26+s25+$0x0] =	vst.idx.msk $0xffff, v29;
	v25 =	vand.u32 $0xFFFF0000, v27;
	v24 =	vmul.f32 v24, v12  }
.LBB2_6:
0x6c: {  	p0 =	slt.u32 s13, $0x7C;
	v26 =	vld [tilespmem:s12+$0xFFFFFFD0];
	v27 =	vor.u32 v4, v13;
	v28 =	vor.u32 v3, v14;
	v12 =	vmul.f32 v25, v12  }
0x6d: {  	v30 =	vor.u32 v4, v14;
	s12 =	sadd.s32 $0x80, s12;
	v25 =	vld.idx.msk [tilespmem:v17+s28+$0x0], $0xffff;
	v29 =	vshll.u32 v22, $0x10;
	v22 =	vand.u32 $0xFFFF0000, v22;
	[tilespmem:v19+s25+$0x0] =	vst.idx.msk $0xffff, v24  }
0x6e: {  	v13 =	vshll.u32 v17, $0x6;
	v17 =	vld [tilespmem:s12+$0x20];
	v19 =	vmul.f32 v29, v15;
	v15 =	vmul.f32 v22, v15;
	[tilespmem:v20+s25+$0x0] =	vst.idx.msk $0xffff, v12  }
0x6f: {  	v20 =	vor.u32 v0, v13;
	v12 =	vld.idx.msk [tilespmem:v18+s28+$0x0], $0xffff;
	v22 =	vshll.u32 v21, $0x10;
	v21 =	vand.u32 $0xFFFF0000, v21  }
0x70: {  	v14 =	vshll.u32 v16, $0x6;
	v24 =	vld [tilespmem:s12+$0xFFFFFFC0];
	[tilespmem:v23+s25+$0x0] =	vst.idx.msk $0xffff, v19;
	v19 =	vmul.f32 v22, v8;
	v21 =	vmul.f32 v21, v8  }
0x71: {  	v18 =	vshll.u32 v18, $0x6;
	v22 =	vld [tilespmem:s12+$0xFFFFFFE0];
	v8 =	vshll.u32 v26, $0x10;
	v23 =	vand.u32 $0xFFFF0000, v26;
	[tilespmem:v27+s25+$0x0] =	vst.idx.msk $0xffff, v15  }
0x72: {  	v27 =	vor.u32 v0, v18;
	v26 =	vld [tilespmem:s12+$0x0];
	v31 =	vmul.f32 v8, v5;
	v23 =	vmul.f32 v23, v5;
	v5 =	vmovc v10  }
0x73: {  	v10 =	vor.u32 v2, v13;
	v8 =	vld.idx.msk [tilespmem:v16+s28+$0x0], $0xffff;
	v16 =	vor.u32 v2, v18;
	[tilespmem:v28+s25+$0x0] =	vst.idx.msk $0xffff, v19  }
0x74: {  	v19 =	vor.u32 v0, v14;
	v28 =	vor.u32 v2, v14;
	v29 =	vshll.u32 v17, $0x10;
	[tilespmem:v30+s25+$0x0] =	vst.idx.msk $0xffff, v21  }
0x75: {  	v15 =	vmovc v25;
	v17 =	vand.u32 $0xFFFF0000, v17;
	v29 =	vmul.f32 v29, v12;
	v21 =	vshll.u32 v24, $0x10;
	[tilespmem:v9+s25+$0x0] =	vst.idx.msk $0xffff, v31  }
0x76: {  	v17 =	vmul.f32 v17, v12;
	v9 =	vand.u32 $0xFFFF0000, v24;
	v24 =	vshll.u32 v22, $0x10;
	[tilespmem:v11+s25+$0x0] =	vst.idx.msk $0xffff, v23  }
0x77: {  	v11 =	vand.u32 $0xFFFF0000, v22;
	v22 =	vshll.u32 v26, $0x10;
	v23 =	vand.u32 $0xFFFF0000, v26;
	[tilespmem:v27+s25+$0x0] =	vst.idx.msk $0xffff, v29  }
0x78: {  	v25 =	vmov s13;
	v24 =	vmul.f32 v24, v15;
	v11 =	vmul.f32 v11, v15;
	[tilespmem:v16+s25+$0x0] =	vst.idx.msk $0xffff, v17  }
0x79: {  	v26 =	vor.u32 v2, v6;
	v16 =	vmul.f32 v22, v8;
	v23 =	vmul.f32 v23, v8;
	v27 =	vld [tilespmem:s12+$0x30]  }
0x7a: {  	v21 =	vmul.f32 v21, v5;
	v29 =	vmul.f32 v9, v5;
	[tilespmem:v20+s25+$0x0] =	vst.idx.msk $0xffff, v24  }
.Ltmp1:
0x7b: {  	s3 =	sadd.s32 $0x1, s13;
	v24 =	vshll.u32 v25, $0x6;
	[tilespmem:v10+s25+$0x0] =	vst.idx.msk $0xffff, v11;
	(pc) =	sbr.rel @p0 .LBB2_6-.Ltmp1, $4  }
0x7c: {  	v9 =	vor.u32 v3, v6;
	v17 =	vmov s3;
	s3 =	sadd.s32 $0x2, s13;
	v22 =	vld [tilespmem:s12+$0xFFFFFFF0];
	[tilespmem:v19+s25+$0x0] =	vst.idx.msk $0xffff, v16;
	v19 =	vor.u32 v3, v18  }
0x7d: {  	v20 =	vor.u32 v4, v18;
	v11 =	vor.u32 v4, v6;
	v16 =	vmov s3;
	s3 =	sadd.s32 $0x3, s13;
	v10 =	vld.idx.msk [tilespmem:v25+s28+$0x0], $0xffff;
	[tilespmem:v28+s25+$0x0] =	vst.idx.msk $0xffff, v23  }
0x7e: {  	v6 =	vmovc v24;
	v18 =	vmov s3;
	[tilespmem:v7+s25+$0x0] =	vst.idx.msk $0xffff, v21;
	v7 =	vor.u32 v0, v24;
	v21 =	vld [tilespmem:s12+$0x10];
	v25 =	vshll.u32 v27, $0x10  }
0x7f: {  	s13 =	sadd.s32 $0x4, s13;
	v23 =	vor.u32 v3, v13;
	[tilespmem:v26+s25+$0x0] =	vst.idx.msk $0xffff, v29;
	v24 =	vmul.f32 v25, v12;
	v25 =	vand.u32 $0xFFFF0000, v27  }
0x80: {  	_ =	sdelay $0x3  }
0x81: {  	v13 =	vor.u32 v4, v13;
	v26 =	vld.idx.msk [tilespmem:v17+s28+$0x0], $0xffff;
	s13 =	sadd.s32 $0x80, s12  }
0x82: {  	v27 =	vor.u32 v3, v14;
	v12 =	vmul.f32 v25, v12;
	v14 =	vor.u32 v4, v14;
	v28 =	vld [tilespmem:s13+$0x20]  }
0x83: {  	v17 =	vshll.u32 v17, $0x6;
	v29 =	vld.idx.msk [tilespmem:v18+s28+$0x0], $0xffff;
	v25 =	vshll.u32 v22, $0x10;
	v22 =	vand.u32 $0xFFFF0000, v22  }
0x84: {  	v18 =	vshll.u32 v18, $0x6;
	[tilespmem:v19+s25+$0x0] =	vst.idx.msk $0xffff, v24;
	v19 =	vmul.f32 v25, v15;
	v15 =	vmul.f32 v22, v15;
	v22 =	vld [tilespmem:s13+$0xFFFFFFE0]  }
0x85: {  	v24 =	vor.u32 v0, v18;
	[tilespmem:v20+s25+$0x0] =	vst.idx.msk $0xffff, v12;
	v12 =	vor.u32 v0, v17;
	v20 =	vshll.u32 v21, $0x10  }
0x86: {  	v21 =	vand.u32 $0xFFFF0000, v21;
	[tilespmem:v23+s25+$0x0] =	vst.idx.msk $0xffff, v19;
	v19 =	vmul.f32 v20, v8;
	v20 =	vld [tilespmem:s13+$0x0];
	v23 =	vor.u32 v2, v18  }
0x87: {  	v25 =	vshll.u32 v16, $0x6;
	v8 =	vmul.f32 v21, v8;
	[tilespmem:v13+s25+$0x0] =	vst.idx.msk $0xffff, v15;
	v13 =	vld.idx.msk [tilespmem:v16+s28+$0x0], $0xffff;
	v15 =	vshll.u32 v28, $0x10  }
0x88: {  	v21 =	vor.u32 v2, v17;
	v16 =	vld [tilespmem:s13+$0xFFFFFFC0];
	[tilespmem:v27+s25+$0x0] =	vst.idx.msk $0xffff, v19;
	v19 =	vand.u32 $0xFFFF0000, v28;
	v15 =	vmul.f32 v15, v29  }
0x89: {  	v27 =	vor.u32 v0, v25;
	[tilespmem:v14+s25+$0x0] =	vst.idx.msk $0xffff, v8;
	v8 =	vshll.u32 v22, $0x10;
	v14 =	vmul.f32 v19, v29  }
0x8a: {  	v61 =	vor.u32 v2, v25;
	v19 =	vld [tilespmem:s12+$0xFFFFFFD0];
	v22 =	vand.u32 $0xFFFF0000, v22;
	v8 =	vmul.f32 v8, v26;
	[tilespmem:v24+s25+$0x0] =	vst.idx.msk $0xffff, v15  }
0x8b: {  	v22 =	vmul.f32 v22, v26;
	v15 =	vshll.u32 v20, $0x10;
	[tilespmem:v23+s25+$0x0] =	vst.idx.msk $0xffff, v14  }
0x8c: {  	v14 =	vand.u32 $0xFFFF0000, v20;
	v20 =	vor.u32 v2, v6;
	v15 =	vmul.f32 v15, v13;
	[tilespmem:v12+s25+$0x0] =	vst.idx.msk $0xffff, v8;
	v23 =	vld [tilespmem:s13+$0x30]  }
0x8d: {  	v8 =	vshll.u32 v16, $0x10;
	v12 =	vmul.f32 v14, v13;
	[tilespmem:v21+s25+$0x0] =	vst.idx.msk $0xffff, v22  }
0x8e: {  	v14 =	vand.u32 $0xFFFF0000, v16;
	v8 =	vmul.f32 v8, v10;
	v16 =	vld [tilespmem:s13+$0xFFFFFFF0];
	[tilespmem:v27+s25+$0x0] =	vst.idx.msk $0xffff, v15  }
0x8f: {  	v21 =	vor.u32 v3, v18;
	v15 =	vshll.u32 v19, $0x10;
	v14 =	vmul.f32 v14, v10;
	[tilespmem:v61+s25+$0x0] =	vst.idx.msk $0xffff, v12  }
0x90: {  	v18 =	vor.u32 v4, v18;
	v12 =	vand.u32 $0xFFFF0000, v19;
	v15 =	vmul.f32 v15, v5;
	[tilespmem:v7+s25+$0x0] =	vst.idx.msk $0xffff, v8;
	v7 =	vld [tilespmem:s13+$0x10]  }
0x91: {  	v5 =	vmul.f32 v12, v5;
	v12 =	vor.u32 v3, v17;
	[tilespmem:v20+s25+$0x0] =	vst.idx.msk $0xffff, v14;
	v8 =	vshll.u32 v23, $0x10  }
0x92: {  	[tilespmem:v9+s25+$0x0] =	vst.idx.msk $0xffff, v15;
	v15 =	vor.u32 v4, v17;
	v9 =	vand.u32 $0xFFFF0000, v23;
	v14 =	vld [tilespmem:s13+$0xFFFFFFD0];
	v8 =	vmul.f32 v8, v29  }
0x93: {  	[tilespmem:v11+s25+$0x0] =	vst.idx.msk $0xffff, v5;
	v5 =	vor.u32 v3, v25;
	v9 =	vmul.f32 v9, v29;
	v11 =	vshll.u32 v16, $0x10  }
0x94: {  	v17 =	vor.u32 v4, v25;
	v16 =	vand.u32 $0xFFFF0000, v16;
	[tilespmem:v21+s25+$0x0] =	vst.idx.msk $0xffff, v8;
	v8 =	vmul.f32 v11, v26  }
0x95: {  	v16 =	vmul.f32 v16, v26;
	v11 =	vor.u32 v3, v6;
	[tilespmem:v18+s25+$0x0] =	vst.idx.msk $0xffff, v9;
	v9 =	vshll.u32 v7, $0x10  }
0x96: {  	v6 =	vor.u32 v4, v6;
	v7 =	vand.u32 $0xFFFF0000, v7;
	[tilespmem:v12+s25+$0x0] =	vst.idx.msk $0xffff, v8;
	v8 =	vmul.f32 v9, v13  }
0x97: {  	v7 =	vmul.f32 v7, v13;
	v9 =	vshll.u32 v14, $0x10;
	[tilespmem:v15+s25+$0x0] =	vst.idx.msk $0xffff, v16  }
0x98: {  	v12 =	vand.u32 $0xFFFF0000, v14;
	v9 =	vmul.f32 v9, v10;
	[tilespmem:v5+s25+$0x0] =	vst.idx.msk $0xffff, v8  }
0x99: {  	v5 =	vmul.f32 v12, v10;
	[tilespmem:v17+s25+$0x0] =	vst.idx.msk $0xffff, v7  }
0x9a: {  	[tilespmem:v11+s25+$0x0] =	vst.idx.msk $0xffff, v9  }
0x9b: {  	[tilespmem:v6+s25+$0x0] =	vst.idx.msk $0xffff, v5  }
0x9c: {  	[spmem:s2] =	stream.indirect.scatter.add.f32 [tilespmem:s25], [sflag:$0x3], $0x40, s26, s29, $0xb8;
	[tilespmem:$0x13C00] =	vst v63  }
0x9d: {  	s3 =	simm.s32 $0x100  }
0x9e: {  	[tilespmem:s30], [sflag:$0x1] =	stream.indirect.gather [spmem:s1], $0x20, s3, s29, $0xb8;
	[tilespmem:$0x13C00] =	vst v63  }
0x9f: {  	s13 =	simm.s32 $0x1;
	_ =	swait.ge [sflag:s4], $0x1000  }
0xa0: {  	v5 =	vmov s13;
	[sflag:s4] =	ssyncset.done $0x0  }
0xa1: {  	s12 =	simm.s32 $0x3;
	[sflag:s4] =	ssyncadd.s32 $0xFFFFF000  }
0xa2: {  	v6 =	vmov s12;
	_ =	swait.ge [sflag:s8], $0x2000  }
0xa3: {  	[sflag:s8] =	ssyncset.done $0x0  }
0xa4: {  	[sflag:s8] =	ssyncadd.s32 $0xFFFFE000  }
0xa5: {  	s12 =	simm.s32 $0x1C70;
	s13 =	simm.s32 $0x2;
	v15 =	vld.idx.msk [tilespmem:v5+s9+$0x0], $0xffff  }
0xa6: {  	v8 =	vmov s13;
	v7 =	vld [tilespmem:s12+$0xFFFFFFF0]  }
0xa7: {  	s13 =	simm.s32 $0x0;
	v12 =	vld.idx.msk [tilespmem:v6+s9+$0x0], $0xffff  }
0xa8: {  	v18 =	vshll.u32 v6, $0x6;
	v9 =	vmov s13;
	v6 =	vld [tilespmem:s12+$0xFFFFFFB0]  }
0xa9: {  	v13 =	vshll.u32 v5, $0x6;
	v16 =	vor.u32 v0, v18;
	v19 =	vor.u32 v2, v18;
	v10 =	vld [tilespmem:s12+$0xFFFFFF90]  }
0xaa: {  	v20 =	vor.u32 v0, v13;
	v14 =	vshll.u32 v8, $0x6;
	v22 =	vor.u32 v2, v13;
	v17 =	vld [tilespmem:s12+$0xFFFFFFD0]  }
0xab: {  	v11 =	vshll.u32 v9, $0x6;
	v24 =	vor.u32 v0, v14;
	v8 =	vld.idx.msk [tilespmem:v8+s9+$0x0], $0xffff;
	v5 =	vshll.u32 v7, $0x10  }
0xac: {  	v25 =	vor.u32 v2, v14;
	v7 =	vand.u32 $0xFFFF0000, v7;
	v23 =	vmul.f32 v5, v12  }
0xad: {  	v21 =	vor.u32 v0, v11;
	v26 =	vshll.u32 v6, $0x10;
	v5 =	vld.idx.msk [tilespmem:v9+s9+$0x0], $0xffff;
	v7 =	vmul.f32 v7, v12  }
0xae: {  	v6 =	vand.u32 $0xFFFF0000, v6;
	v9 =	vshll.u32 v10, $0x10;
	[tilespmem:v16+s25+$0x0] =	vst.idx.msk $0xffff, v23;
	v23 =	vmul.f32 v26, v15  }
0xaf: {  	s13 =	simm.s32 $0x4;
	v16 =	vshll.u32 v17, $0x10;
	v17 =	vand.u32 $0xFFFF0000, v17;
	[tilespmem:v19+s25+$0x0] =	vst.idx.msk $0xffff, v7;
	v19 =	vmul.f32 v6, v15  }
0xb0: {  	v7 =	vmov s13;
	v6 =	vand.u32 $0xFFFF0000, v10;
	v10 =	vmul.f32 v16, v8;
	v27 =	vld [tilespmem:s12+$0x0];
	[tilespmem:v20+s25+$0x0] =	vst.idx.msk $0xffff, v23  }
0xb1: {  	v26 =	vor.u32 v2, v11;
	v62 =	vmul.f32 v17, v8;
	s13 =	simm.s32 $0x5;
	[tilespmem:v22+s25+$0x0] =	vst.idx.msk $0xffff, v19  }
0xb2: {  	v17 =	vmov s13;
	v20 =	vor.u32 v4, v18;
	v23 =	vmul.f32 v9, v5;
	[tilespmem:v24+s25+$0x0] =	vst.idx.msk $0xffff, v10  }
0xb3: {  	s13 =	simm.s32 $0x6;
	v63 =	vmul.f32 v6, v5;
	v6 =	vshll.u32 v7, $0x6;
	v19 =	vor.u32 v3, v18;
	v22 =	vld [tilespmem:s12+$0xFFFFFFC0];
	[tilespmem:v25+s25+$0x0] =	vst.idx.msk $0xffff, v62  }
0xb4: {  	v9 =	vor.u32 v3, v11;
	v16 =	vmov s13;
	s13 =	simm.s32 $0x7;
	v11 =	vor.u32 v4, v11;
	[tilespmem:v21+s25+$0x0] =	vst.idx.msk $0xffff, v23;
	v21 =	vld [tilespmem:s12+$0xFFFFFFE0]  }
0xb5: {  	v18 =	vmov s13;
	v23 =	vor.u32 v3, v13;
	v10 =	vld.idx.msk [tilespmem:v7+s9+$0x0], $0xffff;
	v24 =	vshll.u32 v27, $0x10  }
0xb6: {  	s13 =	simm.s32 $0x8;
	v7 =	vor.u32 v0, v6;
	[tilespmem:v26+s25+$0x0] =	vst.idx.msk $0xffff, v63;
	v25 =	vand.u32 $0xFFFF0000, v27;
	v24 =	vmul.f32 v24, v12  }
.LBB2_8:
0xb7: {  	p0 =	slt.u32 s13, $0x7C;
	v26 =	vld [tilespmem:s12+$0xFFFFFFA0];
	v27 =	vor.u32 v4, v13;
	v28 =	vor.u32 v3, v14;
	v12 =	vmul.f32 v25, v12  }
0xb8: {  	v30 =	vor.u32 v4, v14;
	s12 =	sadd.s32 $0x80, s12;
	v25 =	vld.idx.msk [tilespmem:v17+s9+$0x0], $0xffff;
	v29 =	vshll.u32 v22, $0x10;
	v22 =	vand.u32 $0xFFFF0000, v22;
	[tilespmem:v19+s25+$0x0] =	vst.idx.msk $0xffff, v24  }
0xb9: {  	v13 =	vshll.u32 v17, $0x6;
	v17 =	vld [tilespmem:s12+$0xFFFFFFF0];
	v19 =	vmul.f32 v29, v15;
	v15 =	vmul.f32 v22, v15;
	[tilespmem:v20+s25+$0x0] =	vst.idx.msk $0xffff, v12  }
0xba: {  	v20 =	vor.u32 v0, v13;
	v12 =	vld.idx.msk [tilespmem:v18+s9+$0x0], $0xffff;
	v22 =	vshll.u32 v21, $0x10;
	v21 =	vand.u32 $0xFFFF0000, v21  }
0xbb: {  	v14 =	vshll.u32 v16, $0x6;
	v24 =	vld [tilespmem:s12+$0xFFFFFF90];
	[tilespmem:v23+s25+$0x0] =	vst.idx.msk $0xffff, v19;
	v19 =	vmul.f32 v22, v8;
	v21 =	vmul.f32 v21, v8  }
0xbc: {  	v18 =	vshll.u32 v18, $0x6;
	v22 =	vld [tilespmem:s12+$0xFFFFFFB0];
	v8 =	vshll.u32 v26, $0x10;
	v23 =	vand.u32 $0xFFFF0000, v26;
	[tilespmem:v27+s25+$0x0] =	vst.idx.msk $0xffff, v15  }
0xbd: {  	v27 =	vor.u32 v0, v18;
	v26 =	vld [tilespmem:s12+$0xFFFFFFD0];
	v31 =	vmul.f32 v8, v5;
	v23 =	vmul.f32 v23, v5;
	v5 =	vmovc v10  }
0xbe: {  	v10 =	vor.u32 v2, v13;
	v8 =	vld.idx.msk [tilespmem:v16+s9+$0x0], $0xffff;
	v16 =	vor.u32 v2, v18;
	[tilespmem:v28+s25+$0x0] =	vst.idx.msk $0xffff, v19  }
0xbf: {  	v19 =	vor.u32 v0, v14;
	v28 =	vor.u32 v2, v14;
	v29 =	vshll.u32 v17, $0x10;
	[tilespmem:v30+s25+$0x0] =	vst.idx.msk $0xffff, v21  }
0xc0: {  	v15 =	vmovc v25;
	v17 =	vand.u32 $0xFFFF0000, v17;
	v29 =	vmul.f32 v29, v12;
	v21 =	vshll.u32 v24, $0x10;
	[tilespmem:v9+s25+$0x0] =	vst.idx.msk $0xffff, v31  }
0xc1: {  	v17 =	vmul.f32 v17, v12;
	v9 =	vand.u32 $0xFFFF0000, v24;
	v24 =	vshll.u32 v22, $0x10;
	[tilespmem:v11+s25+$0x0] =	vst.idx.msk $0xffff, v23  }
0xc2: {  	v11 =	vand.u32 $0xFFFF0000, v22;
	v22 =	vshll.u32 v26, $0x10;
	v23 =	vand.u32 $0xFFFF0000, v26;
	[tilespmem:v27+s25+$0x0] =	vst.idx.msk $0xffff, v29  }
0xc3: {  	v25 =	vmov s13;
	v24 =	vmul.f32 v24, v15;
	v11 =	vmul.f32 v11, v15;
	[tilespmem:v16+s25+$0x0] =	vst.idx.msk $0xffff, v17  }
0xc4: {  	v26 =	vor.u32 v2, v6;
	v16 =	vmul.f32 v22, v8;
	v23 =	vmul.f32 v23, v8;
	v27 =	vld [tilespmem:s12+$0x0]  }
0xc5: {  	v21 =	vmul.f32 v21, v5;
	v29 =	vmul.f32 v9, v5;
	[tilespmem:v20+s25+$0x0] =	vst.idx.msk $0xffff, v24  }
.Ltmp2:
0xc6: {  	s3 =	sadd.s32 $0x1, s13;
	v24 =	vshll.u32 v25, $0x6;
	[tilespmem:v10+s25+$0x0] =	vst.idx.msk $0xffff, v11;
	(pc) =	sbr.rel @p0 .LBB2_8-.Ltmp2, $4  }
0xc7: {  	v9 =	vor.u32 v3, v6;
	v17 =	vmov s3;
	s3 =	sadd.s32 $0x2, s13;
	v22 =	vld [tilespmem:s12+$0xFFFFFFC0];
	[tilespmem:v19+s25+$0x0] =	vst.idx.msk $0xffff, v16;
	v19 =	vor.u32 v3, v18  }
0xc8: {  	v20 =	vor.u32 v4, v18;
	v11 =	vor.u32 v4, v6;
	v16 =	vmov s3;
	s3 =	sadd.s32 $0x3, s13;
	v10 =	vld.idx.msk [tilespmem:v25+s9+$0x0], $0xffff;
	[tilespmem:v28+s25+$0x0] =	vst.idx.msk $0xffff, v23  }
0xc9: {  	v6 =	vmovc v24;
	v18 =	vmov s3;
	[tilespmem:v7+s25+$0x0] =	vst.idx.msk $0xffff, v21;
	v7 =	vor.u32 v0, v24;
	v21 =	vld [tilespmem:s12+$0xFFFFFFE0];
	v25 =	vshll.u32 v27, $0x10  }
0xca: {  	s13 =	sadd.s32 $0x4, s13;
	v23 =	vor.u32 v3, v13;
	[tilespmem:v26+s25+$0x0] =	vst.idx.msk $0xffff, v29;
	v24 =	vmul.f32 v25, v12;
	v25 =	vand.u32 $0xFFFF0000, v27  }
0xcb: {  	_ =	sdelay $0x3  }
0xcc: {  	v13 =	vor.u32 v4, v13;
	v26 =	vld.idx.msk [tilespmem:v17+s9+$0x0], $0xffff;
	s13 =	sadd.s32 $0x80, s12  }
0xcd: {  	v27 =	vor.u32 v3, v14;
	v12 =	vmul.f32 v25, v12;
	v14 =	vor.u32 v4, v14;
	v28 =	vld [tilespmem:s13+$0xFFFFFFF0]  }
0xce: {  	v17 =	vshll.u32 v17, $0x6;
	v29 =	vld.idx.msk [tilespmem:v18+s9+$0x0], $0xffff;
	v25 =	vshll.u32 v22, $0x10;
	v22 =	vand.u32 $0xFFFF0000, v22  }
0xcf: {  	v18 =	vshll.u32 v18, $0x6;
	[tilespmem:v19+s25+$0x0] =	vst.idx.msk $0xffff, v24;
	v19 =	vmul.f32 v25, v15;
	v15 =	vmul.f32 v22, v15;
	v22 =	vld [tilespmem:s13+$0xFFFFFFB0]  }
0xd0: {  	v24 =	vor.u32 v0, v18;
	[tilespmem:v20+s25+$0x0] =	vst.idx.msk $0xffff, v12;
	v12 =	vor.u32 v0, v17;
	v20 =	vshll.u32 v21, $0x10  }
0xd1: {  	v21 =	vand.u32 $0xFFFF0000, v21;
	[tilespmem:v23+s25+$0x0] =	vst.idx.msk $0xffff, v19;
	v19 =	vmul.f32 v20, v8;
	v20 =	vld [tilespmem:s13+$0xFFFFFFD0];
	v23 =	vor.u32 v2, v18  }
0xd2: {  	v25 =	vshll.u32 v16, $0x6;
	v8 =	vmul.f32 v21, v8;
	[tilespmem:v13+s25+$0x0] =	vst.idx.msk $0xffff, v15;
	v13 =	vld.idx.msk [tilespmem:v16+s9+$0x0], $0xffff;
	v15 =	vshll.u32 v28, $0x10  }
0xd3: {  	v21 =	vor.u32 v2, v17;
	v16 =	vld [tilespmem:s13+$0xFFFFFF90];
	[tilespmem:v27+s25+$0x0] =	vst.idx.msk $0xffff, v19;
	v19 =	vand.u32 $0xFFFF0000, v28;
	v15 =	vmul.f32 v15, v29  }
0xd4: {  	v27 =	vor.u32 v0, v25;
	[tilespmem:v14+s25+$0x0] =	vst.idx.msk $0xffff, v8;
	v8 =	vshll.u32 v22, $0x10;
	v14 =	vmul.f32 v19, v29  }
0xd5: {  	v61 =	vor.u32 v2, v25;
	v19 =	vld [tilespmem:s12+$0xFFFFFFA0];
	v22 =	vand.u32 $0xFFFF0000, v22;
	v8 =	vmul.f32 v8, v26;
	[tilespmem:v24+s25+$0x0] =	vst.idx.msk $0xffff, v15  }
0xd6: {  	v22 =	vmul.f32 v22, v26;
	v15 =	vshll.u32 v20, $0x10;
	[tilespmem:v23+s25+$0x0] =	vst.idx.msk $0xffff, v14  }
0xd7: {  	v14 =	vand.u32 $0xFFFF0000, v20;
	v20 =	vor.u32 v2, v6;
	v15 =	vmul.f32 v15, v13;
	[tilespmem:v12+s25+$0x0] =	vst.idx.msk $0xffff, v8;
	v23 =	vld [tilespmem:s13+$0x0]  }
0xd8: {  	v8 =	vshll.u32 v16, $0x10;
	v12 =	vmul.f32 v14, v13;
	[tilespmem:v21+s25+$0x0] =	vst.idx.msk $0xffff, v22  }
0xd9: {  	v14 =	vand.u32 $0xFFFF0000, v16;
	v8 =	vmul.f32 v8, v10;
	v16 =	vld [tilespmem:s13+$0xFFFFFFC0];
	[tilespmem:v27+s25+$0x0] =	vst.idx.msk $0xffff, v15  }
0xda: {  	v21 =	vor.u32 v3, v18;
	v15 =	vshll.u32 v19, $0x10;
	v14 =	vmul.f32 v14, v10;
	[tilespmem:v61+s25+$0x0] =	vst.idx.msk $0xffff, v12  }
0xdb: {  	v18 =	vor.u32 v4, v18;
	v12 =	vand.u32 $0xFFFF0000, v19;
	v15 =	vmul.f32 v15, v5;
	[tilespmem:v7+s25+$0x0] =	vst.idx.msk $0xffff, v8;
	v7 =	vld [tilespmem:s13+$0xFFFFFFE0]  }
0xdc: {  	v5 =	vmul.f32 v12, v5;
	v12 =	vor.u32 v3, v17;
	[tilespmem:v20+s25+$0x0] =	vst.idx.msk $0xffff, v14;
	v8 =	vshll.u32 v23, $0x10  }
0xdd: {  	[tilespmem:v9+s25+$0x0] =	vst.idx.msk $0xffff, v15;
	v15 =	vor.u32 v4, v17;
	v9 =	vand.u32 $0xFFFF0000, v23;
	v14 =	vld [tilespmem:s13+$0xFFFFFFA0];
	v8 =	vmul.f32 v8, v29  }
0xde: {  	[tilespmem:v11+s25+$0x0] =	vst.idx.msk $0xffff, v5;
	v5 =	vor.u32 v3, v25;
	v9 =	vmul.f32 v9, v29;
	v11 =	vshll.u32 v16, $0x10  }
0xdf: {  	v17 =	vor.u32 v4, v25;
	v16 =	vand.u32 $0xFFFF0000, v16;
	[tilespmem:v21+s25+$0x0] =	vst.idx.msk $0xffff, v8;
	v8 =	vmul.f32 v11, v26  }
0xe0: {  	v16 =	vmul.f32 v16, v26;
	v11 =	vor.u32 v3, v6;
	[tilespmem:v18+s25+$0x0] =	vst.idx.msk $0xffff, v9;
	v9 =	vshll.u32 v7, $0x10  }
0xe1: {  	v6 =	vor.u32 v4, v6;
	v7 =	vand.u32 $0xFFFF0000, v7;
	[tilespmem:v12+s25+$0x0] =	vst.idx.msk $0xffff, v8;
	v8 =	vmul.f32 v9, v13  }
0xe2: {  	v7 =	vmul.f32 v7, v13;
	v9 =	vshll.u32 v14, $0x10;
	[tilespmem:v15+s25+$0x0] =	vst.idx.msk $0xffff, v16  }
0xe3: {  	v12 =	vand.u32 $0xFFFF0000, v14;
	v9 =	vmul.f32 v9, v10;
	[tilespmem:v5+s25+$0x0] =	vst.idx.msk $0xffff, v8  }
0xe4: {  	v5 =	vmul.f32 v12, v10;
	[tilespmem:v17+s25+$0x0] =	vst.idx.msk $0xffff, v7  }
0xe5: {  	[tilespmem:v11+s25+$0x0] =	vst.idx.msk $0xffff, v9  }
0xe6: {  	s3 =	simm.s32 $0x480;
	[tilespmem:v6+s25+$0x0] =	vst.idx.msk $0xffff, v5  }
0xe7: {  	[spmem:s2] =	stream.indirect.scatter.add.f32 [tilespmem:s25], [sflag:$0x3], $0x40, s3, s29, $0xb8;
	[tilespmem:$0x13C00] =	vst v63  }
0xe8: {  	s12 =	simm.s32 $0x180  }
0xe9: {  	[tilespmem:s31], [sflag:$0x2] =	stream.indirect.gather [spmem:s1], $0x20, s12, s29, $0xb8;
	[tilespmem:$0x13C00] =	vst v63  }
0xea: {  	s13 =	simm.s32 $0x1;
	_ =	swait.ge [sflag:s0], $0x1000  }
0xeb: {  	v5 =	vmov s13;
	[sflag:s0] =	ssyncset.done $0x0  }
0xec: {  	s12 =	simm.s32 $0x3;
	[sflag:s0] =	ssyncadd.s32 $0xFFFFF000  }
0xed: {  	v6 =	vmov s12;
	_ =	swait.ge [sflag:s8], $0x2000  }
0xee: {  	[sflag:s8] =	ssyncset.done $0x0  }
0xef: {  	[sflag:s8] =	ssyncadd.s32 $0xFFFFE000  }
0xf0: {  	s13 =	simm.s32 $0x2;
	s12 =	simm.s32 $0xC40;
	v15 =	vld.idx.msk [tilespmem:v5+s18+$0x0], $0xffff  }
0xf1: {  	v8 =	vmov s13;
	v7 =	vld [tilespmem:s12+$0x20]  }
0xf2: {  	s13 =	simm.s32 $0x0;
	v12 =	vld.idx.msk [tilespmem:v6+s18+$0x0], $0xffff  }
0xf3: {  	v13 =	vshll.u32 v5, $0x6;
	v9 =	vmov s13;
	v18 =	vshll.u32 v6, $0x6;
	v6 =	vld [tilespmem:s12+$0xFFFFFFE0]  }
0xf4: {  	v20 =	vor.u32 v0, v13;
	v16 =	vor.u32 v0, v18;
	v10 =	vld [tilespmem:s12+$0xFFFFFFC0]  }
0xf5: {  	v14 =	vshll.u32 v8, $0x6;
	v22 =	vor.u32 v2, v13;
	v19 =	vor.u32 v2, v18;
	v17 =	vld [tilespmem:s12+$0x0]  }
0xf6: {  	v11 =	vshll.u32 v9, $0x6;
	v24 =	vor.u32 v0, v14;
	v8 =	vld.idx.msk [tilespmem:v8+s18+$0x0], $0xffff;
	v5 =	vshll.u32 v7, $0x10  }
0xf7: {  	v25 =	vor.u32 v2, v14;
	v7 =	vand.u32 $0xFFFF0000, v7;
	v23 =	vmul.f32 v5, v12  }
0xf8: {  	v21 =	vor.u32 v0, v11;
	v26 =	vshll.u32 v6, $0x10;
	v5 =	vld.idx.msk [tilespmem:v9+s18+$0x0], $0xffff;
	v7 =	vmul.f32 v7, v12  }
0xf9: {  	v6 =	vand.u32 $0xFFFF0000, v6;
	v9 =	vshll.u32 v10, $0x10;
	[tilespmem:v16+s25+$0x0] =	vst.idx.msk $0xffff, v23;
	v23 =	vmul.f32 v26, v15  }
0xfa: {  	s13 =	simm.s32 $0x4;
	v16 =	vshll.u32 v17, $0x10;
	v17 =	vand.u32 $0xFFFF0000, v17;
	[tilespmem:v19+s25+$0x0] =	vst.idx.msk $0xffff, v7;
	v19 =	vmul.f32 v6, v15  }
0xfb: {  	v7 =	vmov s13;
	v6 =	vand.u32 $0xFFFF0000, v10;
	v10 =	vmul.f32 v16, v8;
	v27 =	vld [tilespmem:s12+$0x30];
	[tilespmem:v20+s25+$0x0] =	vst.idx.msk $0xffff, v23  }
0xfc: {  	v26 =	vor.u32 v2, v11;
	v62 =	vmul.f32 v17, v8;
	s13 =	simm.s32 $0x5;
	[tilespmem:v22+s25+$0x0] =	vst.idx.msk $0xffff, v19  }
0xfd: {  	v17 =	vmov s13;
	v20 =	vor.u32 v4, v18;
	v23 =	vmul.f32 v9, v5;
	[tilespmem:v24+s25+$0x0] =	vst.idx.msk $0xffff, v10  }
0xfe: {  	s13 =	simm.s32 $0x6;
	v63 =	vmul.f32 v6, v5;
	v6 =	vshll.u32 v7, $0x6;
	v19 =	vor.u32 v3, v18;
	v22 =	vld [tilespmem:s12+$0xFFFFFFF0];
	[tilespmem:v25+s25+$0x0] =	vst.idx.msk $0xffff, v62  }
0xff: {  	v9 =	vor.u32 v3, v11;
	v16 =	vmov s13;
	s13 =	simm.s32 $0x7;
	v11 =	vor.u32 v4, v11;
	[tilespmem:v21+s25+$0x0] =	vst.idx.msk $0xffff, v23;
	v21 =	vld [tilespmem:s12+$0x10]  }
0x100: {  	v18 =	vmov s13;
	v23 =	vor.u32 v3, v13;
	v10 =	vld.idx.msk [tilespmem:v7+s18+$0x0], $0xffff;
	v24 =	vshll.u32 v27, $0x10  }
0x101: {  	s13 =	simm.s32 $0x8;
	v7 =	vor.u32 v0, v6;
	[tilespmem:v26+s25+$0x0] =	vst.idx.msk $0xffff, v63;
	v25 =	vand.u32 $0xFFFF0000, v27;
	v24 =	vmul.f32 v24, v12  }
.LBB2_10:
0x102: {  	p0 =	slt.u32 s13, $0x7C;
	v26 =	vld [tilespmem:s12+$0xFFFFFFD0];
	v27 =	vor.u32 v4, v13;
	v28 =	vor.u32 v3, v14;
	v12 =	vmul.f32 v25, v12  }
0x103: {  	v30 =	vor.u32 v4, v14;
	s12 =	sadd.s32 $0x80, s12;
	v25 =	vld.idx.msk [tilespmem:v17+s18+$0x0], $0xffff;
	v29 =	vshll.u32 v22, $0x10;
	v22 =	vand.u32 $0xFFFF0000, v22;
	[tilespmem:v19+s25+$0x0] =	vst.idx.msk $0xffff, v24  }
0x104: {  	v13 =	vshll.u32 v17, $0x6;
	v17 =	vld [tilespmem:s12+$0x20];
	v19 =	vmul.f32 v29, v15;
	v15 =	vmul.f32 v22, v15;
	[tilespmem:v20+s25+$0x0] =	vst.idx.msk $0xffff, v12  }
0x105: {  	v20 =	vor.u32 v0, v13;
	v12 =	vld.idx.msk [tilespmem:v18+s18+$0x0], $0xffff;
	v22 =	vshll.u32 v21, $0x10;
	v21 =	vand.u32 $0xFFFF0000, v21  }
0x106: {  	v14 =	vshll.u32 v16, $0x6;
	v24 =	vld [tilespmem:s12+$0xFFFFFFC0];
	[tilespmem:v23+s25+$0x0] =	vst.idx.msk $0xffff, v19;
	v19 =	vmul.f32 v22, v8;
	v21 =	vmul.f32 v21, v8  }
0x107: {  	v18 =	vshll.u32 v18, $0x6;
	v22 =	vld [tilespmem:s12+$0xFFFFFFE0];
	v8 =	vshll.u32 v26, $0x10;
	v23 =	vand.u32 $0xFFFF0000, v26;
	[tilespmem:v27+s25+$0x0] =	vst.idx.msk $0xffff, v15  }
0x108: {  	v27 =	vor.u32 v0, v18;
	v26 =	vld [tilespmem:s12+$0x0];
	v31 =	vmul.f32 v8, v5;
	v23 =	vmul.f32 v23, v5;
	v5 =	vmovc v10  }
0x109: {  	v10 =	vor.u32 v2, v13;
	v8 =	vld.idx.msk [tilespmem:v16+s18+$0x0], $0xffff;
	v16 =	vor.u32 v2, v18;
	[tilespmem:v28+s25+$0x0] =	vst.idx.msk $0xffff, v19  }
0x10a: {  	v19 =	vor.u32 v0, v14;
	v28 =	vor.u32 v2, v14;
	v29 =	vshll.u32 v17, $0x10;
	[tilespmem:v30+s25+$0x0] =	vst.idx.msk $0xffff, v21  }
0x10b: {  	v15 =	vmovc v25;
	v17 =	vand.u32 $0xFFFF0000, v17;
	v29 =	vmul.f32 v29, v12;
	v21 =	vshll.u32 v24, $0x10;
	[tilespmem:v9+s25+$0x0] =	vst.idx.msk $0xffff, v31  }
0x10c: {  	v17 =	vmul.f32 v17, v12;
	v9 =	vand.u32 $0xFFFF0000, v24;
	v24 =	vshll.u32 v22, $0x10;
	[tilespmem:v11+s25+$0x0] =	vst.idx.msk $0xffff, v23  }
0x10d: {  	v11 =	vand.u32 $0xFFFF0000, v22;
	v22 =	vshll.u32 v26, $0x10;
	v23 =	vand.u32 $0xFFFF0000, v26;
	[tilespmem:v27+s25+$0x0] =	vst.idx.msk $0xffff, v29  }
0x10e: {  	v25 =	vmov s13;
	v24 =	vmul.f32 v24, v15;
	v11 =	vmul.f32 v11, v15;
	[tilespmem:v16+s25+$0x0] =	vst.idx.msk $0xffff, v17  }
0x10f: {  	v26 =	vor.u32 v2, v6;
	v16 =	vmul.f32 v22, v8;
	v23 =	vmul.f32 v23, v8;
	v27 =	vld [tilespmem:s12+$0x30]  }
0x110: {  	v21 =	vmul.f32 v21, v5;
	v29 =	vmul.f32 v9, v5;
	[tilespmem:v20+s25+$0x0] =	vst.idx.msk $0xffff, v24  }
.Ltmp3:
0x111: {  	s3 =	sadd.s32 $0x1, s13;
	v24 =	vshll.u32 v25, $0x6;
	[tilespmem:v10+s25+$0x0] =	vst.idx.msk $0xffff, v11;
	(pc) =	sbr.rel @p0 .LBB2_10-.Ltmp3, $4  }
0x112: {  	v9 =	vor.u32 v3, v6;
	v17 =	vmov s3;
	s3 =	sadd.s32 $0x2, s13;
	v22 =	vld [tilespmem:s12+$0xFFFFFFF0];
	[tilespmem:v19+s25+$0x0] =	vst.idx.msk $0xffff, v16;
	v19 =	vor.u32 v3, v18  }
0x113: {  	v20 =	vor.u32 v4, v18;
	v11 =	vor.u32 v4, v6;
	v16 =	vmov s3;
	s3 =	sadd.s32 $0x3, s13;
	v10 =	vld.idx.msk [tilespmem:v25+s18+$0x0], $0xffff;
	[tilespmem:v28+s25+$0x0] =	vst.idx.msk $0xffff, v23  }
0x114: {  	v6 =	vmovc v24;
	v18 =	vmov s3;
	[tilespmem:v7+s25+$0x0] =	vst.idx.msk $0xffff, v21;
	v7 =	vor.u32 v0, v24;
	v21 =	vld [tilespmem:s12+$0x10];
	v25 =	vshll.u32 v27, $0x10  }
0x115: {  	s13 =	sadd.s32 $0x4, s13;
	v23 =	vor.u32 v3, v13;
	[tilespmem:v26+s25+$0x0] =	vst.idx.msk $0xffff, v29;
	v24 =	vmul.f32 v25, v12;
	v25 =	vand.u32 $0xFFFF0000, v27  }
0x116: {  	_ =	sdelay $0x3  }
0x117: {  	v13 =	vor.u32 v4, v13;
	v26 =	vld.idx.msk [tilespmem:v17+s18+$0x0], $0xffff;
	s13 =	sadd.s32 $0x80, s12  }
0x118: {  	v27 =	vor.u32 v3, v14;
	v12 =	vmul.f32 v25, v12;
	v14 =	vor.u32 v4, v14;
	v28 =	vld [tilespmem:s13+$0x20]  }
0x119: {  	v17 =	vshll.u32 v17, $0x6;
	v29 =	vld.idx.msk [tilespmem:v18+s18+$0x0], $0xffff;
	v25 =	vshll.u32 v22, $0x10;
	v22 =	vand.u32 $0xFFFF0000, v22  }
0x11a: {  	v18 =	vshll.u32 v18, $0x6;
	[tilespmem:v19+s25+$0x0] =	vst.idx.msk $0xffff, v24;
	v19 =	vmul.f32 v25, v15;
	v15 =	vmul.f32 v22, v15;
	v22 =	vld [tilespmem:s13+$0xFFFFFFE0]  }
0x11b: {  	v24 =	vor.u32 v0, v18;
	[tilespmem:v20+s25+$0x0] =	vst.idx.msk $0xffff, v12;
	v12 =	vor.u32 v0, v17;
	v20 =	vshll.u32 v21, $0x10  }
0x11c: {  	v21 =	vand.u32 $0xFFFF0000, v21;
	[tilespmem:v23+s25+$0x0] =	vst.idx.msk $0xffff, v19;
	v19 =	vmul.f32 v20, v8;
	v20 =	vld [tilespmem:s13+$0x0];
	v23 =	vor.u32 v2, v18  }
0x11d: {  	v25 =	vshll.u32 v16, $0x6;
	v8 =	vmul.f32 v21, v8;
	[tilespmem:v13+s25+$0x0] =	vst.idx.msk $0xffff, v15;
	v13 =	vld.idx.msk [tilespmem:v16+s18+$0x0], $0xffff;
	v15 =	vshll.u32 v28, $0x10  }
0x11e: {  	v21 =	vor.u32 v2, v17;
	v16 =	vld [tilespmem:s13+$0xFFFFFFC0];
	[tilespmem:v27+s25+$0x0] =	vst.idx.msk $0xffff, v19;
	v19 =	vand.u32 $0xFFFF0000, v28;
	v15 =	vmul.f32 v15, v29  }
0x11f: {  	v27 =	vor.u32 v0, v25;
	[tilespmem:v14+s25+$0x0] =	vst.idx.msk $0xffff, v8;
	v8 =	vshll.u32 v22, $0x10;
	v14 =	vmul.f32 v19, v29  }
0x120: {  	v61 =	vor.u32 v2, v25;
	v19 =	vld [tilespmem:s12+$0xFFFFFFD0];
	v22 =	vand.u32 $0xFFFF0000, v22;
	v8 =	vmul.f32 v8, v26;
	[tilespmem:v24+s25+$0x0] =	vst.idx.msk $0xffff, v15  }
0x121: {  	v22 =	vmul.f32 v22, v26;
	v15 =	vshll.u32 v20, $0x10;
	[tilespmem:v23+s25+$0x0] =	vst.idx.msk $0xffff, v14  }
0x122: {  	v14 =	vand.u32 $0xFFFF0000, v20;
	v20 =	vor.u32 v2, v6;
	v15 =	vmul.f32 v15, v13;
	[tilespmem:v12+s25+$0x0] =	vst.idx.msk $0xffff, v8;
	v23 =	vld [tilespmem:s13+$0x30]  }
0x123: {  	v8 =	vshll.u32 v16, $0x10;
	v12 =	vmul.f32 v14, v13;
	[tilespmem:v21+s25+$0x0] =	vst.idx.msk $0xffff, v22  }
0x124: {  	v14 =	vand.u32 $0xFFFF0000, v16;
	v8 =	vmul.f32 v8, v10;
	v16 =	vld [tilespmem:s13+$0xFFFFFFF0];
	[tilespmem:v27+s25+$0x0] =	vst.idx.msk $0xffff, v15  }
0x125: {  	v21 =	vor.u32 v3, v18;
	v15 =	vshll.u32 v19, $0x10;
	v14 =	vmul.f32 v14, v10;
	[tilespmem:v61+s25+$0x0] =	vst.idx.msk $0xffff, v12  }
0x126: {  	v18 =	vor.u32 v4, v18;
	v12 =	vand.u32 $0xFFFF0000, v19;
	v15 =	vmul.f32 v15, v5;
	[tilespmem:v7+s25+$0x0] =	vst.idx.msk $0xffff, v8;
	v7 =	vld [tilespmem:s13+$0x10]  }
0x127: {  	v5 =	vmul.f32 v12, v5;
	v12 =	vor.u32 v3, v17;
	[tilespmem:v20+s25+$0x0] =	vst.idx.msk $0xffff, v14;
	v8 =	vshll.u32 v23, $0x10  }
0x128: {  	[tilespmem:v9+s25+$0x0] =	vst.idx.msk $0xffff, v15;
	v15 =	vor.u32 v4, v17;
	v9 =	vand.u32 $0xFFFF0000, v23;
	v14 =	vld [tilespmem:s13+$0xFFFFFFD0];
	v8 =	vmul.f32 v8, v29  }
0x129: {  	[tilespmem:v11+s25+$0x0] =	vst.idx.msk $0xffff, v5;
	v5 =	vor.u32 v3, v25;
	v9 =	vmul.f32 v9, v29;
	v11 =	vshll.u32 v16, $0x10  }
0x12a: {  	v17 =	vor.u32 v4, v25;
	v16 =	vand.u32 $0xFFFF0000, v16;
	[tilespmem:v21+s25+$0x0] =	vst.idx.msk $0xffff, v8;
	v8 =	vmul.f32 v11, v26  }
0x12b: {  	v16 =	vmul.f32 v16, v26;
	v11 =	vor.u32 v3, v6;
	[tilespmem:v18+s25+$0x0] =	vst.idx.msk $0xffff, v9;
	v9 =	vshll.u32 v7, $0x10  }
0x12c: {  	v6 =	vor.u32 v4, v6;
	v7 =	vand.u32 $0xFFFF0000, v7;
	[tilespmem:v12+s25+$0x0] =	vst.idx.msk $0xffff, v8;
	v8 =	vmul.f32 v9, v13  }
0x12d: {  	v7 =	vmul.f32 v7, v13;
	v9 =	vshll.u32 v14, $0x10;
	[tilespmem:v15+s25+$0x0] =	vst.idx.msk $0xffff, v16  }
0x12e: {  	v12 =	vand.u32 $0xFFFF0000, v14;
	v9 =	vmul.f32 v9, v10;
	[tilespmem:v5+s25+$0x0] =	vst.idx.msk $0xffff, v8  }
0x12f: {  	v5 =	vmul.f32 v12, v10;
	[tilespmem:v17+s25+$0x0] =	vst.idx.msk $0xffff, v7  }
0x130: {  	[tilespmem:v11+s25+$0x0] =	vst.idx.msk $0xffff, v9  }
0x131: {  	s3 =	simm.s32 $0x500;
	[tilespmem:v6+s25+$0x0] =	vst.idx.msk $0xffff, v5  }
0x132: {  	[spmem:s2] =	stream.indirect.scatter.add.f32 [tilespmem:s25], [sflag:$0x3], $0x40, s3, s29, $0xb8;
	[tilespmem:$0x13C00] =	vst v63  }
0x133: {  	s12 =	simm.s32 $0x200  }
0x134: {  	[tilespmem:s30], [sflag:$0x1] =	stream.indirect.gather [spmem:s1], $0x20, s12, s29, $0xb8;
	[tilespmem:$0x13C00] =	vst v63  }
0x135: {  	s13 =	simm.s32 $0x1;
	_ =	swait.ge [sflag:s4], $0x1000  }
0x136: {  	v5 =	vmov s13;
	[sflag:s4] =	ssyncset.done $0x0  }
0x137: {  	s12 =	simm.s32 $0x3;
	[sflag:s4] =	ssyncadd.s32 $0xFFFFF000  }
0x138: {  	v6 =	vmov s12;
	_ =	swait.ge [sflag:s8], $0x2000  }
0x139: {  	[sflag:s8] =	ssyncset.done $0x0  }
0x13a: {  	[sflag:s8] =	ssyncadd.s32 $0xFFFFE000  }
0x13b: {  	s13 =	simm.s32 $0x2;
	s12 =	simm.s32 $0x1C70;
	v15 =	vld.idx.msk [tilespmem:v5+s21+$0x0], $0xffff  }
0x13c: {  	v8 =	vmov s13;
	v7 =	vld [tilespmem:s12+$0xFFFFFFF0]  }
0x13d: {  	s13 =	simm.s32 $0x0;
	v12 =	vld.idx.msk [tilespmem:v6+s21+$0x0], $0xffff  }
0x13e: {  	v13 =	vshll.u32 v5, $0x6;
	v9 =	vmov s13;
	v18 =	vshll.u32 v6, $0x6;
	v6 =	vld [tilespmem:s12+$0xFFFFFFB0]  }
0x13f: {  	v20 =	vor.u32 v0, v13;
	v16 =	vor.u32 v0, v18;
	v10 =	vld [tilespmem:s12+$0xFFFFFF90]  }
0x140: {  	v14 =	vshll.u32 v8, $0x6;
	v22 =	vor.u32 v2, v13;
	v19 =	vor.u32 v2, v18;
	v17 =	vld [tilespmem:s12+$0xFFFFFFD0]  }
0x141: {  	v11 =	vshll.u32 v9, $0x6;
	v24 =	vor.u32 v0, v14;
	v8 =	vld.idx.msk [tilespmem:v8+s21+$0x0], $0xffff;
	v5 =	vshll.u32 v7, $0x10  }
0x142: {  	v25 =	vor.u32 v2, v14;
	v7 =	vand.u32 $0xFFFF0000, v7;
	v23 =	vmul.f32 v5, v12  }
0x143: {  	v21 =	vor.u32 v0, v11;
	v26 =	vshll.u32 v6, $0x10;
	v5 =	vld.idx.msk [tilespmem:v9+s21+$0x0], $0xffff;
	v7 =	vmul.f32 v7, v12  }
0x144: {  	v6 =	vand.u32 $0xFFFF0000, v6;
	v9 =	vshll.u32 v10, $0x10;
	[tilespmem:v16+s25+$0x0] =	vst.idx.msk $0xffff, v23;
	v23 =	vmul.f32 v26, v15  }
0x145: {  	s13 =	simm.s32 $0x4;
	v16 =	vshll.u32 v17, $0x10;
	v17 =	vand.u32 $0xFFFF0000, v17;
	[tilespmem:v19+s25+$0x0] =	vst.idx.msk $0xffff, v7;
	v19 =	vmul.f32 v6, v15  }
0x146: {  	v7 =	vmov s13;
	v6 =	vand.u32 $0xFFFF0000, v10;
	v10 =	vmul.f32 v16, v8;
	v27 =	vld [tilespmem:s12+$0x0];
	[tilespmem:v20+s25+$0x0] =	vst.idx.msk $0xffff, v23  }
0x147: {  	v26 =	vor.u32 v2, v11;
	v62 =	vmul.f32 v17, v8;
	s13 =	simm.s32 $0x5;
	[tilespmem:v22+s25+$0x0] =	vst.idx.msk $0xffff, v19  }
0x148: {  	v17 =	vmov s13;
	v20 =	vor.u32 v4, v18;
	v23 =	vmul.f32 v9, v5;
	[tilespmem:v24+s25+$0x0] =	vst.idx.msk $0xffff, v10  }
0x149: {  	s13 =	simm.s32 $0x6;
	v63 =	vmul.f32 v6, v5;
	v6 =	vshll.u32 v7, $0x6;
	v19 =	vor.u32 v3, v18;
	v22 =	vld [tilespmem:s12+$0xFFFFFFC0];
	[tilespmem:v25+s25+$0x0] =	vst.idx.msk $0xffff, v62  }
0x14a: {  	v9 =	vor.u32 v3, v11;
	v16 =	vmov s13;
	s13 =	simm.s32 $0x7;
	v11 =	vor.u32 v4, v11;
	[tilespmem:v21+s25+$0x0] =	vst.idx.msk $0xffff, v23;
	v21 =	vld [tilespmem:s12+$0xFFFFFFE0]  }
0x14b: {  	v18 =	vmov s13;
	v23 =	vor.u32 v3, v13;
	v10 =	vld.idx.msk [tilespmem:v7+s21+$0x0], $0xffff;
	v24 =	vshll.u32 v27, $0x10  }
0x14c: {  	s13 =	simm.s32 $0x8;
	v7 =	vor.u32 v0, v6;
	[tilespmem:v26+s25+$0x0] =	vst.idx.msk $0xffff, v63;
	v25 =	vand.u32 $0xFFFF0000, v27;
	v24 =	vmul.f32 v24, v12  }
.LBB2_12:
0x14d: {  	p0 =	slt.u32 s13, $0x7C;
	v26 =	vld [tilespmem:s12+$0xFFFFFFA0];
	v27 =	vor.u32 v4, v13;
	v28 =	vor.u32 v3, v14;
	v12 =	vmul.f32 v25, v12  }
0x14e: {  	v30 =	vor.u32 v4, v14;
	s12 =	sadd.s32 $0x80, s12;
	v25 =	vld.idx.msk [tilespmem:v17+s21+$0x0], $0xffff;
	v29 =	vshll.u32 v22, $0x10;
	v22 =	vand.u32 $0xFFFF0000, v22;
	[tilespmem:v19+s25+$0x0] =	vst.idx.msk $0xffff, v24  }
0x14f: {  	v13 =	vshll.u32 v17, $0x6;
	v17 =	vld [tilespmem:s12+$0xFFFFFFF0];
	v19 =	vmul.f32 v29, v15;
	v15 =	vmul.f32 v22, v15;
	[tilespmem:v20+s25+$0x0] =	vst.idx.msk $0xffff, v12  }
0x150: {  	v20 =	vor.u32 v0, v13;
	v12 =	vld.idx.msk [tilespmem:v18+s21+$0x0], $0xffff;
	v22 =	vshll.u32 v21, $0x10;
	v21 =	vand.u32 $0xFFFF0000, v21  }
0x151: {  	v14 =	vshll.u32 v16, $0x6;
	v24 =	vld [tilespmem:s12+$0xFFFFFF90];
	[tilespmem:v23+s25+$0x0] =	vst.idx.msk $0xffff, v19;
	v19 =	vmul.f32 v22, v8;
	v21 =	vmul.f32 v21, v8  }
0x152: {  	v18 =	vshll.u32 v18, $0x6;
	v22 =	vld [tilespmem:s12+$0xFFFFFFB0];
	v8 =	vshll.u32 v26, $0x10;
	v23 =	vand.u32 $0xFFFF0000, v26;
	[tilespmem:v27+s25+$0x0] =	vst.idx.msk $0xffff, v15  }
0x153: {  	v27 =	vor.u32 v0, v18;
	v26 =	vld [tilespmem:s12+$0xFFFFFFD0];
	v31 =	vmul.f32 v8, v5;
	v23 =	vmul.f32 v23, v5;
	v5 =	vmovc v10  }
0x154: {  	v10 =	vor.u32 v2, v13;
	v8 =	vld.idx.msk [tilespmem:v16+s21+$0x0], $0xffff;
	v16 =	vor.u32 v2, v18;
	[tilespmem:v28+s25+$0x0] =	vst.idx.msk $0xffff, v19  }
0x155: {  	v19 =	vor.u32 v0, v14;
	v28 =	vor.u32 v2, v14;
	v29 =	vshll.u32 v17, $0x10;
	[tilespmem:v30+s25+$0x0] =	vst.idx.msk $0xffff, v21  }
0x156: {  	v15 =	vmovc v25;
	v17 =	vand.u32 $0xFFFF0000, v17;
	v29 =	vmul.f32 v29, v12;
	v21 =	vshll.u32 v24, $0x10;
	[tilespmem:v9+s25+$0x0] =	vst.idx.msk $0xffff, v31  }
0x157: {  	v17 =	vmul.f32 v17, v12;
	v9 =	vand.u32 $0xFFFF0000, v24;
	v24 =	vshll.u32 v22, $0x10;
	[tilespmem:v11+s25+$0x0] =	vst.idx.msk $0xffff, v23  }
0x158: {  	v11 =	vand.u32 $0xFFFF0000, v22;
	v22 =	vshll.u32 v26, $0x10;
	v23 =	vand.u32 $0xFFFF0000, v26;
	[tilespmem:v27+s25+$0x0] =	vst.idx.msk $0xffff, v29  }
0x159: {  	v25 =	vmov s13;
	v24 =	vmul.f32 v24, v15;
	v11 =	vmul.f32 v11, v15;
	[tilespmem:v16+s25+$0x0] =	vst.idx.msk $0xffff, v17  }
0x15a: {  	v26 =	vor.u32 v2, v6;
	v16 =	vmul.f32 v22, v8;
	v23 =	vmul.f32 v23, v8;
	v27 =	vld [tilespmem:s12+$0x0]  }
0x15b: {  	v21 =	vmul.f32 v21, v5;
	v29 =	vmul.f32 v9, v5;
	[tilespmem:v20+s25+$0x0] =	vst.idx.msk $0xffff, v24  }
.Ltmp4:
0x15c: {  	s3 =	sadd.s32 $0x1, s13;
	v24 =	vshll.u32 v25, $0x6;
	[tilespmem:v10+s25+$0x0] =	vst.idx.msk $0xffff, v11;
	(pc) =	sbr.rel @p0 .LBB2_12-.Ltmp4, $4  }
0x15d: {  	v9 =	vor.u32 v3, v6;
	v17 =	vmov s3;
	s3 =	sadd.s32 $0x2, s13;
	v22 =	vld [tilespmem:s12+$0xFFFFFFC0];
	[tilespmem:v19+s25+$0x0] =	vst.idx.msk $0xffff, v16;
	v19 =	vor.u32 v3, v18  }
0x15e: {  	v20 =	vor.u32 v4, v18;
	v11 =	vor.u32 v4, v6;
	v16 =	vmov s3;
	s3 =	sadd.s32 $0x3, s13;
	v10 =	vld.idx.msk [tilespmem:v25+s21+$0x0], $0xffff;
	[tilespmem:v28+s25+$0x0] =	vst.idx.msk $0xffff, v23  }
0x15f: {  	v6 =	vmovc v24;
	v18 =	vmov s3;
	[tilespmem:v7+s25+$0x0] =	vst.idx.msk $0xffff, v21;
	v7 =	vor.u32 v0, v24;
	v21 =	vld [tilespmem:s12+$0xFFFFFFE0];
	v25 =	vshll.u32 v27, $0x10  }
0x160: {  	s13 =	sadd.s32 $0x4, s13;
	v23 =	vor.u32 v3, v13;
	[tilespmem:v26+s25+$0x0] =	vst.idx.msk $0xffff, v29;
	v24 =	vmul.f32 v25, v12;
	v25 =	vand.u32 $0xFFFF0000, v27  }
0x161: {  	_ =	sdelay $0x3  }
0x162: {  	v13 =	vor.u32 v4, v13;
	v26 =	vld.idx.msk [tilespmem:v17+s21+$0x0], $0xffff;
	s13 =	sadd.s32 $0x80, s12  }
0x163: {  	v27 =	vor.u32 v3, v14;
	v12 =	vmul.f32 v25, v12;
	v14 =	vor.u32 v4, v14;
	v28 =	vld [tilespmem:s13+$0xFFFFFFF0]  }
0x164: {  	v17 =	vshll.u32 v17, $0x6;
	v29 =	vld.idx.msk [tilespmem:v18+s21+$0x0], $0xffff;
	v25 =	vshll.u32 v22, $0x10;
	v22 =	vand.u32 $0xFFFF0000, v22  }
0x165: {  	v18 =	vshll.u32 v18, $0x6;
	[tilespmem:v19+s25+$0x0] =	vst.idx.msk $0xffff, v24;
	v19 =	vmul.f32 v25, v15;
	v15 =	vmul.f32 v22, v15;
	v22 =	vld [tilespmem:s13+$0xFFFFFFB0]  }
0x166: {  	v24 =	vor.u32 v0, v18;
	[tilespmem:v20+s25+$0x0] =	vst.idx.msk $0xffff, v12;
	v12 =	vor.u32 v0, v17;
	v20 =	vshll.u32 v21, $0x10  }
0x167: {  	v21 =	vand.u32 $0xFFFF0000, v21;
	[tilespmem:v23+s25+$0x0] =	vst.idx.msk $0xffff, v19;
	v19 =	vmul.f32 v20, v8;
	v20 =	vld [tilespmem:s13+$0xFFFFFFD0];
	v23 =	vor.u32 v2, v18  }
0x168: {  	v25 =	vshll.u32 v16, $0x6;
	v8 =	vmul.f32 v21, v8;
	[tilespmem:v13+s25+$0x0] =	vst.idx.msk $0xffff, v15;
	v13 =	vld.idx.msk [tilespmem:v16+s21+$0x0], $0xffff;
	v15 =	vshll.u32 v28, $0x10  }
0x169: {  	v21 =	vor.u32 v2, v17;
	v16 =	vld [tilespmem:s13+$0xFFFFFF90];
	[tilespmem:v27+s25+$0x0] =	vst.idx.msk $0xffff, v19;
	v19 =	vand.u32 $0xFFFF0000, v28;
	v15 =	vmul.f32 v15, v29  }
0x16a: {  	v27 =	vor.u32 v0, v25;
	[tilespmem:v14+s25+$0x0] =	vst.idx.msk $0xffff, v8;
	v8 =	vshll.u32 v22, $0x10;
	v14 =	vmul.f32 v19, v29  }
0x16b: {  	v61 =	vor.u32 v2, v25;
	v19 =	vld [tilespmem:s12+$0xFFFFFFA0];
	v22 =	vand.u32 $0xFFFF0000, v22;
	v8 =	vmul.f32 v8, v26;
	[tilespmem:v24+s25+$0x0] =	vst.idx.msk $0xffff, v15  }
0x16c: {  	v22 =	vmul.f32 v22, v26;
	v15 =	vshll.u32 v20, $0x10;
	[tilespmem:v23+s25+$0x0] =	vst.idx.msk $0xffff, v14  }
0x16d: {  	v14 =	vand.u32 $0xFFFF0000, v20;
	v20 =	vor.u32 v2, v6;
	v15 =	vmul.f32 v15, v13;
	[tilespmem:v12+s25+$0x0] =	vst.idx.msk $0xffff, v8;
	v23 =	vld [tilespmem:s13+$0x0]  }
0x16e: {  	v8 =	vshll.u32 v16, $0x10;
	v12 =	vmul.f32 v14, v13;
	[tilespmem:v21+s25+$0x0] =	vst.idx.msk $0xffff, v22  }
0x16f: {  	v14 =	vand.u32 $0xFFFF0000, v16;
	v8 =	vmul.f32 v8, v10;
	v16 =	vld [tilespmem:s13+$0xFFFFFFC0];
	[tilespmem:v27+s25+$0x0] =	vst.idx.msk $0xffff, v15  }
0x170: {  	v21 =	vor.u32 v3, v18;
	v15 =	vshll.u32 v19, $0x10;
	v14 =	vmul.f32 v14, v10;
	[tilespmem:v61+s25+$0x0] =	vst.idx.msk $0xffff, v12  }
0x171: {  	v18 =	vor.u32 v4, v18;
	v12 =	vand.u32 $0xFFFF0000, v19;
	v15 =	vmul.f32 v15, v5;
	[tilespmem:v7+s25+$0x0] =	vst.idx.msk $0xffff, v8;
	v7 =	vld [tilespmem:s13+$0xFFFFFFE0]  }
0x172: {  	v5 =	vmul.f32 v12, v5;
	v12 =	vor.u32 v3, v17;
	[tilespmem:v20+s25+$0x0] =	vst.idx.msk $0xffff, v14;
	v8 =	vshll.u32 v23, $0x10  }
0x173: {  	[tilespmem:v9+s25+$0x0] =	vst.idx.msk $0xffff, v15;
	v15 =	vor.u32 v4, v17;
	v9 =	vand.u32 $0xFFFF0000, v23;
	v14 =	vld [tilespmem:s13+$0xFFFFFFA0];
	v8 =	vmul.f32 v8, v29  }
0x174: {  	[tilespmem:v11+s25+$0x0] =	vst.idx.msk $0xffff, v5;
	v5 =	vor.u32 v3, v25;
	v9 =	vmul.f32 v9, v29;
	v11 =	vshll.u32 v16, $0x10  }
0x175: {  	v17 =	vor.u32 v4, v25;
	v16 =	vand.u32 $0xFFFF0000, v16;
	[tilespmem:v21+s25+$0x0] =	vst.idx.msk $0xffff, v8;
	v8 =	vmul.f32 v11, v26  }
0x176: {  	v16 =	vmul.f32 v16, v26;
	v11 =	vor.u32 v3, v6;
	[tilespmem:v18+s25+$0x0] =	vst.idx.msk $0xffff, v9;
	v9 =	vshll.u32 v7, $0x10  }
0x177: {  	v6 =	vor.u32 v4, v6;
	v7 =	vand.u32 $0xFFFF0000, v7;
	[tilespmem:v12+s25+$0x0] =	vst.idx.msk $0xffff, v8;
	v8 =	vmul.f32 v9, v13  }
0x178: {  	v7 =	vmul.f32 v7, v13;
	v9 =	vshll.u32 v14, $0x10;
	[tilespmem:v15+s25+$0x0] =	vst.idx.msk $0xffff, v16  }
0x179: {  	v12 =	vand.u32 $0xFFFF0000, v14;
	v9 =	vmul.f32 v9, v10;
	[tilespmem:v5+s25+$0x0] =	vst.idx.msk $0xffff, v8  }
0x17a: {  	v5 =	vmul.f32 v12, v10;
	[tilespmem:v17+s25+$0x0] =	vst.idx.msk $0xffff, v7  }
0x17b: {  	[tilespmem:v11+s25+$0x0] =	vst.idx.msk $0xffff, v9  }
0x17c: {  	s3 =	simm.s32 $0x580;
	[tilespmem:v6+s25+$0x0] =	vst.idx.msk $0xffff, v5  }
0x17d: {  	[spmem:s2] =	stream.indirect.scatter.add.f32 [tilespmem:s25], [sflag:$0x3], $0x40, s3, s29, $0xb8;
	[tilespmem:$0x13C00] =	vst v63  }
0x17e: {  	s12 =	simm.s32 $0x280  }
0x17f: {  	[tilespmem:s31], [sflag:$0x2] =	stream.indirect.gather [spmem:s1], $0x20, s12, s29, $0xb8;
	[tilespmem:$0x13C00] =	vst v63  }
0x180: {  	s13 =	simm.s32 $0x1;
	_ =	swait.ge [sflag:s0], $0x1000  }
0x181: {  	v5 =	vmov s13;
	[sflag:s0] =	ssyncset.done $0x0  }
0x182: {  	s12 =	simm.s32 $0x3;
	[sflag:s0] =	ssyncadd.s32 $0xFFFFF000  }
0x183: {  	v6 =	vmov s12;
	_ =	swait.ge [sflag:s8], $0x2000  }
0x184: {  	[sflag:s8] =	ssyncset.done $0x0  }
0x185: {  	[sflag:s8] =	ssyncadd.s32 $0xFFFFE000  }
0x186: {  	s13 =	simm.s32 $0x2;
	s12 =	simm.s32 $0xC40;
	v15 =	vld.idx.msk [tilespmem:v5+s11+$0x0], $0xffff  }
0x187: {  	v8 =	vmov s13;
	v7 =	vld [tilespmem:s12+$0x20]  }
0x188: {  	s13 =	simm.s32 $0x0;
	v12 =	vld.idx.msk [tilespmem:v6+s11+$0x0], $0xffff  }
0x189: {  	v13 =	vshll.u32 v5, $0x6;
	v9 =	vmov s13;
	v18 =	vshll.u32 v6, $0x6;
	v6 =	vld [tilespmem:s12+$0xFFFFFFE0]  }
0x18a: {  	v20 =	vor.u32 v0, v13;
	v16 =	vor.u32 v0, v18;
	v10 =	vld [tilespmem:s12+$0xFFFFFFC0]  }
0x18b: {  	v14 =	vshll.u32 v8, $0x6;
	v22 =	vor.u32 v2, v13;
	v19 =	vor.u32 v2, v18;
	v17 =	vld [tilespmem:s12+$0x0]  }
0x18c: {  	v11 =	vshll.u32 v9, $0x6;
	v24 =	vor.u32 v0, v14;
	v8 =	vld.idx.msk [tilespmem:v8+s11+$0x0], $0xffff;
	v5 =	vshll.u32 v7, $0x10  }
0x18d: {  	v25 =	vor.u32 v2, v14;
	v7 =	vand.u32 $0xFFFF0000, v7;
	v23 =	vmul.f32 v5, v12  }
0x18e: {  	v21 =	vor.u32 v0, v11;
	v26 =	vshll.u32 v6, $0x10;
	v5 =	vld.idx.msk [tilespmem:v9+s11+$0x0], $0xffff;
	v7 =	vmul.f32 v7, v12  }
0x18f: {  	v6 =	vand.u32 $0xFFFF0000, v6;
	v9 =	vshll.u32 v10, $0x10;
	[tilespmem:v16+s25+$0x0] =	vst.idx.msk $0xffff, v23;
	v23 =	vmul.f32 v26, v15  }
0x190: {  	s13 =	simm.s32 $0x4;
	v16 =	vshll.u32 v17, $0x10;
	v17 =	vand.u32 $0xFFFF0000, v17;
	[tilespmem:v19+s25+$0x0] =	vst.idx.msk $0xffff, v7;
	v19 =	vmul.f32 v6, v15  }
0x191: {  	v7 =	vmov s13;
	v6 =	vand.u32 $0xFFFF0000, v10;
	v10 =	vmul.f32 v16, v8;
	v27 =	vld [tilespmem:s12+$0x30];
	[tilespmem:v20+s25+$0x0] =	vst.idx.msk $0xffff, v23  }
0x192: {  	v26 =	vor.u32 v2, v11;
	v62 =	vmul.f32 v17, v8;
	s13 =	simm.s32 $0x5;
	[tilespmem:v22+s25+$0x0] =	vst.idx.msk $0xffff, v19  }
0x193: {  	v17 =	vmov s13;
	v20 =	vor.u32 v4, v18;
	v23 =	vmul.f32 v9, v5;
	[tilespmem:v24+s25+$0x0] =	vst.idx.msk $0xffff, v10  }
0x194: {  	s13 =	simm.s32 $0x6;
	v63 =	vmul.f32 v6, v5;
	v6 =	vshll.u32 v7, $0x6;
	v19 =	vor.u32 v3, v18;
	v22 =	vld [tilespmem:s12+$0xFFFFFFF0];
	[tilespmem:v25+s25+$0x0] =	vst.idx.msk $0xffff, v62  }
0x195: {  	v9 =	vor.u32 v3, v11;
	v16 =	vmov s13;
	s13 =	simm.s32 $0x7;
	v11 =	vor.u32 v4, v11;
	[tilespmem:v21+s25+$0x0] =	vst.idx.msk $0xffff, v23;
	v21 =	vld [tilespmem:s12+$0x10]  }
0x196: {  	v18 =	vmov s13;
	v23 =	vor.u32 v3, v13;
	v10 =	vld.idx.msk [tilespmem:v7+s11+$0x0], $0xffff;
	v24 =	vshll.u32 v27, $0x10  }
0x197: {  	s13 =	simm.s32 $0x8;
	v7 =	vor.u32 v0, v6;
	[tilespmem:v26+s25+$0x0] =	vst.idx.msk $0xffff, v63;
	v25 =	vand.u32 $0xFFFF0000, v27;
	v24 =	vmul.f32 v24, v12  }
.LBB2_14:
0x198: {  	p0 =	slt.u32 s13, $0x7C;
	v26 =	vld [tilespmem:s12+$0xFFFFFFD0];
	v27 =	vor.u32 v4, v13;
	v28 =	vor.u32 v3, v14;
	v12 =	vmul.f32 v25, v12  }
0x199: {  	v30 =	vor.u32 v4, v14;
	s12 =	sadd.s32 $0x80, s12;
	v25 =	vld.idx.msk [tilespmem:v17+s11+$0x0], $0xffff;
	v29 =	vshll.u32 v22, $0x10;
	v22 =	vand.u32 $0xFFFF0000, v22;
	[tilespmem:v19+s25+$0x0] =	vst.idx.msk $0xffff, v24  }
0x19a: {  	v13 =	vshll.u32 v17, $0x6;
	v17 =	vld [tilespmem:s12+$0x20];
	v19 =	vmul.f32 v29, v15;
	v15 =	vmul.f32 v22, v15;
	[tilespmem:v20+s25+$0x0] =	vst.idx.msk $0xffff, v12  }
0x19b: {  	v20 =	vor.u32 v0, v13;
	v12 =	vld.idx.msk [tilespmem:v18+s11+$0x0], $0xffff;
	v22 =	vshll.u32 v21, $0x10;
	v21 =	vand.u32 $0xFFFF0000, v21  }
0x19c: {  	v14 =	vshll.u32 v16, $0x6;
	v24 =	vld [tilespmem:s12+$0xFFFFFFC0];
	[tilespmem:v23+s25+$0x0] =	vst.idx.msk $0xffff, v19;
	v19 =	vmul.f32 v22, v8;
	v21 =	vmul.f32 v21, v8  }
0x19d: {  	v18 =	vshll.u32 v18, $0x6;
	v22 =	vld [tilespmem:s12+$0xFFFFFFE0];
	v8 =	vshll.u32 v26, $0x10;
	v23 =	vand.u32 $0xFFFF0000, v26;
	[tilespmem:v27+s25+$0x0] =	vst.idx.msk $0xffff, v15  }
0x19e: {  	v27 =	vor.u32 v0, v18;
	v26 =	vld [tilespmem:s12+$0x0];
	v31 =	vmul.f32 v8, v5;
	v23 =	vmul.f32 v23, v5;
	v5 =	vmovc v10  }
0x19f: {  	v10 =	vor.u32 v2, v13;
	v8 =	vld.idx.msk [tilespmem:v16+s11+$0x0], $0xffff;
	v16 =	vor.u32 v2, v18;
	[tilespmem:v28+s25+$0x0] =	vst.idx.msk $0xffff, v19  }
0x1a0: {  	v19 =	vor.u32 v0, v14;
	v28 =	vor.u32 v2, v14;
	v29 =	vshll.u32 v17, $0x10;
	[tilespmem:v30+s25+$0x0] =	vst.idx.msk $0xffff, v21  }
0x1a1: {  	v15 =	vmovc v25;
	v17 =	vand.u32 $0xFFFF0000, v17;
	v29 =	vmul.f32 v29, v12;
	v21 =	vshll.u32 v24, $0x10;
	[tilespmem:v9+s25+$0x0] =	vst.idx.msk $0xffff, v31  }
0x1a2: {  	v17 =	vmul.f32 v17, v12;
	v9 =	vand.u32 $0xFFFF0000, v24;
	v24 =	vshll.u32 v22, $0x10;
	[tilespmem:v11+s25+$0x0] =	vst.idx.msk $0xffff, v23  }
0x1a3: {  	v11 =	vand.u32 $0xFFFF0000, v22;
	v22 =	vshll.u32 v26, $0x10;
	v23 =	vand.u32 $0xFFFF0000, v26;
	[tilespmem:v27+s25+$0x0] =	vst.idx.msk $0xffff, v29  }
0x1a4: {  	v25 =	vmov s13;
	v24 =	vmul.f32 v24, v15;
	v11 =	vmul.f32 v11, v15;
	[tilespmem:v16+s25+$0x0] =	vst.idx.msk $0xffff, v17  }
0x1a5: {  	v26 =	vor.u32 v2, v6;
	v16 =	vmul.f32 v22, v8;
	v23 =	vmul.f32 v23, v8;
	v27 =	vld [tilespmem:s12+$0x30]  }
0x1a6: {  	v21 =	vmul.f32 v21, v5;
	v29 =	vmul.f32 v9, v5;
	[tilespmem:v20+s25+$0x0] =	vst.idx.msk $0xffff, v24  }
.Ltmp5:
0x1a7: {  	s3 =	sadd.s32 $0x1, s13;
	v24 =	vshll.u32 v25, $0x6;
	[tilespmem:v10+s25+$0x0] =	vst.idx.msk $0xffff, v11;
	(pc) =	sbr.rel @p0 .LBB2_14-.Ltmp5, $4  }
0x1a8: {  	v9 =	vor.u32 v3, v6;
	v17 =	vmov s3;
	s3 =	sadd.s32 $0x2, s13;
	v22 =	vld [tilespmem:s12+$0xFFFFFFF0];
	[tilespmem:v19+s25+$0x0] =	vst.idx.msk $0xffff, v16;
	v19 =	vor.u32 v3, v18  }
0x1a9: {  	v20 =	vor.u32 v4, v18;
	v11 =	vor.u32 v4, v6;
	v16 =	vmov s3;
	s3 =	sadd.s32 $0x3, s13;
	v10 =	vld.idx.msk [tilespmem:v25+s11+$0x0], $0xffff;
	[tilespmem:v28+s25+$0x0] =	vst.idx.msk $0xffff, v23  }
0x1aa: {  	v6 =	vmovc v24;
	v18 =	vmov s3;
	[tilespmem:v7+s25+$0x0] =	vst.idx.msk $0xffff, v21;
	v7 =	vor.u32 v0, v24;
	v21 =	vld [tilespmem:s12+$0x10];
	v25 =	vshll.u32 v27, $0x10  }
0x1ab: {  	s13 =	sadd.s32 $0x4, s13;
	v23 =	vor.u32 v3, v13;
	[tilespmem:v26+s25+$0x0] =	vst.idx.msk $0xffff, v29;
	v24 =	vmul.f32 v25, v12;
	v25 =	vand.u32 $0xFFFF0000, v27  }
0x1ac: {  	_ =	sdelay $0x3  }
0x1ad: {  	v13 =	vor.u32 v4, v13;
	v26 =	vld.idx.msk [tilespmem:v17+s11+$0x0], $0xffff;
	s13 =	sadd.s32 $0x80, s12  }
0x1ae: {  	v27 =	vor.u32 v3, v14;
	v12 =	vmul.f32 v25, v12;
	v14 =	vor.u32 v4, v14;
	v28 =	vld [tilespmem:s13+$0x20]  }
0x1af: {  	v17 =	vshll.u32 v17, $0x6;
	v29 =	vld.idx.msk [tilespmem:v18+s11+$0x0], $0xffff;
	v25 =	vshll.u32 v22, $0x10;
	v22 =	vand.u32 $0xFFFF0000, v22  }
0x1b0: {  	v18 =	vshll.u32 v18, $0x6;
	[tilespmem:v19+s25+$0x0] =	vst.idx.msk $0xffff, v24;
	v19 =	vmul.f32 v25, v15;
	v15 =	vmul.f32 v22, v15;
	v22 =	vld [tilespmem:s13+$0xFFFFFFE0]  }
0x1b1: {  	v24 =	vor.u32 v0, v18;
	[tilespmem:v20+s25+$0x0] =	vst.idx.msk $0xffff, v12;
	v12 =	vor.u32 v0, v17;
	v20 =	vshll.u32 v21, $0x10  }
0x1b2: {  	v21 =	vand.u32 $0xFFFF0000, v21;
	[tilespmem:v23+s25+$0x0] =	vst.idx.msk $0xffff, v19;
	v19 =	vmul.f32 v20, v8;
	v20 =	vld [tilespmem:s13+$0x0];
	v23 =	vor.u32 v2, v18  }
0x1b3: {  	v25 =	vshll.u32 v16, $0x6;
	v8 =	vmul.f32 v21, v8;
	[tilespmem:v13+s25+$0x0] =	vst.idx.msk $0xffff, v15;
	v13 =	vld.idx.msk [tilespmem:v16+s11+$0x0], $0xffff;
	v15 =	vshll.u32 v28, $0x10  }
0x1b4: {  	v21 =	vor.u32 v2, v17;
	v16 =	vld [tilespmem:s13+$0xFFFFFFC0];
	[tilespmem:v27+s25+$0x0] =	vst.idx.msk $0xffff, v19;
	v19 =	vand.u32 $0xFFFF0000, v28;
	v15 =	vmul.f32 v15, v29  }
0x1b5: {  	v27 =	vor.u32 v0, v25;
	[tilespmem:v14+s25+$0x0] =	vst.idx.msk $0xffff, v8;
	v8 =	vshll.u32 v22, $0x10;
	v14 =	vmul.f32 v19, v29  }
0x1b6: {  	v61 =	vor.u32 v2, v25;
	v19 =	vld [tilespmem:s12+$0xFFFFFFD0];
	v22 =	vand.u32 $0xFFFF0000, v22;
	v8 =	vmul.f32 v8, v26;
	[tilespmem:v24+s25+$0x0] =	vst.idx.msk $0xffff, v15  }
0x1b7: {  	v22 =	vmul.f32 v22, v26;
	v15 =	vshll.u32 v20, $0x10;
	[tilespmem:v23+s25+$0x0] =	vst.idx.msk $0xffff, v14  }
0x1b8: {  	v14 =	vand.u32 $0xFFFF0000, v20;
	v20 =	vor.u32 v2, v6;
	v15 =	vmul.f32 v15, v13;
	[tilespmem:v12+s25+$0x0] =	vst.idx.msk $0xffff, v8;
	v23 =	vld [tilespmem:s13+$0x30]  }
0x1b9: {  	v8 =	vshll.u32 v16, $0x10;
	v12 =	vmul.f32 v14, v13;
	[tilespmem:v21+s25+$0x0] =	vst.idx.msk $0xffff, v22  }
0x1ba: {  	v14 =	vand.u32 $0xFFFF0000, v16;
	v8 =	vmul.f32 v8, v10;
	v16 =	vld [tilespmem:s13+$0xFFFFFFF0];
	[tilespmem:v27+s25+$0x0] =	vst.idx.msk $0xffff, v15  }
0x1bb: {  	v21 =	vor.u32 v3, v18;
	v15 =	vshll.u32 v19, $0x10;
	v14 =	vmul.f32 v14, v10;
	[tilespmem:v61+s25+$0x0] =	vst.idx.msk $0xffff, v12  }
0x1bc: {  	v18 =	vor.u32 v4, v18;
	v12 =	vand.u32 $0xFFFF0000, v19;
	v15 =	vmul.f32 v15, v5;
	[tilespmem:v7+s25+$0x0] =	vst.idx.msk $0xffff, v8;
	v7 =	vld [tilespmem:s13+$0x10]  }
0x1bd: {  	v5 =	vmul.f32 v12, v5;
	v12 =	vor.u32 v3, v17;
	[tilespmem:v20+s25+$0x0] =	vst.idx.msk $0xffff, v14;
	v8 =	vshll.u32 v23, $0x10  }
0x1be: {  	[tilespmem:v9+s25+$0x0] =	vst.idx.msk $0xffff, v15;
	v15 =	vor.u32 v4, v17;
	v9 =	vand.u32 $0xFFFF0000, v23;
	v14 =	vld [tilespmem:s13+$0xFFFFFFD0];
	v8 =	vmul.f32 v8, v29  }
0x1bf: {  	[tilespmem:v11+s25+$0x0] =	vst.idx.msk $0xffff, v5;
	v5 =	vor.u32 v3, v25;
	v9 =	vmul.f32 v9, v29;
	v11 =	vshll.u32 v16, $0x10  }
0x1c0: {  	v17 =	vor.u32 v4, v25;
	v16 =	vand.u32 $0xFFFF0000, v16;
	[tilespmem:v21+s25+$0x0] =	vst.idx.msk $0xffff, v8;
	v8 =	vmul.f32 v11, v26  }
0x1c1: {  	v16 =	vmul.f32 v16, v26;
	v11 =	vor.u32 v3, v6;
	[tilespmem:v18+s25+$0x0] =	vst.idx.msk $0xffff, v9;
	v9 =	vshll.u32 v7, $0x10  }
0x1c2: {  	v6 =	vor.u32 v4, v6;
	v7 =	vand.u32 $0xFFFF0000, v7;
	[tilespmem:v12+s25+$0x0] =	vst.idx.msk $0xffff, v8;
	v8 =	vmul.f32 v9, v13  }
0x1c3: {  	v7 =	vmul.f32 v7, v13;
	v9 =	vshll.u32 v14, $0x10;
	[tilespmem:v15+s25+$0x0] =	vst.idx.msk $0xffff, v16  }
0x1c4: {  	v12 =	vand.u32 $0xFFFF0000, v14;
	v9 =	vmul.f32 v9, v10;
	[tilespmem:v5+s25+$0x0] =	vst.idx.msk $0xffff, v8  }
0x1c5: {  	v5 =	vmul.f32 v12, v10;
	[tilespmem:v17+s25+$0x0] =	vst.idx.msk $0xffff, v7  }
0x1c6: {  	[tilespmem:v11+s25+$0x0] =	vst.idx.msk $0xffff, v9  }
0x1c7: {  	s3 =	simm.s32 $0x600;
	[tilespmem:v6+s25+$0x0] =	vst.idx.msk $0xffff, v5  }
0x1c8: {  	[spmem:s2] =	stream.indirect.scatter.add.f32 [tilespmem:s25], [sflag:$0x3], $0x40, s3, s29, $0xb8;
	[tilespmem:$0x13C00] =	vst v63  }
0x1c9: {  	s12 =	simm.s32 $0x300  }
0x1ca: {  	[tilespmem:s30], [sflag:$0x1] =	stream.indirect.gather [spmem:s1], $0x20, s12, s29, $0xb8;
	[tilespmem:$0x13C00] =	vst v63  }
0x1cb: {  	s13 =	simm.s32 $0x1;
	_ =	swait.ge [sflag:s4], $0x1000  }
0x1cc: {  	v5 =	vmov s13;
	[sflag:s4] =	ssyncset.done $0x0  }
0x1cd: {  	s12 =	simm.s32 $0x3;
	[sflag:s4] =	ssyncadd.s32 $0xFFFFF000  }
0x1ce: {  	v6 =	vmov s12;
	_ =	swait.ge [sflag:s8], $0x2000  }
0x1cf: {  	[sflag:s8] =	ssyncset.done $0x0  }
0x1d0: {  	[sflag:s8] =	ssyncadd.s32 $0xFFFFE000  }
0x1d1: {  	s13 =	simm.s32 $0x2;
	s12 =	simm.s32 $0x1C70;
	v15 =	vld.idx.msk [tilespmem:v5+s14+$0x0], $0xffff  }
0x1d2: {  	v8 =	vmov s13;
	v7 =	vld [tilespmem:s12+$0xFFFFFFF0]  }
0x1d3: {  	s13 =	simm.s32 $0x0;
	v12 =	vld.idx.msk [tilespmem:v6+s14+$0x0], $0xffff  }
0x1d4: {  	v13 =	vshll.u32 v5, $0x6;
	v9 =	vmov s13;
	v18 =	vshll.u32 v6, $0x6;
	v6 =	vld [tilespmem:s12+$0xFFFFFFB0]  }
0x1d5: {  	v20 =	vor.u32 v0, v13;
	v16 =	vor.u32 v0, v18;
	v10 =	vld [tilespmem:s12+$0xFFFFFF90]  }
0x1d6: {  	v14 =	vshll.u32 v8, $0x6;
	v22 =	vor.u32 v2, v13;
	v19 =	vor.u32 v2, v18;
	v17 =	vld [tilespmem:s12+$0xFFFFFFD0]  }
0x1d7: {  	v11 =	vshll.u32 v9, $0x6;
	v24 =	vor.u32 v0, v14;
	v8 =	vld.idx.msk [tilespmem:v8+s14+$0x0], $0xffff;
	v5 =	vshll.u32 v7, $0x10  }
0x1d8: {  	v25 =	vor.u32 v2, v14;
	v7 =	vand.u32 $0xFFFF0000, v7;
	v23 =	vmul.f32 v5, v12  }
0x1d9: {  	v21 =	vor.u32 v0, v11;
	v26 =	vshll.u32 v6, $0x10;
	v5 =	vld.idx.msk [tilespmem:v9+s14+$0x0], $0xffff;
	v7 =	vmul.f32 v7, v12  }
0x1da: {  	v6 =	vand.u32 $0xFFFF0000, v6;
	v9 =	vshll.u32 v10, $0x10;
	[tilespmem:v16+s25+$0x0] =	vst.idx.msk $0xffff, v23;
	v23 =	vmul.f32 v26, v15  }
0x1db: {  	s13 =	simm.s32 $0x4;
	v16 =	vshll.u32 v17, $0x10;
	v17 =	vand.u32 $0xFFFF0000, v17;
	[tilespmem:v19+s25+$0x0] =	vst.idx.msk $0xffff, v7;
	v19 =	vmul.f32 v6, v15  }
0x1dc: {  	v7 =	vmov s13;
	v6 =	vand.u32 $0xFFFF0000, v10;
	v10 =	vmul.f32 v16, v8;
	v27 =	vld [tilespmem:s12+$0x0];
	[tilespmem:v20+s25+$0x0] =	vst.idx.msk $0xffff, v23  }
0x1dd: {  	v26 =	vor.u32 v2, v11;
	v62 =	vmul.f32 v17, v8;
	s13 =	simm.s32 $0x5;
	[tilespmem:v22+s25+$0x0] =	vst.idx.msk $0xffff, v19  }
0x1de: {  	v17 =	vmov s13;
	v20 =	vor.u32 v4, v18;
	v23 =	vmul.f32 v9, v5;
	[tilespmem:v24+s25+$0x0] =	vst.idx.msk $0xffff, v10  }
0x1df: {  	s13 =	simm.s32 $0x6;
	v63 =	vmul.f32 v6, v5;
	v6 =	vshll.u32 v7, $0x6;
	v19 =	vor.u32 v3, v18;
	v22 =	vld [tilespmem:s12+$0xFFFFFFC0];
	[tilespmem:v25+s25+$0x0] =	vst.idx.msk $0xffff, v62  }
0x1e0: {  	v9 =	vor.u32 v3, v11;
	v16 =	vmov s13;
	s13 =	simm.s32 $0x7;
	v11 =	vor.u32 v4, v11;
	[tilespmem:v21+s25+$0x0] =	vst.idx.msk $0xffff, v23;
	v21 =	vld [tilespmem:s12+$0xFFFFFFE0]  }
0x1e1: {  	v18 =	vmov s13;
	v23 =	vor.u32 v3, v13;
	v10 =	vld.idx.msk [tilespmem:v7+s14+$0x0], $0xffff;
	v24 =	vshll.u32 v27, $0x10  }
0x1e2: {  	s13 =	simm.s32 $0x8;
	v7 =	vor.u32 v0, v6;
	[tilespmem:v26+s25+$0x0] =	vst.idx.msk $0xffff, v63;
	v25 =	vand.u32 $0xFFFF0000, v27;
	v24 =	vmul.f32 v24, v12  }
.LBB2_16:
0x1e3: {  	p0 =	slt.u32 s13, $0x7C;
	v26 =	vld [tilespmem:s12+$0xFFFFFFA0];
	v27 =	vor.u32 v4, v13;
	v28 =	vor.u32 v3, v14;
	v12 =	vmul.f32 v25, v12  }
0x1e4: {  	v30 =	vor.u32 v4, v14;
	s12 =	sadd.s32 $0x80, s12;
	v25 =	vld.idx.msk [tilespmem:v17+s14+$0x0], $0xffff;
	v29 =	vshll.u32 v22, $0x10;
	v22 =	vand.u32 $0xFFFF0000, v22;
	[tilespmem:v19+s25+$0x0] =	vst.idx.msk $0xffff, v24  }
0x1e5: {  	v13 =	vshll.u32 v17, $0x6;
	v17 =	vld [tilespmem:s12+$0xFFFFFFF0];
	v19 =	vmul.f32 v29, v15;
	v15 =	vmul.f32 v22, v15;
	[tilespmem:v20+s25+$0x0] =	vst.idx.msk $0xffff, v12  }
0x1e6: {  	v20 =	vor.u32 v0, v13;
	v12 =	vld.idx.msk [tilespmem:v18+s14+$0x0], $0xffff;
	v22 =	vshll.u32 v21, $0x10;
	v21 =	vand.u32 $0xFFFF0000, v21  }
0x1e7: {  	v14 =	vshll.u32 v16, $0x6;
	v24 =	vld [tilespmem:s12+$0xFFFFFF90];
	[tilespmem:v23+s25+$0x0] =	vst.idx.msk $0xffff, v19;
	v19 =	vmul.f32 v22, v8;
	v21 =	vmul.f32 v21, v8  }
0x1e8: {  	v18 =	vshll.u32 v18, $0x6;
	v22 =	vld [tilespmem:s12+$0xFFFFFFB0];
	v8 =	vshll.u32 v26, $0x10;
	v23 =	vand.u32 $0xFFFF0000, v26;
	[tilespmem:v27+s25+$0x0] =	vst.idx.msk $0xffff, v15  }
0x1e9: {  	v27 =	vor.u32 v0, v18;
	v26 =	vld [tilespmem:s12+$0xFFFFFFD0];
	v31 =	vmul.f32 v8, v5;
	v23 =	vmul.f32 v23, v5;
	v5 =	vmovc v10  }
0x1ea: {  	v10 =	vor.u32 v2, v13;
	v8 =	vld.idx.msk [tilespmem:v16+s14+$0x0], $0xffff;
	v16 =	vor.u32 v2, v18;
	[tilespmem:v28+s25+$0x0] =	vst.idx.msk $0xffff, v19  }
0x1eb: {  	v19 =	vor.u32 v0, v14;
	v28 =	vor.u32 v2, v14;
	v29 =	vshll.u32 v17, $0x10;
	[tilespmem:v30+s25+$0x0] =	vst.idx.msk $0xffff, v21  }
0x1ec: {  	v15 =	vmovc v25;
	v17 =	vand.u32 $0xFFFF0000, v17;
	v29 =	vmul.f32 v29, v12;
	v21 =	vshll.u32 v24, $0x10;
	[tilespmem:v9+s25+$0x0] =	vst.idx.msk $0xffff, v31  }
0x1ed: {  	v17 =	vmul.f32 v17, v12;
	v9 =	vand.u32 $0xFFFF0000, v24;
	v24 =	vshll.u32 v22, $0x10;
	[tilespmem:v11+s25+$0x0] =	vst.idx.msk $0xffff, v23  }
0x1ee: {  	v11 =	vand.u32 $0xFFFF0000, v22;
	v22 =	vshll.u32 v26, $0x10;
	v23 =	vand.u32 $0xFFFF0000, v26;
	[tilespmem:v27+s25+$0x0] =	vst.idx.msk $0xffff, v29  }
0x1ef: {  	v25 =	vmov s13;
	v24 =	vmul.f32 v24, v15;
	v11 =	vmul.f32 v11, v15;
	[tilespmem:v16+s25+$0x0] =	vst.idx.msk $0xffff, v17  }
0x1f0: {  	v26 =	vor.u32 v2, v6;
	v16 =	vmul.f32 v22, v8;
	v23 =	vmul.f32 v23, v8;
	v27 =	vld [tilespmem:s12+$0x0]  }
0x1f1: {  	v21 =	vmul.f32 v21, v5;
	v29 =	vmul.f32 v9, v5;
	[tilespmem:v20+s25+$0x0] =	vst.idx.msk $0xffff, v24  }
.Ltmp6:
0x1f2: {  	s3 =	sadd.s32 $0x1, s13;
	v24 =	vshll.u32 v25, $0x6;
	[tilespmem:v10+s25+$0x0] =	vst.idx.msk $0xffff, v11;
	(pc) =	sbr.rel @p0 .LBB2_16-.Ltmp6, $4  }
0x1f3: {  	v9 =	vor.u32 v3, v6;
	v17 =	vmov s3;
	s3 =	sadd.s32 $0x2, s13;
	v22 =	vld [tilespmem:s12+$0xFFFFFFC0];
	[tilespmem:v19+s25+$0x0] =	vst.idx.msk $0xffff, v16;
	v19 =	vor.u32 v3, v18  }
0x1f4: {  	v20 =	vor.u32 v4, v18;
	v11 =	vor.u32 v4, v6;
	v16 =	vmov s3;
	s3 =	sadd.s32 $0x3, s13;
	v10 =	vld.idx.msk [tilespmem:v25+s14+$0x0], $0xffff;
	[tilespmem:v28+s25+$0x0] =	vst.idx.msk $0xffff, v23  }
0x1f5: {  	v6 =	vmovc v24;
	v18 =	vmov s3;
	[tilespmem:v7+s25+$0x0] =	vst.idx.msk $0xffff, v21;
	v7 =	vor.u32 v0, v24;
	v21 =	vld [tilespmem:s12+$0xFFFFFFE0];
	v25 =	vshll.u32 v27, $0x10  }
0x1f6: {  	s13 =	sadd.s32 $0x4, s13;
	v23 =	vor.u32 v3, v13;
	[tilespmem:v26+s25+$0x0] =	vst.idx.msk $0xffff, v29;
	v24 =	vmul.f32 v25, v12;
	v25 =	vand.u32 $0xFFFF0000, v27  }
0x1f7: {  	_ =	sdelay $0x3  }
0x1f8: {  	v13 =	vor.u32 v4, v13;
	v26 =	vld.idx.msk [tilespmem:v17+s14+$0x0], $0xffff;
	s13 =	sadd.s32 $0x80, s12  }
0x1f9: {  	v27 =	vor.u32 v3, v14;
	v12 =	vmul.f32 v25, v12;
	v14 =	vor.u32 v4, v14;
	v28 =	vld [tilespmem:s13+$0xFFFFFFF0]  }
0x1fa: {  	v17 =	vshll.u32 v17, $0x6;
	v29 =	vld.idx.msk [tilespmem:v18+s14+$0x0], $0xffff;
	v25 =	vshll.u32 v22, $0x10;
	v22 =	vand.u32 $0xFFFF0000, v22  }
0x1fb: {  	v18 =	vshll.u32 v18, $0x6;
	[tilespmem:v19+s25+$0x0] =	vst.idx.msk $0xffff, v24;
	v19 =	vmul.f32 v25, v15;
	v15 =	vmul.f32 v22, v15;
	v22 =	vld [tilespmem:s13+$0xFFFFFFB0]  }
0x1fc: {  	v24 =	vor.u32 v0, v18;
	[tilespmem:v20+s25+$0x0] =	vst.idx.msk $0xffff, v12;
	v12 =	vor.u32 v0, v17;
	v20 =	vshll.u32 v21, $0x10  }
0x1fd: {  	v21 =	vand.u32 $0xFFFF0000, v21;
	[tilespmem:v23+s25+$0x0] =	vst.idx.msk $0xffff, v19;
	v19 =	vmul.f32 v20, v8;
	v20 =	vld [tilespmem:s13+$0xFFFFFFD0];
	v23 =	vor.u32 v2, v18  }
0x1fe: {  	v25 =	vshll.u32 v16, $0x6;
	v8 =	vmul.f32 v21, v8;
	[tilespmem:v13+s25+$0x0] =	vst.idx.msk $0xffff, v15;
	v13 =	vld.idx.msk [tilespmem:v16+s14+$0x0], $0xffff;
	v15 =	vshll.u32 v28, $0x10  }
0x1ff: {  	v21 =	vor.u32 v2, v17;
	v16 =	vld [tilespmem:s13+$0xFFFFFF90];
	[tilespmem:v27+s25+$0x0] =	vst.idx.msk $0xffff, v19;
	v19 =	vand.u32 $0xFFFF0000, v28;
	v15 =	vmul.f32 v15, v29  }
0x200: {  	v27 =	vor.u32 v0, v25;
	[tilespmem:v14+s25+$0x0] =	vst.idx.msk $0xffff, v8;
	v8 =	vshll.u32 v22, $0x10;
	v14 =	vmul.f32 v19, v29  }
0x201: {  	v61 =	vor.u32 v2, v25;
	v19 =	vld [tilespmem:s12+$0xFFFFFFA0];
	v22 =	vand.u32 $0xFFFF0000, v22;
	v8 =	vmul.f32 v8, v26;
	[tilespmem:v24+s25+$0x0] =	vst.idx.msk $0xffff, v15  }
0x202: {  	v22 =	vmul.f32 v22, v26;
	v15 =	vshll.u32 v20, $0x10;
	[tilespmem:v23+s25+$0x0] =	vst.idx.msk $0xffff, v14  }
0x203: {  	v14 =	vand.u32 $0xFFFF0000, v20;
	v20 =	vor.u32 v2, v6;
	v15 =	vmul.f32 v15, v13;
	[tilespmem:v12+s25+$0x0] =	vst.idx.msk $0xffff, v8;
	v23 =	vld [tilespmem:s13+$0x0]  }
0x204: {  	v8 =	vshll.u32 v16, $0x10;
	v12 =	vmul.f32 v14, v13;
	[tilespmem:v21+s25+$0x0] =	vst.idx.msk $0xffff, v22  }
0x205: {  	v14 =	vand.u32 $0xFFFF0000, v16;
	v8 =	vmul.f32 v8, v10;
	v16 =	vld [tilespmem:s13+$0xFFFFFFC0];
	[tilespmem:v27+s25+$0x0] =	vst.idx.msk $0xffff, v15  }
0x206: {  	v21 =	vor.u32 v3, v18;
	v15 =	vshll.u32 v19, $0x10;
	v14 =	vmul.f32 v14, v10;
	[tilespmem:v61+s25+$0x0] =	vst.idx.msk $0xffff, v12  }
0x207: {  	v18 =	vor.u32 v4, v18;
	v12 =	vand.u32 $0xFFFF0000, v19;
	v15 =	vmul.f32 v15, v5;
	[tilespmem:v7+s25+$0x0] =	vst.idx.msk $0xffff, v8;
	v7 =	vld [tilespmem:s13+$0xFFFFFFE0]  }
0x208: {  	v5 =	vmul.f32 v12, v5;
	v12 =	vor.u32 v3, v17;
	[tilespmem:v20+s25+$0x0] =	vst.idx.msk $0xffff, v14;
	v8 =	vshll.u32 v23, $0x10  }
0x209: {  	[tilespmem:v9+s25+$0x0] =	vst.idx.msk $0xffff, v15;
	v15 =	vor.u32 v4, v17;
	v9 =	vand.u32 $0xFFFF0000, v23;
	v14 =	vld [tilespmem:s13+$0xFFFFFFA0];
	v8 =	vmul.f32 v8, v29  }
0x20a: {  	[tilespmem:v11+s25+$0x0] =	vst.idx.msk $0xffff, v5;
	v5 =	vor.u32 v3, v25;
	v9 =	vmul.f32 v9, v29;
	v11 =	vshll.u32 v16, $0x10  }
0x20b: {  	v17 =	vor.u32 v4, v25;
	v16 =	vand.u32 $0xFFFF0000, v16;
	[tilespmem:v21+s25+$0x0] =	vst.idx.msk $0xffff, v8;
	v8 =	vmul.f32 v11, v26  }
0x20c: {  	v16 =	vmul.f32 v16, v26;
	v11 =	vor.u32 v3, v6;
	[tilespmem:v18+s25+$0x0] =	vst.idx.msk $0xffff, v9;
	v9 =	vshll.u32 v7, $0x10  }
0x20d: {  	v6 =	vor.u32 v4, v6;
	v7 =	vand.u32 $0xFFFF0000, v7;
	[tilespmem:v12+s25+$0x0] =	vst.idx.msk $0xffff, v8;
	v8 =	vmul.f32 v9, v13  }
0x20e: {  	v7 =	vmul.f32 v7, v13;
	v9 =	vshll.u32 v14, $0x10;
	[tilespmem:v15+s25+$0x0] =	vst.idx.msk $0xffff, v16  }
0x20f: {  	v12 =	vand.u32 $0xFFFF0000, v14;
	v9 =	vmul.f32 v9, v10;
	[tilespmem:v5+s25+$0x0] =	vst.idx.msk $0xffff, v8  }
0x210: {  	v5 =	vmul.f32 v12, v10;
	[tilespmem:v17+s25+$0x0] =	vst.idx.msk $0xffff, v7  }
0x211: {  	[tilespmem:v11+s25+$0x0] =	vst.idx.msk $0xffff, v9  }
0x212: {  	s3 =	simm.s32 $0x680;
	[tilespmem:v6+s25+$0x0] =	vst.idx.msk $0xffff, v5  }
0x213: {  	[spmem:s2] =	stream.indirect.scatter.add.f32 [tilespmem:s25], [sflag:$0x3], $0x40, s3, s29, $0xb8;
	[tilespmem:$0x13C00] =	vst v63  }
0x214: {  	_ = 	snop  }
0x215: {  	[tilespmem:s31], [sflag:$0x2] =	stream.indirect.gather [spmem:s1], $0x20, s22, s29, $0xb8;
	[tilespmem:$0x13C00] =	vst v63  }
0x216: {  	s13 =	simm.s32 $0x1;
	_ =	swait.ge [sflag:s0], $0x1000  }
0x217: {  	v5 =	vmov s13;
	[sflag:s0] =	ssyncset.done $0x0  }
0x218: {  	s12 =	simm.s32 $0x3;
	[sflag:s0] =	ssyncadd.s32 $0xFFFFF000  }
0x219: {  	v6 =	vmov s12;
	_ =	swait.ge [sflag:s8], $0x2000  }
0x21a: {  	[sflag:s8] =	ssyncset.done $0x0  }
0x21b: {  	[sflag:s8] =	ssyncadd.s32 $0xFFFFE000  }
0x21c: {  	s12 =	simm.s32 $0xC40;
	s13 =	simm.s32 $0x2;
	v15 =	vld.idx.msk [tilespmem:v5+s16+$0x0], $0xffff  }
0x21d: {  	v8 =	vmov s13;
	v7 =	vld [tilespmem:s12+$0x20]  }
0x21e: {  	s13 =	simm.s32 $0x0;
	v12 =	vld.idx.msk [tilespmem:v6+s16+$0x0], $0xffff  }
0x21f: {  	v18 =	vshll.u32 v6, $0x6;
	v9 =	vmov s13;
	v6 =	vld [tilespmem:s12+$0xFFFFFFE0]  }
0x220: {  	v13 =	vshll.u32 v5, $0x6;
	v16 =	vor.u32 v0, v18;
	v19 =	vor.u32 v2, v18;
	v10 =	vld [tilespmem:s12+$0xFFFFFFC0]  }
0x221: {  	v20 =	vor.u32 v0, v13;
	v14 =	vshll.u32 v8, $0x6;
	v22 =	vor.u32 v2, v13;
	v17 =	vld [tilespmem:s12+$0x0]  }
0x222: {  	v11 =	vshll.u32 v9, $0x6;
	v24 =	vor.u32 v0, v14;
	v8 =	vld.idx.msk [tilespmem:v8+s16+$0x0], $0xffff;
	v5 =	vshll.u32 v7, $0x10  }
0x223: {  	v25 =	vor.u32 v2, v14;
	v7 =	vand.u32 $0xFFFF0000, v7;
	v23 =	vmul.f32 v5, v12  }
0x224: {  	v21 =	vor.u32 v0, v11;
	v26 =	vshll.u32 v6, $0x10;
	v5 =	vld.idx.msk [tilespmem:v9+s16+$0x0], $0xffff;
	v7 =	vmul.f32 v7, v12  }
0x225: {  	v6 =	vand.u32 $0xFFFF0000, v6;
	v9 =	vshll.u32 v10, $0x10;
	[tilespmem:v16+s25+$0x0] =	vst.idx.msk $0xffff, v23;
	v23 =	vmul.f32 v26, v15  }
0x226: {  	s13 =	simm.s32 $0x4;
	v16 =	vshll.u32 v17, $0x10;
	v17 =	vand.u32 $0xFFFF0000, v17;
	[tilespmem:v19+s25+$0x0] =	vst.idx.msk $0xffff, v7;
	v19 =	vmul.f32 v6, v15  }
0x227: {  	v7 =	vmov s13;
	v6 =	vand.u32 $0xFFFF0000, v10;
	v10 =	vmul.f32 v16, v8;
	v27 =	vld [tilespmem:s12+$0x30];
	[tilespmem:v20+s25+$0x0] =	vst.idx.msk $0xffff, v23  }
0x228: {  	v26 =	vor.u32 v2, v11;
	v62 =	vmul.f32 v17, v8;
	s13 =	simm.s32 $0x5;
	[tilespmem:v22+s25+$0x0] =	vst.idx.msk $0xffff, v19  }
0x229: {  	v17 =	vmov s13;
	v20 =	vor.u32 v4, v18;
	v23 =	vmul.f32 v9, v5;
	[tilespmem:v24+s25+$0x0] =	vst.idx.msk $0xffff, v10  }
0x22a: {  	s13 =	simm.s32 $0x6;
	v63 =	vmul.f32 v6, v5;
	v6 =	vshll.u32 v7, $0x6;
	v19 =	vor.u32 v3, v18;
	v22 =	vld [tilespmem:s12+$0xFFFFFFF0];
	[tilespmem:v25+s25+$0x0] =	vst.idx.msk $0xffff, v62  }
0x22b: {  	v9 =	vor.u32 v3, v11;
	v16 =	vmov s13;
	s13 =	simm.s32 $0x7;
	v11 =	vor.u32 v4, v11;
	[tilespmem:v21+s25+$0x0] =	vst.idx.msk $0xffff, v23;
	v21 =	vld [tilespmem:s12+$0x10]  }
0x22c: {  	v18 =	vmov s13;
	v23 =	vor.u32 v3, v13;
	v10 =	vld.idx.msk [tilespmem:v7+s16+$0x0], $0xffff;
	v24 =	vshll.u32 v27, $0x10  }
0x22d: {  	s13 =	simm.s32 $0x8;
	v7 =	vor.u32 v0, v6;
	[tilespmem:v26+s25+$0x0] =	vst.idx.msk $0xffff, v63;
	v25 =	vand.u32 $0xFFFF0000, v27;
	v24 =	vmul.f32 v24, v12  }
.LBB2_18:
0x22e: {  	p0 =	slt.u32 s13, $0x7C;
	v26 =	vld [tilespmem:s12+$0xFFFFFFD0];
	v27 =	vor.u32 v4, v13;
	v28 =	vor.u32 v3, v14;
	v12 =	vmul.f32 v25, v12  }
0x22f: {  	v30 =	vor.u32 v4, v14;
	s12 =	sadd.s32 $0x80, s12;
	v25 =	vld.idx.msk [tilespmem:v17+s16+$0x0], $0xffff;
	v29 =	vshll.u32 v22, $0x10;
	v22 =	vand.u32 $0xFFFF0000, v22;
	[tilespmem:v19+s25+$0x0] =	vst.idx.msk $0xffff, v24  }
0x230: {  	v13 =	vshll.u32 v17, $0x6;
	v17 =	vld [tilespmem:s12+$0x20];
	v19 =	vmul.f32 v29, v15;
	v15 =	vmul.f32 v22, v15;
	[tilespmem:v20+s25+$0x0] =	vst.idx.msk $0xffff, v12  }
0x231: {  	v20 =	vor.u32 v0, v13;
	v12 =	vld.idx.msk [tilespmem:v18+s16+$0x0], $0xffff;
	v22 =	vshll.u32 v21, $0x10;
	v21 =	vand.u32 $0xFFFF0000, v21  }
0x232: {  	v14 =	vshll.u32 v16, $0x6;
	v24 =	vld [tilespmem:s12+$0xFFFFFFC0];
	[tilespmem:v23+s25+$0x0] =	vst.idx.msk $0xffff, v19;
	v19 =	vmul.f32 v22, v8;
	v21 =	vmul.f32 v21, v8  }
0x233: {  	v18 =	vshll.u32 v18, $0x6;
	v22 =	vld [tilespmem:s12+$0xFFFFFFE0];
	v8 =	vshll.u32 v26, $0x10;
	v23 =	vand.u32 $0xFFFF0000, v26;
	[tilespmem:v27+s25+$0x0] =	vst.idx.msk $0xffff, v15  }
0x234: {  	v27 =	vor.u32 v0, v18;
	v26 =	vld [tilespmem:s12+$0x0];
	v31 =	vmul.f32 v8, v5;
	v23 =	vmul.f32 v23, v5;
	v5 =	vmovc v10  }
0x235: {  	v10 =	vor.u32 v2, v13;
	v8 =	vld.idx.msk [tilespmem:v16+s16+$0x0], $0xffff;
	v16 =	vor.u32 v2, v18;
	[tilespmem:v28+s25+$0x0] =	vst.idx.msk $0xffff, v19  }
0x236: {  	v19 =	vor.u32 v0, v14;
	v28 =	vor.u32 v2, v14;
	v29 =	vshll.u32 v17, $0x10;
	[tilespmem:v30+s25+$0x0] =	vst.idx.msk $0xffff, v21  }
0x237: {  	v15 =	vmovc v25;
	v17 =	vand.u32 $0xFFFF0000, v17;
	v29 =	vmul.f32 v29, v12;
	v21 =	vshll.u32 v24, $0x10;
	[tilespmem:v9+s25+$0x0] =	vst.idx.msk $0xffff, v31  }
0x238: {  	v17 =	vmul.f32 v17, v12;
	v9 =	vand.u32 $0xFFFF0000, v24;
	v24 =	vshll.u32 v22, $0x10;
	[tilespmem:v11+s25+$0x0] =	vst.idx.msk $0xffff, v23  }
0x239: {  	v11 =	vand.u32 $0xFFFF0000, v22;
	v22 =	vshll.u32 v26, $0x10;
	v23 =	vand.u32 $0xFFFF0000, v26;
	[tilespmem:v27+s25+$0x0] =	vst.idx.msk $0xffff, v29  }
0x23a: {  	v25 =	vmov s13;
	v24 =	vmul.f32 v24, v15;
	v11 =	vmul.f32 v11, v15;
	[tilespmem:v16+s25+$0x0] =	vst.idx.msk $0xffff, v17  }
0x23b: {  	v26 =	vor.u32 v2, v6;
	v16 =	vmul.f32 v22, v8;
	v23 =	vmul.f32 v23, v8;
	v27 =	vld [tilespmem:s12+$0x30]  }
0x23c: {  	v21 =	vmul.f32 v21, v5;
	v29 =	vmul.f32 v9, v5;
	[tilespmem:v20+s25+$0x0] =	vst.idx.msk $0xffff, v24  }
.Ltmp7:
0x23d: {  	s3 =	sadd.s32 $0x1, s13;
	v24 =	vshll.u32 v25, $0x6;
	[tilespmem:v10+s25+$0x0] =	vst.idx.msk $0xffff, v11;
	(pc) =	sbr.rel @p0 .LBB2_18-.Ltmp7, $4  }
0x23e: {  	v9 =	vor.u32 v3, v6;
	v17 =	vmov s3;
	s3 =	sadd.s32 $0x2, s13;
	v22 =	vld [tilespmem:s12+$0xFFFFFFF0];
	[tilespmem:v19+s25+$0x0] =	vst.idx.msk $0xffff, v16;
	v19 =	vor.u32 v3, v18  }
0x23f: {  	v20 =	vor.u32 v4, v18;
	v11 =	vor.u32 v4, v6;
	v16 =	vmov s3;
	s3 =	sadd.s32 $0x3, s13;
	v10 =	vld.idx.msk [tilespmem:v25+s16+$0x0], $0xffff;
	[tilespmem:v28+s25+$0x0] =	vst.idx.msk $0xffff, v23  }
0x240: {  	v6 =	vmovc v24;
	v18 =	vmov s3;
	[tilespmem:v7+s25+$0x0] =	vst.idx.msk $0xffff, v21;
	v7 =	vor.u32 v0, v24;
	v21 =	vld [tilespmem:s12+$0x10];
	v25 =	vshll.u32 v27, $0x10  }
0x241: {  	s13 =	sadd.s32 $0x4, s13;
	v23 =	vor.u32 v3, v13;
	[tilespmem:v26+s25+$0x0] =	vst.idx.msk $0xffff, v29;
	v24 =	vmul.f32 v25, v12;
	v25 =	vand.u32 $0xFFFF0000, v27  }
0x242: {  	_ =	sdelay $0x3  }
0x243: {  	v13 =	vor.u32 v4, v13;
	v26 =	vld.idx.msk [tilespmem:v17+s16+$0x0], $0xffff;
	s13 =	sadd.s32 $0x80, s12  }
0x244: {  	v27 =	vor.u32 v3, v14;
	v12 =	vmul.f32 v25, v12;
	v14 =	vor.u32 v4, v14;
	v28 =	vld [tilespmem:s13+$0x20]  }
0x245: {  	v17 =	vshll.u32 v17, $0x6;
	v29 =	vld.idx.msk [tilespmem:v18+s16+$0x0], $0xffff;
	v25 =	vshll.u32 v22, $0x10;
	v22 =	vand.u32 $0xFFFF0000, v22  }
0x246: {  	v18 =	vshll.u32 v18, $0x6;
	[tilespmem:v19+s25+$0x0] =	vst.idx.msk $0xffff, v24;
	v19 =	vmul.f32 v25, v15;
	v15 =	vmul.f32 v22, v15;
	v22 =	vld [tilespmem:s13+$0xFFFFFFE0]  }
0x247: {  	v24 =	vor.u32 v0, v18;
	[tilespmem:v20+s25+$0x0] =	vst.idx.msk $0xffff, v12;
	v12 =	vor.u32 v0, v17;
	v20 =	vshll.u32 v21, $0x10  }
0x248: {  	v21 =	vand.u32 $0xFFFF0000, v21;
	[tilespmem:v23+s25+$0x0] =	vst.idx.msk $0xffff, v19;
	v19 =	vmul.f32 v20, v8;
	v20 =	vld [tilespmem:s13+$0x0];
	v23 =	vor.u32 v2, v18  }
0x249: {  	v25 =	vshll.u32 v16, $0x6;
	v8 =	vmul.f32 v21, v8;
	[tilespmem:v13+s25+$0x0] =	vst.idx.msk $0xffff, v15;
	v13 =	vld.idx.msk [tilespmem:v16+s16+$0x0], $0xffff;
	v15 =	vshll.u32 v28, $0x10  }
0x24a: {  	v21 =	vor.u32 v2, v17;
	v16 =	vld [tilespmem:s13+$0xFFFFFFC0];
	[tilespmem:v27+s25+$0x0] =	vst.idx.msk $0xffff, v19;
	v19 =	vand.u32 $0xFFFF0000, v28;
	v15 =	vmul.f32 v15, v29  }
0x24b: {  	v27 =	vor.u32 v0, v25;
	[tilespmem:v14+s25+$0x0] =	vst.idx.msk $0xffff, v8;
	v8 =	vshll.u32 v22, $0x10;
	v14 =	vmul.f32 v19, v29  }
0x24c: {  	v61 =	vor.u32 v2, v25;
	v19 =	vld [tilespmem:s12+$0xFFFFFFD0];
	v22 =	vand.u32 $0xFFFF0000, v22;
	v8 =	vmul.f32 v8, v26;
	[tilespmem:v24+s25+$0x0] =	vst.idx.msk $0xffff, v15  }
0x24d: {  	v22 =	vmul.f32 v22, v26;
	v15 =	vshll.u32 v20, $0x10;
	[tilespmem:v23+s25+$0x0] =	vst.idx.msk $0xffff, v14  }
0x24e: {  	v14 =	vand.u32 $0xFFFF0000, v20;
	v20 =	vor.u32 v2, v6;
	v15 =	vmul.f32 v15, v13;
	[tilespmem:v12+s25+$0x0] =	vst.idx.msk $0xffff, v8;
	v23 =	vld [tilespmem:s13+$0x30]  }
0x24f: {  	v8 =	vshll.u32 v16, $0x10;
	v12 =	vmul.f32 v14, v13;
	[tilespmem:v21+s25+$0x0] =	vst.idx.msk $0xffff, v22  }
0x250: {  	v14 =	vand.u32 $0xFFFF0000, v16;
	v8 =	vmul.f32 v8, v10;
	v16 =	vld [tilespmem:s13+$0xFFFFFFF0];
	[tilespmem:v27+s25+$0x0] =	vst.idx.msk $0xffff, v15  }
0x251: {  	v21 =	vor.u32 v3, v18;
	v15 =	vshll.u32 v19, $0x10;
	v14 =	vmul.f32 v14, v10;
	[tilespmem:v61+s25+$0x0] =	vst.idx.msk $0xffff, v12  }
0x252: {  	v18 =	vor.u32 v4, v18;
	v12 =	vand.u32 $0xFFFF0000, v19;
	v15 =	vmul.f32 v15, v5;
	[tilespmem:v7+s25+$0x0] =	vst.idx.msk $0xffff, v8;
	v7 =	vld [tilespmem:s13+$0x10]  }
0x253: {  	v5 =	vmul.f32 v12, v5;
	v12 =	vor.u32 v3, v17;
	[tilespmem:v20+s25+$0x0] =	vst.idx.msk $0xffff, v14;
	v8 =	vshll.u32 v23, $0x10  }
0x254: {  	[tilespmem:v9+s25+$0x0] =	vst.idx.msk $0xffff, v15;
	v15 =	vor.u32 v4, v17;
	v9 =	vand.u32 $0xFFFF0000, v23;
	v14 =	vld [tilespmem:s13+$0xFFFFFFD0];
	v8 =	vmul.f32 v8, v29  }
0x255: {  	[tilespmem:v11+s25+$0x0] =	vst.idx.msk $0xffff, v5;
	v5 =	vor.u32 v3, v25;
	v9 =	vmul.f32 v9, v29;
	v11 =	vshll.u32 v16, $0x10  }
0x256: {  	v17 =	vor.u32 v4, v25;
	v16 =	vand.u32 $0xFFFF0000, v16;
	[tilespmem:v21+s25+$0x0] =	vst.idx.msk $0xffff, v8;
	v8 =	vmul.f32 v11, v26  }
0x257: {  	v16 =	vmul.f32 v16, v26;
	v11 =	vor.u32 v3, v6;
	[tilespmem:v18+s25+$0x0] =	vst.idx.msk $0xffff, v9;
	v9 =	vshll.u32 v7, $0x10  }
0x258: {  	v6 =	vor.u32 v4, v6;
	v7 =	vand.u32 $0xFFFF0000, v7;
	[tilespmem:v12+s25+$0x0] =	vst.idx.msk $0xffff, v8;
	v8 =	vmul.f32 v9, v13  }
0x259: {  	v7 =	vmul.f32 v7, v13;
	v9 =	vshll.u32 v14, $0x10;
	[tilespmem:v15+s25+$0x0] =	vst.idx.msk $0xffff, v16  }
0x25a: {  	v12 =	vand.u32 $0xFFFF0000, v14;
	v9 =	vmul.f32 v9, v10;
	[tilespmem:v5+s25+$0x0] =	vst.idx.msk $0xffff, v8  }
0x25b: {  	v5 =	vmul.f32 v12, v10;
	[tilespmem:v17+s25+$0x0] =	vst.idx.msk $0xffff, v7  }
0x25c: {  	[tilespmem:v11+s25+$0x0] =	vst.idx.msk $0xffff, v9  }
0x25d: {  	[tilespmem:v6+s25+$0x0] =	vst.idx.msk $0xffff, v5  }
0x25e: {  	[spmem:s2] =	stream.indirect.scatter.add.f32 [tilespmem:s25], [sflag:$0x3], $0x40, s17, s29, $0xb8;
	[tilespmem:$0x13C00] =	vst v63  }
0x25f: {  	s3 =	simm.s32 $0x1;
	_ =	swait.ge [sflag:s4], $0x1000  }
0x260: {  	v5 =	vmov s3;
	[sflag:s4] =	ssyncset.done $0x0  }
0x261: {  	s12 =	simm.s32 $0x3;
	[sflag:s4] =	ssyncadd.s32 $0xFFFFF000  }
0x262: {  	v6 =	vmov s12;
	_ =	swait.ge [sflag:s8], $0x2000  }
0x263: {  	[sflag:s8] =	ssyncset.done $0x0  }
0x264: {  	[sflag:s8] =	ssyncadd.s32 $0xFFFFE000  }
0x265: {  	s13 =	simm.s32 $0x2;
	s12 =	simm.s32 $0x1C70;
	v15 =	vld.idx.msk [tilespmem:v5+s19+$0x0], $0xffff  }
0x266: {  	v8 =	vmov s13;
	v7 =	vld [tilespmem:s12+$0xFFFFFFF0]  }
0x267: {  	s13 =	simm.s32 $0x0;
	v12 =	vld.idx.msk [tilespmem:v6+s19+$0x0], $0xffff  }
0x268: {  	v9 =	vmov s13;
	v18 =	vshll.u32 v6, $0x6;
	v6 =	vld [tilespmem:s12+$0xFFFFFFB0]  }
0x269: {  	v14 =	vshll.u32 v8, $0x6;
	v11 =	vshll.u32 v9, $0x6;
	v16 =	vor.u32 v0, v18;
	v10 =	vld [tilespmem:s12+$0xFFFFFF90]  }
0x26a: {  	v24 =	vor.u32 v0, v14;
	v13 =	vshll.u32 v5, $0x6;
	v19 =	vor.u32 v2, v18;
	v17 =	vld [tilespmem:s12+$0xFFFFFFD0]  }
0x26b: {  	v25 =	vor.u32 v2, v14;
	v20 =	vor.u32 v0, v13;
	v8 =	vld.idx.msk [tilespmem:v8+s19+$0x0], $0xffff;
	v5 =	vshll.u32 v7, $0x10  }
0x26c: {  	v22 =	vor.u32 v2, v13;
	v7 =	vand.u32 $0xFFFF0000, v7;
	v23 =	vmul.f32 v5, v12  }
0x26d: {  	v21 =	vor.u32 v0, v11;
	v26 =	vshll.u32 v6, $0x10;
	v5 =	vld.idx.msk [tilespmem:v9+s19+$0x0], $0xffff;
	v7 =	vmul.f32 v7, v12  }
0x26e: {  	v6 =	vand.u32 $0xFFFF0000, v6;
	v9 =	vshll.u32 v10, $0x10;
	[tilespmem:v16+s25+$0x0] =	vst.idx.msk $0xffff, v23;
	v23 =	vmul.f32 v26, v15  }
0x26f: {  	s13 =	simm.s32 $0x4;
	v16 =	vshll.u32 v17, $0x10;
	v17 =	vand.u32 $0xFFFF0000, v17;
	[tilespmem:v19+s25+$0x0] =	vst.idx.msk $0xffff, v7;
	v19 =	vmul.f32 v6, v15  }
0x270: {  	v7 =	vmov s13;
	v6 =	vand.u32 $0xFFFF0000, v10;
	v10 =	vmul.f32 v16, v8;
	v27 =	vld [tilespmem:s12+$0x0];
	[tilespmem:v20+s25+$0x0] =	vst.idx.msk $0xffff, v23  }
0x271: {  	v26 =	vor.u32 v2, v11;
	v62 =	vmul.f32 v17, v8;
	s13 =	simm.s32 $0x5;
	[tilespmem:v22+s25+$0x0] =	vst.idx.msk $0xffff, v19  }
0x272: {  	v17 =	vmov s13;
	v20 =	vor.u32 v4, v18;
	v23 =	vmul.f32 v9, v5;
	[tilespmem:v24+s25+$0x0] =	vst.idx.msk $0xffff, v10  }
0x273: {  	s13 =	simm.s32 $0x6;
	v63 =	vmul.f32 v6, v5;
	v6 =	vshll.u32 v7, $0x6;
	v19 =	vor.u32 v3, v18;
	v22 =	vld [tilespmem:s12+$0xFFFFFFC0];
	[tilespmem:v25+s25+$0x0] =	vst.idx.msk $0xffff, v62  }
0x274: {  	v9 =	vor.u32 v3, v11;
	v16 =	vmov s13;
	s13 =	simm.s32 $0x7;
	v11 =	vor.u32 v4, v11;
	[tilespmem:v21+s25+$0x0] =	vst.idx.msk $0xffff, v23;
	v21 =	vld [tilespmem:s12+$0xFFFFFFE0]  }
0x275: {  	v18 =	vmov s13;
	v23 =	vor.u32 v3, v13;
	v10 =	vld.idx.msk [tilespmem:v7+s19+$0x0], $0xffff;
	v24 =	vshll.u32 v27, $0x10  }
0x276: {  	s13 =	simm.s32 $0x8;
	v7 =	vor.u32 v0, v6;
	[tilespmem:v26+s25+$0x0] =	vst.idx.msk $0xffff, v63;
	v25 =	vand.u32 $0xFFFF0000, v27;
	v24 =	vmul.f32 v24, v12  }
.LBB2_20:
0x277: {  	p0 =	slt.u32 s13, $0x7C;
	v26 =	vld [tilespmem:s12+$0xFFFFFFA0];
	v27 =	vor.u32 v4, v13;
	v28 =	vor.u32 v3, v14;
	v12 =	vmul.f32 v25, v12  }
0x278: {  	v30 =	vor.u32 v4, v14;
	s12 =	sadd.s32 $0x80, s12;
	v25 =	vld.idx.msk [tilespmem:v17+s19+$0x0], $0xffff;
	v29 =	vshll.u32 v22, $0x10;
	v22 =	vand.u32 $0xFFFF0000, v22;
	[tilespmem:v19+s25+$0x0] =	vst.idx.msk $0xffff, v24  }
0x279: {  	v13 =	vshll.u32 v17, $0x6;
	v17 =	vld [tilespmem:s12+$0xFFFFFFF0];
	v19 =	vmul.f32 v29, v15;
	v15 =	vmul.f32 v22, v15;
	[tilespmem:v20+s25+$0x0] =	vst.idx.msk $0xffff, v12  }
0x27a: {  	v20 =	vor.u32 v0, v13;
	v12 =	vld.idx.msk [tilespmem:v18+s19+$0x0], $0xffff;
	v22 =	vshll.u32 v21, $0x10;
	v21 =	vand.u32 $0xFFFF0000, v21  }
0x27b: {  	v14 =	vshll.u32 v16, $0x6;
	v24 =	vld [tilespmem:s12+$0xFFFFFF90];
	[tilespmem:v23+s25+$0x0] =	vst.idx.msk $0xffff, v19;
	v19 =	vmul.f32 v22, v8;
	v21 =	vmul.f32 v21, v8  }
0x27c: {  	v18 =	vshll.u32 v18, $0x6;
	v22 =	vld [tilespmem:s12+$0xFFFFFFB0];
	v8 =	vshll.u32 v26, $0x10;
	v23 =	vand.u32 $0xFFFF0000, v26;
	[tilespmem:v27+s25+$0x0] =	vst.idx.msk $0xffff, v15  }
0x27d: {  	v27 =	vor.u32 v0, v18;
	v26 =	vld [tilespmem:s12+$0xFFFFFFD0];
	v31 =	vmul.f32 v8, v5;
	v23 =	vmul.f32 v23, v5;
	v5 =	vmovc v10  }
0x27e: {  	v10 =	vor.u32 v2, v13;
	v8 =	vld.idx.msk [tilespmem:v16+s19+$0x0], $0xffff;
	v16 =	vor.u32 v2, v18;
	[tilespmem:v28+s25+$0x0] =	vst.idx.msk $0xffff, v19  }
0x27f: {  	v19 =	vor.u32 v0, v14;
	v28 =	vor.u32 v2, v14;
	v29 =	vshll.u32 v17, $0x10;
	[tilespmem:v30+s25+$0x0] =	vst.idx.msk $0xffff, v21  }
0x280: {  	v15 =	vmovc v25;
	v17 =	vand.u32 $0xFFFF0000, v17;
	v29 =	vmul.f32 v29, v12;
	v21 =	vshll.u32 v24, $0x10;
	[tilespmem:v9+s25+$0x0] =	vst.idx.msk $0xffff, v31  }
0x281: {  	v17 =	vmul.f32 v17, v12;
	v9 =	vand.u32 $0xFFFF0000, v24;
	v24 =	vshll.u32 v22, $0x10;
	[tilespmem:v11+s25+$0x0] =	vst.idx.msk $0xffff, v23  }
0x282: {  	v11 =	vand.u32 $0xFFFF0000, v22;
	v22 =	vshll.u32 v26, $0x10;
	v23 =	vand.u32 $0xFFFF0000, v26;
	[tilespmem:v27+s25+$0x0] =	vst.idx.msk $0xffff, v29  }
0x283: {  	v25 =	vmov s13;
	v24 =	vmul.f32 v24, v15;
	v11 =	vmul.f32 v11, v15;
	[tilespmem:v16+s25+$0x0] =	vst.idx.msk $0xffff, v17  }
0x284: {  	v26 =	vor.u32 v2, v6;
	v16 =	vmul.f32 v22, v8;
	v23 =	vmul.f32 v23, v8;
	v27 =	vld [tilespmem:s12+$0x0]  }
0x285: {  	v21 =	vmul.f32 v21, v5;
	v29 =	vmul.f32 v9, v5;
	[tilespmem:v20+s25+$0x0] =	vst.idx.msk $0xffff, v24  }
.Ltmp8:
0x286: {  	s3 =	sadd.s32 $0x1, s13;
	v24 =	vshll.u32 v25, $0x6;
	[tilespmem:v10+s25+$0x0] =	vst.idx.msk $0xffff, v11;
	(pc) =	sbr.rel @p0 .LBB2_20-.Ltmp8, $4  }
0x287: {  	v9 =	vor.u32 v3, v6;
	v17 =	vmov s3;
	s3 =	sadd.s32 $0x2, s13;
	v22 =	vld [tilespmem:s12+$0xFFFFFFC0];
	[tilespmem:v19+s25+$0x0] =	vst.idx.msk $0xffff, v16;
	v19 =	vor.u32 v3, v18  }
0x288: {  	v20 =	vor.u32 v4, v18;
	v11 =	vor.u32 v4, v6;
	v16 =	vmov s3;
	s3 =	sadd.s32 $0x3, s13;
	v10 =	vld.idx.msk [tilespmem:v25+s19+$0x0], $0xffff;
	[tilespmem:v28+s25+$0x0] =	vst.idx.msk $0xffff, v23  }
0x289: {  	v6 =	vmovc v24;
	v18 =	vmov s3;
	[tilespmem:v7+s25+$0x0] =	vst.idx.msk $0xffff, v21;
	v7 =	vor.u32 v0, v24;
	v21 =	vld [tilespmem:s12+$0xFFFFFFE0];
	v25 =	vshll.u32 v27, $0x10  }
0x28a: {  	s13 =	sadd.s32 $0x4, s13;
	v23 =	vor.u32 v3, v13;
	[tilespmem:v26+s25+$0x0] =	vst.idx.msk $0xffff, v29;
	v24 =	vmul.f32 v25, v12;
	v25 =	vand.u32 $0xFFFF0000, v27  }
0x28b: {  	_ =	sdelay $0x3  }
0x28c: {  	v26 =	vld.idx.msk [tilespmem:v17+s19+$0x0], $0xffff  }
0x28d: {  	s13 =	sadd.s32 $0x80, s12;
	v29 =	vld.idx.msk [tilespmem:v18+s19+$0x0], $0xffff  }
0x28e: {  	v13 =	vor.u32 v4, v13;
	v27 =	vor.u32 v3, v14;
	v12 =	vmul.f32 v25, v12;
	v28 =	vld [tilespmem:s13+$0xFFFFFFF0]  }
0x28f: {  	v51 =	vor.u32 v4, v14;
	v17 =	vshll.u32 v17, $0x6;
	v55 =	vshll.u32 v18, $0x6;
	v54 =	vld [tilespmem:s13+$0xFFFFFFB0]  }
0x290: {  	v63 =	vshll.u32 v16, $0x6;
	v49 =	vshll.u32 v22, $0x10;
	v50 =	vand.u32 $0xFFFF0000, v22;
	[tilespmem:v19+s25+$0x0] =	vst.idx.msk $0xffff, v24  }
0x291: {  	v56 =	vor.u32 v0, v17;
	v58 =	vor.u32 v0, v55;
	v52 =	vmul.f32 v49, v15  }
0x292: {  	v62 =	vor.u32 v2, v55;
	v53 =	vmul.f32 v50, v15;
	[tilespmem:v20+s25+$0x0] =	vst.idx.msk $0xffff, v12;
	v57 =	vshll.u32 v21, $0x10  }
0x293: {  	v61 =	vld [tilespmem:s13+$0xFFFFFFD0];
	v35 =	vor.u32 v2, v17;
	[tilespmem:v23+s25+$0x0] =	vst.idx.msk $0xffff, v52;
	v60 =	vmul.f32 v57, v8;
	v33 =	vshll.u32 v28, $0x10  }
0x294: {  	v32 =	vld.idx.msk [tilespmem:v16+s19+$0x0], $0xffff;
	v59 =	vand.u32 $0xFFFF0000, v21;
	[tilespmem:v13+s25+$0x0] =	vst.idx.msk $0xffff, v53;
	v38 =	vshll.u32 v54, $0x10;
	v15 =	vmul.f32 v33, v29  }
0x295: {  	v34 =	vld [tilespmem:s13+$0xFFFFFF90];
	v31 =	vmul.f32 v59, v8;
	[tilespmem:v27+s25+$0x0] =	vst.idx.msk $0xffff, v60;
	v36 =	vand.u32 $0xFFFF0000, v28;
	v8 =	vmul.f32 v38, v26  }
0x296: {  	v37 =	vor.u32 v0, v63;
	v22 =	vand.u32 $0xFFFF0000, v54;
	v39 =	vmul.f32 v36, v29;
	[tilespmem:v58+s25+$0x0] =	vst.idx.msk $0xffff, v15  }
0x297: {  	v40 =	vld [tilespmem:s12+$0xFFFFFFA0];
	v41 =	vor.u32 v2, v63;
	v22 =	vmul.f32 v22, v26;
	[tilespmem:v56+s25+$0x0] =	vst.idx.msk $0xffff, v8  }
0x298: {  	v42 =	vshll.u32 v61, $0x10;
	[tilespmem:v62+s25+$0x0] =	vst.idx.msk $0xffff, v39  }
0x299: {  	v44 =	vor.u32 v2, v6;
	v43 =	vand.u32 $0xFFFF0000, v61;
	v15 =	vmul.f32 v42, v32;
	[tilespmem:v35+s25+$0x0] =	vst.idx.msk $0xffff, v22;
	v23 =	vld [tilespmem:s13+$0x0]  }
0x29a: {  	v45 =	vshll.u32 v34, $0x10;
	[tilespmem:v51+s25+$0x0] =	vst.idx.msk $0xffff, v31;
	v46 =	vmul.f32 v43, v32;
	v48 =	vld [tilespmem:s13+$0xFFFFFFC0]  }
0x29b: {  	v47 =	vand.u32 $0xFFFF0000, v34;
	v8 =	vmul.f32 v45, v10;
	[tilespmem:v37+s25+$0x0] =	vst.idx.msk $0xffff, v15  }
0x29c: {  	v50 =	vor.u32 v3, v55;
	v49 =	vshll.u32 v40, $0x10;
	v14 =	vmul.f32 v47, v10;
	[tilespmem:v41+s25+$0x0] =	vst.idx.msk $0xffff, v46  }
0x29d: {  	v53 =	vor.u32 v3, v17;
	v51 =	vand.u32 $0xFFFF0000, v40;
	v15 =	vmul.f32 v49, v5;
	[tilespmem:v7+s25+$0x0] =	vst.idx.msk $0xffff, v8;
	v7 =	vld [tilespmem:s13+$0xFFFFFFE0]  }
0x29e: {  	v18 =	vor.u32 v4, v55;
	v5 =	vmul.f32 v51, v5;
	[tilespmem:v44+s25+$0x0] =	vst.idx.msk $0xffff, v14;
	v52 =	vshll.u32 v23, $0x10  }
0x29f: {  	v55 =	vor.u32 v4, v17;
	[tilespmem:v9+s25+$0x0] =	vst.idx.msk $0xffff, v15;
	v14 =	vld [tilespmem:s13+$0xFFFFFFA0];
	v56 =	vshll.u32 v48, $0x10;
	v8 =	vmul.f32 v52, v29  }
0x2a0: {  	[tilespmem:v11+s25+$0x0] =	vst.idx.msk $0xffff, v5;
	v5 =	vor.u32 v3, v63;
	v54 =	vand.u32 $0xFFFF0000, v23;
	v58 =	vmul.f32 v56, v26  }
0x2a1: {  	v57 =	vor.u32 v4, v63;
	v16 =	vand.u32 $0xFFFF0000, v48;
	v9 =	vmul.f32 v54, v29;
	[tilespmem:v50+s25+$0x0] =	vst.idx.msk $0xffff, v8  }
0x2a2: {  	v59 =	vor.u32 v3, v6;
	v16 =	vmul.f32 v16, v26;
	v60 =	vshll.u32 v7, $0x10;
	[tilespmem:v53+s25+$0x0] =	vst.idx.msk $0xffff, v58  }
0x2a3: {  	v6 =	vor.u32 v4, v6;
	v7 =	vand.u32 $0xFFFF0000, v7;
	v61 =	vmul.f32 v60, v32;
	[tilespmem:v18+s25+$0x0] =	vst.idx.msk $0xffff, v9  }
0x2a4: {  	v62 =	vshll.u32 v14, $0x10;
	v7 =	vmul.f32 v7, v32;
	[tilespmem:v55+s25+$0x0] =	vst.idx.msk $0xffff, v16  }
0x2a5: {  	v63 =	vand.u32 $0xFFFF0000, v14;
	v9 =	vmul.f32 v62, v10;
	[tilespmem:v5+s25+$0x0] =	vst.idx.msk $0xffff, v61  }
0x2a6: {  	s10 =	sadd.s32 $0x1, s10;
	v5 =	vmul.f32 v63, v10;
	[tilespmem:v57+s25+$0x0] =	vst.idx.msk $0xffff, v7  }
0x2a7: {  	p0 =	sne.s32 s10, $0x14;
	[tilespmem:v59+s25+$0x0] =	vst.idx.msk $0xffff, v9  }
.Ltmp9:
0x2a8: {  	[tilespmem:v6+s25+$0x0] =	vst.idx.msk $0xffff, v5;
	(pc) =	sbr.rel @p0 .LBB2_5-.Ltmp9, $4  }
0x2a9: {  	[spmem:s2] =	stream.indirect.scatter.add.f32 [tilespmem:s25], [sflag:$0x3], $0x40, s20, s29, $0xb8;
	[tilespmem:$0x13C00] =	vst v63  }
0x2aa: {  	_ =	swait.ge [sflag:s8], $0x2000  }
0x2ab: {  	[sflag:s8] =	ssyncset.done $0x0  }
0x2ac: {  	[sflag:s8] =	ssyncadd.s32 $0xFFFFE000  }
0x2ad: {  	[bflag:$0x0] =	sbarrier.arrive $0xFFFF  }
0x2ae: {  	s23 =	rddreg [dreg:$0x7]  }
0x2af: {  	s13 =	rddreg [dreg:$0x15]  }
0x2b0: {  	[tilespmem:s25], [sflag:$0x4] =	stream.linear.gather [spmem:s23], $0x2000, $0x38;
	[tilespmem:$0x13C00] =	vst v63  }
0x2b1: {  	s3 =	smul.u32 $0x14000, s13;
	_ =	swait.ge [sflag:s24], $0x2000  }
0x2b2: {  	s10 =	rddreg [dreg:$0xc]  }
0x2b3: {  	[sflag:s24] =	ssyncset.done $0x0;
	s12 =	rddreg [dreg:$0xd];
	s3 =	sadd.s32 s3, s10  }
0x2b4: {  	[sflag:s24] =	ssyncadd.s32 $0xFFFFE000;
	s10 =	sadd.s32 s12, s3;
	s12 =	simm.s32 $0x0  }
0x2b5: {  	[hbm4b:s10+s12] =	stream.linear.scatter [tilespmem:s25], [sflag:$0x4], $0x2000, $0x38;
	[tilespmem:$0x13C00] =	vst v63  }
0x2b6: {  	_ =	swait.ge [sflag:s24], $0x2000  }
0x2b7: {  	[sflag:s24] =	ssyncset.done $0x0  }
0x2b8: {  	s10 =	rddreg [dreg:$0x8];
	[sflag:s24] =	ssyncadd.s32 $0xFFFFE000  }
0x2b9: {  	[tilespmem:s25], [sflag:$0x4] =	stream.linear.gather [spmem:s10], $0x2000, $0x38;
	[tilespmem:$0x13C00] =	vst v63  }
0x2ba: {  	_ =	swait.ge [sflag:s24], $0x2000  }
0x2bb: {  	[sflag:s24] =	ssyncset.done $0x0;
	s10 =	rddreg [dreg:$0xe]  }
0x2bc: {  	[sflag:s24] =	ssyncadd.s32 $0xFFFFE000;
	s10 =	sadd.s32 s10, s3  }
0x2bd: {  	[hbm4b:s10+s12] =	stream.linear.scatter [tilespmem:s25], [sflag:$0x4], $0x2000, $0x38;
	[tilespmem:$0x13C00] =	vst v63  }
0x2be: {  	_ =	swait.ge [sflag:s24], $0x2000  }
0x2bf: {  	[sflag:s24] =	ssyncset.done $0x0  }
0x2c0: {  	s10 =	rddreg [dreg:$0x9];
	[sflag:s24] =	ssyncadd.s32 $0xFFFFE000  }
0x2c1: {  	[tilespmem:s25], [sflag:$0x4] =	stream.linear.gather [spmem:s10], $0x2000, $0x38;
	[tilespmem:$0x13C00] =	vst v63  }
0x2c2: {  	_ =	swait.ge [sflag:s24], $0x2000  }
0x2c3: {  	[sflag:s24] =	ssyncset.done $0x0;
	s10 =	rddreg [dreg:$0xf]  }
0x2c4: {  	[sflag:s24] =	ssyncadd.s32 $0xFFFFE000;
	s10 =	sadd.s32 s10, s3  }
0x2c5: {  	[hbm4b:s10+s12] =	stream.linear.scatter [tilespmem:s25], [sflag:$0x4], $0x2000, $0x38;
	[tilespmem:$0x13C00] =	vst v63  }
0x2c6: {  	_ =	swait.ge [sflag:s24], $0x2000  }
0x2c7: {  	[sflag:s24] =	ssyncset.done $0x0  }
0x2c8: {  	s10 =	rddreg [dreg:$0xa];
	[sflag:s24] =	ssyncadd.s32 $0xFFFFE000  }
0x2c9: {  	[tilespmem:s25], [sflag:$0x4] =	stream.linear.gather [spmem:s10], $0x2000, $0x38;
	[tilespmem:$0x13C00] =	vst v63  }
0x2ca: {  	_ =	swait.ge [sflag:s24], $0x2000  }
0x2cb: {  	[sflag:s24] =	ssyncset.done $0x0;
	s10 =	rddreg [dreg:$0x10]  }
0x2cc: {  	[sflag:s24] =	ssyncadd.s32 $0xFFFFE000;
	s10 =	sadd.s32 s10, s3  }
0x2cd: {  	[hbm4b:s10+s12] =	stream.linear.scatter [tilespmem:s25], [sflag:$0x4], $0x2000, $0x38;
	[tilespmem:$0x13C00] =	vst v63  }
0x2ce: {  	_ =	swait.ge [sflag:s24], $0x2000  }
0x2cf: {  	[sflag:s24] =	ssyncset.done $0x0  }
0x2d0: {  	s10 =	rddreg [dreg:$0xb];
	[sflag:s24] =	ssyncadd.s32 $0xFFFFE000  }
0x2d1: {  	[tilespmem:s25], [sflag:$0x4] =	stream.linear.gather [spmem:s10], $0x2000, $0x38;
	[tilespmem:$0x13C00] =	vst v63  }
0x2d2: {  	_ =	swait.ge [sflag:s24], $0x2000  }
0x2d3: {  	s13 =	sadd.s32 $0x1, s13;
	[sflag:s24] =	ssyncset.done $0x0;
	s10 =	rddreg [dreg:$0x11]  }
0x2d4: {  	p0 =	sne.s32 s13, $0x8;
	[sflag:s24] =	ssyncadd.s32 $0xFFFFE000;
	s3 =	sadd.s32 s10, s3  }
0x2d5: {  	[hbm4b:s3+s12] =	stream.linear.scatter [tilespmem:s25], [sflag:$0x4], $0x2000, $0x38;
	[tilespmem:$0x13C00] =	vst v63  }
.Ltmp10:
0x2d6: {  	_ =	swait.ge [sflag:s24], $0x2000;
	(pc) =	sbr.rel @p0 .LBB2_2-.Ltmp10, $3  }
0x2d7: {  	[sflag:s24] =	ssyncset.done $0x0  }
0x2d8: {  	[sflag:s24] =	ssyncadd.s32 $0xFFFFE000  }
0x2d9: {  	[bflag:$0x0] =	sbarrier.arrive $0xFFFF;
	_ =	sdelay $0x1  }
0x2da: {  	s10 =	rddreg [dreg:$0x14]  }
0x2db: {  	s3 =	rddreg [dreg:$0x12];
	s10 =	sadd.s32 $0x1, s10  }
0x2dc: {  	p0 =	sne.s32 s10, s3  }
.Ltmp11:
0x2dd: {  	_ = 	snop;
	(pc) =	sbr.rel @p0 .LBB2_1-.Ltmp11, $1  }
0x2de: {  	_ =	sdelay $0x3  }
0x2df: {  	_ =	sfence.sel $0x180000  }
0x2e0: {  	[bflag:$0x0] =	sbarrier.arrive $0xFFFF  }
0x2e1: {  	_ =	strace $0x9000004D  }
0x2e2: {  	s0 =	stileid.u32;
	[bflag:$0x2] =	sbarrier.arrive $0xFFFF  }
0x2e3: {  	p0 =	sne.s32 s0, $0x0;
	s0 =	rddreg [dreg:$0x4]  }
0x2e4: {  	s0 =	sadd.s32 @!p0 $0x100000, s0  }
0x2e5: {  	[sflag:s0] =	ssyncadd.tile.s32 @!p0 $0x1;
	_ =	shalt  }
.Lfunc_end2:
_tile_overlayer_lowered:
.L_overlay_start_2:
0x2e6: {  	(tag) =	ssettag $0x2  }
0x2e7: {  	s0 =	rddreg [dreg:$0x0];
	s2 =	stileid.u32  }
0x2e8: {  	s1 =	rddreg [dreg:$0x1];
	p0 =	sne.s32 s2, $0x0  }
0x2e9: {  	s3 =	rddreg [dreg:$0x2];
	[bflag:$0x3] =	sbarrier.arrive $0xFFFF;
	s2 =	simm.s32 @!p0 $0x1C04  }
0x2ea: {  	[timem:s3], [sflag:s2] =	dma.local @!p0 [hbm:s0], s1  }
0x2eb: {  	s0 =	simm.s32 @!p0 $0x4  }
0x2ec: {  	_ =	swait.ge @!p0 [sflag:s0], s1  }
0x2ed: {  	s1 =	ssub.s32 @!p0 $0x0, s1;
	[sflag:s0] =	ssyncset.done @!p0 $0x0  }
0x2ee: {  	[sflag:s0] =	ssyncadd.s32 @!p0 s1  }
0x2ef: {  	[bflag:$0x3] =	sbarrier.arrive $0xFFFF  }
0x2f0: {  	_ =	shalt  }

// kernel: sparse-core-data-format-call.cloned.1.call-start
scs
called_computation_lowered:
.L_overlay_start_0:
0x0: {  	s2 =	sld [smem:$0x3FD9]  }
0x1: {  	s3 =	sld [smem:$0x3FFE];
	_ =	sdelay $0x1  }
0x2: {  	s1 =	srdreg.scid  }
0x3: {  	s0 =	sand.u32 $0x1, s1  }
0x4: {  	s18 =	sshll.u32 s0, $0xA;
	s2 =	sadd.s32 s3, s2  }
0x5: {  	s2 =	sadd.s32 s2, s18  }
0x6: {  	[smem:$0x3FC3] =	sst s2  }
0x7: {  	_ = 	snop  }
0x8: {  	s2 =	sld [smem:$0x3FD0];
	(tm) =	ssettm $0x1  }
0x9: {  	s19 =	sld [smem:$0x3FFB];
	_ =	sdelay $0x3  }
0xa: {  	_ =	strace s19  }
0xb: {  	s3 =	sld [smem:$0x3FFC];
	_ =	sdelay $0x3  }
0xc: {  	_ =	strace s3  }
0xd: {  	s3 =	sld [smem:$0x3FFD];
	_ =	sdelay $0x3  }
0xe: {  	_ =	strace s3  }
0xf: {  	_ =	strace $0x8FFFFFFF  }
0x10: {  	s20 =	sld [smem:$0x3FDB];
	_ =	sdelay $0x1  }
0x11: {  	s4 =	simm.s32 $_scs_section_size  }
0x12: {  	s5 =	simm.s32 $_size__tile_overlayer_lowered;
	s6 =	simm.s32 $_tile_overlayer_lowered  }
0x13: {  	s23 =	simm.s32 $0x1BFF;
	s22 =	sshll.u32 s6, $0x1;
	s3 =	sadd.s32 s4, s20  }
0x14: {  	s7 =	simm.s32 $0x0;
	s21 =	sshll.u32 s5, $0x1;
	s5 =	sadd.s32 s22, s3  }
0x15: {  	[timem:s7], [sflag:s23] =	dma.local [hbm:s5], s21  }
0x16: {  	_ =	swait.ge [sflag:s23], s21  }
0x17: {  	s4 =	ssub.s32 $0x0, s21;
	[sflag:s23] =	ssyncset.done $0x0  }
0x18: {  	[sflag:s23] =	ssyncadd.s32 s4;
	_ =	sdelay $0x1  }
0x19: {  	s24 =	simm.s32 $0x1B8B  }
0x1a: {  	_ =	swait.ge [sflag:s24], $0x1  }
0x1b: {  	[sflag:s24] =	ssyncset.done $0x0  }
0x1c: {  	s26 =	simm.s32 $0x1B8E;
	s25 =	sld [smem:$0x3FFE];
	[sflag:s24] =	ssyncadd.s32 $0xFFFFFFFF  }
0x1d: {  	s27 =	simm.s32 $execute0_lowered;
	[smem:$0x3FD2] =	sst s26  }
0x1e: {  	s5 =	sshll.u32 s27, $0x1;
	_ =	strace $0x80000049;
	[dreg:$0x1] =	wrdreg $0xFFFFFFFF  }
0x1f: {  	s28 =	simm.s32 $_size_execute0_lowered;
	s3 =	sadd.s32 s3, s5;
	[dreg:$0x0] =	wrdreg $0x0  }
0x20: {  	s5 =	sshll.u32 s28, $0x1;
	[dreg:$0x2] =	wrdreg s3  }
0x21: {  	[dreg:$0x3] =	wrdreg s5  }
0x22: {  	[dreg:$0x4] =	wrdreg $0xC0  }
0x23: {  	_ =	task [dreg:s7], $0x5FFFF  }
0x24: {  	[dreg:$0x1] =	wrdreg $0xFFFFFFFF  }
0x25: {  	[dreg:$0x0] =	wrdreg $0x60  }
0x26: {  	[dreg:$0x2] =	wrdreg s2  }
0x27: {  	[dreg:$0x3] =	wrdreg s25  }
0x28: {  	[dreg:$0x4] =	wrdreg $0x9  }
0x29: {  	_ =	task.clear_ibuf [dreg:s7], $0x5FFFF;
	_ =	strace $0x90000049  }
0x2a: {  	s29 =	simm.s32 $0x9;
	_ =	strace $0x8000004B  }
0x2b: {  	_ =	swait.ge [sflag:s29], $0x1  }
0x2c: {  	[sflag:s29] =	ssyncadd.s32 $0xFFFFFFFF  }
0x2d: {  	_ =	strace $0x9000004B  }
0x2e: {  	_ =	sfence  }
0x2f: {  	s30 =	sld [smem:$0x0];
	_ =	sdelay $0x2  }
0x30: {  	s31 =	sshll.u32 s1, $0xD;
	s1 =	sshrl.u32 s1, $0x2  }
0x31: {  	s3 =	sand.u32 $0x4000, s31;
	s1 =	sadd.s32 s1, s30  }
0x32: {  	s0 =	sor.u32 s3, s0;
	s1 =	sshll.u32 s1, $0x11  }
0x33: {  	s0 =	sor.u32 s1, s0  }
0x34: {  	s0 =	sadd.s32 $0x8F2B, s0  }
0x35: {  	[sflag:s0] =	ssyncadd.remote.s32 $0x1  }
0x36: {  	_ =	sfence.sel $0xFFFF  }
0x37: {  	[dreg:$0x0] =	wrdreg $0xFFFFFFFF;
	(pc) =	sbr.abs _section_cstart, $3  }
0x38: {  	[dreg:$0x1] =	wrdreg $0xFFFFFFFF  }
0x39: {  	_ =	task.clear_ibuf [dreg:s7], $0x2FFFF;
	_ =	strace $0x9FFFFFFF  }
0x3a: {  	(tm) =	ssettm $0x7FFFFFFF  }
0x3b: {  	_ =	shalt  }
tec
execute0_lowered:
.L_overlay_start_1:
0x0: {  	(tag) =	ssettag $0x1  }
0x1: {  	s2 =	rddreg [dreg:$0x0]  }
0x2: {  	s3 =	rddreg [dreg:$0x1];
	s1 =	stileid.u32  }
0x3: {  	s4 =	srdreg.scid;
	s0 =	rddreg [dreg:$0x2];
	_ =	strace $0x8000004A  }
0x4: {  	s7 =	simm.s32 $0x2;
	s13 =	simm.s32 $0x0;
	p0 =	por $0x0, $0x0  }
0x5: {  	s9 =	simm.s32 $0x13C00;
	s5 =	sshll.u32 s1, $0x4;
	s4 =	sshll.u32 s4, $0x8  }
.Ltmp0:
0x6: {  	s14 =	simm.s32 $0x0;
	s4 =	sor.u32 s5, s4;
	(pc) =	sbr.rel .LBB1_1-.Ltmp0, $4  }
0x7: {  	s12 =	simm.s32 $0x0;
	s5 =	simm.s32 $0x1;
	s4 =	sand.u32 $0x180, s4  }
0x8: {  	s3 =	sadd.s32 $0x17EC00, s3;
	[sflag:s5] =	ssyncpa.u1 $0x0;
	s8 =	ssub.s32 $0x2700, s4  }
0x9: {  	s6 =	sand.u32 $0x7, s1;
	[sflag:s7] =	ssyncpa.u1 $0x0;
	s7 =	sshrl.u32 s8, $0x9  }
0xa: {  	s11 =	smov.u32 s6;
	s10 =	smov.u32 s4;
	s8 =	sadd.s32 $0x2, s7  }
.LBB1_5:
0xb: {  	s15 =	sadd.s32 $0x200, s10  }
0xc: {  	s13 =	sadd.s32 $0x8, s11;
	s17 =	smov.u32 s11;
	p2 =	sgt.s32 s15, $0x270F  }
0xd: {  	s17 =	smov.u32 @p2 s13  }
0xe: {  	s15 =	smov.u32 @p2 s4;
	p2 =	sgt.s32 s17, $0x7  }
0xf: {  	s17 =	smov.u32 @p2 s6;
	p2 =	sne.s32 s12, s8  }
.Ltmp1:
0x10: {  	p1 =	slt.u32 s12, $0x2;
	(pc) =	sbr.rel @!p2 .LBB1_6-.Ltmp1, $4  }
0x11: {  	s16 =	simm.s32 @!p1 $0x2  }
0x12: {  	s14 =	smov.u32 s11;
	p0 =	por !p0, !p0;
	_ =	swait.ge @!p1 [sflag:s16], $0x4000  }
0x13: {  	s13 =	smov.u32 s10;
	[sflag:s16] =	ssyncset.done @!p1 $0x0;
	s10 =	smov.u32 s15  }
0x14: {  	s12 =	sadd.s32 $0x1, s12;
	[sflag:s16] =	ssyncadd.s32 @!p1 $0xFFFFC000;
	s11 =	smov.u32 s17  }
.LBB1_1:
0x15: {  	p1 =	sgt.u32 s12, s7;
	s16 =	smov.u32 s11  }
0x16: {  	s19 =	smov.u32 s10;
	p2 =	sgt.s32 @!p1 s11, $0x7;
	s15 =	sand.u32 @!p1 $0x1FFFFFF, s10  }
0x17: {  	s18 =	sshra.s32 @!p1 s11, $0x1F;
	s20 =	sshra.s32 @!p1 s10, $0x1F;
	p2 =	por !p2, p1  }
0x18: {  	s17 =	smulhi.u32 @!p1 $0x1A36E2F, s15;
	s16 =	simm.s32 @p2 $0x7;
	p2 =	sgt.s32 @!p1 s10, $0x2690  }
0x19: {  	s18 =	sand.u32 @!p1 s18, s11;
	s20 =	sand.u32 @!p1 s20, s10;
	p2 =	por !p2, p1  }
0x1a: {  	s16 =	ssub.s32 @!p1 s16, s18;
	s17 =	sshrl.u32 @!p1 s17, $0x6;
	s19 =	simm.s32 @p2 $0x2690  }
0x1b: {  	s16 =	sadd.s32 @!p1 $0xFFFFFFF9, s16;
	s17 =	smul.u32 @!p1 $0x2710, s17;
	s18 =	ssub.s32 @!p1 s19, s20  }
0x1c: {  	p2 =	sgt.s32 @!p1 s16, $0x0;
	s16 =	sshll.u32 @!p1 s16, $0x7;
	s19 =	sadd.s32 @!p1 $0xFFFFD970, s18  }
0x1d: {  	s20 =	smul.u32 @!p1 $0x27100, s11;
	s18 =	ssub.s32 @!p1 $0x2710, s18;
	p3 =	sgt.s32 @!p1 s19, $0x7F  }
0x1e: {  	s16 =	ssub.s32 @!p1 $0x80, s16;
	p2 =	por !p2, p1;
	p3 =	por !p3, p1  }
0x1f: {  	s19 =	sxor.u32 @!p1 $0xFFFFFFFF, s12;
	s16 =	simm.s32 @!p2 $0x0;
	s18 =	simm.s32 @!p3 $0x0  }
0x20: {  	s15 =	ssub.s32 @!p1 s15, s17;
	s17 =	sshll.u32 @!p1 s19, $0xE;
	s16 =	smul.u32 @!p1 s18, s16  }
0x21: {  	s15 =	sshll.u32 @!p1 s15, $0x4;
	s17 =	sand.u32 @!p1 $0x4000, s17;
	s18 =	sadd.s32 @!p1 s2, s20  }
0x22: {  	s15 =	sadd.s32 @!p1 s15, s18;
	s18 =	simm.s32 @!p1 $0x0;
	s16 =	sand.u32 @!p1 $0x3FFFFF80, s16  }
0x23: {  	[tilespmem:s17], [sflag:$0x1] =	stream.linear.gather @!p1 [hbm4b:s15+s18], s16, $0x38;
	[tilespmem:$0x10100] =	vst v63  }
0x24: {  	p1 =	seq.s32 s12, $0x0  }
0x25: {  	p2 =	sge.u32 @!p1 s12, s8  }
0x26: {  	p1 =	por p1, p2  }
.Ltmp2:
0x27: {  	_ = 	snop;
	(pc) =	sbr.rel @p1 .LBB1_5-.Ltmp2, $1  }
0x28: {  	_ =	sdelay $0x3  }
0x29: {  	p1 =	sgt.s32 s14, $0x7;
	s15 =	smov.u32 s14  }
0x2a: {  	s16 =	sshra.s32 s14, $0x1F;
	s17 =	smov.u32 s13;
	s18 =	sshra.s32 s13, $0x1F  }
0x2b: {  	s15 =	simm.s32 @!p1 $0x7;
	s16 =	sand.u32 s16, s14;
	p1 =	sgt.s32 s13, $0x2690  }
0x2c: {  	s27 =	sand.u32 s18, s13;
	s15 =	ssub.s32 s15, s16;
	s17 =	simm.s32 @!p1 $0x2690  }
0x2d: {  	s15 =	sadd.s32 $0xFFFFFFF9, s15;
	s16 =	ssub.s32 s17, s27  }
0x2e: {  	p1 =	sgt.s32 s15, $0x0;
	s17 =	sadd.s32 $0xFFFFD970, s16;
	s15 =	sshll.u32 s15, $0x7  }
0x2f: {  	s16 =	ssub.s32 $0x2710, s16;
	p2 =	sgt.s32 s17, $0x7F;
	s15 =	ssub.s32 $0x80, s15  }
0x30: {  	s16 =	simm.s32 @p2 $0x0;
	s15 =	simm.s32 @p1 $0x0  }
0x31: {  	s15 =	smul.u32 s16, s15;
	_ =	sdelay $0x1  }
0x32: {  	s16 =	simm.s32 $0x1;
	s15 =	sand.u32 $0x3FFFFF80, s15  }
0x33: {  	s16 =	simm.s32 @!p0 $0x0;
	_ =	swait.ge [sflag:s5], s15  }
0x34: {  	s28 =	sshll.u32 s16, $0xE;
	s15 =	ssub.s32 $0x0, s15;
	[sflag:s5] =	ssyncset.done $0x0  }
0x35: {  	s29 =	sor.u32 $0x40, s28;
	[sflag:s5] =	ssyncadd.s32 s15  }
0x36: {  	s30 =	smul.u32 $0x10200, s16;
	v0 =	vld [tilespmem:s29+$0x30]  }
0x37: {  	v1 =	vld [tilespmem:s29+$0xFFFFFFD0]  }
0x38: {  	s15 =	sshrl.u32 s30, $0x2;
	v5 =	vld [tilespmem:s29+$0xFFFFFFE0]  }
0x39: {  	s16 =	sor.u32 $0x8000, s15;
	v6 =	vld [tilespmem:s29+$0xFFFFFFF0]  }
0x3a: {  	s31 =	sand.u32 $0x1, s12;
	v4 =	vld [tilespmem:s29+$0x0];
	s17 =	sadd.s32 $0x0, s16  }
0x3b: {  	s15 =	smul.u32 $0x10200, s31;
	v3 =	vld [tilespmem:s29+$0x10];
	[tilespmem:s17+$0x3870 ss:$0x81] =	vst.msk $0xffff, v0  }
0x3c: {  	v2 =	vld [tilespmem:s29+$0x20];
	[tilespmem:s17+$0x810 ss:$0x81] =	vst.msk $0xffff, v1  }
0x3d: {  	s18 =	sadd.s32 $0x80, s29;
	s15 =	sshrl.u32 s15, $0x2;
	v0 =	vld [tilespmem:s29+$0xFFFFFFC0];
	[tilespmem:s17+$0x1020 ss:$0x81] =	vst.msk $0xffff, v5  }
0x3e: {  	s19 =	simm.s32 $0x4;
	s20 =	simm.s32 $0x8;
	s15 =	sor.u32 $0x8000, s15;
	v1 =	vld [tilespmem:s18+$0x30];
	[tilespmem:s17+$0x1830 ss:$0x81] =	vst.msk $0xffff, v6  }
.LBB1_3:
0x3f: {  	p1 =	sne.s32 s20, $0x1FC;
	v5 =	vld [tilespmem:s18+$0xFFFFFFD0];
	[tilespmem:s17+$0x2040 ss:$0x81] =	vst.msk $0xffff, v4  }
0x40: {  	v6 =	vld [tilespmem:s18+$0xFFFFFFE0];
	[tilespmem:s17+$0x2850 ss:$0x81] =	vst.msk $0xffff, v3  }
0x41: {  	s21 =	sshra.s32 s19, $0x2;
	s19 =	smov.u32 s20;
	v7 =	vld [tilespmem:s18+$0xFFFFFFF0];
	[tilespmem:s17+$0x3060 ss:$0x81] =	vst.msk $0xffff, v2  }
.Ltmp3:
0x42: {  	v4 =	vld [tilespmem:s18+$0x0];
	[tilespmem:s17+$0x0 ss:$0x81] =	vst.msk $0xffff, v0;
	s17 =	sadd.s32 s21, s16;
	(pc) =	sbr.rel @p1 .LBB1_3-.Ltmp3, $4  }
0x43: {  	v3 =	vld [tilespmem:s18+$0x10];
	[tilespmem:s17+$0x3870 ss:$0x81] =	vst.msk $0xffff, v1  }
0x44: {  	[tilespmem:s17+$0x810 ss:$0x81] =	vst.msk $0xffff, v5;
	v2 =	vld [tilespmem:s18+$0x20]  }
0x45: {  	v0 =	vld [tilespmem:s18+$0xFFFFFFC0];
	[tilespmem:s17+$0x1020 ss:$0x81] =	vst.msk $0xffff, v6;
	s18 =	sadd.s32 $0x80, s18  }
0x46: {  	s20 =	sadd.s32 $0x4, s20;
	v1 =	vld [tilespmem:s18+$0x30];
	[tilespmem:s17+$0x1830 ss:$0x81] =	vst.msk $0xffff, v7  }
0x47: {  	s20 =	sshrl.u32 s14, $0x3  }
0x48: {  	s21 =	sshll.u32 s13, $0x3;
	s20 =	smul.u32 $0x13C00, s20  }
0x49: {  	s29 =	sshll.u32 s14, $0x7;
	s21 =	sand.u32 $0xFFFFFC00, s21  }
0x4a: {  	v5 =	vld [tilespmem:s18+$0xFFFFFFD0];
	[tilespmem:s17+$0x2040 ss:$0x81] =	vst.msk $0xffff, v4;
	s14 =	sand.u32 $0x380, s29;
	s20 =	sadd.s32 s20, s21  }
0x4b: {  	v58 =	vld [tilespmem:s18+$0xFFFFFFE0];
	s30 =	sand.u32 $0x7F, s13;
	[tilespmem:s17+$0x2850 ss:$0x81] =	vst.msk $0xffff, v3;
	s14 =	sor.u32 s14, s20  }
0x4c: {  	s19 =	sshra.s32 s19, $0x2;
	v59 =	vld [tilespmem:s18+$0xFFFFFFF0];
	[tilespmem:s17+$0x3060 ss:$0x81] =	vst.msk $0xffff, v2;
	s13 =	sor.u32 s30, s14  }
0x4d: {  	v60 =	vld [tilespmem:s18+$0x0];
	s16 =	sadd.s32 s19, s16;
	[tilespmem:s17+$0x0 ss:$0x81] =	vst.msk $0xffff, v0;
	s31 =	smulhi.u32 $0xCF6474A9, s13  }
0x4e: {  	v61 =	vld [tilespmem:s18+$0x10];
	[tilespmem:s16+$0x3870 ss:$0x81] =	vst.msk $0xffff, v1  }
0x4f: {  	v62 =	vld [tilespmem:s18+$0x20];
	[tilespmem:s16+$0x810 ss:$0x81] =	vst.msk $0xffff, v5;
	s14 =	smulhi.u32 $0xCF6474A9, s14;
	s17 =	sshrl.u32 s31, $0xD  }
0x50: {  	v63 =	vld [tilespmem:s18+$0xFFFFFFC0];
	[tilespmem:s16+$0x1020 ss:$0x81] =	vst.msk $0xffff, v58;
	s17 =	smul.u32 $0x2780, s17  }
0x51: {  	[tilespmem:s16+$0x1830 ss:$0x81] =	vst.msk $0xffff, v59;
	s14 =	sshrl.u32 s14, $0xD  }
.Ltmp4:
0x52: {  	[tilespmem:s16+$0x2040 ss:$0x81] =	vst.msk $0xffff, v60;
	s14 =	sand.u32 $0x7, s14;
	s13 =	ssub.s32 s13, s17;
	(pc) =	sbr.rel .LBB1_5-.Ltmp4, $4  }
0x53: {  	[tilespmem:s16+$0x2850 ss:$0x81] =	vst.msk $0xffff, v61;
	s14 =	smul.u32 $0x4F0, s14;
	s17 =	sshrl.u32 s13, $0x3;
	s13 =	sand.u32 $0x7, s13  }
0x54: {  	[tilespmem:s16+$0x3060 ss:$0x81] =	vst.msk $0xffff, v62;
	s17 =	sadd.s32 s3, s17;
	s13 =	sshll.u32 s13, $0x12  }
0x55: {  	[tilespmem:s16+$0x0 ss:$0x81] =	vst.msk $0xffff, v63;
	s14 =	sadd.s32 s14, s17;
	s13 =	sor.u32 $0x80, s13  }
0x56: {  	[hbm4b:s14+s13] =	stream.strided.scatter [tilespmem:s15], [sflag:$0x2], $0x4000, s9, s13, $0x20;
	[tilespmem:$0x10100] =	vst v63  }
.LBB1_6:
0x57: {  	_ =	sfence.sel $0x180000  }
0x58: {  	s2 =	simm.s32 $0x1;
	[bflag:$0x0] =	sbarrier.arrive $0xFFFF  }
0x59: {  	s31 =	simm.s32 $0x2;
	[sflag:s2] =	ssyncpa.u1 $0x1  }
0x5a: {  	[sflag:s31] =	ssyncpa.u1 $0x1  }
0x5b: {  	p0 =	sne.s32 s1, $0x0;
	_ =	strace $0x9000004A  }
0x5c: {  	s0 =	sadd.s32 @!p0 $0x100000, s0;
	[bflag:$0x2] =	sbarrier.arrive $0xFFFF  }
0x5d: {  	[sflag:s0] =	ssyncadd.tile.s32 @!p0 $0x1;
	_ =	shalt  }
.Lfunc_end1:
_tile_overlayer_lowered:
.L_overlay_start_2:
0x5e: {  	(tag) =	ssettag $0x2  }
0x5f: {  	s0 =	rddreg [dreg:$0x0];
	s2 =	stileid.u32  }
0x60: {  	s1 =	rddreg [dreg:$0x1];
	p0 =	sne.s32 s2, $0x0  }
0x61: {  	s3 =	rddreg [dreg:$0x2];
	[bflag:$0x3] =	sbarrier.arrive $0xFFFF;
	s2 =	simm.s32 @!p0 $0x1C01  }
0x62: {  	[timem:s3], [sflag:s2] =	dma.local @!p0 [hbm:s0], s1  }
0x63: {  	s0 =	simm.s32 @!p0 $0x1  }
0x64: {  	_ =	swait.ge @!p0 [sflag:s0], s1  }
0x65: {  	s1 =	ssub.s32 @!p0 $0x0, s1;
	[sflag:s0] =	ssyncset.done @!p0 $0x0  }
0x66: {  	[sflag:s0] =	ssyncadd.s32 @!p0 s1  }
0x67: {  	[bflag:$0x3] =	sbarrier.arrive $0xFFFF  }
0x68: {  	_ =	shalt  }

</sc_bundles>
